<compile_context>
chip_gen: v7x
topology: tpu7x:2x2x1
jax: 0.10.2.dev20260603
libtpu: 0.0.44.dev20260713+nightly
codegen_flags: <defaults>
</compile_context>

<pallas_src>
import jax
import jax.numpy as jnp
from jax import lax
from jax.experimental import pallas as pl
from jax.experimental.pallas import tpu as pltpu
from jax.experimental.pallas import tpu_sc as plsc

N = 10000
E = 320000
D = 128
H1 = 8
C1 = 16
F1 = H1 * C1
NCLS = 40
C2P = 48
CHUNK = 128
ROWS = E // CHUNK
CH1 = 40
ROWS1 = E // CH1
NW = 32
BN = 400
EPS = 1e-16



def _tc1_body(x_ref, w_ref, ms_ref, md_ref, h_ref, as_ref, ad_ref):
    h = jnp.dot(x_ref[...], w_ref[...], preferred_element_type=jnp.float32,
                precision=lax.Precision.HIGHEST)
    h_ref[...] = h
    as_ref[...] = jnp.dot(h, ms_ref[...], preferred_element_type=jnp.float32,
                          precision=lax.Precision.HIGHEST)
    ad_ref[...] = jnp.dot(h, md_ref[...], preferred_element_type=jnp.float32,
                          precision=lax.Precision.HIGHEST)


def _tc2_body(acc_ref, den_ref, b1_ref, w2_ref, ms_ref, md_ref, bde_ref,
              h2_ref, as_ref, ad_ref):
    acc = acc_ref[0] + acc_ref[1]
    den = den_ref[0] + den_ref[1]
    denx = jnp.dot(den, bde_ref[...], preferred_element_type=jnp.float32,
                   precision=lax.Precision.HIGHEST)
    out1 = acc / (denx + EPS) + b1_ref[...]
    r = jnp.maximum(out1, 0.0)
    h2 = jnp.dot(r, w2_ref[...], preferred_element_type=jnp.float32,
                 precision=lax.Precision.HIGHEST)
    h2_ref[...] = h2
    as_ref[...] = jnp.dot(h2, ms_ref[...], preferred_element_type=jnp.float32,
                          precision=lax.Precision.HIGHEST)
    ad_ref[...] = jnp.dot(h2, md_ref[...], preferred_element_type=jnp.float32,
                          precision=lax.Precision.HIGHEST)


def _tc3_body(acc_ref, den_ref, b2_ref, out_ref):
    acc = acc_ref[0] + acc_ref[1]
    den = den_ref[0][:, 0:1] + den_ref[1][:, 0:1]
    out_ref[...] = acc[:, :NCLS] / (den + EPS) + b2_ref[...]


BASE = ROWS // NW
EXTRA = ROWS - BASE * NW
BASE1 = ROWS1 // NW


def _writeback(sid, cid, acc_s, acc_out):
    b = 624

    @pl.when(sid < 15)
    def _():
        pltpu.sync_copy(acc_s.at[pl.ds(sid * b, b)],
                        acc_out.at[cid, pl.ds(sid * b, b)])

    @pl.when(sid == 15)
    def _():
        pltpu.sync_copy(acc_s.at[pl.ds(15 * b, N - 15 * b)],
                        acc_out.at[cid, pl.ds(15 * b, N - 15 * b)])


def _sc1_body(h1_hbm, as_hbm, ad_hbm, src_hbm, dst_hbm, zf_hbm, zd_hbm,
              acc_out, den_out,
              sall, dall, hr0, hr1, as0, as1, ad0, ad1, wb,
              sem_h0, sem_h1, sem_a0, sem_a1, acc_s, den_s):
    cid = lax.axis_index("c")
    sid = lax.axis_index("s")
    wid = cid * 16 + sid

    @pl.when(sid == 0)
    def _():
        pltpu.sync_copy(zf_hbm, acc_s)
        pltpu.sync_copy(zd_hbm, den_s)

    plsc.subcore_barrier()

    pltpu.sync_copy(src_hbm.at[pl.ds(wid * BASE1, BASE1)], sall)
    pltpu.sync_copy(dst_hbm.at[pl.ds(wid * BASE1, BASE1)], dall)

    def fetch(sref, dref, hr, asr, adr, sem_h, sem_a):
        pltpu.async_copy(h1_hbm.at[sref], hr, sem_h)
        pltpu.async_copy(as_hbm.at[sref], asr, sem_a)
        pltpu.async_copy(ad_hbm.at[dref], adr, sem_a)

    def wait(hr, asr, adr, sem_h, sem_a):
        pltpu.make_async_copy(h1_hbm.at[sall.at[0]], hr, sem_h).wait()
        pltpu.make_async_copy(as_hbm.at[sall.at[0]], asr, sem_a).wait()
        pltpu.make_async_copy(ad_hbm.at[dall.at[0]], adr, sem_a).wait()

    def compute(dref, hr, asr, adr):
        @pl.loop(0, CH1, unroll=4)
        def _msg(e):
            a = asr[e] + adr[e]
            w = jnp.exp(jnp.maximum(a, 0.2 * a))
            wb[e] = w
            for hh in range(H1):
                wv = w.at[jnp.full((16,), hh, jnp.int32)].get(
                    mode="promise_in_bounds")
                hr[e, hh] = hr[e, hh] * wv

        pltpu.sync_copy(hr, acc_s.at[dref], add=True)
        pltpu.sync_copy(wb, den_s.at[dref], add=True)

    fetch(sall.at[0], dall.at[0], hr0, as0, ad0, sem_h0, sem_a0)

    @pl.loop(0, BASE1 // 2)
    def _kk(kk):
        k0 = 2 * kk
        fetch(sall.at[k0 + 1], dall.at[k0 + 1], hr1, as1, ad1,
              sem_h1, sem_a1)
        wait(hr0, as0, ad0, sem_h0, sem_a0)
        compute(dall.at[k0], hr0, as0, ad0)

        @pl.when(k0 + 2 < BASE1)
        def _():
            fetch(sall.at[k0 + 2], dall.at[k0 + 2], hr0, as0, ad0,
                  sem_h0, sem_a0)

        wait(hr1, as1, ad1, sem_h1, sem_a1)
        compute(dall.at[k0 + 1], hr1, as1, ad1)

    plsc.subcore_barrier()
    b = 624

    @pl.when(sid < 15)
    def _():
        pltpu.sync_copy(acc_s.at[pl.ds(sid * b, b)],
                        acc_out.at[cid, pl.ds(sid * b, b)])
        pltpu.sync_copy(den_s.at[pl.ds(sid * b, b)],
                        den_out.at[cid, pl.ds(sid * b, b)])

    @pl.when(sid == 15)
    def _():
        pltpu.sync_copy(acc_s.at[pl.ds(15 * b, N - 15 * b)],
                        acc_out.at[cid, pl.ds(15 * b, N - 15 * b)])
        pltpu.sync_copy(den_s.at[pl.ds(15 * b, N - 15 * b)],
                        den_out.at[cid, pl.ds(15 * b, N - 15 * b)])


def _sc2_body(h2_hbm, as_hbm, ad_hbm, src_hbm, dst_hbm, zf_hbm, zd_hbm,
              acc_out, den_out,
              sall, dall, sx, dx, hr0, hr1, as0, as1, ad0, ad1, wb, w16,
              sem_h0, sem_h1, sem_a0, sem_a1, acc_s, den_s):
    cid = lax.axis_index("c")
    sid = lax.axis_index("s")
    wid = cid * 16 + sid

    @pl.when(sid == 0)
    def _():
        pltpu.sync_copy(zf_hbm, acc_s)
        pltpu.sync_copy(zd_hbm, den_s)

    plsc.subcore_barrier()

    pltpu.sync_copy(src_hbm.at[pl.ds(wid * BASE, BASE)], sall)
    pltpu.sync_copy(dst_hbm.at[pl.ds(wid * BASE, BASE)], dall)

    @pl.when(wid < EXTRA)
    def _():
        pltpu.sync_copy(src_hbm.at[NW * BASE + wid], sx)
        pltpu.sync_copy(dst_hbm.at[NW * BASE + wid], dx)

    @pl.loop(0, CHUNK)
    def _z(e):
        w16[e] = jnp.zeros((16,), jnp.float32)

    onehot0 = jnp.where(lax.iota(jnp.int32, 16) == 0, 1.0, 0.0)

    def fetch(sref, dref, hr, asr, adr, sem_h, sem_a):
        pltpu.async_copy(h2_hbm.at[sref], hr, sem_h)
        pltpu.async_copy(as_hbm.at[sref], asr, sem_a)
        pltpu.async_copy(ad_hbm.at[dref], adr, sem_a)

    def wait(hr, asr, adr, sem_h, sem_a):
        pltpu.make_async_copy(h2_hbm.at[sall.at[0]], hr, sem_h).wait()
        pltpu.make_async_copy(as_hbm.at[sall.at[0]], asr, sem_a).wait()
        pltpu.make_async_copy(ad_hbm.at[dall.at[0]], adr, sem_a).wait()

    def compute(dref, hr, asr, adr):
        for i in range(CHUNK // 16):
            a = asr[pl.ds(i * 16, 16)] + adr[pl.ds(i * 16, 16)]
            wb[i] = jnp.exp(jnp.maximum(a, 0.2 * a))

        @pl.loop(0, CHUNK, unroll=4)
        def _msg(e):
            wrow = wb[e // 16]
            wv = wrow.at[jnp.full((16,), e % 16, jnp.int32)].get(
                mode="promise_in_bounds")
            w16[e] = wv * onehot0
            for g in range(3):
                hr[e, g] = hr[e, g] * wv

        pltpu.sync_copy(hr, acc_s.at[dref], add=True)
        pltpu.sync_copy(w16, den_s.at[dref], add=True)

    fetch(sall.at[0], dall.at[0], hr0, as0, ad0, sem_h0, sem_a0)

    @pl.loop(0, BASE // 2)
    def _kk(kk):
        k0 = 2 * kk
        fetch(sall.at[k0 + 1], dall.at[k0 + 1], hr1, as1, ad1,
              sem_h1, sem_a1)
        wait(hr0, as0, ad0, sem_h0, sem_a0)
        compute(dall.at[k0], hr0, as0, ad0)

        @pl.when(k0 + 2 < BASE)
        def _():
            fetch(sall.at[k0 + 2], dall.at[k0 + 2], hr0, as0, ad0,
                  sem_h0, sem_a0)

        @pl.when((k0 + 2 == BASE) & (wid < EXTRA))
        def _():
            fetch(sx, dx, hr0, as0, ad0, sem_h0, sem_a0)

        wait(hr1, as1, ad1, sem_h1, sem_a1)
        compute(dall.at[k0 + 1], hr1, as1, ad1)

    @pl.when(wid < EXTRA)
    def _():
        wait(hr0, as0, ad0, sem_h0, sem_a0)
        compute(dx, hr0, as0, ad0)

    plsc.subcore_barrier()
    b = 624

    @pl.when(sid < 15)
    def _():
        pltpu.sync_copy(acc_s.at[pl.ds(sid * b, b)],
                        acc_out.at[cid, pl.ds(sid * b, b)])
        pltpu.sync_copy(den_s.at[pl.ds(sid * b, b)],
                        den_out.at[cid, pl.ds(sid * b, b)])

    @pl.when(sid == 15)
    def _():
        pltpu.sync_copy(acc_s.at[pl.ds(15 * b, N - 15 * b)],
                        acc_out.at[cid, pl.ds(15 * b, N - 15 * b)])
        pltpu.sync_copy(den_s.at[pl.ds(15 * b, N - 15 * b)],
                        den_out.at[cid, pl.ds(15 * b, N - 15 * b)])


_MESH = plsc.VectorSubcoreMesh(core_axis_name="c", subcore_axis_name="s")

_sc1 = pl.kernel(
    _sc1_body,
    out_type=(jax.ShapeDtypeStruct((2, N, H1, C1), jnp.float32),
              jax.ShapeDtypeStruct((2, N, 16), jnp.float32)),
    mesh=_MESH,
    compiler_params=pltpu.CompilerParams(use_tc_tiling_on_sc=False),
    scratch_types=[
        pltpu.VMEM((BASE1, CH1), jnp.int32),
        pltpu.VMEM((BASE1, CH1), jnp.int32),
        pltpu.VMEM((CH1, H1, C1), jnp.float32),
        pltpu.VMEM((CH1, H1, C1), jnp.float32),
        pltpu.VMEM((CH1, 16), jnp.float32),
        pltpu.VMEM((CH1, 16), jnp.float32),
        pltpu.VMEM((CH1, 16), jnp.float32),
        pltpu.VMEM((CH1, 16), jnp.float32),
        pltpu.VMEM((CH1, 16), jnp.float32),
        pltpu.SemaphoreType.DMA,
        pltpu.SemaphoreType.DMA,
        pltpu.SemaphoreType.DMA,
        pltpu.SemaphoreType.DMA,
        pltpu.VMEM_SHARED((N, H1, C1), jnp.float32),
        pltpu.VMEM_SHARED((N, 16), jnp.float32),
    ],
)

_sc2 = pl.kernel(
    _sc2_body,
    out_type=(jax.ShapeDtypeStruct((2, N, 3, 16), jnp.float32),
              jax.ShapeDtypeStruct((2, N, 16), jnp.float32)),
    mesh=_MESH,
    compiler_params=pltpu.CompilerParams(use_tc_tiling_on_sc=False),
    scratch_types=[
        pltpu.VMEM((BASE, CHUNK), jnp.int32),
        pltpu.VMEM((BASE, CHUNK), jnp.int32),
        pltpu.VMEM((CHUNK,), jnp.int32),
        pltpu.VMEM((CHUNK,), jnp.int32),
        pltpu.VMEM((CHUNK, 3, 16), jnp.float32),
        pltpu.VMEM((CHUNK, 3, 16), jnp.float32),
        pltpu.VMEM((CHUNK,), jnp.float32),
        pltpu.VMEM((CHUNK,), jnp.float32),
        pltpu.VMEM((CHUNK,), jnp.float32),
        pltpu.VMEM((CHUNK,), jnp.float32),
        pltpu.VMEM((CHUNK // 16, 16), jnp.float32),
        pltpu.VMEM((CHUNK, 16), jnp.float32),
        pltpu.SemaphoreType.DMA,
        pltpu.SemaphoreType.DMA,
        pltpu.SemaphoreType.DMA,
        pltpu.SemaphoreType.DMA,
        pltpu.VMEM_SHARED((N, 3, 16), jnp.float32),
        pltpu.VMEM_SHARED((N, 16), jnp.float32),
    ],
)


def _block_diag_att(att_flat, groups, group_size, out_cols):
    j = jnp.arange(groups * group_size)
    m = jnp.zeros((groups * group_size, out_cols), jnp.float32)
    return m.at[j, j // group_size].set(att_flat)


def kernel(x, edge_index, W1, att_src1, att_dst1, b1, W2, att_src2, att_dst2,
           b2):
    ei = edge_index.astype(jnp.int32)
    src = ei[0].reshape(ROWS, CHUNK)
    dst = ei[1].reshape(ROWS, CHUNK)

    m1s = _block_diag_att(att_src1.reshape(F1), H1, C1, 16)
    m1d = _block_diag_att(att_dst1.reshape(F1), H1, C1, 16)

    jj = jnp.arange(F1)
    bde = jnp.zeros((16, F1), jnp.float32).at[jj // C1, jj].set(1.0)

    w2p = jnp.zeros((F1, C2P), jnp.float32).at[:, :NCLS].set(W2)
    m2s = jnp.zeros((C2P, 16), jnp.float32).at[:NCLS, 0].set(
        att_src2.reshape(NCLS))
    m2d = jnp.zeros((C2P, 16), jnp.float32).at[:NCLS, 0].set(
        att_dst2.reshape(NCLS))

    grid1 = N // BN
    h1, a1s, a1d = pl.pallas_call(
        _tc1_body,
        grid=(grid1,),
        in_specs=[
            pl.BlockSpec((BN, D), lambda i: (i, 0)),
            pl.BlockSpec((D, F1), lambda i: (0, 0)),
            pl.BlockSpec((F1, 16), lambda i: (0, 0)),
            pl.BlockSpec((F1, 16), lambda i: (0, 0)),
        ],
        out_specs=[
            pl.BlockSpec((BN, F1), lambda i: (i, 0)),
            pl.BlockSpec((BN, 16), lambda i: (i, 0)),
            pl.BlockSpec((BN, 16), lambda i: (i, 0)),
        ],
        out_shape=[
            jax.ShapeDtypeStruct((N, F1), jnp.float32),
            jax.ShapeDtypeStruct((N, 16), jnp.float32),
            jax.ShapeDtypeStruct((N, 16), jnp.float32),
        ],
    )(x, W1, m1s, m1d)

    zf1 = jnp.zeros((N, H1, C1), jnp.float32)
    z16a = jnp.zeros((N, 16), jnp.float32)
    acc1, den1 = _sc1(h1.reshape(N, H1, C1), a1s, a1d,
                      ei[0].reshape(ROWS1, CH1), ei[1].reshape(ROWS1, CH1),
                      zf1, z16a)

    b1r = b1.reshape(1, F1)
    h2, a2s, a2d = pl.pallas_call(
        _tc2_body,
        grid=(grid1,),
        in_specs=[
            pl.BlockSpec((2, BN, F1), lambda i: (0, i, 0)),
            pl.BlockSpec((2, BN, 16), lambda i: (0, i, 0)),
            pl.BlockSpec((1, F1), lambda i: (0, 0)),
            pl.BlockSpec((F1, C2P), lambda i: (0, 0)),
            pl.BlockSpec((C2P, 16), lambda i: (0, 0)),
            pl.BlockSpec((C2P, 16), lambda i: (0, 0)),
            pl.BlockSpec((16, F1), lambda i: (0, 0)),
        ],
        out_specs=[
            pl.BlockSpec((BN, C2P), lambda i: (i, 0)),
            pl.BlockSpec((BN, 16), lambda i: (i, 0)),
            pl.BlockSpec((BN, 16), lambda i: (i, 0)),
        ],
        out_shape=[
            jax.ShapeDtypeStruct((N, C2P), jnp.float32),
            jax.ShapeDtypeStruct((N, 16), jnp.float32),
            jax.ShapeDtypeStruct((N, 16), jnp.float32),
        ],
    )(acc1.reshape(2, N, F1), den1, b1r, w2p, m2s, m2d, bde)

    zf2 = jnp.zeros((N, 3, 16), jnp.float32)
    z16 = jnp.zeros((N, 16), jnp.float32)
    acc2, den2 = _sc2(h2.reshape(N, 3, 16), a2s[:, 0], a2d[:, 0], src, dst,
                      zf2, z16)

    out = pl.pallas_call(
        _tc3_body,
        grid=(grid1,),
        in_specs=[
            pl.BlockSpec((2, BN, C2P), lambda i: (0, i, 0)),
            pl.BlockSpec((2, BN, 16), lambda i: (0, i, 0)),
            pl.BlockSpec((1, NCLS), lambda i: (0, 0)),
        ],
        out_specs=pl.BlockSpec((BN, NCLS), lambda i: (i, 0)),
        out_shape=jax.ShapeDtypeStruct((N, NCLS), jnp.float32),
    )(acc2.reshape(2, N, C2P), den2, b2.reshape(1, NCLS))
    return out

# --- scband reference (transcript-rebuilt; emitter-appended) ---
"""Pipeline reference for scband-gat-32512902431420 (READ-ONLY COPY).

The authoritative reference and input builder live on the scoring server;
editing this copy changes nothing except your own understanding.
"""

import jax, jax.numpy as jnp
import numpy as np

N = 10000
E = 320000
D = 128
H1 = 8
C1 = 16
NUM_CLASSES = 40


def _gat_conv(x, edge_index, W, att_src, att_dst, bias, heads, out_ch, concat, num_nodes):
    src = edge_index[0]
    dst = edge_index[1]
    h = (x @ W).reshape(num_nodes, heads, out_ch)
    a_src = (h * att_src).sum(-1)  # [N, H]
    a_dst = (h * att_dst).sum(-1)  # [N, H]
    alpha = a_src[src] + a_dst[dst]  # [E, H]
    alpha = jax.nn.leaky_relu(alpha, negative_slope=0.2)
    amax = jax.ops.segment_max(alpha, dst, num_segments=num_nodes)
    amax = jnp.where(jnp.isfinite(amax), amax, 0.0)
    alpha = jnp.exp(alpha - amax[dst])
    denom = jax.ops.segment_sum(alpha, dst, num_segments=num_nodes)
    alpha = alpha / (denom[dst] + 1e-16)
    msg = h[src] * alpha[:, :, None]  # [E, H, C]
    out = jax.ops.segment_sum(msg, dst, num_segments=num_nodes)  # [N, H, C]
    if concat:
        out = out.reshape(num_nodes, heads * out_ch)
    else:
        out = out.mean(axis=1)
    return out + bias


def setup_inputs(seed: int = 0) -> dict:
    key = jax.random.key(seed)
    ks = jax.random.split(key, 12)
    x = jax.random.normal(ks[0], (N, D), dtype=jnp.float32)
    edge_index = jax.random.randint(ks[1], (2, E), 0, N, dtype=jnp.int64)
    W1 = jax.random.normal(ks[2], (D, H1 * C1), dtype=jnp.float32) * 0.1
    att_src1 = jax.random.normal(ks[3], (1, H1, C1), dtype=jnp.float32) * 0.1
    att_dst1 = jax.random.normal(ks[4], (1, H1, C1), dtype=jnp.float32) * 0.1
    b1 = jnp.zeros((H1 * C1,), dtype=jnp.float32)
    W2 = jax.random.normal(ks[5], (H1 * C1, NUM_CLASSES), dtype=jnp.float32) * 0.1
    att_src2 = jax.random.normal(ks[6], (1, 1, NUM_CLASSES), dtype=jnp.float32) * 0.1
    att_dst2 = jax.random.normal(ks[7], (1, 1, NUM_CLASSES), dtype=jnp.float32) * 0.1
    b2 = jnp.zeros((NUM_CLASSES,), dtype=jnp.float32)
    return {"x": x, "edge_index": edge_index, "W1": W1, "att_src1": att_src1,
            "att_dst1": att_dst1, "b1": b1, "W2": W2, "att_src2": att_src2,
            "att_dst2": att_dst2, "b2": b2}


def reference(x, edge_index, W1, att_src1, att_dst1, b1, W2, att_src2, att_dst2, b2):
    # conv1: GATConv(128 -> 16, heads=8, concat=True); eval mode so dropout is identity
    h = _gat_conv(x, edge_index, W1, att_src1, att_dst1, b1, H1, C1, True, N)
    h = jax.nn.relu(h)
    # conv2: GATConv(128 -> 40, heads=1, concat=False)
    out = _gat_conv(h, edge_index, W2, att_src2, att_dst2, b2, 1, NUM_CLASSES, False, N)
    return out

if __name__ == "__main__":
    import jax
    _d = setup_inputs()
    print(jax.jit(kernel)(*tuple(_d.values())))

</pallas_src>

<mosaic_0001>
#map = affine_map<(d0, d1) -> (0, 0, 0)>
#map1 = affine_map<(d0, d1) -> (0, 0)>
#map2 = affine_map<(d0, d1) -> (0, 0, 0, 0)>
module attributes {stable_mosaic.version = 14 : i64} {
  func.func @_sc1_body(%arg0: i32, %arg1: i32, %arg2: memref<10000x8x16xf32, #tpu.memory_space<hbm>>, %arg3: memref<10000x16xf32, #tpu.memory_space<hbm>>, %arg4: memref<10000x16xf32, #tpu.memory_space<hbm>>, %arg5: memref<8000x40xi32, #tpu.memory_space<hbm>>, %arg6: memref<8000x40xi32, #tpu.memory_space<hbm>>, %arg7: memref<10000x8x16xf32, #tpu.memory_space<hbm>>, %arg8: memref<10000x16xf32, #tpu.memory_space<hbm>>, %arg9: memref<2x10000x8x16xf32, #tpu.memory_space<hbm>>, %arg10: memref<2x10000x16xf32, #tpu.memory_space<hbm>>, %arg11: memref<250x40xi32, #tpu.memory_space<vmem>>, %arg12: memref<250x40xi32, #tpu.memory_space<vmem>>, %arg13: memref<40x8x16xf32, #tpu.memory_space<vmem>>, %arg14: memref<40x8x16xf32, #tpu.memory_space<vmem>>, %arg15: memref<40x16xf32, #tpu.memory_space<vmem>>, %arg16: memref<40x16xf32, #tpu.memory_space<vmem>>, %arg17: memref<40x16xf32, #tpu.memory_space<vmem>>, %arg18: memref<40x16xf32, #tpu.memory_space<vmem>>, %arg19: memref<40x16xf32, #tpu.memory_space<vmem>>, %arg20: memref<!tpu.dma_semaphore, #tpu.memory_space<semaphore_mem>>, %arg21: memref<!tpu.dma_semaphore, #tpu.memory_space<semaphore_mem>>, %arg22: memref<!tpu.dma_semaphore, #tpu.memory_space<semaphore_mem>>, %arg23: memref<!tpu.dma_semaphore, #tpu.memory_space<semaphore_mem>>, %arg24: memref<10000x8x16xf32, #tpu.memory_space<vmem_shared>>, %arg25: memref<10000x16xf32, #tpu.memory_space<vmem_shared>>) attributes {dimension_semantics = [#tpu.dimension_semantics<core_parallel>, #tpu.dimension_semantics<subcore_parallel>], iteration_bounds = array<i64: 2, 16>, scalar_prefetch = 0 : i64, scratch_operands = 15 : i64, tpu.core_type = #tpu.core_type<sc_vector_subcore>, window_params = [{transform_indices = #map}, {transform_indices = #map1}, {transform_indices = #map1}, {transform_indices = #map1}, {transform_indices = #map1}, {transform_indices = #map}, {transform_indices = #map1}, {transform_indices = #map2}, {transform_indices = #map}]} {
    %mul3A = arith.constant 16 : i32
    %mul3A_0 = arith.muli %arg0, %mul3A : i32
    %add3A = arith.addi %mul3A_0, %arg1 : i32
    %eq3A = arith.constant 0 : i32
    %eq3A_1 = arith.cmpi eq, %arg1, %eq3A : i32
    %convert_element_type3A = arith.extui %eq3A_1 : i1 to i32
    %cond3A = arith.constant 0 : i32
    %cond3A_2 = arith.cmpi ne, %convert_element_type3A, %cond3A : i32
    scf.if %cond3A_2 {
      "tpu.region"() ({
        %run_scoped3A = tpu.sem_alloc : memref<!tpu.dma_semaphore, #tpu.memory_space<semaphore_mem>>
        tpu.enqueue_dma source(%arg7 : memref<10000x8x16xf32, #tpu.memory_space<hbm>>) target(%arg24 : memref<10000x8x16xf32, #tpu.memory_space<vmem_shared>>) target_semaphore(%run_scoped3A : memref<!tpu.dma_semaphore, #tpu.memory_space<semaphore_mem>>)
        tpu.wait_dma2 semaphore(%run_scoped3A : memref<!tpu.dma_semaphore, #tpu.memory_space<semaphore_mem>>) src(%arg7 : memref<10000x8x16xf32, #tpu.memory_space<hbm>>) dst(%arg24 : memref<10000x8x16xf32, #tpu.memory_space<vmem_shared>>)
        tpu.yield
      }) : () -> ()
      "tpu.region"() ({
        %run_scoped3A = tpu.sem_alloc : memref<!tpu.dma_semaphore, #tpu.memory_space<semaphore_mem>>
        tpu.enqueue_dma source(%arg8 : memref<10000x16xf32, #tpu.memory_space<hbm>>) target(%arg25 : memref<10000x16xf32, #tpu.memory_space<vmem_shared>>) target_semaphore(%run_scoped3A : memref<!tpu.dma_semaphore, #tpu.memory_space<semaphore_mem>>)
        tpu.wait_dma2 semaphore(%run_scoped3A : memref<!tpu.dma_semaphore, #tpu.memory_space<semaphore_mem>>) src(%arg8 : memref<10000x16xf32, #tpu.memory_space<hbm>>) dst(%arg25 : memref<10000x16xf32, #tpu.memory_space<vmem_shared>>)
        tpu.yield
      }) : () -> ()
    } else {
    }
    %barrier3A = arith.constant 0 : index
    tpu.barrier barrier_id(%barrier3A)
    %mul3A_3 = arith.constant 250 : i32
    %mul3A_4 = arith.muli %add3A, %mul3A_3 : i32
    "tpu.region"() ({
      %run_scoped3A = tpu.sem_alloc : memref<!tpu.dma_semaphore, #tpu.memory_space<semaphore_mem>>
      %dma_start3A_42 = arith.constant 0 : i32
      %dma_start3A_43 = tpu.memref_slice %arg5[%mul3A_4, %dma_start3A_42] : memref<8000x40xi32, #tpu.memory_space<hbm>> -> memref<250x40xi32, #tpu.memory_space<hbm>>
      %dma_start3A_44 = arith.constant 0 : i32
      %dma_start3A_45 = tpu.memref_slice %arg5[%mul3A_4, %dma_start3A_44] : memref<8000x40xi32, #tpu.memory_space<hbm>> -> memref<250x40xi32, #tpu.memory_space<hbm>>
      tpu.enqueue_dma source(%dma_start3A_45 : memref<250x40xi32, #tpu.memory_space<hbm>>) target(%arg11 : memref<250x40xi32, #tpu.memory_space<vmem>>) target_semaphore(%run_scoped3A : memref<!tpu.dma_semaphore, #tpu.memory_space<semaphore_mem>>)
      %dma_wait3A = arith.constant 0 : i32
      %dma_wait3A_46 = tpu.memref_slice %arg5[%mul3A_4, %dma_wait3A] : memref<8000x40xi32, #tpu.memory_space<hbm>> -> memref<250x40xi32, #tpu.memory_space<hbm>>
      %dma_wait3A_47 = arith.constant 0 : i32
      %dma_wait3A_48 = tpu.memref_slice %arg5[%mul3A_4, %dma_wait3A_47] : memref<8000x40xi32, #tpu.memory_space<hbm>> -> memref<250x40xi32, #tpu.memory_space<hbm>>
      tpu.wait_dma2 semaphore(%run_scoped3A : memref<!tpu.dma_semaphore, #tpu.memory_space<semaphore_mem>>) src(%dma_wait3A_48 : memref<250x40xi32, #tpu.memory_space<hbm>>) dst(%arg11 : memref<250x40xi32, #tpu.memory_space<vmem>>)
      tpu.yield
    }) : () -> ()
    %mul3A_5 = arith.constant 250 : i32
    %mul3A_6 = arith.muli %add3A, %mul3A_5 : i32
    "tpu.region"() ({
      %run_scoped3A = tpu.sem_alloc : memref<!tpu.dma_semaphore, #tpu.memory_space<semaphore_mem>>
      %dma_start3A_42 = arith.constant 0 : i32
      %dma_start3A_43 = tpu.memref_slice %arg6[%mul3A_6, %dma_start3A_42] : memref<8000x40xi32, #tpu.memory_space<hbm>> -> memref<250x40xi32, #tpu.memory_space<hbm>>
      %dma_start3A_44 = arith.constant 0 : i32
      %dma_start3A_45 = tpu.memref_slice %arg6[%mul3A_6, %dma_start3A_44] : memref<8000x40xi32, #tpu.memory_space<hbm>> -> memref<250x40xi32, #tpu.memory_space<hbm>>
      tpu.enqueue_dma source(%dma_start3A_45 : memref<250x40xi32, #tpu.memory_space<hbm>>) target(%arg12 : memref<250x40xi32, #tpu.memory_space<vmem>>) target_semaphore(%run_scoped3A : memref<!tpu.dma_semaphore, #tpu.memory_space<semaphore_mem>>)
      %dma_wait3A = arith.constant 0 : i32
      %dma_wait3A_46 = tpu.memref_slice %arg6[%mul3A_6, %dma_wait3A] : memref<8000x40xi32, #tpu.memory_space<hbm>> -> memref<250x40xi32, #tpu.memory_space<hbm>>
      %dma_wait3A_47 = arith.constant 0 : i32
      %dma_wait3A_48 = tpu.memref_slice %arg6[%mul3A_6, %dma_wait3A_47] : memref<8000x40xi32, #tpu.memory_space<hbm>> -> memref<250x40xi32, #tpu.memory_space<hbm>>
      tpu.wait_dma2 semaphore(%run_scoped3A : memref<!tpu.dma_semaphore, #tpu.memory_space<semaphore_mem>>) src(%dma_wait3A_48 : memref<250x40xi32, #tpu.memory_space<hbm>>) dst(%arg12 : memref<250x40xi32, #tpu.memory_space<vmem>>)
      tpu.yield
    }) : () -> ()
    %dma_start3A = arith.constant 0 : i32
    %dma_start3A_7 = arith.constant 0 : i32
    %dma_start3A_8 = tpu.memref_slice %arg11[%dma_start3A, %dma_start3A_7] : memref<250x40xi32, #tpu.memory_space<vmem>> -> memref<1x40xi32, #tpu.memory_space<vmem>>
    %dma_start3A_9 = tpu.memref_squeeze %dma_start3A_8 : memref<1x40xi32, #tpu.memory_space<vmem>> -> memref<40xi32, #tpu.memory_space<vmem>>
    %dma_start3A_10 = arith.constant 0 : i32
    %dma_start3A_11 = arith.constant 0 : i32
    %dma_start3A_12 = arith.constant 0 : i32
    %dma_start3A_13 = tpu.memref_slice %arg2[%dma_start3A_10, %dma_start3A_11, %dma_start3A_12] : memref<10000x8x16xf32, #tpu.memory_space<hbm>> -> memref<10000x8x16xf32, #tpu.memory_space<hbm>>
    tpu.enqueue_indirect_dma source(%dma_start3A_13 : memref<10000x8x16xf32, #tpu.memory_space<hbm>>) target(%arg13 : memref<40x8x16xf32, #tpu.memory_space<vmem>>) offsets(%dma_start3A_9 : memref<40xi32, #tpu.memory_space<vmem>>) semaphore(%arg20 : memref<!tpu.dma_semaphore, #tpu.memory_space<semaphore_mem>>)
    %dma_start3A_14 = arith.constant 0 : i32
    %dma_start3A_15 = arith.constant 0 : i32
    %dma_start3A_16 = tpu.memref_slice %arg11[%dma_start3A_14, %dma_start3A_15] : memref<250x40xi32, #tpu.memory_space<vmem>> -> memref<1x40xi32, #tpu.memory_space<vmem>>
    %dma_start3A_17 = tpu.memref_squeeze %dma_start3A_16 : memref<1x40xi32, #tpu.memory_space<vmem>> -> memref<40xi32, #tpu.memory_space<vmem>>
    %dma_start3A_18 = arith.constant 0 : i32
    %dma_start3A_19 = arith.constant 0 : i32
    %dma_start3A_20 = tpu.memref_slice %arg3[%dma_start3A_18, %dma_start3A_19] : memref<10000x16xf32, #tpu.memory_space<hbm>> -> memref<10000x16xf32, #tpu.memory_space<hbm>>
    tpu.enqueue_indirect_dma source(%dma_start3A_20 : memref<10000x16xf32, #tpu.memory_space<hbm>>) target(%arg15 : memref<40x16xf32, #tpu.memory_space<vmem>>) offsets(%dma_start3A_17 : memref<40xi32, #tpu.memory_space<vmem>>) semaphore(%arg22 : memref<!tpu.dma_semaphore, #tpu.memory_space<semaphore_mem>>)
    %dma_start3A_21 = arith.constant 0 : i32
    %dma_start3A_22 = arith.constant 0 : i32
    %dma_start3A_23 = tpu.memref_slice %arg12[%dma_start3A_21, %dma_start3A_22] : memref<250x40xi32, #tpu.memory_space<vmem>> -> memref<1x40xi32, #tpu.memory_space<vmem>>
    %dma_start3A_24 = tpu.memref_squeeze %dma_start3A_23 : memref<1x40xi32, #tpu.memory_space<vmem>> -> memref<40xi32, #tpu.memory_space<vmem>>
    %dma_start3A_25 = arith.constant 0 : i32
    %dma_start3A_26 = arith.constant 0 : i32
    %dma_start3A_27 = tpu.memref_slice %arg4[%dma_start3A_25, %dma_start3A_26] : memref<10000x16xf32, #tpu.memory_space<hbm>> -> memref<10000x16xf32, #tpu.memory_space<hbm>>
    tpu.enqueue_indirect_dma source(%dma_start3A_27 : memref<10000x16xf32, #tpu.memory_space<hbm>>) target(%arg17 : memref<40x16xf32, #tpu.memory_space<vmem>>) offsets(%dma_start3A_24 : memref<40xi32, #tpu.memory_space<vmem>>) semaphore(%arg22 : memref<!tpu.dma_semaphore, #tpu.memory_space<semaphore_mem>>)
    %scan3A = arith.constant 0 : i32
    %scan3A_28 = arith.constant 125 : i32
    %scan3A_29 = arith.addi %scan3A, %scan3A_28 : i32
    %scan3A_30 = arith.constant 1 : i32
    scf.for %scan3A_42 = %scan3A to %scan3A_29 step %scan3A_30  : i32 {
      %mul3A_43 = arith.constant 1 : i32
      %mul3A_44 = arith.muli %scan3A_42, %mul3A_43 : i32
      %add3A_45 = arith.constant 0 : i32
      %add3A_46 = arith.addi %add3A_45, %mul3A_44 : i32
      %mul3A_47 = arith.constant 2 : i32
      %mul3A_48 = arith.muli %mul3A_47, %add3A_46 : i32
      %add3A_49 = arith.constant 1 : i32
      %add3A_50 = arith.addi %mul3A_48, %add3A_49 : i32
      %add3A_51 = arith.constant 1 : i32
      %add3A_52 = arith.addi %mul3A_48, %add3A_51 : i32
      %dma_start3A_53 = arith.constant 0 : i32
      %dma_start3A_54 = tpu.memref_slice %arg11[%add3A_50, %dma_start3A_53] : memref<250x40xi32, #tpu.memory_space<vmem>> -> memref<1x40xi32, #tpu.memory_space<vmem>>
      %dma_start3A_55 = tpu.memref_squeeze %dma_start3A_54 : memref<1x40xi32, #tpu.memory_space<vmem>> -> memref<40xi32, #tpu.memory_space<vmem>>
      %dma_start3A_56 = arith.constant 0 : i32
      %dma_start3A_57 = arith.constant 0 : i32
      %dma_start3A_58 = arith.constant 0 : i32
      %dma_start3A_59 = tpu.memref_slice %arg2[%dma_start3A_56, %dma_start3A_57, %dma_start3A_58] : memref<10000x8x16xf32, #tpu.memory_space<hbm>> -> memref<10000x8x16xf32, #tpu.memory_space<hbm>>
      tpu.enqueue_indirect_dma source(%dma_start3A_59 : memref<10000x8x16xf32, #tpu.memory_space<hbm>>) target(%arg14 : memref<40x8x16xf32, #tpu.memory_space<vmem>>) offsets(%dma_start3A_55 : memref<40xi32, #tpu.memory_space<vmem>>) semaphore(%arg21 : memref<!tpu.dma_semaphore, #tpu.memory_space<semaphore_mem>>)
      %dma_start3A_60 = arith.constant 0 : i32
      %dma_start3A_61 = tpu.memref_slice %arg11[%add3A_50, %dma_start3A_60] : memref<250x40xi32, #tpu.memory_space<vmem>> -> memref<1x40xi32, #tpu.memory_space<vmem>>
      %dma_start3A_62 = tpu.memref_squeeze %dma_start3A_61 : memref<1x40xi32, #tpu.memory_space<vmem>> -> memref<40xi32, #tpu.memory_space<vmem>>
      %dma_start3A_63 = arith.constant 0 : i32
      %dma_start3A_64 = arith.constant 0 : i32
      %dma_start3A_65 = tpu.memref_slice %arg3[%dma_start3A_63, %dma_start3A_64] : memref<10000x16xf32, #tpu.memory_space<hbm>> -> memref<10000x16xf32, #tpu.memory_space<hbm>>
      tpu.enqueue_indirect_dma source(%dma_start3A_65 : memref<10000x16xf32, #tpu.memory_space<hbm>>) target(%arg16 : memref<40x16xf32, #tpu.memory_space<vmem>>) offsets(%dma_start3A_62 : memref<40xi32, #tpu.memory_space<vmem>>) semaphore(%arg23 : memref<!tpu.dma_semaphore, #tpu.memory_space<semaphore_mem>>)
      %dma_start3A_66 = arith.constant 0 : i32
      %dma_start3A_67 = tpu.memref_slice %arg12[%add3A_52, %dma_start3A_66] : memref<250x40xi32, #tpu.memory_space<vmem>> -> memref<1x40xi32, #tpu.memory_space<vmem>>
      %dma_start3A_68 = tpu.memref_squeeze %dma_start3A_67 : memref<1x40xi32, #tpu.memory_space<vmem>> -> memref<40xi32, #tpu.memory_space<vmem>>
      %dma_start3A_69 = arith.constant 0 : i32
      %dma_start3A_70 = arith.constant 0 : i32
      %dma_start3A_71 = tpu.memref_slice %arg4[%dma_start3A_69, %dma_start3A_70] : memref<10000x16xf32, #tpu.memory_space<hbm>> -> memref<10000x16xf32, #tpu.memory_space<hbm>>
      tpu.enqueue_indirect_dma source(%dma_start3A_71 : memref<10000x16xf32, #tpu.memory_space<hbm>>) target(%arg18 : memref<40x16xf32, #tpu.memory_space<vmem>>) offsets(%dma_start3A_68 : memref<40xi32, #tpu.memory_space<vmem>>) semaphore(%arg23 : memref<!tpu.dma_semaphore, #tpu.memory_space<semaphore_mem>>)
      %dma_wait3A = arith.constant 0 : i32
      %dma_wait3A_72 = arith.constant 0 : i32
      %dma_wait3A_73 = tpu.memref_slice %arg11[%dma_wait3A, %dma_wait3A_72] : memref<250x40xi32, #tpu.memory_space<vmem>> -> memref<1x40xi32, #tpu.memory_space<vmem>>
      %dma_wait3A_74 = tpu.memref_squeeze %dma_wait3A_73 : memref<1x40xi32, #tpu.memory_space<vmem>> -> memref<40xi32, #tpu.memory_space<vmem>>
      %dma_wait3A_75 = arith.constant 0 : i32
      %dma_wait3A_76 = arith.constant 0 : i32
      %dma_wait3A_77 = arith.constant 0 : i32
      %dma_wait3A_78 = tpu.memref_slice %arg2[%dma_wait3A_75, %dma_wait3A_76, %dma_wait3A_77] : memref<10000x8x16xf32, #tpu.memory_space<hbm>> -> memref<10000x8x16xf32, #tpu.memory_space<hbm>>
      tpu.wait_indirect_dma semaphore(%arg20 : memref<!tpu.dma_semaphore, #tpu.memory_space<semaphore_mem>>) src(%dma_wait3A_78 : memref<10000x8x16xf32, #tpu.memory_space<hbm>>) dst(%arg13 : memref<40x8x16xf32, #tpu.memory_space<vmem>>)
      %dma_wait3A_79 = arith.constant 0 : i32
      %dma_wait3A_80 = arith.constant 0 : i32
      %dma_wait3A_81 = tpu.memref_slice %arg11[%dma_wait3A_79, %dma_wait3A_80] : memref<250x40xi32, #tpu.memory_space<vmem>> -> memref<1x40xi32, #tpu.memory_space<vmem>>
      %dma_wait3A_82 = tpu.memref_squeeze %dma_wait3A_81 : memref<1x40xi32, #tpu.memory_space<vmem>> -> memref<40xi32, #tpu.memory_space<vmem>>
      %dma_wait3A_83 = arith.constant 0 : i32
      %dma_wait3A_84 = arith.constant 0 : i32
      %dma_wait3A_85 = tpu.memref_slice %arg3[%dma_wait3A_83, %dma_wait3A_84] : memref<10000x16xf32, #tpu.memory_space<hbm>> -> memref<10000x16xf32, #tpu.memory_space<hbm>>
      tpu.wait_indirect_dma semaphore(%arg22 : memref<!tpu.dma_semaphore, #tpu.memory_space<semaphore_mem>>) src(%dma_wait3A_85 : memref<10000x16xf32, #tpu.memory_space<hbm>>) dst(%arg15 : memref<40x16xf32, #tpu.memory_space<vmem>>)
      %dma_wait3A_86 = arith.constant 0 : i32
      %dma_wait3A_87 = arith.constant 0 : i32
      %dma_wait3A_88 = tpu.memref_slice %arg12[%dma_wait3A_86, %dma_wait3A_87] : memref<250x40xi32, #tpu.memory_space<vmem>> -> memref<1x40xi32, #tpu.memory_space<vmem>>
      %dma_wait3A_89 = tpu.memref_squeeze %dma_wait3A_88 : memref<1x40xi32, #tpu.memory_space<vmem>> -> memref<40xi32, #tpu.memory_space<vmem>>
      %dma_wait3A_90 = arith.constant 0 : i32
      %dma_wait3A_91 = arith.constant 0 : i32
      %dma_wait3A_92 = tpu.memref_slice %arg4[%dma_wait3A_90, %dma_wait3A_91] : memref<10000x16xf32, #tpu.memory_space<hbm>> -> memref<10000x16xf32, #tpu.memory_space<hbm>>
      tpu.wait_indirect_dma semaphore(%arg22 : memref<!tpu.dma_semaphore, #tpu.memory_space<semaphore_mem>>) src(%dma_wait3A_92 : memref<10000x16xf32, #tpu.memory_space<hbm>>) dst(%arg17 : memref<40x16xf32, #tpu.memory_space<vmem>>)
      %scan3A_93 = arith.constant 0 : i32
      %scan3A_94 = arith.constant 40 : i32
      %scan3A_95 = arith.addi %scan3A_93, %scan3A_94 : i32
      %scan3A_96 = arith.constant 4 : i32
      scf.for %scan3A_134 = %scan3A_93 to %scan3A_95 step %scan3A_96  : i32 {
        %mul3A_135 = arith.constant 1 : i32
        %mul3A_136 = arith.muli %scan3A_134, %mul3A_135 : i32
        %add3A_137 = arith.constant 0 : i32
        %add3A_138 = arith.addi %add3A_137, %mul3A_136 : i32
        %get3A = arith.index_cast %add3A_138 : i32 to index
        %get3A_139 = arith.constant 0 : index
        %get3A_140 = tpu.vector_load %arg15[%get3A, %get3A_139] {strides = array<i32>} : memref<40x16xf32, #tpu.memory_space<vmem>>, vector<1x16xf32>,
        %get3A_141 = vector.shape_cast %get3A_140 : vector<1x16xf32> to vector<16xf32>
        %get3A_142 = arith.index_cast %add3A_138 : i32 to index
        %get3A_143 = arith.constant 0 : index
        %get3A_144 = tpu.vector_load %arg17[%get3A_142, %get3A_143] {strides = array<i32>} : memref<40x16xf32, #tpu.memory_space<vmem>>, vector<1x16xf32>,
        %get3A_145 = vector.shape_cast %get3A_144 : vector<1x16xf32> to vector<16xf32>
        %add3A_146 = arith.addf %get3A_141, %get3A_145 : vector<16xf32>
        %mul3A_147 = arith.constant 2.000000e-01 : f32
        %mul3A_148 = vector.broadcast %mul3A_147 : f32 to vector<16xf32>
        %mul3A_149 = arith.mulf %mul3A_148, %add3A_146 : vector<16xf32>
        %max3A = arith.maximumf %add3A_146, %mul3A_149 : vector<16xf32>
        %exp3A = math.exp %max3A : vector<16xf32>
        %swap3A = arith.index_cast %add3A_138 : i32 to index
        %swap3A_150 = arith.constant 0 : index
        %swap3A_151 = tpu.vector_load %arg19[%swap3A, %swap3A_150] {strides = array<i32>} : memref<40x16xf32, #tpu.memory_space<vmem>>, vector<1x16xf32>,
        %swap3A_152 = vector.shape_cast %swap3A_151 : vector<1x16xf32> to vector<16xf32>
        %swap3A_153 = vector.shape_cast %exp3A : vector<16xf32> to vector<1x16xf32>
        tpu.vector_store %arg19[%swap3A, %swap3A_150], %swap3A_153 {strides = array<i32>} : memref<40x16xf32, #tpu.memory_space<vmem>>, vector<1x16xf32>,
        %broadcast_in_dim3A = arith.constant 0 : i32
        %broadcast_in_dim3A_154 = vector.broadcast %broadcast_in_dim3A : i32 to vector<16xi32>
        %lt3A_155 = arith.constant 0 : i32
        %lt3A_156 = vector.broadcast %lt3A_155 : i32 to vector<16xi32>
        %lt3A_157 = arith.cmpi slt, %broadcast_in_dim3A_154, %lt3A_156 : vector<16xi32>
        %add3A_158 = arith.constant 16 : i32
        %add3A_159 = vector.broadcast %add3A_158 : i32 to vector<16xi32>
        %add3A_160 = arith.addi %broadcast_in_dim3A_154, %add3A_159 : vector<16xi32>
        %select_n3A = arith.select %lt3A_157, %add3A_160, %broadcast_in_dim3A_154 : vector<16xi1>, vector<16xi32>
        %broadcast_in_dim3A_161 = vector.shape_cast %select_n3A : vector<16xi32> to vector<16x1xi32>
        %gather3A = vector.shape_cast %broadcast_in_dim3A_161 : vector<16x1xi32> to vector<16xi32>
        %gather3A_162 = tpu.dynamic_gather %exp3A[%gather3A] in [0] : vector<16xf32>, vector<16xi32> -> vector<16xf32>
        %get3A_163 = arith.constant 0 : i32
        %get3A_164 = arith.index_cast %add3A_138 : i32 to index
        %get3A_165 = arith.index_cast %get3A_163 : i32 to index
        %get3A_166 = arith.constant 0 : index
        %get3A_167 = tpu.vector_load %arg13[%get3A_164, %get3A_165, %get3A_166] {strides = array<i32>} : memref<40x8x16xf32, #tpu.memory_space<vmem>>, vector<1x1x16xf32>,
        %get3A_168 = vector.shape_cast %get3A_167 : vector<1x1x16xf32> to vector<16xf32>
        %mul3A_169 = arith.mulf %get3A_168, %gather3A_162 : vector<16xf32>
        %swap3A_170 = arith.constant 0 : i32
        %swap3A_171 = arith.index_cast %add3A_138 : i32 to index
        %swap3A_172 = arith.index_cast %swap3A_170 : i32 to index
        %swap3A_173 = arith.constant 0 : index
        %swap3A_174 = tpu.vector_load %arg13[%swap3A_171, %swap3A_172, %swap3A_173] {strides = array<i32>} : memref<40x8x16xf32, #tpu.memory_space<vmem>>, vector<1x1x16xf32>,
        %swap3A_175 = vector.shape_cast %swap3A_174 : vector<1x1x16xf32> to vector<16xf32>
        %swap3A_176 = vector.shape_cast %mul3A_169 : vector<16xf32> to vector<1x1x16xf32>
        tpu.vector_store %arg13[%swap3A_171, %swap3A_172, %swap3A_173], %swap3A_176 {strides = array<i32>} : memref<40x8x16xf32, #tpu.memory_space<vmem>>, vector<1x1x16xf32>,
        %broadcast_in_dim3A_177 = arith.constant 1 : i32
        %broadcast_in_dim3A_178 = vector.broadcast %broadcast_in_dim3A_177 : i32 to vector<16xi32>
        %lt3A_179 = arith.constant 0 : i32
        %lt3A_180 = vector.broadcast %lt3A_179 : i32 to vector<16xi32>
        %lt3A_181 = arith.cmpi slt, %broadcast_in_dim3A_178, %lt3A_180 : vector<16xi32>
        %add3A_182 = arith.constant 16 : i32
        %add3A_183 = vector.broadcast %add3A_182 : i32 to vector<16xi32>
        %add3A_184 = arith.addi %broadcast_in_dim3A_178, %add3A_183 : vector<16xi32>
        %select_n3A_185 = arith.select %lt3A_181, %add3A_184, %broadcast_in_dim3A_178 : vector<16xi1>, vector<16xi32>
        %broadcast_in_dim3A_186 = vector.shape_cast %select_n3A_185 : vector<16xi32> to vector<16x1xi32>
        %gather3A_187 = vector.shape_cast %broadcast_in_dim3A_186 : vector<16x1xi32> to vector<16xi32>
        %gather3A_188 = tpu.dynamic_gather %exp3A[%gather3A_187] in [0] : vector<16xf32>, vector<16xi32> -> vector<16xf32>
        %get3A_189 = arith.constant 1 : i32
        %get3A_190 = arith.index_cast %add3A_138 : i32 to index
        %get3A_191 = arith.index_cast %get3A_189 : i32 to index
        %get3A_192 = arith.constant 0 : index
        %get3A_193 = tpu.vector_load %arg13[%get3A_190, %get3A_191, %get3A_192] {strides = array<i32>} : memref<40x8x16xf32, #tpu.memory_space<vmem>>, vector<1x1x16xf32>,
        %get3A_194 = vector.shape_cast %get3A_193 : vector<1x1x16xf32> to vector<16xf32>
        %mul3A_195 = arith.mulf %get3A_194, %gather3A_188 : vector<16xf32>
        %swap3A_196 = arith.constant 1 : i32
        %swap3A_197 = arith.index_cast %add3A_138 : i32 to index
        %swap3A_198 = arith.index_cast %swap3A_196 : i32 to index
        %swap3A_199 = arith.constant 0 : index
        %swap3A_200 = tpu.vector_load %arg13[%swap3A_197, %swap3A_198, %swap3A_199] {strides = array<i32>} : memref<40x8x16xf32, #tpu.memory_space<vmem>>, vector<1x1x16xf32>,
        %swap3A_201 = vector.shape_cast %swap3A_200 : vector<1x1x16xf32> to vector<16xf32>
        %swap3A_202 = vector.shape_cast %mul3A_195 : vector<16xf32> to vector<1x1x16xf32>
        tpu.vector_store %arg13[%swap3A_197, %swap3A_198, %swap3A_199], %swap3A_202 {strides = array<i32>} : memref<40x8x16xf32, #tpu.memory_space<vmem>>, vector<1x1x16xf32>,
        %broadcast_in_dim3A_203 = arith.constant 2 : i32
        %broadcast_in_dim3A_204 = vector.broadcast %broadcast_in_dim3A_203 : i32 to vector<16xi32>
        %lt3A_205 = arith.constant 0 : i32
        %lt3A_206 = vector.broadcast %lt3A_205 : i32 to vector<16xi32>
        %lt3A_207 = arith.cmpi slt, %broadcast_in_dim3A_204, %lt3A_206 : vector<16xi32>
        %add3A_208 = arith.constant 16 : i32
        %add3A_209 = vector.broadcast %add3A_208 : i32 to vector<16xi32>
        %add3A_210 = arith.addi %broadcast_in_dim3A_204, %add3A_209 : vector<16xi32>
        %select_n3A_211 = arith.select %lt3A_207, %add3A_210, %broadcast_in_dim3A_204 : vector<16xi1>, vector<16xi32>
        %broadcast_in_dim3A_212 = vector.shape_cast %select_n3A_211 : vector<16xi32> to vector<16x1xi32>
        %gather3A_213 = vector.shape_cast %broadcast_in_dim3A_212 : vector<16x1xi32> to vector<16xi32>
        %gather3A_214 = tpu.dynamic_gather %exp3A[%gather3A_213] in [0] : vector<16xf32>, vector<16xi32> -> vector<16xf32>
        %get3A_215 = arith.constant 2 : i32
        %get3A_216 = arith.index_cast %add3A_138 : i32 to index
        %get3A_217 = arith.index_cast %get3A_215 : i32 to index
        %get3A_218 = arith.constant 0 : index
        %get3A_219 = tpu.vector_load %arg13[%get3A_216, %get3A_217, %get3A_218] {strides = array<i32>} : memref<40x8x16xf32, #tpu.memory_space<vmem>>, vector<1x1x16xf32>,
        %get3A_220 = vector.shape_cast %get3A_219 : vector<1x1x16xf32> to vector<16xf32>
        %mul3A_221 = arith.mulf %get3A_220, %gather3A_214 : vector<16xf32>
        %swap3A_222 = arith.constant 2 : i32
        %swap3A_223 = arith.index_cast %add3A_138 : i32 to index
        %swap3A_224 = arith.index_cast %swap3A_222 : i32 to index
        %swap3A_225 = arith.constant 0 : index
        %swap3A_226 = tpu.vector_load %arg13[%swap3A_223, %swap3A_224, %swap3A_225] {strides = array<i32>} : memref<40x8x16xf32, #tpu.memory_space<vmem>>, vector<1x1x16xf32>,
        %swap3A_227 = vector.shape_cast %swap3A_226 : vector<1x1x16xf32> to vector<16xf32>
        %swap3A_228 = vector.shape_cast %mul3A_221 : vector<16xf32> to vector<1x1x16xf32>
        tpu.vector_store %arg13[%swap3A_223, %swap3A_224, %swap3A_225], %swap3A_228 {strides = array<i32>} : memref<40x8x16xf32, #tpu.memory_space<vmem>>, vector<1x1x16xf32>,
        %broadcast_in_dim3A_229 = arith.constant 3 : i32
        %broadcast_in_dim3A_230 = vector.broadcast %broadcast_in_dim3A_229 : i32 to vector<16xi32>
        %lt3A_231 = arith.constant 0 : i32
        %lt3A_232 = vector.broadcast %lt3A_231 : i32 to vector<16xi32>
        %lt3A_233 = arith.cmpi slt, %broadcast_in_dim3A_230, %lt3A_232 : vector<16xi32>
        %add3A_234 = arith.constant 16 : i32
        %add3A_235 = vector.broadcast %add3A_234 : i32 to vector<16xi32>
        %add3A_236 = arith.addi %broadcast_in_dim3A_230, %add3A_235 : vector<16xi32>
        %select_n3A_237 = arith.select %lt3A_233, %add3A_236, %broadcast_in_dim3A_230 : vector<16xi1>, vector<16xi32>
        %broadcast_in_dim3A_238 = vector.shape_cast %select_n3A_237 : vector<16xi32> to vector<16x1xi32>
        %gather3A_239 = vector.shape_cast %broadcast_in_dim3A_238 : vector<16x1xi32> to vector<16xi32>
        %gather3A_240 = tpu.dynamic_gather %exp3A[%gather3A_239] in [0] : vector<16xf32>, vector<16xi32> -> vector<16xf32>
        %get3A_241 = arith.constant 3 : i32
        %get3A_242 = arith.index_cast %add3A_138 : i32 to index
        %get3A_243 = arith.index_cast %get3A_241 : i32 to index
        %get3A_244 = arith.constant 0 : index
        %get3A_245 = tpu.vector_load %arg13[%get3A_242, %get3A_243, %get3A_244] {strides = array<i32>} : memref<40x8x16xf32, #tpu.memory_space<vmem>>, vector<1x1x16xf32>,
        %get3A_246 = vector.shape_cast %get3A_245 : vector<1x1x16xf32> to vector<16xf32>
        %mul3A_247 = arith.mulf %get3A_246, %gather3A_240 : vector<16xf32>
        %swap3A_248 = arith.constant 3 : i32
        %swap3A_249 = arith.index_cast %add3A_138 : i32 to index
        %swap3A_250 = arith.index_cast %swap3A_248 : i32 to index
        %swap3A_251 = arith.constant 0 : index
        %swap3A_252 = tpu.vector_load %arg13[%swap3A_249, %swap3A_250, %swap3A_251] {strides = array<i32>} : memref<40x8x16xf32, #tpu.memory_space<vmem>>, vector<1x1x16xf32>,
        %swap3A_253 = vector.shape_cast %swap3A_252 : vector<1x1x16xf32> to vector<16xf32>
        %swap3A_254 = vector.shape_cast %mul3A_247 : vector<16xf32> to vector<1x1x16xf32>
        tpu.vector_store %arg13[%swap3A_249, %swap3A_250, %swap3A_251], %swap3A_254 {strides = array<i32>} : memref<40x8x16xf32, #tpu.memory_space<vmem>>, vector<1x1x16xf32>,
        %broadcast_in_dim3A_255 = arith.constant 4 : i32
        %broadcast_in_dim3A_256 = vector.broadcast %broadcast_in_dim3A_255 : i32 to vector<16xi32>
        %lt3A_257 = arith.constant 0 : i32
        %lt3A_258 = vector.broadcast %lt3A_257 : i32 to vector<16xi32>
        %lt3A_259 = arith.cmpi slt, %broadcast_in_dim3A_256, %lt3A_258 : vector<16xi32>
        %add3A_260 = arith.constant 16 : i32
        %add3A_261 = vector.broadcast %add3A_260 : i32 to vector<16xi32>
        %add3A_262 = arith.addi %broadcast_in_dim3A_256, %add3A_261 : vector<16xi32>
        %select_n3A_263 = arith.select %lt3A_259, %add3A_262, %broadcast_in_dim3A_256 : vector<16xi1>, vector<16xi32>
        %broadcast_in_dim3A_264 = vector.shape_cast %select_n3A_263 : vector<16xi32> to vector<16x1xi32>
        %gather3A_265 = vector.shape_cast %broadcast_in_dim3A_264 : vector<16x1xi32> to vector<16xi32>
        %gather3A_266 = tpu.dynamic_gather %exp3A[%gather3A_265] in [0] : vector<16xf32>, vector<16xi32> -> vector<16xf32>
        %get3A_267 = arith.constant 4 : i32
        %get3A_268 = arith.index_cast %add3A_138 : i32 to index
        %get3A_269 = arith.index_cast %get3A_267 : i32 to index
        %get3A_270 = arith.constant 0 : index
        %get3A_271 = tpu.vector_load %arg13[%get3A_268, %get3A_269, %get3A_270] {strides = array<i32>} : memref<40x8x16xf32, #tpu.memory_space<vmem>>, vector<1x1x16xf32>,
        %get3A_272 = vector.shape_cast %get3A_271 : vector<1x1x16xf32> to vector<16xf32>
        %mul3A_273 = arith.mulf %get3A_272, %gather3A_266 : vector<16xf32>
        %swap3A_274 = arith.constant 4 : i32
        %swap3A_275 = arith.index_cast %add3A_138 : i32 to index
        %swap3A_276 = arith.index_cast %swap3A_274 : i32 to index
        %swap3A_277 = arith.constant 0 : index
        %swap3A_278 = tpu.vector_load %arg13[%swap3A_275, %swap3A_276, %swap3A_277] {strides = array<i32>} : memref<40x8x16xf32, #tpu.memory_space<vmem>>, vector<1x1x16xf32>,
        %swap3A_279 = vector.shape_cast %swap3A_278 : vector<1x1x16xf32> to vector<16xf32>
        %swap3A_280 = vector.shape_cast %mul3A_273 : vector<16xf32> to vector<1x1x16xf32>
        tpu.vector_store %arg13[%swap3A_275, %swap3A_276, %swap3A_277], %swap3A_280 {strides = array<i32>} : memref<40x8x16xf32, #tpu.memory_space<vmem>>, vector<1x1x16xf32>,
        %broadcast_in_dim3A_281 = arith.constant 5 : i32
        %broadcast_in_dim3A_282 = vector.broadcast %broadcast_in_dim3A_281 : i32 to vector<16xi32>
        %lt3A_283 = arith.constant 0 : i32
        %lt3A_284 = vector.broadcast %lt3A_283 : i32 to vector<16xi32>
        %lt3A_285 = arith.cmpi slt, %broadcast_in_dim3A_282, %lt3A_284 : vector<16xi32>
        %add3A_286 = arith.constant 16 : i32
        %add3A_287 = vector.broadcast %add3A_286 : i32 to vector<16xi32>
        %add3A_288 = arith.addi %broadcast_in_dim3A_282, %add3A_287 : vector<16xi32>
        %select_n3A_289 = arith.select %lt3A_285, %add3A_288, %broadcast_in_dim3A_282 : vector<16xi1>, vector<16xi32>
        %broadcast_in_dim3A_290 = vector.shape_cast %select_n3A_289 : vector<16xi32> to vector<16x1xi32>
        %gather3A_291 = vector.shape_cast %broadcast_in_dim3A_290 : vector<16x1xi32> to vector<16xi32>
        %gather3A_292 = tpu.dynamic_gather %exp3A[%gather3A_291] in [0] : vector<16xf32>, vector<16xi32> -> vector<16xf32>
        %get3A_293 = arith.constant 5 : i32
        %get3A_294 = arith.index_cast %add3A_138 : i32 to index
        %get3A_295 = arith.index_cast %get3A_293 : i32 to index
        %get3A_296 = arith.constant 0 : index
        %get3A_297 = tpu.vector_load %arg13[%get3A_294, %get3A_295, %get3A_296] {strides = array<i32>} : memref<40x8x16xf32, #tpu.memory_space<vmem>>, vector<1x1x16xf32>,
        %get3A_298 = vector.shape_cast %get3A_297 : vector<1x1x16xf32> to vector<16xf32>
        %mul3A_299 = arith.mulf %get3A_298, %gather3A_292 : vector<16xf32>
        %swap3A_300 = arith.constant 5 : i32
        %swap3A_301 = arith.index_cast %add3A_138 : i32 to index
        %swap3A_302 = arith.index_cast %swap3A_300 : i32 to index
        %swap3A_303 = arith.constant 0 : index
        %swap3A_304 = tpu.vector_load %arg13[%swap3A_301, %swap3A_302, %swap3A_303] {strides = array<i32>} : memref<40x8x16xf32, #tpu.memory_space<vmem>>, vector<1x1x16xf32>,
        %swap3A_305 = vector.shape_cast %swap3A_304 : vector<1x1x16xf32> to vector<16xf32>
        %swap3A_306 = vector.shape_cast %mul3A_299 : vector<16xf32> to vector<1x1x16xf32>
        tpu.vector_store %arg13[%swap3A_301, %swap3A_302, %swap3A_303], %swap3A_306 {strides = array<i32>} : memref<40x8x16xf32, #tpu.memory_space<vmem>>, vector<1x1x16xf32>,
        %broadcast_in_dim3A_307 = arith.constant 6 : i32
        %broadcast_in_dim3A_308 = vector.broadcast %broadcast_in_dim3A_307 : i32 to vector<16xi32>
        %lt3A_309 = arith.constant 0 : i32
        %lt3A_310 = vector.broadcast %lt3A_309 : i32 to vector<16xi32>
        %lt3A_311 = arith.cmpi slt, %broadcast_in_dim3A_308, %lt3A_310 : vector<16xi32>
        %add3A_312 = arith.constant 16 : i32
        %add3A_313 = vector.broadcast %add3A_312 : i32 to vector<16xi32>
        %add3A_314 = arith.addi %broadcast_in_dim3A_308, %add3A_313 : vector<16xi32>
        %select_n3A_315 = arith.select %lt3A_311, %add3A_314, %broadcast_in_dim3A_308 : vector<16xi1>, vector<16xi32>
        %broadcast_in_dim3A_316 = vector.shape_cast %select_n3A_315 : vector<16xi32> to vector<16x1xi32>
        %gather3A_317 = vector.shape_cast %broadcast_in_dim3A_316 : vector<16x1xi32> to vector<16xi32>
        %gather3A_318 = tpu.dynamic_gather %exp3A[%gather3A_317] in [0] : vector<16xf32>, vector<16xi32> -> vector<16xf32>
        %get3A_319 = arith.constant 6 : i32
        %get3A_320 = arith.index_cast %add3A_138 : i32 to index
        %get3A_321 = arith.index_cast %get3A_319 : i32 to index
        %get3A_322 = arith.constant 0 : index
        %get3A_323 = tpu.vector_load %arg13[%get3A_320, %get3A_321, %get3A_322] {strides = array<i32>} : memref<40x8x16xf32, #tpu.memory_space<vmem>>, vector<1x1x16xf32>,
        %get3A_324 = vector.shape_cast %get3A_323 : vector<1x1x16xf32> to vector<16xf32>
        %mul3A_325 = arith.mulf %get3A_324, %gather3A_318 : vector<16xf32>
        %swap3A_326 = arith.constant 6 : i32
        %swap3A_327 = arith.index_cast %add3A_138 : i32 to index
        %swap3A_328 = arith.index_cast %swap3A_326 : i32 to index
        %swap3A_329 = arith.constant 0 : index
        %swap3A_330 = tpu.vector_load %arg13[%swap3A_327, %swap3A_328, %swap3A_329] {strides = array<i32>} : memref<40x8x16xf32, #tpu.memory_space<vmem>>, vector<1x1x16xf32>,
        %swap3A_331 = vector.shape_cast %swap3A_330 : vector<1x1x16xf32> to vector<16xf32>
        %swap3A_332 = vector.shape_cast %mul3A_325 : vector<16xf32> to vector<1x1x16xf32>
        tpu.vector_store %arg13[%swap3A_327, %swap3A_328, %swap3A_329], %swap3A_332 {strides = array<i32>} : memref<40x8x16xf32, #tpu.memory_space<vmem>>, vector<1x1x16xf32>,
        %broadcast_in_dim3A_333 = arith.constant 7 : i32
        %broadcast_in_dim3A_334 = vector.broadcast %broadcast_in_dim3A_333 : i32 to vector<16xi32>
        %lt3A_335 = arith.constant 0 : i32
        %lt3A_336 = vector.broadcast %lt3A_335 : i32 to vector<16xi32>
        %lt3A_337 = arith.cmpi slt, %broadcast_in_dim3A_334, %lt3A_336 : vector<16xi32>
        %add3A_338 = arith.constant 16 : i32
        %add3A_339 = vector.broadcast %add3A_338 : i32 to vector<16xi32>
        %add3A_340 = arith.addi %broadcast_in_dim3A_334, %add3A_339 : vector<16xi32>
        %select_n3A_341 = arith.select %lt3A_337, %add3A_340, %broadcast_in_dim3A_334 : vector<16xi1>, vector<16xi32>
        %broadcast_in_dim3A_342 = vector.shape_cast %select_n3A_341 : vector<16xi32> to vector<16x1xi32>
        %gather3A_343 = vector.shape_cast %broadcast_in_dim3A_342 : vector<16x1xi32> to vector<16xi32>
        %gather3A_344 = tpu.dynamic_gather %exp3A[%gather3A_343] in [0] : vector<16xf32>, vector<16xi32> -> vector<16xf32>
        %get3A_345 = arith.constant 7 : i32
        %get3A_346 = arith.index_cast %add3A_138 : i32 to index
        %get3A_347 = arith.index_cast %get3A_345 : i32 to index
        %get3A_348 = arith.constant 0 : index
        %get3A_349 = tpu.vector_load %arg13[%get3A_346, %get3A_347, %get3A_348] {strides = array<i32>} : memref<40x8x16xf32, #tpu.memory_space<vmem>>, vector<1x1x16xf32>,
        %get3A_350 = vector.shape_cast %get3A_349 : vector<1x1x16xf32> to vector<16xf32>
        %mul3A_351 = arith.mulf %get3A_350, %gather3A_344 : vector<16xf32>
        %swap3A_352 = arith.constant 7 : i32
        %swap3A_353 = arith.index_cast %add3A_138 : i32 to index
        %swap3A_354 = arith.index_cast %swap3A_352 : i32 to index
        %swap3A_355 = arith.constant 0 : index
        %swap3A_356 = tpu.vector_load %arg13[%swap3A_353, %swap3A_354, %swap3A_355] {strides = array<i32>} : memref<40x8x16xf32, #tpu.memory_space<vmem>>, vector<1x1x16xf32>,
        %swap3A_357 = vector.shape_cast %swap3A_356 : vector<1x1x16xf32> to vector<16xf32>
        %swap3A_358 = vector.shape_cast %mul3A_351 : vector<16xf32> to vector<1x1x16xf32>
        tpu.vector_store %arg13[%swap3A_353, %swap3A_354, %swap3A_355], %swap3A_358 {strides = array<i32>} : memref<40x8x16xf32, #tpu.memory_space<vmem>>, vector<1x1x16xf32>,
        %scan3A_359 = arith.constant 1 : i32
        %scan3A_360 = arith.addi %scan3A_134, %scan3A_359 : i32
        %mul3A_361 = arith.constant 1 : i32
        %mul3A_362 = arith.muli %scan3A_360, %mul3A_361 : i32
        %add3A_363 = arith.constant 0 : i32
        %add3A_364 = arith.addi %add3A_363, %mul3A_362 : i32
        %get3A_365 = arith.index_cast %add3A_364 : i32 to index
        %get3A_366 = arith.constant 0 : index
        %get3A_367 = tpu.vector_load %arg15[%get3A_365, %get3A_366] {strides = array<i32>} : memref<40x16xf32, #tpu.memory_space<vmem>>, vector<1x16xf32>,
        %get3A_368 = vector.shape_cast %get3A_367 : vector<1x16xf32> to vector<16xf32>
        %get3A_369 = arith.index_cast %add3A_364 : i32 to index
        %get3A_370 = arith.constant 0 : index
        %get3A_371 = tpu.vector_load %arg17[%get3A_369, %get3A_370] {strides = array<i32>} : memref<40x16xf32, #tpu.memory_space<vmem>>, vector<1x16xf32>,
        %get3A_372 = vector.shape_cast %get3A_371 : vector<1x16xf32> to vector<16xf32>
        %add3A_373 = arith.addf %get3A_368, %get3A_372 : vector<16xf32>
        %mul3A_374 = arith.constant 2.000000e-01 : f32
        %mul3A_375 = vector.broadcast %mul3A_374 : f32 to vector<16xf32>
        %mul3A_376 = arith.mulf %mul3A_375, %add3A_373 : vector<16xf32>
        %max3A_377 = arith.maximumf %add3A_373, %mul3A_376 : vector<16xf32>
        %exp3A_378 = math.exp %max3A_377 : vector<16xf32>
        %swap3A_379 = arith.index_cast %add3A_364 : i32 to index
        %swap3A_380 = arith.constant 0 : index
        %swap3A_381 = tpu.vector_load %arg19[%swap3A_379, %swap3A_380] {strides = array<i32>} : memref<40x16xf32, #tpu.memory_space<vmem>>, vector<1x16xf32>,
        %swap3A_382 = vector.shape_cast %swap3A_381 : vector<1x16xf32> to vector<16xf32>
        %swap3A_383 = vector.shape_cast %exp3A_378 : vector<16xf32> to vector<1x16xf32>
        tpu.vector_store %arg19[%swap3A_379, %swap3A_380], %swap3A_383 {strides = array<i32>} : memref<40x16xf32, #tpu.memory_space<vmem>>, vector<1x16xf32>,
        %broadcast_in_dim3A_384 = arith.constant 0 : i32
        %broadcast_in_dim3A_385 = vector.broadcast %broadcast_in_dim3A_384 : i32 to vector<16xi32>
        %lt3A_386 = arith.constant 0 : i32
        %lt3A_387 = vector.broadcast %lt3A_386 : i32 to vector<16xi32>
        %lt3A_388 = arith.cmpi slt, %broadcast_in_dim3A_385, %lt3A_387 : vector<16xi32>
        %add3A_389 = arith.constant 16 : i32
        %add3A_390 = vector.broadcast %add3A_389 : i32 to vector<16xi32>
        %add3A_391 = arith.addi %broadcast_in_dim3A_385, %add3A_390 : vector<16xi32>
        %select_n3A_392 = arith.select %lt3A_388, %add3A_391, %broadcast_in_dim3A_385 : vector<16xi1>, vector<16xi32>
        %broadcast_in_dim3A_393 = vector.shape_cast %select_n3A_392 : vector<16xi32> to vector<16x1xi32>
        %gather3A_394 = vector.shape_cast %broadcast_in_dim3A_393 : vector<16x1xi32> to vector<16xi32>
        %gather3A_395 = tpu.dynamic_gather %exp3A_378[%gather3A_394] in [0] : vector<16xf32>, vector<16xi32> -> vector<16xf32>
        %get3A_396 = arith.constant 0 : i32
        %get3A_397 = arith.index_cast %add3A_364 : i32 to index
        %get3A_398 = arith.index_cast %get3A_396 : i32 to index
        %get3A_399 = arith.constant 0 : index
        %get3A_400 = tpu.vector_load %arg13[%get3A_397, %get3A_398, %get3A_399] {strides = array<i32>} : memref<40x8x16xf32, #tpu.memory_space<vmem>>, vector<1x1x16xf32>,
        %get3A_401 = vector.shape_cast %get3A_400 : vector<1x1x16xf32> to vector<16xf32>
        %mul3A_402 = arith.mulf %get3A_401, %gather3A_395 : vector<16xf32>
        %swap3A_403 = arith.constant 0 : i32
        %swap3A_404 = arith.index_cast %add3A_364 : i32 to index
        %swap3A_405 = arith.index_cast %swap3A_403 : i32 to index
        %swap3A_406 = arith.constant 0 : index
        %swap3A_407 = tpu.vector_load %arg13[%swap3A_404, %swap3A_405, %swap3A_406] {strides = array<i32>} : memref<40x8x16xf32, #tpu.memory_space<vmem>>, vector<1x1x16xf32>,
        %swap3A_408 = vector.shape_cast %swap3A_407 : vector<1x1x16xf32> to vector<16xf32>
        %swap3A_409 = vector.shape_cast %mul3A_402 : vector<16xf32> to vector<1x1x16xf32>
        tpu.vector_store %arg13[%swap3A_404, %swap3A_405, %swap3A_406], %swap3A_409 {strides = array<i32>} : memref<40x8x16xf32, #tpu.memory_space<vmem>>, vector<1x1x16xf32>,
        %broadcast_in_dim3A_410 = arith.constant 1 : i32
        %broadcast_in_dim3A_411 = vector.broadcast %broadcast_in_dim3A_410 : i32 to vector<16xi32>
        %lt3A_412 = arith.constant 0 : i32
        %lt3A_413 = vector.broadcast %lt3A_412 : i32 to vector<16xi32>
        %lt3A_414 = arith.cmpi slt, %broadcast_in_dim3A_411, %lt3A_413 : vector<16xi32>
        %add3A_415 = arith.constant 16 : i32
        %add3A_416 = vector.broadcast %add3A_415 : i32 to vector<16xi32>
        %add3A_417 = arith.addi %broadcast_in_dim3A_411, %add3A_416 : vector<16xi32>
        %select_n3A_418 = arith.select %lt3A_414, %add3A_417, %broadcast_in_dim3A_411 : vector<16xi1>, vector<16xi32>
        %broadcast_in_dim3A_419 = vector.shape_cast %select_n3A_418 : vector<16xi32> to vector<16x1xi32>
        %gather3A_420 = vector.shape_cast %broadcast_in_dim3A_419 : vector<16x1xi32> to vector<16xi32>
        %gather3A_421 = tpu.dynamic_gather %exp3A_378[%gather3A_420] in [0] : vector<16xf32>, vector<16xi32> -> vector<16xf32>
        %get3A_422 = arith.constant 1 : i32
        %get3A_423 = arith.index_cast %add3A_364 : i32 to index
        %get3A_424 = arith.index_cast %get3A_422 : i32 to index
        %get3A_425 = arith.constant 0 : index
        %get3A_426 = tpu.vector_load %arg13[%get3A_423, %get3A_424, %get3A_425] {strides = array<i32>} : memref<40x8x16xf32, #tpu.memory_space<vmem>>, vector<1x1x16xf32>,
        %get3A_427 = vector.shape_cast %get3A_426 : vector<1x1x16xf32> to vector<16xf32>
        %mul3A_428 = arith.mulf %get3A_427, %gather3A_421 : vector<16xf32>
        %swap3A_429 = arith.constant 1 : i32
        %swap3A_430 = arith.index_cast %add3A_364 : i32 to index
        %swap3A_431 = arith.index_cast %swap3A_429 : i32 to index
        %swap3A_432 = arith.constant 0 : index
        %swap3A_433 = tpu.vector_load %arg13[%swap3A_430, %swap3A_431, %swap3A_432] {strides = array<i32>} : memref<40x8x16xf32, #tpu.memory_space<vmem>>, vector<1x1x16xf32>,
        %swap3A_434 = vector.shape_cast %swap3A_433 : vector<1x1x16xf32> to vector<16xf32>
        %swap3A_435 = vector.shape_cast %mul3A_428 : vector<16xf32> to vector<1x1x16xf32>
        tpu.vector_store %arg13[%swap3A_430, %swap3A_431, %swap3A_432], %swap3A_435 {strides = array<i32>} : memref<40x8x16xf32, #tpu.memory_space<vmem>>, vector<1x1x16xf32>,
        %broadcast_in_dim3A_436 = arith.constant 2 : i32
        %broadcast_in_dim3A_437 = vector.broadcast %broadcast_in_dim3A_436 : i32 to vector<16xi32>
        %lt3A_438 = arith.constant 0 : i32
        %lt3A_439 = vector.broadcast %lt3A_438 : i32 to vector<16xi32>
        %lt3A_440 = arith.cmpi slt, %broadcast_in_dim3A_437, %lt3A_439 : vector<16xi32>
        %add3A_441 = arith.constant 16 : i32
        %add3A_442 = vector.broadcast %add3A_441 : i32 to vector<16xi32>
        %add3A_443 = arith.addi %broadcast_in_dim3A_437, %add3A_442 : vector<16xi32>
        %select_n3A_444 = arith.select %lt3A_440, %add3A_443, %broadcast_in_dim3A_437 : vector<16xi1>, vector<16xi32>
        %broadcast_in_dim3A_445 = vector.shape_cast %select_n3A_444 : vector<16xi32> to vector<16x1xi32>
        %gather3A_446 = vector.shape_cast %broadcast_in_dim3A_445 : vector<16x1xi32> to vector<16xi32>
        %gather3A_447 = tpu.dynamic_gather %exp3A_378[%gather3A_446] in [0] : vector<16xf32>, vector<16xi32> -> vector<16xf32>
        %get3A_448 = arith.constant 2 : i32
        %get3A_449 = arith.index_cast %add3A_364 : i32 to index
        %get3A_450 = arith.index_cast %get3A_448 : i32 to index
        %get3A_451 = arith.constant 0 : index
        %get3A_452 = tpu.vector_load %arg13[%get3A_449, %get3A_450, %get3A_451] {strides = array<i32>} : memref<40x8x16xf32, #tpu.memory_space<vmem>>, vector<1x1x16xf32>,
        %get3A_453 = vector.shape_cast %get3A_452 : vector<1x1x16xf32> to vector<16xf32>
        %mul3A_454 = arith.mulf %get3A_453, %gather3A_447 : vector<16xf32>
        %swap3A_455 = arith.constant 2 : i32
        %swap3A_456 = arith.index_cast %add3A_364 : i32 to index
        %swap3A_457 = arith.index_cast %swap3A_455 : i32 to index
        %swap3A_458 = arith.constant 0 : index
        %swap3A_459 = tpu.vector_load %arg13[%swap3A_456, %swap3A_457, %swap3A_458] {strides = array<i32>} : memref<40x8x16xf32, #tpu.memory_space<vmem>>, vector<1x1x16xf32>,
        %swap3A_460 = vector.shape_cast %swap3A_459 : vector<1x1x16xf32> to vector<16xf32>
        %swap3A_461 = vector.shape_cast %mul3A_454 : vector<16xf32> to vector<1x1x16xf32>
        tpu.vector_store %arg13[%swap3A_456, %swap3A_457, %swap3A_458], %swap3A_461 {strides = array<i32>} : memref<40x8x16xf32, #tpu.memory_space<vmem>>, vector<1x1x16xf32>,
        %broadcast_in_dim3A_462 = arith.constant 3 : i32
        %broadcast_in_dim3A_463 = vector.broadcast %broadcast_in_dim3A_462 : i32 to vector<16xi32>
        %lt3A_464 = arith.constant 0 : i32
        %lt3A_465 = vector.broadcast %lt3A_464 : i32 to vector<16xi32>
        %lt3A_466 = arith.cmpi slt, %broadcast_in_dim3A_463, %lt3A_465 : vector<16xi32>
        %add3A_467 = arith.constant 16 : i32
        %add3A_468 = vector.broadcast %add3A_467 : i32 to vector<16xi32>
        %add3A_469 = arith.addi %broadcast_in_dim3A_463, %add3A_468 : vector<16xi32>
        %select_n3A_470 = arith.select %lt3A_466, %add3A_469, %broadcast_in_dim3A_463 : vector<16xi1>, vector<16xi32>
        %broadcast_in_dim3A_471 = vector.shape_cast %select_n3A_470 : vector<16xi32> to vector<16x1xi32>
        %gather3A_472 = vector.shape_cast %broadcast_in_dim3A_471 : vector<16x1xi32> to vector<16xi32>
        %gather3A_473 = tpu.dynamic_gather %exp3A_378[%gather3A_472] in [0] : vector<16xf32>, vector<16xi32> -> vector<16xf32>
        %get3A_474 = arith.constant 3 : i32
        %get3A_475 = arith.index_cast %add3A_364 : i32 to index
        %get3A_476 = arith.index_cast %get3A_474 : i32 to index
        %get3A_477 = arith.constant 0 : index
        %get3A_478 = tpu.vector_load %arg13[%get3A_475, %get3A_476, %get3A_477] {strides = array<i32>} : memref<40x8x16xf32, #tpu.memory_space<vmem>>, vector<1x1x16xf32>,
        %get3A_479 = vector.shape_cast %get3A_478 : vector<1x1x16xf32> to vector<16xf32>
        %mul3A_480 = arith.mulf %get3A_479, %gather3A_473 : vector<16xf32>
        %swap3A_481 = arith.constant 3 : i32
        %swap3A_482 = arith.index_cast %add3A_364 : i32 to index
        %swap3A_483 = arith.index_cast %swap3A_481 : i32 to index
        %swap3A_484 = arith.constant 0 : index
        %swap3A_485 = tpu.vector_load %arg13[%swap3A_482, %swap3A_483, %swap3A_484] {strides = array<i32>} : memref<40x8x16xf32, #tpu.memory_space<vmem>>, vector<1x1x16xf32>,
        %swap3A_486 = vector.shape_cast %swap3A_485 : vector<1x1x16xf32> to vector<16xf32>
        %swap3A_487 = vector.shape_cast %mul3A_480 : vector<16xf32> to vector<1x1x16xf32>
        tpu.vector_store %arg13[%swap3A_482, %swap3A_483, %swap3A_484], %swap3A_487 {strides = array<i32>} : memref<40x8x16xf32, #tpu.memory_space<vmem>>, vector<1x1x16xf32>,
        %broadcast_in_dim3A_488 = arith.constant 4 : i32
        %broadcast_in_dim3A_489 = vector.broadcast %broadcast_in_dim3A_488 : i32 to vector<16xi32>
        %lt3A_490 = arith.constant 0 : i32
        %lt3A_491 = vector.broadcast %lt3A_490 : i32 to vector<16xi32>
        %lt3A_492 = arith.cmpi slt, %broadcast_in_dim3A_489, %lt3A_491 : vector<16xi32>
        %add3A_493 = arith.constant 16 : i32
        %add3A_494 = vector.broadcast %add3A_493 : i32 to vector<16xi32>
        %add3A_495 = arith.addi %broadcast_in_dim3A_489, %add3A_494 : vector<16xi32>
        %select_n3A_496 = arith.select %lt3A_492, %add3A_495, %broadcast_in_dim3A_489 : vector<16xi1>, vector<16xi32>
        %broadcast_in_dim3A_497 = vector.shape_cast %select_n3A_496 : vector<16xi32> to vector<16x1xi32>
        %gather3A_498 = vector.shape_cast %broadcast_in_dim3A_497 : vector<16x1xi32> to vector<16xi32>
        %gather3A_499 = tpu.dynamic_gather %exp3A_378[%gather3A_498] in [0] : vector<16xf32>, vector<16xi32> -> vector<16xf32>
        %get3A_500 = arith.constant 4 : i32
        %get3A_501 = arith.index_cast %add3A_364 : i32 to index
        %get3A_502 = arith.index_cast %get3A_500 : i32 to index
        %get3A_503 = arith.constant 0 : index
        %get3A_504 = tpu.vector_load %arg13[%get3A_501, %get3A_502, %get3A_503] {strides = array<i32>} : memref<40x8x16xf32, #tpu.memory_space<vmem>>, vector<1x1x16xf32>,
        %get3A_505 = vector.shape_cast %get3A_504 : vector<1x1x16xf32> to vector<16xf32>
        %mul3A_506 = arith.mulf %get3A_505, %gather3A_499 : vector<16xf32>
        %swap3A_507 = arith.constant 4 : i32
        %swap3A_508 = arith.index_cast %add3A_364 : i32 to index
        %swap3A_509 = arith.index_cast %swap3A_507 : i32 to index
        %swap3A_510 = arith.constant 0 : index
        %swap3A_511 = tpu.vector_load %arg13[%swap3A_508, %swap3A_509, %swap3A_510] {strides = array<i32>} : memref<40x8x16xf32, #tpu.memory_space<vmem>>, vector<1x1x16xf32>,
        %swap3A_512 = vector.shape_cast %swap3A_511 : vector<1x1x16xf32> to vector<16xf32>
        %swap3A_513 = vector.shape_cast %mul3A_506 : vector<16xf32> to vector<1x1x16xf32>
        tpu.vector_store %arg13[%swap3A_508, %swap3A_509, %swap3A_510], %swap3A_513 {strides = array<i32>} : memref<40x8x16xf32, #tpu.memory_space<vmem>>, vector<1x1x16xf32>,
        %broadcast_in_dim3A_514 = arith.constant 5 : i32
        %broadcast_in_dim3A_515 = vector.broadcast %broadcast_in_dim3A_514 : i32 to vector<16xi32>
        %lt3A_516 = arith.constant 0 : i32
        %lt3A_517 = vector.broadcast %lt3A_516 : i32 to vector<16xi32>
        %lt3A_518 = arith.cmpi slt, %broadcast_in_dim3A_515, %lt3A_517 : vector<16xi32>
        %add3A_519 = arith.constant 16 : i32
        %add3A_520 = vector.broadcast %add3A_519 : i32 to vector<16xi32>
        %add3A_521 = arith.addi %broadcast_in_dim3A_515, %add3A_520 : vector<16xi32>
        %select_n3A_522 = arith.select %lt3A_518, %add3A_521, %broadcast_in_dim3A_515 : vector<16xi1>, vector<16xi32>
        %broadcast_in_dim3A_523 = vector.shape_cast %select_n3A_522 : vector<16xi32> to vector<16x1xi32>
        %gather3A_524 = vector.shape_cast %broadcast_in_dim3A_523 : vector<16x1xi32> to vector<16xi32>
        %gather3A_525 = tpu.dynamic_gather %exp3A_378[%gather3A_524] in [0] : vector<16xf32>, vector<16xi32> -> vector<16xf32>
        %get3A_526 = arith.constant 5 : i32
        %get3A_527 = arith.index_cast %add3A_364 : i32 to index
        %get3A_528 = arith.index_cast %get3A_526 : i32 to index
        %get3A_529 = arith.constant 0 : index
        %get3A_530 = tpu.vector_load %arg13[%get3A_527, %get3A_528, %get3A_529] {strides = array<i32>} : memref<40x8x16xf32, #tpu.memory_space<vmem>>, vector<1x1x16xf32>,
        %get3A_531 = vector.shape_cast %get3A_530 : vector<1x1x16xf32> to vector<16xf32>
        %mul3A_532 = arith.mulf %get3A_531, %gather3A_525 : vector<16xf32>
        %swap3A_533 = arith.constant 5 : i32
        %swap3A_534 = arith.index_cast %add3A_364 : i32 to index
        %swap3A_535 = arith.index_cast %swap3A_533 : i32 to index
        %swap3A_536 = arith.constant 0 : index
        %swap3A_537 = tpu.vector_load %arg13[%swap3A_534, %swap3A_535, %swap3A_536] {strides = array<i32>} : memref<40x8x16xf32, #tpu.memory_space<vmem>>, vector<1x1x16xf32>,
        %swap3A_538 = vector.shape_cast %swap3A_537 : vector<1x1x16xf32> to vector<16xf32>
        %swap3A_539 = vector.shape_cast %mul3A_532 : vector<16xf32> to vector<1x1x16xf32>
        tpu.vector_store %arg13[%swap3A_534, %swap3A_535, %swap3A_536], %swap3A_539 {strides = array<i32>} : memref<40x8x16xf32, #tpu.memory_space<vmem>>, vector<1x1x16xf32>,
        %broadcast_in_dim3A_540 = arith.constant 6 : i32
        %broadcast_in_dim3A_541 = vector.broadcast %broadcast_in_dim3A_540 : i32 to vector<16xi32>
        %lt3A_542 = arith.constant 0 : i32
        %lt3A_543 = vector.broadcast %lt3A_542 : i32 to vector<16xi32>
        %lt3A_544 = arith.cmpi slt, %broadcast_in_dim3A_541, %lt3A_543 : vector<16xi32>
        %add3A_545 = arith.constant 16 : i32
        %add3A_546 = vector.broadcast %add3A_545 : i32 to vector<16xi32>
        %add3A_547 = arith.addi %broadcast_in_dim3A_541, %add3A_546 : vector<16xi32>
        %select_n3A_548 = arith.select %lt3A_544, %add3A_547, %broadcast_in_dim3A_541 : vector<16xi1>, vector<16xi32>
        %broadcast_in_dim3A_549 = vector.shape_cast %select_n3A_548 : vector<16xi32> to vector<16x1xi32>
        %gather3A_550 = vector.shape_cast %broadcast_in_dim3A_549 : vector<16x1xi32> to vector<16xi32>
        %gather3A_551 = tpu.dynamic_gather %exp3A_378[%gather3A_550] in [0] : vector<16xf32>, vector<16xi32> -> vector<16xf32>
        %get3A_552 = arith.constant 6 : i32
        %get3A_553 = arith.index_cast %add3A_364 : i32 to index
        %get3A_554 = arith.index_cast %get3A_552 : i32 to index
        %get3A_555 = arith.constant 0 : index
        %get3A_556 = tpu.vector_load %arg13[%get3A_553, %get3A_554, %get3A_555] {strides = array<i32>} : memref<40x8x16xf32, #tpu.memory_space<vmem>>, vector<1x1x16xf32>,
        %get3A_557 = vector.shape_cast %get3A_556 : vector<1x1x16xf32> to vector<16xf32>
        %mul3A_558 = arith.mulf %get3A_557, %gather3A_551 : vector<16xf32>
        %swap3A_559 = arith.constant 6 : i32
        %swap3A_560 = arith.index_cast %add3A_364 : i32 to index
        %swap3A_561 = arith.index_cast %swap3A_559 : i32 to index
        %swap3A_562 = arith.constant 0 : index
        %swap3A_563 = tpu.vector_load %arg13[%swap3A_560, %swap3A_561, %swap3A_562] {strides = array<i32>} : memref<40x8x16xf32, #tpu.memory_space<vmem>>, vector<1x1x16xf32>,
        %swap3A_564 = vector.shape_cast %swap3A_563 : vector<1x1x16xf32> to vector<16xf32>
        %swap3A_565 = vector.shape_cast %mul3A_558 : vector<16xf32> to vector<1x1x16xf32>
        tpu.vector_store %arg13[%swap3A_560, %swap3A_561, %swap3A_562], %swap3A_565 {strides = array<i32>} : memref<40x8x16xf32, #tpu.memory_space<vmem>>, vector<1x1x16xf32>,
        %broadcast_in_dim3A_566 = arith.constant 7 : i32
        %broadcast_in_dim3A_567 = vector.broadcast %broadcast_in_dim3A_566 : i32 to vector<16xi32>
        %lt3A_568 = arith.constant 0 : i32
        %lt3A_569 = vector.broadcast %lt3A_568 : i32 to vector<16xi32>
        %lt3A_570 = arith.cmpi slt, %broadcast_in_dim3A_567, %lt3A_569 : vector<16xi32>
        %add3A_571 = arith.constant 16 : i32
        %add3A_572 = vector.broadcast %add3A_571 : i32 to vector<16xi32>
        %add3A_573 = arith.addi %broadcast_in_dim3A_567, %add3A_572 : vector<16xi32>
        %select_n3A_574 = arith.select %lt3A_570, %add3A_573, %broadcast_in_dim3A_567 : vector<16xi1>, vector<16xi32>
        %broadcast_in_dim3A_575 = vector.shape_cast %select_n3A_574 : vector<16xi32> to vector<16x1xi32>
        %gather3A_576 = vector.shape_cast %broadcast_in_dim3A_575 : vector<16x1xi32> to vector<16xi32>
        %gather3A_577 = tpu.dynamic_gather %exp3A_378[%gather3A_576] in [0] : vector<16xf32>, vector<16xi32> -> vector<16xf32>
        %get3A_578 = arith.constant 7 : i32
        %get3A_579 = arith.index_cast %add3A_364 : i32 to index
        %get3A_580 = arith.index_cast %get3A_578 : i32 to index
        %get3A_581 = arith.constant 0 : index
        %get3A_582 = tpu.vector_load %arg13[%get3A_579, %get3A_580, %get3A_581] {strides = array<i32>} : memref<40x8x16xf32, #tpu.memory_space<vmem>>, vector<1x1x16xf32>,
        %get3A_583 = vector.shape_cast %get3A_582 : vector<1x1x16xf32> to vector<16xf32>
        %mul3A_584 = arith.mulf %get3A_583, %gather3A_577 : vector<16xf32>
        %swap3A_585 = arith.constant 7 : i32
        %swap3A_586 = arith.index_cast %add3A_364 : i32 to index
        %swap3A_587 = arith.index_cast %swap3A_585 : i32 to index
        %swap3A_588 = arith.constant 0 : index
        %swap3A_589 = tpu.vector_load %arg13[%swap3A_586, %swap3A_587, %swap3A_588] {strides = array<i32>} : memref<40x8x16xf32, #tpu.memory_space<vmem>>, vector<1x1x16xf32>,
        %swap3A_590 = vector.shape_cast %swap3A_589 : vector<1x1x16xf32> to vector<16xf32>
        %swap3A_591 = vector.shape_cast %mul3A_584 : vector<16xf32> to vector<1x1x16xf32>
        tpu.vector_store %arg13[%swap3A_586, %swap3A_587, %swap3A_588], %swap3A_591 {strides = array<i32>} : memref<40x8x16xf32, #tpu.memory_space<vmem>>, vector<1x1x16xf32>,
        %scan3A_592 = arith.constant 2 : i32
        %scan3A_593 = arith.addi %scan3A_134, %scan3A_592 : i32
        %mul3A_594 = arith.constant 1 : i32
        %mul3A_595 = arith.muli %scan3A_593, %mul3A_594 : i32
        %add3A_596 = arith.constant 0 : i32
        %add3A_597 = arith.addi %add3A_596, %mul3A_595 : i32
        %get3A_598 = arith.index_cast %add3A_597 : i32 to index
        %get3A_599 = arith.constant 0 : index
        %get3A_600 = tpu.vector_load %arg15[%get3A_598, %get3A_599] {strides = array<i32>} : memref<40x16xf32, #tpu.memory_space<vmem>>, vector<1x16xf32>,
        %get3A_601 = vector.shape_cast %get3A_600 : vector<1x16xf32> to vector<16xf32>
        %get3A_602 = arith.index_cast %add3A_597 : i32 to index
        %get3A_603 = arith.constant 0 : index
        %get3A_604 = tpu.vector_load %arg17[%get3A_602, %get3A_603] {strides = array<i32>} : memref<40x16xf32, #tpu.memory_space<vmem>>, vector<1x16xf32>,
        %get3A_605 = vector.shape_cast %get3A_604 : vector<1x16xf32> to vector<16xf32>
        %add3A_606 = arith.addf %get3A_601, %get3A_605 : vector<16xf32>
        %mul3A_607 = arith.constant 2.000000e-01 : f32
        %mul3A_608 = vector.broadcast %mul3A_607 : f32 to vector<16xf32>
        %mul3A_609 = arith.mulf %mul3A_608, %add3A_606 : vector<16xf32>
        %max3A_610 = arith.maximumf %add3A_606, %mul3A_609 : vector<16xf32>
        %exp3A_611 = math.exp %max3A_610 : vector<16xf32>
        %swap3A_612 = arith.index_cast %add3A_597 : i32 to index
        %swap3A_613 = arith.constant 0 : index
        %swap3A_614 = tpu.vector_load %arg19[%swap3A_612, %swap3A_613] {strides = array<i32>} : memref<40x16xf32, #tpu.memory_space<vmem>>, vector<1x16xf32>,
        %swap3A_615 = vector.shape_cast %swap3A_614 : vector<1x16xf32> to vector<16xf32>
        %swap3A_616 = vector.shape_cast %exp3A_611 : vector<16xf32> to vector<1x16xf32>
        tpu.vector_store %arg19[%swap3A_612, %swap3A_613], %swap3A_616 {strides = array<i32>} : memref<40x16xf32, #tpu.memory_space<vmem>>, vector<1x16xf32>,
        %broadcast_in_dim3A_617 = arith.constant 0 : i32
        %broadcast_in_dim3A_618 = vector.broadcast %broadcast_in_dim3A_617 : i32 to vector<16xi32>
        %lt3A_619 = arith.constant 0 : i32
        %lt3A_620 = vector.broadcast %lt3A_619 : i32 to vector<16xi32>
        %lt3A_621 = arith.cmpi slt, %broadcast_in_dim3A_618, %lt3A_620 : vector<16xi32>
        %add3A_622 = arith.constant 16 : i32
        %add3A_623 = vector.broadcast %add3A_622 : i32 to vector<16xi32>
        %add3A_624 = arith.addi %broadcast_in_dim3A_618, %add3A_623 : vector<16xi32>
        %select_n3A_625 = arith.select %lt3A_621, %add3A_624, %broadcast_in_dim3A_618 : vector<16xi1>, vector<16xi32>
        %broadcast_in_dim3A_626 = vector.shape_cast %select_n3A_625 : vector<16xi32> to vector<16x1xi32>
        %gather3A_627 = vector.shape_cast %broadcast_in_dim3A_626 : vector<16x1xi32> to vector<16xi32>
        %gather3A_628 = tpu.dynamic_gather %exp3A_611[%gather3A_627] in [0] : vector<16xf32>, vector<16xi32> -> vector<16xf32>
        %get3A_629 = arith.constant 0 : i32
        %get3A_630 = arith.index_cast %add3A_597 : i32 to index
        %get3A_631 = arith.index_cast %get3A_629 : i32 to index
        %get3A_632 = arith.constant 0 : index
        %get3A_633 = tpu.vector_load %arg13[%get3A_630, %get3A_631, %get3A_632] {strides = array<i32>} : memref<40x8x16xf32, #tpu.memory_space<vmem>>, vector<1x1x16xf32>,
        %get3A_634 = vector.shape_cast %get3A_633 : vector<1x1x16xf32> to vector<16xf32>
        %mul3A_635 = arith.mulf %get3A_634, %gather3A_628 : vector<16xf32>
        %swap3A_636 = arith.constant 0 : i32
        %swap3A_637 = arith.index_cast %add3A_597 : i32 to index
        %swap3A_638 = arith.index_cast %swap3A_636 : i32 to index
        %swap3A_639 = arith.constant 0 : index
        %swap3A_640 = tpu.vector_load %arg13[%swap3A_637, %swap3A_638, %swap3A_639] {strides = array<i32>} : memref<40x8x16xf32, #tpu.memory_space<vmem>>, vector<1x1x16xf32>,
        %swap3A_641 = vector.shape_cast %swap3A_640 : vector<1x1x16xf32> to vector<16xf32>
        %swap3A_642 = vector.shape_cast %mul3A_635 : vector<16xf32> to vector<1x1x16xf32>
        tpu.vector_store %arg13[%swap3A_637, %swap3A_638, %swap3A_639], %swap3A_642 {strides = array<i32>} : memref<40x8x16xf32, #tpu.memory_space<vmem>>, vector<1x1x16xf32>,
        %broadcast_in_dim3A_643 = arith.constant 1 : i32
        %broadcast_in_dim3A_644 = vector.broadcast %broadcast_in_dim3A_643 : i32 to vector<16xi32>
        %lt3A_645 = arith.constant 0 : i32
        %lt3A_646 = vector.broadcast %lt3A_645 : i32 to vector<16xi32>
        %lt3A_647 = arith.cmpi slt, %broadcast_in_dim3A_644, %lt3A_646 : vector<16xi32>
        %add3A_648 = arith.constant 16 : i32
        %add3A_649 = vector.broadcast %add3A_648 : i32 to vector<16xi32>
        %add3A_650 = arith.addi %broadcast_in_dim3A_644, %add3A_649 : vector<16xi32>
        %select_n3A_651 = arith.select %lt3A_647, %add3A_650, %broadcast_in_dim3A_644 : vector<16xi1>, vector<16xi32>
        %broadcast_in_dim3A_652 = vector.shape_cast %select_n3A_651 : vector<16xi32> to vector<16x1xi32>
        %gather3A_653 = vector.shape_cast %broadcast_in_dim3A_652 : vector<16x1xi32> to vector<16xi32>
        %gather3A_654 = tpu.dynamic_gather %exp3A_611[%gather3A_653] in [0] : vector<16xf32>, vector<16xi32> -> vector<16xf32>
        %get3A_655 = arith.constant 1 : i32
        %get3A_656 = arith.index_cast %add3A_597 : i32 to index
        %get3A_657 = arith.index_cast %get3A_655 : i32 to index
        %get3A_658 = arith.constant 0 : index
        %get3A_659 = tpu.vector_load %arg13[%get3A_656, %get3A_657, %get3A_658] {strides = array<i32>} : memref<40x8x16xf32, #tpu.memory_space<vmem>>, vector<1x1x16xf32>,
        %get3A_660 = vector.shape_cast %get3A_659 : vector<1x1x16xf32> to vector<16xf32>
        %mul3A_661 = arith.mulf %get3A_660, %gather3A_654 : vector<16xf32>
        %swap3A_662 = arith.constant 1 : i32
        %swap3A_663 = arith.index_cast %add3A_597 : i32 to index
        %swap3A_664 = arith.index_cast %swap3A_662 : i32 to index
        %swap3A_665 = arith.constant 0 : index
        %swap3A_666 = tpu.vector_load %arg13[%swap3A_663, %swap3A_664, %swap3A_665] {strides = array<i32>} : memref<40x8x16xf32, #tpu.memory_space<vmem>>, vector<1x1x16xf32>,
        %swap3A_667 = vector.shape_cast %swap3A_666 : vector<1x1x16xf32> to vector<16xf32>
        %swap3A_668 = vector.shape_cast %mul3A_661 : vector<16xf32> to vector<1x1x16xf32>
        tpu.vector_store %arg13[%swap3A_663, %swap3A_664, %swap3A_665], %swap3A_668 {strides = array<i32>} : memref<40x8x16xf32, #tpu.memory_space<vmem>>, vector<1x1x16xf32>,
        %broadcast_in_dim3A_669 = arith.constant 2 : i32
        %broadcast_in_dim3A_670 = vector.broadcast %broadcast_in_dim3A_669 : i32 to vector<16xi32>
        %lt3A_671 = arith.constant 0 : i32
        %lt3A_672 = vector.broadcast %lt3A_671 : i32 to vector<16xi32>
        %lt3A_673 = arith.cmpi slt, %broadcast_in_dim3A_670, %lt3A_672 : vector<16xi32>
        %add3A_674 = arith.constant 16 : i32
        %add3A_675 = vector.broadcast %add3A_674 : i32 to vector<16xi32>
        %add3A_676 = arith.addi %broadcast_in_dim3A_670, %add3A_675 : vector<16xi32>
        %select_n3A_677 = arith.select %lt3A_673, %add3A_676, %broadcast_in_dim3A_670 : vector<16xi1>, vector<16xi32>
        %broadcast_in_dim3A_678 = vector.shape_cast %select_n3A_677 : vector<16xi32> to vector<16x1xi32>
        %gather3A_679 = vector.shape_cast %broadcast_in_dim3A_678 : vector<16x1xi32> to vector<16xi32>
        %gather3A_680 = tpu.dynamic_gather %exp3A_611[%gather3A_679] in [0] : vector<16xf32>, vector<16xi32> -> vector<16xf32>
        %get3A_681 = arith.constant 2 : i32
        %get3A_682 = arith.index_cast %add3A_597 : i32 to index
        %get3A_683 = arith.index_cast %get3A_681 : i32 to index
        %get3A_684 = arith.constant 0 : index
        %get3A_685 = tpu.vector_load %arg13[%get3A_682, %get3A_683, %get3A_684] {strides = array<i32>} : memref<40x8x16xf32, #tpu.memory_space<vmem>>, vector<1x1x16xf32>,
        %get3A_686 = vector.shape_cast %get3A_685 : vector<1x1x16xf32> to vector<16xf32>
        %mul3A_687 = arith.mulf %get3A_686, %gather3A_680 : vector<16xf32>
        %swap3A_688 = arith.constant 2 : i32
        %swap3A_689 = arith.index_cast %add3A_597 : i32 to index
        %swap3A_690 = arith.index_cast %swap3A_688 : i32 to index
        %swap3A_691 = arith.constant 0 : index
        %swap3A_692 = tpu.vector_load %arg13[%swap3A_689, %swap3A_690, %swap3A_691] {strides = array<i32>} : memref<40x8x16xf32, #tpu.memory_space<vmem>>, vector<1x1x16xf32>,
        %swap3A_693 = vector.shape_cast %swap3A_692 : vector<1x1x16xf32> to vector<16xf32>
        %swap3A_694 = vector.shape_cast %mul3A_687 : vector<16xf32> to vector<1x1x16xf32>
        tpu.vector_store %arg13[%swap3A_689, %swap3A_690, %swap3A_691], %swap3A_694 {strides = array<i32>} : memref<40x8x16xf32, #tpu.memory_space<vmem>>, vector<1x1x16xf32>,
        %broadcast_in_dim3A_695 = arith.constant 3 : i32
        %broadcast_in_dim3A_696 = vector.broadcast %broadcast_in_dim3A_695 : i32 to vector<16xi32>
        %lt3A_697 = arith.constant 0 : i32
        %lt3A_698 = vector.broadcast %lt3A_697 : i32 to vector<16xi32>
        %lt3A_699 = arith.cmpi slt, %broadcast_in_dim3A_696, %lt3A_698 : vector<16xi32>
        %add3A_700 = arith.constant 16 : i32
        %add3A_701 = vector.broadcast %add3A_700 : i32 to vector<16xi32>
        %add3A_702 = arith.addi %broadcast_in_dim3A_696, %add3A_701 : vector<16xi32>
        %select_n3A_703 = arith.select %lt3A_699, %add3A_702, %broadcast_in_dim3A_696 : vector<16xi1>, vector<16xi32>
        %broadcast_in_dim3A_704 = vector.shape_cast %select_n3A_703 : vector<16xi32> to vector<16x1xi32>
        %gather3A_705 = vector.shape_cast %broadcast_in_dim3A_704 : vector<16x1xi32> to vector<16xi32>
        %gather3A_706 = tpu.dynamic_gather %exp3A_611[%gather3A_705] in [0] : vector<16xf32>, vector<16xi32> -> vector<16xf32>
        %get3A_707 = arith.constant 3 : i32
        %get3A_708 = arith.index_cast %add3A_597 : i32 to index
        %get3A_709 = arith.index_cast %get3A_707 : i32 to index
        %get3A_710 = arith.constant 0 : index
        %get3A_711 = tpu.vector_load %arg13[%get3A_708, %get3A_709, %get3A_710] {strides = array<i32>} : memref<40x8x16xf32, #tpu.memory_space<vmem>>, vector<1x1x16xf32>,
        %get3A_712 = vector.shape_cast %get3A_711 : vector<1x1x16xf32> to vector<16xf32>
        %mul3A_713 = arith.mulf %get3A_712, %gather3A_706 : vector<16xf32>
        %swap3A_714 = arith.constant 3 : i32
        %swap3A_715 = arith.index_cast %add3A_597 : i32 to index
        %swap3A_716 = arith.index_cast %swap3A_714 : i32 to index
        %swap3A_717 = arith.constant 0 : index
        %swap3A_718 = tpu.vector_load %arg13[%swap3A_715, %swap3A_716, %swap3A_717] {strides = array<i32>} : memref<40x8x16xf32, #tpu.memory_space<vmem>>, vector<1x1x16xf32>,
        %swap3A_719 = vector.shape_cast %swap3A_718 : vector<1x1x16xf32> to vector<16xf32>
        %swap3A_720 = vector.shape_cast %mul3A_713 : vector<16xf32> to vector<1x1x16xf32>
        tpu.vector_store %arg13[%swap3A_715, %swap3A_716, %swap3A_717], %swap3A_720 {strides = array<i32>} : memref<40x8x16xf32, #tpu.memory_space<vmem>>, vector<1x1x16xf32>,
        %broadcast_in_dim3A_721 = arith.constant 4 : i32
        %broadcast_in_dim3A_722 = vector.broadcast %broadcast_in_dim3A_721 : i32 to vector<16xi32>
        %lt3A_723 = arith.constant 0 : i32
        %lt3A_724 = vector.broadcast %lt3A_723 : i32 to vector<16xi32>
        %lt3A_725 = arith.cmpi slt, %broadcast_in_dim3A_722, %lt3A_724 : vector<16xi32>
        %add3A_726 = arith.constant 16 : i32
        %add3A_727 = vector.broadcast %add3A_726 : i32 to vector<16xi32>
        %add3A_728 = arith.addi %broadcast_in_dim3A_722, %add3A_727 : vector<16xi32>
        %select_n3A_729 = arith.select %lt3A_725, %add3A_728, %broadcast_in_dim3A_722 : vector<16xi1>, vector<16xi32>
        %broadcast_in_dim3A_730 = vector.shape_cast %select_n3A_729 : vector<16xi32> to vector<16x1xi32>
        %gather3A_731 = vector.shape_cast %broadcast_in_dim3A_730 : vector<16x1xi32> to vector<16xi32>
        %gather3A_732 = tpu.dynamic_gather %exp3A_611[%gather3A_731] in [0] : vector<16xf32>, vector<16xi32> -> vector<16xf32>
        %get3A_733 = arith.constant 4 : i32
        %get3A_734 = arith.index_cast %add3A_597 : i32 to index
        %get3A_735 = arith.index_cast %get3A_733 : i32 to index
        %get3A_736 = arith.constant 0 : index
        %get3A_737 = tpu.vector_load %arg13[%get3A_734, %get3A_735, %get3A_736] {strides = array<i32>} : memref<40x8x16xf32, #tpu.memory_space<vmem>>, vector<1x1x16xf32>,
        %get3A_738 = vector.shape_cast %get3A_737 : vector<1x1x16xf32> to vector<16xf32>
        %mul3A_739 = arith.mulf %get3A_738, %gather3A_732 : vector<16xf32>
        %swap3A_740 = arith.constant 4 : i32
        %swap3A_741 = arith.index_cast %add3A_597 : i32 to index
        %swap3A_742 = arith.index_cast %swap3A_740 : i32 to index
        %swap3A_743 = arith.constant 0 : index
        %swap3A_744 = tpu.vector_load %arg13[%swap3A_741, %swap3A_742, %swap3A_743] {strides = array<i32>} : memref<40x8x16xf32, #tpu.memory_space<vmem>>, vector<1x1x16xf32>,
        %swap3A_745 = vector.shape_cast %swap3A_744 : vector<1x1x16xf32> to vector<16xf32>
        %swap3A_746 = vector.shape_cast %mul3A_739 : vector<16xf32> to vector<1x1x16xf32>
        tpu.vector_store %arg13[%swap3A_741, %swap3A_742, %swap3A_743], %swap3A_746 {strides = array<i32>} : memref<40x8x16xf32, #tpu.memory_space<vmem>>, vector<1x1x16xf32>,
        %broadcast_in_dim3A_747 = arith.constant 5 : i32
        %broadcast_in_dim3A_748 = vector.broadcast %broadcast_in_dim3A_747 : i32 to vector<16xi32>
        %lt3A_749 = arith.constant 0 : i32
        %lt3A_750 = vector.broadcast %lt3A_749 : i32 to vector<16xi32>
        %lt3A_751 = arith.cmpi slt, %broadcast_in_dim3A_748, %lt3A_750 : vector<16xi32>
        %add3A_752 = arith.constant 16 : i32
        %add3A_753 = vector.broadcast %add3A_752 : i32 to vector<16xi32>
        %add3A_754 = arith.addi %broadcast_in_dim3A_748, %add3A_753 : vector<16xi32>
        %select_n3A_755 = arith.select %lt3A_751, %add3A_754, %broadcast_in_dim3A_748 : vector<16xi1>, vector<16xi32>
        %broadcast_in_dim3A_756 = vector.shape_cast %select_n3A_755 : vector<16xi32> to vector<16x1xi32>
        %gather3A_757 = vector.shape_cast %broadcast_in_dim3A_756 : vector<16x1xi32> to vector<16xi32>
        %gather3A_758 = tpu.dynamic_gather %exp3A_611[%gather3A_757] in [0] : vector<16xf32>, vector<16xi32> -> vector<16xf32>
        %get3A_759 = arith.constant 5 : i32
        %get3A_760 = arith.index_cast %add3A_597 : i32 to index
        %get3A_761 = arith.index_cast %get3A_759 : i32 to index
        %get3A_762 = arith.constant 0 : index
        %get3A_763 = tpu.vector_load %arg13[%get3A_760, %get3A_761, %get3A_762] {strides = array<i32>} : memref<40x8x16xf32, #tpu.memory_space<vmem>>, vector<1x1x16xf32>,
        %get3A_764 = vector.shape_cast %get3A_763 : vector<1x1x16xf32> to vector<16xf32>
        %mul3A_765 = arith.mulf %get3A_764, %gather3A_758 : vector<16xf32>
        %swap3A_766 = arith.constant 5 : i32
        %swap3A_767 = arith.index_cast %add3A_597 : i32 to index
        %swap3A_768 = arith.index_cast %swap3A_766 : i32 to index
        %swap3A_769 = arith.constant 0 : index
        %swap3A_770 = tpu.vector_load %arg13[%swap3A_767, %swap3A_768, %swap3A_769] {strides = array<i32>} : memref<40x8x16xf32, #tpu.memory_space<vmem>>, vector<1x1x16xf32>,
        %swap3A_771 = vector.shape_cast %swap3A_770 : vector<1x1x16xf32> to vector<16xf32>
        %swap3A_772 = vector.shape_cast %mul3A_765 : vector<16xf32> to vector<1x1x16xf32>
        tpu.vector_store %arg13[%swap3A_767, %swap3A_768, %swap3A_769], %swap3A_772 {strides = array<i32>} : memref<40x8x16xf32, #tpu.memory_space<vmem>>, vector<1x1x16xf32>,
        %broadcast_in_dim3A_773 = arith.constant 6 : i32
        %broadcast_in_dim3A_774 = vector.broadcast %broadcast_in_dim3A_773 : i32 to vector<16xi32>
        %lt3A_775 = arith.constant 0 : i32
        %lt3A_776 = vector.broadcast %lt3A_775 : i32 to vector<16xi32>
        %lt3A_777 = arith.cmpi slt, %broadcast_in_dim3A_774, %lt3A_776 : vector<16xi32>
        %add3A_778 = arith.constant 16 : i32
        %add3A_779 = vector.broadcast %add3A_778 : i32 to vector<16xi32>
        %add3A_780 = arith.addi %broadcast_in_dim3A_774, %add3A_779 : vector<16xi32>
        %select_n3A_781 = arith.select %lt3A_777, %add3A_780, %broadcast_in_dim3A_774 : vector<16xi1>, vector<16xi32>
        %broadcast_in_dim3A_782 = vector.shape_cast %select_n3A_781 : vector<16xi32> to vector<16x1xi32>
        %gather3A_783 = vector.shape_cast %broadcast_in_dim3A_782 : vector<16x1xi32> to vector<16xi32>
        %gather3A_784 = tpu.dynamic_gather %exp3A_611[%gather3A_783] in [0] : vector<16xf32>, vector<16xi32> -> vector<16xf32>
        %get3A_785 = arith.constant 6 : i32
        %get3A_786 = arith.index_cast %add3A_597 : i32 to index
        %get3A_787 = arith.index_cast %get3A_785 : i32 to index
        %get3A_788 = arith.constant 0 : index
        %get3A_789 = tpu.vector_load %arg13[%get3A_786, %get3A_787, %get3A_788] {strides = array<i32>} : memref<40x8x16xf32, #tpu.memory_space<vmem>>, vector<1x1x16xf32>,
        %get3A_790 = vector.shape_cast %get3A_789 : vector<1x1x16xf32> to vector<16xf32>
        %mul3A_791 = arith.mulf %get3A_790, %gather3A_784 : vector<16xf32>
        %swap3A_792 = arith.constant 6 : i32
        %swap3A_793 = arith.index_cast %add3A_597 : i32 to index
        %swap3A_794 = arith.index_cast %swap3A_792 : i32 to index
        %swap3A_795 = arith.constant 0 : index
        %swap3A_796 = tpu.vector_load %arg13[%swap3A_793, %swap3A_794, %swap3A_795] {strides = array<i32>} : memref<40x8x16xf32, #tpu.memory_space<vmem>>, vector<1x1x16xf32>,
        %swap3A_797 = vector.shape_cast %swap3A_796 : vector<1x1x16xf32> to vector<16xf32>
        %swap3A_798 = vector.shape_cast %mul3A_791 : vector<16xf32> to vector<1x1x16xf32>
        tpu.vector_store %arg13[%swap3A_793, %swap3A_794, %swap3A_795], %swap3A_798 {strides = array<i32>} : memref<40x8x16xf32, #tpu.memory_space<vmem>>, vector<1x1x16xf32>,
        %broadcast_in_dim3A_799 = arith.constant 7 : i32
        %broadcast_in_dim3A_800 = vector.broadcast %broadcast_in_dim3A_799 : i32 to vector<16xi32>
        %lt3A_801 = arith.constant 0 : i32
        %lt3A_802 = vector.broadcast %lt3A_801 : i32 to vector<16xi32>
        %lt3A_803 = arith.cmpi slt, %broadcast_in_dim3A_800, %lt3A_802 : vector<16xi32>
        %add3A_804 = arith.constant 16 : i32
        %add3A_805 = vector.broadcast %add3A_804 : i32 to vector<16xi32>
        %add3A_806 = arith.addi %broadcast_in_dim3A_800, %add3A_805 : vector<16xi32>
        %select_n3A_807 = arith.select %lt3A_803, %add3A_806, %broadcast_in_dim3A_800 : vector<16xi1>, vector<16xi32>
        %broadcast_in_dim3A_808 = vector.shape_cast %select_n3A_807 : vector<16xi32> to vector<16x1xi32>
        %gather3A_809 = vector.shape_cast %broadcast_in_dim3A_808 : vector<16x1xi32> to vector<16xi32>
        %gather3A_810 = tpu.dynamic_gather %exp3A_611[%gather3A_809] in [0] : vector<16xf32>, vector<16xi32> -> vector<16xf32>
        %get3A_811 = arith.constant 7 : i32
        %get3A_812 = arith.index_cast %add3A_597 : i32 to index
        %get3A_813 = arith.index_cast %get3A_811 : i32 to index
        %get3A_814 = arith.constant 0 : index
        %get3A_815 = tpu.vector_load %arg13[%get3A_812, %get3A_813, %get3A_814] {strides = array<i32>} : memref<40x8x16xf32, #tpu.memory_space<vmem>>, vector<1x1x16xf32>,
        %get3A_816 = vector.shape_cast %get3A_815 : vector<1x1x16xf32> to vector<16xf32>
        %mul3A_817 = arith.mulf %get3A_816, %gather3A_810 : vector<16xf32>
        %swap3A_818 = arith.constant 7 : i32
        %swap3A_819 = arith.index_cast %add3A_597 : i32 to index
        %swap3A_820 = arith.index_cast %swap3A_818 : i32 to index
        %swap3A_821 = arith.constant 0 : index
        %swap3A_822 = tpu.vector_load %arg13[%swap3A_819, %swap3A_820, %swap3A_821] {strides = array<i32>} : memref<40x8x16xf32, #tpu.memory_space<vmem>>, vector<1x1x16xf32>,
        %swap3A_823 = vector.shape_cast %swap3A_822 : vector<1x1x16xf32> to vector<16xf32>
        %swap3A_824 = vector.shape_cast %mul3A_817 : vector<16xf32> to vector<1x1x16xf32>
        tpu.vector_store %arg13[%swap3A_819, %swap3A_820, %swap3A_821], %swap3A_824 {strides = array<i32>} : memref<40x8x16xf32, #tpu.memory_space<vmem>>, vector<1x1x16xf32>,
        %scan3A_825 = arith.constant 3 : i32
        %scan3A_826 = arith.addi %scan3A_134, %scan3A_825 : i32
        %mul3A_827 = arith.constant 1 : i32
        %mul3A_828 = arith.muli %scan3A_826, %mul3A_827 : i32
        %add3A_829 = arith.constant 0 : i32
        %add3A_830 = arith.addi %add3A_829, %mul3A_828 : i32
        %get3A_831 = arith.index_cast %add3A_830 : i32 to index
        %get3A_832 = arith.constant 0 : index
        %get3A_833 = tpu.vector_load %arg15[%get3A_831, %get3A_832] {strides = array<i32>} : memref<40x16xf32, #tpu.memory_space<vmem>>, vector<1x16xf32>,
        %get3A_834 = vector.shape_cast %get3A_833 : vector<1x16xf32> to vector<16xf32>
        %get3A_835 = arith.index_cast %add3A_830 : i32 to index
        %get3A_836 = arith.constant 0 : index
        %get3A_837 = tpu.vector_load %arg17[%get3A_835, %get3A_836] {strides = array<i32>} : memref<40x16xf32, #tpu.memory_space<vmem>>, vector<1x16xf32>,
        %get3A_838 = vector.shape_cast %get3A_837 : vector<1x16xf32> to vector<16xf32>
        %add3A_839 = arith.addf %get3A_834, %get3A_838 : vector<16xf32>
        %mul3A_840 = arith.constant 2.000000e-01 : f32
        %mul3A_841 = vector.broadcast %mul3A_840 : f32 to vector<16xf32>
        %mul3A_842 = arith.mulf %mul3A_841, %add3A_839 : vector<16xf32>
        %max3A_843 = arith.maximumf %add3A_839, %mul3A_842 : vector<16xf32>
        %exp3A_844 = math.exp %max3A_843 : vector<16xf32>
        %swap3A_845 = arith.index_cast %add3A_830 : i32 to index
        %swap3A_846 = arith.constant 0 : index
        %swap3A_847 = tpu.vector_load %arg19[%swap3A_845, %swap3A_846] {strides = array<i32>} : memref<40x16xf32, #tpu.memory_space<vmem>>, vector<1x16xf32>,
        %swap3A_848 = vector.shape_cast %swap3A_847 : vector<1x16xf32> to vector<16xf32>
        %swap3A_849 = vector.shape_cast %exp3A_844 : vector<16xf32> to vector<1x16xf32>
        tpu.vector_store %arg19[%swap3A_845, %swap3A_846], %swap3A_849 {strides = array<i32>} : memref<40x16xf32, #tpu.memory_space<vmem>>, vector<1x16xf32>,
        %broadcast_in_dim3A_850 = arith.constant 0 : i32
        %broadcast_in_dim3A_851 = vector.broadcast %broadcast_in_dim3A_850 : i32 to vector<16xi32>
        %lt3A_852 = arith.constant 0 : i32
        %lt3A_853 = vector.broadcast %lt3A_852 : i32 to vector<16xi32>
        %lt3A_854 = arith.cmpi slt, %broadcast_in_dim3A_851, %lt3A_853 : vector<16xi32>
        %add3A_855 = arith.constant 16 : i32
        %add3A_856 = vector.broadcast %add3A_855 : i32 to vector<16xi32>
        %add3A_857 = arith.addi %broadcast_in_dim3A_851, %add3A_856 : vector<16xi32>
        %select_n3A_858 = arith.select %lt3A_854, %add3A_857, %broadcast_in_dim3A_851 : vector<16xi1>, vector<16xi32>
        %broadcast_in_dim3A_859 = vector.shape_cast %select_n3A_858 : vector<16xi32> to vector<16x1xi32>
        %gather3A_860 = vector.shape_cast %broadcast_in_dim3A_859 : vector<16x1xi32> to vector<16xi32>
        %gather3A_861 = tpu.dynamic_gather %exp3A_844[%gather3A_860] in [0] : vector<16xf32>, vector<16xi32> -> vector<16xf32>
        %get3A_862 = arith.constant 0 : i32
        %get3A_863 = arith.index_cast %add3A_830 : i32 to index
        %get3A_864 = arith.index_cast %get3A_862 : i32 to index
        %get3A_865 = arith.constant 0 : index
        %get3A_866 = tpu.vector_load %arg13[%get3A_863, %get3A_864, %get3A_865] {strides = array<i32>} : memref<40x8x16xf32, #tpu.memory_space<vmem>>, vector<1x1x16xf32>,
        %get3A_867 = vector.shape_cast %get3A_866 : vector<1x1x16xf32> to vector<16xf32>
        %mul3A_868 = arith.mulf %get3A_867, %gather3A_861 : vector<16xf32>
        %swap3A_869 = arith.constant 0 : i32
        %swap3A_870 = arith.index_cast %add3A_830 : i32 to index
        %swap3A_871 = arith.index_cast %swap3A_869 : i32 to index
        %swap3A_872 = arith.constant 0 : index
        %swap3A_873 = tpu.vector_load %arg13[%swap3A_870, %swap3A_871, %swap3A_872] {strides = array<i32>} : memref<40x8x16xf32, #tpu.memory_space<vmem>>, vector<1x1x16xf32>,
        %swap3A_874 = vector.shape_cast %swap3A_873 : vector<1x1x16xf32> to vector<16xf32>
        %swap3A_875 = vector.shape_cast %mul3A_868 : vector<16xf32> to vector<1x1x16xf32>
        tpu.vector_store %arg13[%swap3A_870, %swap3A_871, %swap3A_872], %swap3A_875 {strides = array<i32>} : memref<40x8x16xf32, #tpu.memory_space<vmem>>, vector<1x1x16xf32>,
        %broadcast_in_dim3A_876 = arith.constant 1 : i32
        %broadcast_in_dim3A_877 = vector.broadcast %broadcast_in_dim3A_876 : i32 to vector<16xi32>
        %lt3A_878 = arith.constant 0 : i32
        %lt3A_879 = vector.broadcast %lt3A_878 : i32 to vector<16xi32>
        %lt3A_880 = arith.cmpi slt, %broadcast_in_dim3A_877, %lt3A_879 : vector<16xi32>
        %add3A_881 = arith.constant 16 : i32
        %add3A_882 = vector.broadcast %add3A_881 : i32 to vector<16xi32>
        %add3A_883 = arith.addi %broadcast_in_dim3A_877, %add3A_882 : vector<16xi32>
        %select_n3A_884 = arith.select %lt3A_880, %add3A_883, %broadcast_in_dim3A_877 : vector<16xi1>, vector<16xi32>
        %broadcast_in_dim3A_885 = vector.shape_cast %select_n3A_884 : vector<16xi32> to vector<16x1xi32>
        %gather3A_886 = vector.shape_cast %broadcast_in_dim3A_885 : vector<16x1xi32> to vector<16xi32>
        %gather3A_887 = tpu.dynamic_gather %exp3A_844[%gather3A_886] in [0] : vector<16xf32>, vector<16xi32> -> vector<16xf32>
        %get3A_888 = arith.constant 1 : i32
        %get3A_889 = arith.index_cast %add3A_830 : i32 to index
        %get3A_890 = arith.index_cast %get3A_888 : i32 to index
        %get3A_891 = arith.constant 0 : index
        %get3A_892 = tpu.vector_load %arg13[%get3A_889, %get3A_890, %get3A_891] {strides = array<i32>} : memref<40x8x16xf32, #tpu.memory_space<vmem>>, vector<1x1x16xf32>,
        %get3A_893 = vector.shape_cast %get3A_892 : vector<1x1x16xf32> to vector<16xf32>
        %mul3A_894 = arith.mulf %get3A_893, %gather3A_887 : vector<16xf32>
        %swap3A_895 = arith.constant 1 : i32
        %swap3A_896 = arith.index_cast %add3A_830 : i32 to index
        %swap3A_897 = arith.index_cast %swap3A_895 : i32 to index
        %swap3A_898 = arith.constant 0 : index
        %swap3A_899 = tpu.vector_load %arg13[%swap3A_896, %swap3A_897, %swap3A_898] {strides = array<i32>} : memref<40x8x16xf32, #tpu.memory_space<vmem>>, vector<1x1x16xf32>,
        %swap3A_900 = vector.shape_cast %swap3A_899 : vector<1x1x16xf32> to vector<16xf32>
        %swap3A_901 = vector.shape_cast %mul3A_894 : vector<16xf32> to vector<1x1x16xf32>
        tpu.vector_store %arg13[%swap3A_896, %swap3A_897, %swap3A_898], %swap3A_901 {strides = array<i32>} : memref<40x8x16xf32, #tpu.memory_space<vmem>>, vector<1x1x16xf32>,
        %broadcast_in_dim3A_902 = arith.constant 2 : i32
        %broadcast_in_dim3A_903 = vector.broadcast %broadcast_in_dim3A_902 : i32 to vector<16xi32>
        %lt3A_904 = arith.constant 0 : i32
        %lt3A_905 = vector.broadcast %lt3A_904 : i32 to vector<16xi32>
        %lt3A_906 = arith.cmpi slt, %broadcast_in_dim3A_903, %lt3A_905 : vector<16xi32>
        %add3A_907 = arith.constant 16 : i32
        %add3A_908 = vector.broadcast %add3A_907 : i32 to vector<16xi32>
        %add3A_909 = arith.addi %broadcast_in_dim3A_903, %add3A_908 : vector<16xi32>
        %select_n3A_910 = arith.select %lt3A_906, %add3A_909, %broadcast_in_dim3A_903 : vector<16xi1>, vector<16xi32>
        %broadcast_in_dim3A_911 = vector.shape_cast %select_n3A_910 : vector<16xi32> to vector<16x1xi32>
        %gather3A_912 = vector.shape_cast %broadcast_in_dim3A_911 : vector<16x1xi32> to vector<16xi32>
        %gather3A_913 = tpu.dynamic_gather %exp3A_844[%gather3A_912] in [0] : vector<16xf32>, vector<16xi32> -> vector<16xf32>
        %get3A_914 = arith.constant 2 : i32
        %get3A_915 = arith.index_cast %add3A_830 : i32 to index
        %get3A_916 = arith.index_cast %get3A_914 : i32 to index
        %get3A_917 = arith.constant 0 : index
        %get3A_918 = tpu.vector_load %arg13[%get3A_915, %get3A_916, %get3A_917] {strides = array<i32>} : memref<40x8x16xf32, #tpu.memory_space<vmem>>, vector<1x1x16xf32>,
        %get3A_919 = vector.shape_cast %get3A_918 : vector<1x1x16xf32> to vector<16xf32>
        %mul3A_920 = arith.mulf %get3A_919, %gather3A_913 : vector<16xf32>
        %swap3A_921 = arith.constant 2 : i32
        %swap3A_922 = arith.index_cast %add3A_830 : i32 to index
        %swap3A_923 = arith.index_cast %swap3A_921 : i32 to index
        %swap3A_924 = arith.constant 0 : index
        %swap3A_925 = tpu.vector_load %arg13[%swap3A_922, %swap3A_923, %swap3A_924] {strides = array<i32>} : memref<40x8x16xf32, #tpu.memory_space<vmem>>, vector<1x1x16xf32>,
        %swap3A_926 = vector.shape_cast %swap3A_925 : vector<1x1x16xf32> to vector<16xf32>
        %swap3A_927 = vector.shape_cast %mul3A_920 : vector<16xf32> to vector<1x1x16xf32>
        tpu.vector_store %arg13[%swap3A_922, %swap3A_923, %swap3A_924], %swap3A_927 {strides = array<i32>} : memref<40x8x16xf32, #tpu.memory_space<vmem>>, vector<1x1x16xf32>,
        %broadcast_in_dim3A_928 = arith.constant 3 : i32
        %broadcast_in_dim3A_929 = vector.broadcast %broadcast_in_dim3A_928 : i32 to vector<16xi32>
        %lt3A_930 = arith.constant 0 : i32
        %lt3A_931 = vector.broadcast %lt3A_930 : i32 to vector<16xi32>
        %lt3A_932 = arith.cmpi slt, %broadcast_in_dim3A_929, %lt3A_931 : vector<16xi32>
        %add3A_933 = arith.constant 16 : i32
        %add3A_934 = vector.broadcast %add3A_933 : i32 to vector<16xi32>
        %add3A_935 = arith.addi %broadcast_in_dim3A_929, %add3A_934 : vector<16xi32>
        %select_n3A_936 = arith.select %lt3A_932, %add3A_935, %broadcast_in_dim3A_929 : vector<16xi1>, vector<16xi32>
        %broadcast_in_dim3A_937 = vector.shape_cast %select_n3A_936 : vector<16xi32> to vector<16x1xi32>
        %gather3A_938 = vector.shape_cast %broadcast_in_dim3A_937 : vector<16x1xi32> to vector<16xi32>
        %gather3A_939 = tpu.dynamic_gather %exp3A_844[%gather3A_938] in [0] : vector<16xf32>, vector<16xi32> -> vector<16xf32>
        %get3A_940 = arith.constant 3 : i32
        %get3A_941 = arith.index_cast %add3A_830 : i32 to index
        %get3A_942 = arith.index_cast %get3A_940 : i32 to index
        %get3A_943 = arith.constant 0 : index
        %get3A_944 = tpu.vector_load %arg13[%get3A_941, %get3A_942, %get3A_943] {strides = array<i32>} : memref<40x8x16xf32, #tpu.memory_space<vmem>>, vector<1x1x16xf32>,
        %get3A_945 = vector.shape_cast %get3A_944 : vector<1x1x16xf32> to vector<16xf32>
        %mul3A_946 = arith.mulf %get3A_945, %gather3A_939 : vector<16xf32>
        %swap3A_947 = arith.constant 3 : i32
        %swap3A_948 = arith.index_cast %add3A_830 : i32 to index
        %swap3A_949 = arith.index_cast %swap3A_947 : i32 to index
        %swap3A_950 = arith.constant 0 : index
        %swap3A_951 = tpu.vector_load %arg13[%swap3A_948, %swap3A_949, %swap3A_950] {strides = array<i32>} : memref<40x8x16xf32, #tpu.memory_space<vmem>>, vector<1x1x16xf32>,
        %swap3A_952 = vector.shape_cast %swap3A_951 : vector<1x1x16xf32> to vector<16xf32>
        %swap3A_953 = vector.shape_cast %mul3A_946 : vector<16xf32> to vector<1x1x16xf32>
        tpu.vector_store %arg13[%swap3A_948, %swap3A_949, %swap3A_950], %swap3A_953 {strides = array<i32>} : memref<40x8x16xf32, #tpu.memory_space<vmem>>, vector<1x1x16xf32>,
        %broadcast_in_dim3A_954 = arith.constant 4 : i32
        %broadcast_in_dim3A_955 = vector.broadcast %broadcast_in_dim3A_954 : i32 to vector<16xi32>
        %lt3A_956 = arith.constant 0 : i32
        %lt3A_957 = vector.broadcast %lt3A_956 : i32 to vector<16xi32>
        %lt3A_958 = arith.cmpi slt, %broadcast_in_dim3A_955, %lt3A_957 : vector<16xi32>
        %add3A_959 = arith.constant 16 : i32
        %add3A_960 = vector.broadcast %add3A_959 : i32 to vector<16xi32>
        %add3A_961 = arith.addi %broadcast_in_dim3A_955, %add3A_960 : vector<16xi32>
        %select_n3A_962 = arith.select %lt3A_958, %add3A_961, %broadcast_in_dim3A_955 : vector<16xi1>, vector<16xi32>
        %broadcast_in_dim3A_963 = vector.shape_cast %select_n3A_962 : vector<16xi32> to vector<16x1xi32>
        %gather3A_964 = vector.shape_cast %broadcast_in_dim3A_963 : vector<16x1xi32> to vector<16xi32>
        %gather3A_965 = tpu.dynamic_gather %exp3A_844[%gather3A_964] in [0] : vector<16xf32>, vector<16xi32> -> vector<16xf32>
        %get3A_966 = arith.constant 4 : i32
        %get3A_967 = arith.index_cast %add3A_830 : i32 to index
        %get3A_968 = arith.index_cast %get3A_966 : i32 to index
        %get3A_969 = arith.constant 0 : index
        %get3A_970 = tpu.vector_load %arg13[%get3A_967, %get3A_968, %get3A_969] {strides = array<i32>} : memref<40x8x16xf32, #tpu.memory_space<vmem>>, vector<1x1x16xf32>,
        %get3A_971 = vector.shape_cast %get3A_970 : vector<1x1x16xf32> to vector<16xf32>
        %mul3A_972 = arith.mulf %get3A_971, %gather3A_965 : vector<16xf32>
        %swap3A_973 = arith.constant 4 : i32
        %swap3A_974 = arith.index_cast %add3A_830 : i32 to index
        %swap3A_975 = arith.index_cast %swap3A_973 : i32 to index
        %swap3A_976 = arith.constant 0 : index
        %swap3A_977 = tpu.vector_load %arg13[%swap3A_974, %swap3A_975, %swap3A_976] {strides = array<i32>} : memref<40x8x16xf32, #tpu.memory_space<vmem>>, vector<1x1x16xf32>,
        %swap3A_978 = vector.shape_cast %swap3A_977 : vector<1x1x16xf32> to vector<16xf32>
        %swap3A_979 = vector.shape_cast %mul3A_972 : vector<16xf32> to vector<1x1x16xf32>
        tpu.vector_store %arg13[%swap3A_974, %swap3A_975, %swap3A_976], %swap3A_979 {strides = array<i32>} : memref<40x8x16xf32, #tpu.memory_space<vmem>>, vector<1x1x16xf32>,
        %broadcast_in_dim3A_980 = arith.constant 5 : i32
        %broadcast_in_dim3A_981 = vector.broadcast %broadcast_in_dim3A_980 : i32 to vector<16xi32>
        %lt3A_982 = arith.constant 0 : i32
        %lt3A_983 = vector.broadcast %lt3A_982 : i32 to vector<16xi32>
        %lt3A_984 = arith.cmpi slt, %broadcast_in_dim3A_981, %lt3A_983 : vector<16xi32>
        %add3A_985 = arith.constant 16 : i32
        %add3A_986 = vector.broadcast %add3A_985 : i32 to vector<16xi32>
        %add3A_987 = arith.addi %broadcast_in_dim3A_981, %add3A_986 : vector<16xi32>
        %select_n3A_988 = arith.select %lt3A_984, %add3A_987, %broadcast_in_dim3A_981 : vector<16xi1>, vector<16xi32>
        %broadcast_in_dim3A_989 = vector.shape_cast %select_n3A_988 : vector<16xi32> to vector<16x1xi32>
        %gather3A_990 = vector.shape_cast %broadcast_in_dim3A_989 : vector<16x1xi32> to vector<16xi32>
        %gather3A_991 = tpu.dynamic_gather %exp3A_844[%gather3A_990] in [0] : vector<16xf32>, vector<16xi32> -> vector<16xf32>
        %get3A_992 = arith.constant 5 : i32
        %get3A_993 = arith.index_cast %add3A_830 : i32 to index
        %get3A_994 = arith.index_cast %get3A_992 : i32 to index
        %get3A_995 = arith.constant 0 : index
        %get3A_996 = tpu.vector_load %arg13[%get3A_993, %get3A_994, %get3A_995] {strides = array<i32>} : memref<40x8x16xf32, #tpu.memory_space<vmem>>, vector<1x1x16xf32>,
        %get3A_997 = vector.shape_cast %get3A_996 : vector<1x1x16xf32> to vector<16xf32>
        %mul3A_998 = arith.mulf %get3A_997, %gather3A_991 : vector<16xf32>
        %swap3A_999 = arith.constant 5 : i32
        %swap3A_1000 = arith.index_cast %add3A_830 : i32 to index
        %swap3A_1001 = arith.index_cast %swap3A_999 : i32 to index
        %swap3A_1002 = arith.constant 0 : index
        %swap3A_1003 = tpu.vector_load %arg13[%swap3A_1000, %swap3A_1001, %swap3A_1002] {strides = array<i32>} : memref<40x8x16xf32, #tpu.memory_space<vmem>>, vector<1x1x16xf32>,
        %swap3A_1004 = vector.shape_cast %swap3A_1003 : vector<1x1x16xf32> to vector<16xf32>
        %swap3A_1005 = vector.shape_cast %mul3A_998 : vector<16xf32> to vector<1x1x16xf32>
        tpu.vector_store %arg13[%swap3A_1000, %swap3A_1001, %swap3A_1002], %swap3A_1005 {strides = array<i32>} : memref<40x8x16xf32, #tpu.memory_space<vmem>>, vector<1x1x16xf32>,
        %broadcast_in_dim3A_1006 = arith.constant 6 : i32
        %broadcast_in_dim3A_1007 = vector.broadcast %broadcast_in_dim3A_1006 : i32 to vector<16xi32>
        %lt3A_1008 = arith.constant 0 : i32
        %lt3A_1009 = vector.broadcast %lt3A_1008 : i32 to vector<16xi32>
        %lt3A_1010 = arith.cmpi slt, %broadcast_in_dim3A_1007, %lt3A_1009 : vector<16xi32>
        %add3A_1011 = arith.constant 16 : i32
        %add3A_1012 = vector.broadcast %add3A_1011 : i32 to vector<16xi32>
        %add3A_1013 = arith.addi %broadcast_in_dim3A_1007, %add3A_1012 : vector<16xi32>
        %select_n3A_1014 = arith.select %lt3A_1010, %add3A_1013, %broadcast_in_dim3A_1007 : vector<16xi1>, vector<16xi32>
        %broadcast_in_dim3A_1015 = vector.shape_cast %select_n3A_1014 : vector<16xi32> to vector<16x1xi32>
        %gather3A_1016 = vector.shape_cast %broadcast_in_dim3A_1015 : vector<16x1xi32> to vector<16xi32>
        %gather3A_1017 = tpu.dynamic_gather %exp3A_844[%gather3A_1016] in [0] : vector<16xf32>, vector<16xi32> -> vector<16xf32>
        %get3A_1018 = arith.constant 6 : i32
        %get3A_1019 = arith.index_cast %add3A_830 : i32 to index
        %get3A_1020 = arith.index_cast %get3A_1018 : i32 to index
        %get3A_1021 = arith.constant 0 : index
        %get3A_1022 = tpu.vector_load %arg13[%get3A_1019, %get3A_1020, %get3A_1021] {strides = array<i32>} : memref<40x8x16xf32, #tpu.memory_space<vmem>>, vector<1x1x16xf32>,
        %get3A_1023 = vector.shape_cast %get3A_1022 : vector<1x1x16xf32> to vector<16xf32>
        %mul3A_1024 = arith.mulf %get3A_1023, %gather3A_1017 : vector<16xf32>
        %swap3A_1025 = arith.constant 6 : i32
        %swap3A_1026 = arith.index_cast %add3A_830 : i32 to index
        %swap3A_1027 = arith.index_cast %swap3A_1025 : i32 to index
        %swap3A_1028 = arith.constant 0 : index
        %swap3A_1029 = tpu.vector_load %arg13[%swap3A_1026, %swap3A_1027, %swap3A_1028] {strides = array<i32>} : memref<40x8x16xf32, #tpu.memory_space<vmem>>, vector<1x1x16xf32>,
        %swap3A_1030 = vector.shape_cast %swap3A_1029 : vector<1x1x16xf32> to vector<16xf32>
        %swap3A_1031 = vector.shape_cast %mul3A_1024 : vector<16xf32> to vector<1x1x16xf32>
        tpu.vector_store %arg13[%swap3A_1026, %swap3A_1027, %swap3A_1028], %swap3A_1031 {strides = array<i32>} : memref<40x8x16xf32, #tpu.memory_space<vmem>>, vector<1x1x16xf32>,
        %broadcast_in_dim3A_1032 = arith.constant 7 : i32
        %broadcast_in_dim3A_1033 = vector.broadcast %broadcast_in_dim3A_1032 : i32 to vector<16xi32>
        %lt3A_1034 = arith.constant 0 : i32
        %lt3A_1035 = vector.broadcast %lt3A_1034 : i32 to vector<16xi32>
        %lt3A_1036 = arith.cmpi slt, %broadcast_in_dim3A_1033, %lt3A_1035 : vector<16xi32>
        %add3A_1037 = arith.constant 16 : i32
        %add3A_1038 = vector.broadcast %add3A_1037 : i32 to vector<16xi32>
        %add3A_1039 = arith.addi %broadcast_in_dim3A_1033, %add3A_1038 : vector<16xi32>
        %select_n3A_1040 = arith.select %lt3A_1036, %add3A_1039, %broadcast_in_dim3A_1033 : vector<16xi1>, vector<16xi32>
        %broadcast_in_dim3A_1041 = vector.shape_cast %select_n3A_1040 : vector<16xi32> to vector<16x1xi32>
        %gather3A_1042 = vector.shape_cast %broadcast_in_dim3A_1041 : vector<16x1xi32> to vector<16xi32>
        %gather3A_1043 = tpu.dynamic_gather %exp3A_844[%gather3A_1042] in [0] : vector<16xf32>, vector<16xi32> -> vector<16xf32>
        %get3A_1044 = arith.constant 7 : i32
        %get3A_1045 = arith.index_cast %add3A_830 : i32 to index
        %get3A_1046 = arith.index_cast %get3A_1044 : i32 to index
        %get3A_1047 = arith.constant 0 : index
        %get3A_1048 = tpu.vector_load %arg13[%get3A_1045, %get3A_1046, %get3A_1047] {strides = array<i32>} : memref<40x8x16xf32, #tpu.memory_space<vmem>>, vector<1x1x16xf32>,
        %get3A_1049 = vector.shape_cast %get3A_1048 : vector<1x1x16xf32> to vector<16xf32>
        %mul3A_1050 = arith.mulf %get3A_1049, %gather3A_1043 : vector<16xf32>
        %swap3A_1051 = arith.constant 7 : i32
        %swap3A_1052 = arith.index_cast %add3A_830 : i32 to index
        %swap3A_1053 = arith.index_cast %swap3A_1051 : i32 to index
        %swap3A_1054 = arith.constant 0 : index
        %swap3A_1055 = tpu.vector_load %arg13[%swap3A_1052, %swap3A_1053, %swap3A_1054] {strides = array<i32>} : memref<40x8x16xf32, #tpu.memory_space<vmem>>, vector<1x1x16xf32>,
        %swap3A_1056 = vector.shape_cast %swap3A_1055 : vector<1x1x16xf32> to vector<16xf32>
        %swap3A_1057 = vector.shape_cast %mul3A_1050 : vector<16xf32> to vector<1x1x16xf32>
        tpu.vector_store %arg13[%swap3A_1052, %swap3A_1053, %swap3A_1054], %swap3A_1057 {strides = array<i32>} : memref<40x8x16xf32, #tpu.memory_space<vmem>>, vector<1x1x16xf32>,
      }
      %scan3A_97 = arith.constant 40 : i32
      "tpu.region"() ({
        %run_scoped3A = tpu.sem_alloc : memref<!tpu.dma_semaphore, #tpu.memory_space<semaphore_mem>>
        %dma_start3A_134 = arith.constant 0 : i32
        %dma_start3A_135 = tpu.memref_slice %arg12[%mul3A_48, %dma_start3A_134] : memref<250x40xi32, #tpu.memory_space<vmem>> -> memref<1x40xi32, #tpu.memory_space<vmem>>
        %dma_start3A_136 = tpu.memref_squeeze %dma_start3A_135 : memref<1x40xi32, #tpu.memory_space<vmem>> -> memref<40xi32, #tpu.memory_space<vmem>>
        %dma_start3A_137 = arith.constant 0 : i32
        %dma_start3A_138 = arith.constant 0 : i32
        %dma_start3A_139 = arith.constant 0 : i32
        %dma_start3A_140 = tpu.memref_slice %arg24[%dma_start3A_137, %dma_start3A_138, %dma_start3A_139] : memref<10000x8x16xf32, #tpu.memory_space<vmem_shared>> -> memref<10000x8x16xf32, #tpu.memory_space<vmem_shared>>
        tpu.enqueue_indirect_dma source(%arg13 : memref<40x8x16xf32, #tpu.memory_space<vmem>>) target(%dma_start3A_140 : memref<10000x8x16xf32, #tpu.memory_space<vmem_shared>>) offsets(%dma_start3A_136 : memref<40xi32, #tpu.memory_space<vmem>>) semaphore(%run_scoped3A : memref<!tpu.dma_semaphore, #tpu.memory_space<semaphore_mem>>) {add = true}
        %dma_wait3A_141 = arith.constant 0 : i32
        %dma_wait3A_142 = tpu.memref_slice %arg12[%mul3A_48, %dma_wait3A_141] : memref<250x40xi32, #tpu.memory_space<vmem>> -> memref<1x40xi32, #tpu.memory_space<vmem>>
        %dma_wait3A_143 = tpu.memref_squeeze %dma_wait3A_142 : memref<1x40xi32, #tpu.memory_space<vmem>> -> memref<40xi32, #tpu.memory_space<vmem>>
        %dma_wait3A_144 = arith.constant 0 : i32
        %dma_wait3A_145 = arith.constant 0 : i32
        %dma_wait3A_146 = arith.constant 0 : i32
        %dma_wait3A_147 = tpu.memref_slice %arg24[%dma_wait3A_144, %dma_wait3A_145, %dma_wait3A_146] : memref<10000x8x16xf32, #tpu.memory_space<vmem_shared>> -> memref<10000x8x16xf32, #tpu.memory_space<vmem_shared>>
        tpu.wait_indirect_dma semaphore(%run_scoped3A : memref<!tpu.dma_semaphore, #tpu.memory_space<semaphore_mem>>) src(%arg13 : memref<40x8x16xf32, #tpu.memory_space<vmem>>) dst(%dma_wait3A_147 : memref<10000x8x16xf32, #tpu.memory_space<vmem_shared>>)
        tpu.yield
      }) : () -> ()
      "tpu.region"() ({
        %run_scoped3A = tpu.sem_alloc : memref<!tpu.dma_semaphore, #tpu.memory_space<semaphore_mem>>
        %dma_start3A_134 = arith.constant 0 : i32
        %dma_start3A_135 = tpu.memref_slice %arg12[%mul3A_48, %dma_start3A_134] : memref<250x40xi32, #tpu.memory_space<vmem>> -> memref<1x40xi32, #tpu.memory_space<vmem>>
        %dma_start3A_136 = tpu.memref_squeeze %dma_start3A_135 : memref<1x40xi32, #tpu.memory_space<vmem>> -> memref<40xi32, #tpu.memory_space<vmem>>
        %dma_start3A_137 = arith.constant 0 : i32
        %dma_start3A_138 = arith.constant 0 : i32
        %dma_start3A_139 = tpu.memref_slice %arg25[%dma_start3A_137, %dma_start3A_138] : memref<10000x16xf32, #tpu.memory_space<vmem_shared>> -> memref<10000x16xf32, #tpu.memory_space<vmem_shared>>
        tpu.enqueue_indirect_dma source(%arg19 : memref<40x16xf32, #tpu.memory_space<vmem>>) target(%dma_start3A_139 : memref<10000x16xf32, #tpu.memory_space<vmem_shared>>) offsets(%dma_start3A_136 : memref<40xi32, #tpu.memory_space<vmem>>) semaphore(%run_scoped3A : memref<!tpu.dma_semaphore, #tpu.memory_space<semaphore_mem>>) {add = true}
        %dma_wait3A_140 = arith.constant 0 : i32
        %dma_wait3A_141 = tpu.memref_slice %arg12[%mul3A_48, %dma_wait3A_140] : memref<250x40xi32, #tpu.memory_space<vmem>> -> memref<1x40xi32, #tpu.memory_space<vmem>>
        %dma_wait3A_142 = tpu.memref_squeeze %dma_wait3A_141 : memref<1x40xi32, #tpu.memory_space<vmem>> -> memref<40xi32, #tpu.memory_space<vmem>>
        %dma_wait3A_143 = arith.constant 0 : i32
        %dma_wait3A_144 = arith.constant 0 : i32
        %dma_wait3A_145 = tpu.memref_slice %arg25[%dma_wait3A_143, %dma_wait3A_144] : memref<10000x16xf32, #tpu.memory_space<vmem_shared>> -> memref<10000x16xf32, #tpu.memory_space<vmem_shared>>
        tpu.wait_indirect_dma semaphore(%run_scoped3A : memref<!tpu.dma_semaphore, #tpu.memory_space<semaphore_mem>>) src(%arg19 : memref<40x16xf32, #tpu.memory_space<vmem>>) dst(%dma_wait3A_145 : memref<10000x16xf32, #tpu.memory_space<vmem_shared>>)
        tpu.yield
      }) : () -> ()
      %add3A_98 = arith.constant 2 : i32
      %add3A_99 = arith.addi %mul3A_48, %add3A_98 : i32
      %lt3A_100 = arith.constant 250 : i32
      %lt3A_101 = arith.cmpi slt, %add3A_99, %lt3A_100 : i32
      %convert_element_type3A_102 = arith.extui %lt3A_101 : i1 to i32
      %cond3A_103 = arith.constant 0 : i32
      %cond3A_104 = arith.cmpi ne, %convert_element_type3A_102, %cond3A_103 : i32
      scf.if %cond3A_104 {
        %add3A_134 = arith.constant 2 : i32
        %add3A_135 = arith.addi %mul3A_48, %add3A_134 : i32
        %add3A_136 = arith.constant 2 : i32
        %add3A_137 = arith.addi %mul3A_48, %add3A_136 : i32
        %dma_start3A_138 = arith.constant 0 : i32
        %dma_start3A_139 = tpu.memref_slice %arg11[%add3A_135, %dma_start3A_138] : memref<250x40xi32, #tpu.memory_space<vmem>> -> memref<1x40xi32, #tpu.memory_space<vmem>>
        %dma_start3A_140 = tpu.memref_squeeze %dma_start3A_139 : memref<1x40xi32, #tpu.memory_space<vmem>> -> memref<40xi32, #tpu.memory_space<vmem>>
        %dma_start3A_141 = arith.constant 0 : i32
        %dma_start3A_142 = arith.constant 0 : i32
        %dma_start3A_143 = arith.constant 0 : i32
        %dma_start3A_144 = tpu.memref_slice %arg2[%dma_start3A_141, %dma_start3A_142, %dma_start3A_143] : memref<10000x8x16xf32, #tpu.memory_space<hbm>> -> memref<10000x8x16xf32, #tpu.memory_space<hbm>>
        tpu.enqueue_indirect_dma source(%dma_start3A_144 : memref<10000x8x16xf32, #tpu.memory_space<hbm>>) target(%arg13 : memref<40x8x16xf32, #tpu.memory_space<vmem>>) offsets(%dma_start3A_140 : memref<40xi32, #tpu.memory_space<vmem>>) semaphore(%arg20 : memref<!tpu.dma_semaphore, #tpu.memory_space<semaphore_mem>>)
        %dma_start3A_145 = arith.constant 0 : i32
        %dma_start3A_146 = tpu.memref_slice %arg11[%add3A_135, %dma_start3A_145] : memref<250x40xi32, #tpu.memory_space<vmem>> -> memref<1x40xi32, #tpu.memory_space<vmem>>
        %dma_start3A_147 = tpu.memref_squeeze %dma_start3A_146 : memref<1x40xi32, #tpu.memory_space<vmem>> -> memref<40xi32, #tpu.memory_space<vmem>>
        %dma_start3A_148 = arith.constant 0 : i32
        %dma_start3A_149 = arith.constant 0 : i32
        %dma_start3A_150 = tpu.memref_slice %arg3[%dma_start3A_148, %dma_start3A_149] : memref<10000x16xf32, #tpu.memory_space<hbm>> -> memref<10000x16xf32, #tpu.memory_space<hbm>>
        tpu.enqueue_indirect_dma source(%dma_start3A_150 : memref<10000x16xf32, #tpu.memory_space<hbm>>) target(%arg15 : memref<40x16xf32, #tpu.memory_space<vmem>>) offsets(%dma_start3A_147 : memref<40xi32, #tpu.memory_space<vmem>>) semaphore(%arg22 : memref<!tpu.dma_semaphore, #tpu.memory_space<semaphore_mem>>)
        %dma_start3A_151 = arith.constant 0 : i32
        %dma_start3A_152 = tpu.memref_slice %arg12[%add3A_137, %dma_start3A_151] : memref<250x40xi32, #tpu.memory_space<vmem>> -> memref<1x40xi32, #tpu.memory_space<vmem>>
        %dma_start3A_153 = tpu.memref_squeeze %dma_start3A_152 : memref<1x40xi32, #tpu.memory_space<vmem>> -> memref<40xi32, #tpu.memory_space<vmem>>
        %dma_start3A_154 = arith.constant 0 : i32
        %dma_start3A_155 = arith.constant 0 : i32
        %dma_start3A_156 = tpu.memref_slice %arg4[%dma_start3A_154, %dma_start3A_155] : memref<10000x16xf32, #tpu.memory_space<hbm>> -> memref<10000x16xf32, #tpu.memory_space<hbm>>
        tpu.enqueue_indirect_dma source(%dma_start3A_156 : memref<10000x16xf32, #tpu.memory_space<hbm>>) target(%arg17 : memref<40x16xf32, #tpu.memory_space<vmem>>) offsets(%dma_start3A_153 : memref<40xi32, #tpu.memory_space<vmem>>) semaphore(%arg22 : memref<!tpu.dma_semaphore, #tpu.memory_space<semaphore_mem>>)
      } else {
      }
      %dma_wait3A_105 = arith.constant 0 : i32
      %dma_wait3A_106 = arith.constant 0 : i32
      %dma_wait3A_107 = tpu.memref_slice %arg11[%dma_wait3A_105, %dma_wait3A_106] : memref<250x40xi32, #tpu.memory_space<vmem>> -> memref<1x40xi32, #tpu.memory_space<vmem>>
      %dma_wait3A_108 = tpu.memref_squeeze %dma_wait3A_107 : memref<1x40xi32, #tpu.memory_space<vmem>> -> memref<40xi32, #tpu.memory_space<vmem>>
      %dma_wait3A_109 = arith.constant 0 : i32
      %dma_wait3A_110 = arith.constant 0 : i32
      %dma_wait3A_111 = arith.constant 0 : i32
      %dma_wait3A_112 = tpu.memref_slice %arg2[%dma_wait3A_109, %dma_wait3A_110, %dma_wait3A_111] : memref<10000x8x16xf32, #tpu.memory_space<hbm>> -> memref<10000x8x16xf32, #tpu.memory_space<hbm>>
      tpu.wait_indirect_dma semaphore(%arg21 : memref<!tpu.dma_semaphore, #tpu.memory_space<semaphore_mem>>) src(%dma_wait3A_112 : memref<10000x8x16xf32, #tpu.memory_space<hbm>>) dst(%arg14 : memref<40x8x16xf32, #tpu.memory_space<vmem>>)
      %dma_wait3A_113 = arith.constant 0 : i32
      %dma_wait3A_114 = arith.constant 0 : i32
      %dma_wait3A_115 = tpu.memref_slice %arg11[%dma_wait3A_113, %dma_wait3A_114] : memref<250x40xi32, #tpu.memory_space<vmem>> -> memref<1x40xi32, #tpu.memory_space<vmem>>
      %dma_wait3A_116 = tpu.memref_squeeze %dma_wait3A_115 : memref<1x40xi32, #tpu.memory_space<vmem>> -> memref<40xi32, #tpu.memory_space<vmem>>
      %dma_wait3A_117 = arith.constant 0 : i32
      %dma_wait3A_118 = arith.constant 0 : i32
      %dma_wait3A_119 = tpu.memref_slice %arg3[%dma_wait3A_117, %dma_wait3A_118] : memref<10000x16xf32, #tpu.memory_space<hbm>> -> memref<10000x16xf32, #tpu.memory_space<hbm>>
      tpu.wait_indirect_dma semaphore(%arg23 : memref<!tpu.dma_semaphore, #tpu.memory_space<semaphore_mem>>) src(%dma_wait3A_119 : memref<10000x16xf32, #tpu.memory_space<hbm>>) dst(%arg16 : memref<40x16xf32, #tpu.memory_space<vmem>>)
      %dma_wait3A_120 = arith.constant 0 : i32
      %dma_wait3A_121 = arith.constant 0 : i32
      %dma_wait3A_122 = tpu.memref_slice %arg12[%dma_wait3A_120, %dma_wait3A_121] : memref<250x40xi32, #tpu.memory_space<vmem>> -> memref<1x40xi32, #tpu.memory_space<vmem>>
      %dma_wait3A_123 = tpu.memref_squeeze %dma_wait3A_122 : memref<1x40xi32, #tpu.memory_space<vmem>> -> memref<40xi32, #tpu.memory_space<vmem>>
      %dma_wait3A_124 = arith.constant 0 : i32
      %dma_wait3A_125 = arith.constant 0 : i32
      %dma_wait3A_126 = tpu.memref_slice %arg4[%dma_wait3A_124, %dma_wait3A_125] : memref<10000x16xf32, #tpu.memory_space<hbm>> -> memref<10000x16xf32, #tpu.memory_space<hbm>>
      tpu.wait_indirect_dma semaphore(%arg23 : memref<!tpu.dma_semaphore, #tpu.memory_space<semaphore_mem>>) src(%dma_wait3A_126 : memref<10000x16xf32, #tpu.memory_space<hbm>>) dst(%arg18 : memref<40x16xf32, #tpu.memory_space<vmem>>)
      %add3A_127 = arith.constant 1 : i32
      %add3A_128 = arith.addi %mul3A_48, %add3A_127 : i32
      %scan3A_129 = arith.constant 0 : i32
      %scan3A_130 = arith.constant 40 : i32
      %scan3A_131 = arith.addi %scan3A_129, %scan3A_130 : i32
      %scan3A_132 = arith.constant 4 : i32
      scf.for %scan3A_134 = %scan3A_129 to %scan3A_131 step %scan3A_132  : i32 {
        %mul3A_135 = arith.constant 1 : i32
        %mul3A_136 = arith.muli %scan3A_134, %mul3A_135 : i32
        %add3A_137 = arith.constant 0 : i32
        %add3A_138 = arith.addi %add3A_137, %mul3A_136 : i32
        %get3A = arith.index_cast %add3A_138 : i32 to index
        %get3A_139 = arith.constant 0 : index
        %get3A_140 = tpu.vector_load %arg16[%get3A, %get3A_139] {strides = array<i32>} : memref<40x16xf32, #tpu.memory_space<vmem>>, vector<1x16xf32>,
        %get3A_141 = vector.shape_cast %get3A_140 : vector<1x16xf32> to vector<16xf32>
        %get3A_142 = arith.index_cast %add3A_138 : i32 to index
        %get3A_143 = arith.constant 0 : index
        %get3A_144 = tpu.vector_load %arg18[%get3A_142, %get3A_143] {strides = array<i32>} : memref<40x16xf32, #tpu.memory_space<vmem>>, vector<1x16xf32>,
        %get3A_145 = vector.shape_cast %get3A_144 : vector<1x16xf32> to vector<16xf32>
        %add3A_146 = arith.addf %get3A_141, %get3A_145 : vector<16xf32>
        %mul3A_147 = arith.constant 2.000000e-01 : f32
        %mul3A_148 = vector.broadcast %mul3A_147 : f32 to vector<16xf32>
        %mul3A_149 = arith.mulf %mul3A_148, %add3A_146 : vector<16xf32>
        %max3A = arith.maximumf %add3A_146, %mul3A_149 : vector<16xf32>
        %exp3A = math.exp %max3A : vector<16xf32>
        %swap3A = arith.index_cast %add3A_138 : i32 to index
        %swap3A_150 = arith.constant 0 : index
        %swap3A_151 = tpu.vector_load %arg19[%swap3A, %swap3A_150] {strides = array<i32>} : memref<40x16xf32, #tpu.memory_space<vmem>>, vector<1x16xf32>,
        %swap3A_152 = vector.shape_cast %swap3A_151 : vector<1x16xf32> to vector<16xf32>
        %swap3A_153 = vector.shape_cast %exp3A : vector<16xf32> to vector<1x16xf32>
        tpu.vector_store %arg19[%swap3A, %swap3A_150], %swap3A_153 {strides = array<i32>} : memref<40x16xf32, #tpu.memory_space<vmem>>, vector<1x16xf32>,
        %broadcast_in_dim3A = arith.constant 0 : i32
        %broadcast_in_dim3A_154 = vector.broadcast %broadcast_in_dim3A : i32 to vector<16xi32>
        %lt3A_155 = arith.constant 0 : i32
        %lt3A_156 = vector.broadcast %lt3A_155 : i32 to vector<16xi32>
        %lt3A_157 = arith.cmpi slt, %broadcast_in_dim3A_154, %lt3A_156 : vector<16xi32>
        %add3A_158 = arith.constant 16 : i32
        %add3A_159 = vector.broadcast %add3A_158 : i32 to vector<16xi32>
        %add3A_160 = arith.addi %broadcast_in_dim3A_154, %add3A_159 : vector<16xi32>
        %select_n3A = arith.select %lt3A_157, %add3A_160, %broadcast_in_dim3A_154 : vector<16xi1>, vector<16xi32>
        %broadcast_in_dim3A_161 = vector.shape_cast %select_n3A : vector<16xi32> to vector<16x1xi32>
        %gather3A = vector.shape_cast %broadcast_in_dim3A_161 : vector<16x1xi32> to vector<16xi32>
        %gather3A_162 = tpu.dynamic_gather %exp3A[%gather3A] in [0] : vector<16xf32>, vector<16xi32> -> vector<16xf32>
        %get3A_163 = arith.constant 0 : i32
        %get3A_164 = arith.index_cast %add3A_138 : i32 to index
        %get3A_165 = arith.index_cast %get3A_163 : i32 to index
        %get3A_166 = arith.constant 0 : index
        %get3A_167 = tpu.vector_load %arg14[%get3A_164, %get3A_165, %get3A_166] {strides = array<i32>} : memref<40x8x16xf32, #tpu.memory_space<vmem>>, vector<1x1x16xf32>,
        %get3A_168 = vector.shape_cast %get3A_167 : vector<1x1x16xf32> to vector<16xf32>
        %mul3A_169 = arith.mulf %get3A_168, %gather3A_162 : vector<16xf32>
        %swap3A_170 = arith.constant 0 : i32
        %swap3A_171 = arith.index_cast %add3A_138 : i32 to index
        %swap3A_172 = arith.index_cast %swap3A_170 : i32 to index
        %swap3A_173 = arith.constant 0 : index
        %swap3A_174 = tpu.vector_load %arg14[%swap3A_171, %swap3A_172, %swap3A_173] {strides = array<i32>} : memref<40x8x16xf32, #tpu.memory_space<vmem>>, vector<1x1x16xf32>,
        %swap3A_175 = vector.shape_cast %swap3A_174 : vector<1x1x16xf32> to vector<16xf32>
        %swap3A_176 = vector.shape_cast %mul3A_169 : vector<16xf32> to vector<1x1x16xf32>
        tpu.vector_store %arg14[%swap3A_171, %swap3A_172, %swap3A_173], %swap3A_176 {strides = array<i32>} : memref<40x8x16xf32, #tpu.memory_space<vmem>>, vector<1x1x16xf32>,
        %broadcast_in_dim3A_177 = arith.constant 1 : i32
        %broadcast_in_dim3A_178 = vector.broadcast %broadcast_in_dim3A_177 : i32 to vector<16xi32>
        %lt3A_179 = arith.constant 0 : i32
        %lt3A_180 = vector.broadcast %lt3A_179 : i32 to vector<16xi32>
        %lt3A_181 = arith.cmpi slt, %broadcast_in_dim3A_178, %lt3A_180 : vector<16xi32>
        %add3A_182 = arith.constant 16 : i32
        %add3A_183 = vector.broadcast %add3A_182 : i32 to vector<16xi32>
        %add3A_184 = arith.addi %broadcast_in_dim3A_178, %add3A_183 : vector<16xi32>
        %select_n3A_185 = arith.select %lt3A_181, %add3A_184, %broadcast_in_dim3A_178 : vector<16xi1>, vector<16xi32>
        %broadcast_in_dim3A_186 = vector.shape_cast %select_n3A_185 : vector<16xi32> to vector<16x1xi32>
        %gather3A_187 = vector.shape_cast %broadcast_in_dim3A_186 : vector<16x1xi32> to vector<16xi32>
        %gather3A_188 = tpu.dynamic_gather %exp3A[%gather3A_187] in [0] : vector<16xf32>, vector<16xi32> -> vector<16xf32>
        %get3A_189 = arith.constant 1 : i32
        %get3A_190 = arith.index_cast %add3A_138 : i32 to index
        %get3A_191 = arith.index_cast %get3A_189 : i32 to index
        %get3A_192 = arith.constant 0 : index
        %get3A_193 = tpu.vector_load %arg14[%get3A_190, %get3A_191, %get3A_192] {strides = array<i32>} : memref<40x8x16xf32, #tpu.memory_space<vmem>>, vector<1x1x16xf32>,
        %get3A_194 = vector.shape_cast %get3A_193 : vector<1x1x16xf32> to vector<16xf32>
        %mul3A_195 = arith.mulf %get3A_194, %gather3A_188 : vector<16xf32>
        %swap3A_196 = arith.constant 1 : i32
        %swap3A_197 = arith.index_cast %add3A_138 : i32 to index
        %swap3A_198 = arith.index_cast %swap3A_196 : i32 to index
        %swap3A_199 = arith.constant 0 : index
        %swap3A_200 = tpu.vector_load %arg14[%swap3A_197, %swap3A_198, %swap3A_199] {strides = array<i32>} : memref<40x8x16xf32, #tpu.memory_space<vmem>>, vector<1x1x16xf32>,
        %swap3A_201 = vector.shape_cast %swap3A_200 : vector<1x1x16xf32> to vector<16xf32>
        %swap3A_202 = vector.shape_cast %mul3A_195 : vector<16xf32> to vector<1x1x16xf32>
        tpu.vector_store %arg14[%swap3A_197, %swap3A_198, %swap3A_199], %swap3A_202 {strides = array<i32>} : memref<40x8x16xf32, #tpu.memory_space<vmem>>, vector<1x1x16xf32>,
        %broadcast_in_dim3A_203 = arith.constant 2 : i32
        %broadcast_in_dim3A_204 = vector.broadcast %broadcast_in_dim3A_203 : i32 to vector<16xi32>
        %lt3A_205 = arith.constant 0 : i32
        %lt3A_206 = vector.broadcast %lt3A_205 : i32 to vector<16xi32>
        %lt3A_207 = arith.cmpi slt, %broadcast_in_dim3A_204, %lt3A_206 : vector<16xi32>
        %add3A_208 = arith.constant 16 : i32
        %add3A_209 = vector.broadcast %add3A_208 : i32 to vector<16xi32>
        %add3A_210 = arith.addi %broadcast_in_dim3A_204, %add3A_209 : vector<16xi32>
        %select_n3A_211 = arith.select %lt3A_207, %add3A_210, %broadcast_in_dim3A_204 : vector<16xi1>, vector<16xi32>
        %broadcast_in_dim3A_212 = vector.shape_cast %select_n3A_211 : vector<16xi32> to vector<16x1xi32>
        %gather3A_213 = vector.shape_cast %broadcast_in_dim3A_212 : vector<16x1xi32> to vector<16xi32>
        %gather3A_214 = tpu.dynamic_gather %exp3A[%gather3A_213] in [0] : vector<16xf32>, vector<16xi32> -> vector<16xf32>
        %get3A_215 = arith.constant 2 : i32
        %get3A_216 = arith.index_cast %add3A_138 : i32 to index
        %get3A_217 = arith.index_cast %get3A_215 : i32 to index
        %get3A_218 = arith.constant 0 : index
        %get3A_219 = tpu.vector_load %arg14[%get3A_216, %get3A_217, %get3A_218] {strides = array<i32>} : memref<40x8x16xf32, #tpu.memory_space<vmem>>, vector<1x1x16xf32>,
        %get3A_220 = vector.shape_cast %get3A_219 : vector<1x1x16xf32> to vector<16xf32>
        %mul3A_221 = arith.mulf %get3A_220, %gather3A_214 : vector<16xf32>
        %swap3A_222 = arith.constant 2 : i32
        %swap3A_223 = arith.index_cast %add3A_138 : i32 to index
        %swap3A_224 = arith.index_cast %swap3A_222 : i32 to index
        %swap3A_225 = arith.constant 0 : index
        %swap3A_226 = tpu.vector_load %arg14[%swap3A_223, %swap3A_224, %swap3A_225] {strides = array<i32>} : memref<40x8x16xf32, #tpu.memory_space<vmem>>, vector<1x1x16xf32>,
        %swap3A_227 = vector.shape_cast %swap3A_226 : vector<1x1x16xf32> to vector<16xf32>
        %swap3A_228 = vector.shape_cast %mul3A_221 : vector<16xf32> to vector<1x1x16xf32>
        tpu.vector_store %arg14[%swap3A_223, %swap3A_224, %swap3A_225], %swap3A_228 {strides = array<i32>} : memref<40x8x16xf32, #tpu.memory_space<vmem>>, vector<1x1x16xf32>,
        %broadcast_in_dim3A_229 = arith.constant 3 : i32
        %broadcast_in_dim3A_230 = vector.broadcast %broadcast_in_dim3A_229 : i32 to vector<16xi32>
        %lt3A_231 = arith.constant 0 : i32
        %lt3A_232 = vector.broadcast %lt3A_231 : i32 to vector<16xi32>
        %lt3A_233 = arith.cmpi slt, %broadcast_in_dim3A_230, %lt3A_232 : vector<16xi32>
        %add3A_234 = arith.constant 16 : i32
        %add3A_235 = vector.broadcast %add3A_234 : i32 to vector<16xi32>
        %add3A_236 = arith.addi %broadcast_in_dim3A_230, %add3A_235 : vector<16xi32>
        %select_n3A_237 = arith.select %lt3A_233, %add3A_236, %broadcast_in_dim3A_230 : vector<16xi1>, vector<16xi32>
        %broadcast_in_dim3A_238 = vector.shape_cast %select_n3A_237 : vector<16xi32> to vector<16x1xi32>
        %gather3A_239 = vector.shape_cast %broadcast_in_dim3A_238 : vector<16x1xi32> to vector<16xi32>
        %gather3A_240 = tpu.dynamic_gather %exp3A[%gather3A_239] in [0] : vector<16xf32>, vector<16xi32> -> vector<16xf32>
        %get3A_241 = arith.constant 3 : i32
        %get3A_242 = arith.index_cast %add3A_138 : i32 to index
        %get3A_243 = arith.index_cast %get3A_241 : i32 to index
        %get3A_244 = arith.constant 0 : index
        %get3A_245 = tpu.vector_load %arg14[%get3A_242, %get3A_243, %get3A_244] {strides = array<i32>} : memref<40x8x16xf32, #tpu.memory_space<vmem>>, vector<1x1x16xf32>,
        %get3A_246 = vector.shape_cast %get3A_245 : vector<1x1x16xf32> to vector<16xf32>
        %mul3A_247 = arith.mulf %get3A_246, %gather3A_240 : vector<16xf32>
        %swap3A_248 = arith.constant 3 : i32
        %swap3A_249 = arith.index_cast %add3A_138 : i32 to index
        %swap3A_250 = arith.index_cast %swap3A_248 : i32 to index
        %swap3A_251 = arith.constant 0 : index
        %swap3A_252 = tpu.vector_load %arg14[%swap3A_249, %swap3A_250, %swap3A_251] {strides = array<i32>} : memref<40x8x16xf32, #tpu.memory_space<vmem>>, vector<1x1x16xf32>,
        %swap3A_253 = vector.shape_cast %swap3A_252 : vector<1x1x16xf32> to vector<16xf32>
        %swap3A_254 = vector.shape_cast %mul3A_247 : vector<16xf32> to vector<1x1x16xf32>
        tpu.vector_store %arg14[%swap3A_249, %swap3A_250, %swap3A_251], %swap3A_254 {strides = array<i32>} : memref<40x8x16xf32, #tpu.memory_space<vmem>>, vector<1x1x16xf32>,
        %broadcast_in_dim3A_255 = arith.constant 4 : i32
        %broadcast_in_dim3A_256 = vector.broadcast %broadcast_in_dim3A_255 : i32 to vector<16xi32>
        %lt3A_257 = arith.constant 0 : i32
        %lt3A_258 = vector.broadcast %lt3A_257 : i32 to vector<16xi32>
        %lt3A_259 = arith.cmpi slt, %broadcast_in_dim3A_256, %lt3A_258 : vector<16xi32>
        %add3A_260 = arith.constant 16 : i32
        %add3A_261 = vector.broadcast %add3A_260 : i32 to vector<16xi32>
        %add3A_262 = arith.addi %broadcast_in_dim3A_256, %add3A_261 : vector<16xi32>
        %select_n3A_263 = arith.select %lt3A_259, %add3A_262, %broadcast_in_dim3A_256 : vector<16xi1>, vector<16xi32>
        %broadcast_in_dim3A_264 = vector.shape_cast %select_n3A_263 : vector<16xi32> to vector<16x1xi32>
        %gather3A_265 = vector.shape_cast %broadcast_in_dim3A_264 : vector<16x1xi32> to vector<16xi32>
        %gather3A_266 = tpu.dynamic_gather %exp3A[%gather3A_265] in [0] : vector<16xf32>, vector<16xi32> -> vector<16xf32>
        %get3A_267 = arith.constant 4 : i32
        %get3A_268 = arith.index_cast %add3A_138 : i32 to index
        %get3A_269 = arith.index_cast %get3A_267 : i32 to index
        %get3A_270 = arith.constant 0 : index
        %get3A_271 = tpu.vector_load %arg14[%get3A_268, %get3A_269, %get3A_270] {strides = array<i32>} : memref<40x8x16xf32, #tpu.memory_space<vmem>>, vector<1x1x16xf32>,
        %get3A_272 = vector.shape_cast %get3A_271 : vector<1x1x16xf32> to vector<16xf32>
        %mul3A_273 = arith.mulf %get3A_272, %gather3A_266 : vector<16xf32>
        %swap3A_274 = arith.constant 4 : i32
        %swap3A_275 = arith.index_cast %add3A_138 : i32 to index
        %swap3A_276 = arith.index_cast %swap3A_274 : i32 to index
        %swap3A_277 = arith.constant 0 : index
        %swap3A_278 = tpu.vector_load %arg14[%swap3A_275, %swap3A_276, %swap3A_277] {strides = array<i32>} : memref<40x8x16xf32, #tpu.memory_space<vmem>>, vector<1x1x16xf32>,
        %swap3A_279 = vector.shape_cast %swap3A_278 : vector<1x1x16xf32> to vector<16xf32>
        %swap3A_280 = vector.shape_cast %mul3A_273 : vector<16xf32> to vector<1x1x16xf32>
        tpu.vector_store %arg14[%swap3A_275, %swap3A_276, %swap3A_277], %swap3A_280 {strides = array<i32>} : memref<40x8x16xf32, #tpu.memory_space<vmem>>, vector<1x1x16xf32>,
        %broadcast_in_dim3A_281 = arith.constant 5 : i32
        %broadcast_in_dim3A_282 = vector.broadcast %broadcast_in_dim3A_281 : i32 to vector<16xi32>
        %lt3A_283 = arith.constant 0 : i32
        %lt3A_284 = vector.broadcast %lt3A_283 : i32 to vector<16xi32>
        %lt3A_285 = arith.cmpi slt, %broadcast_in_dim3A_282, %lt3A_284 : vector<16xi32>
        %add3A_286 = arith.constant 16 : i32
        %add3A_287 = vector.broadcast %add3A_286 : i32 to vector<16xi32>
        %add3A_288 = arith.addi %broadcast_in_dim3A_282, %add3A_287 : vector<16xi32>
        %select_n3A_289 = arith.select %lt3A_285, %add3A_288, %broadcast_in_dim3A_282 : vector<16xi1>, vector<16xi32>
        %broadcast_in_dim3A_290 = vector.shape_cast %select_n3A_289 : vector<16xi32> to vector<16x1xi32>
        %gather3A_291 = vector.shape_cast %broadcast_in_dim3A_290 : vector<16x1xi32> to vector<16xi32>
        %gather3A_292 = tpu.dynamic_gather %exp3A[%gather3A_291] in [0] : vector<16xf32>, vector<16xi32> -> vector<16xf32>
        %get3A_293 = arith.constant 5 : i32
        %get3A_294 = arith.index_cast %add3A_138 : i32 to index
        %get3A_295 = arith.index_cast %get3A_293 : i32 to index
        %get3A_296 = arith.constant 0 : index
        %get3A_297 = tpu.vector_load %arg14[%get3A_294, %get3A_295, %get3A_296] {strides = array<i32>} : memref<40x8x16xf32, #tpu.memory_space<vmem>>, vector<1x1x16xf32>,
        %get3A_298 = vector.shape_cast %get3A_297 : vector<1x1x16xf32> to vector<16xf32>
        %mul3A_299 = arith.mulf %get3A_298, %gather3A_292 : vector<16xf32>
        %swap3A_300 = arith.constant 5 : i32
        %swap3A_301 = arith.index_cast %add3A_138 : i32 to index
        %swap3A_302 = arith.index_cast %swap3A_300 : i32 to index
        %swap3A_303 = arith.constant 0 : index
        %swap3A_304 = tpu.vector_load %arg14[%swap3A_301, %swap3A_302, %swap3A_303] {strides = array<i32>} : memref<40x8x16xf32, #tpu.memory_space<vmem>>, vector<1x1x16xf32>,
        %swap3A_305 = vector.shape_cast %swap3A_304 : vector<1x1x16xf32> to vector<16xf32>
        %swap3A_306 = vector.shape_cast %mul3A_299 : vector<16xf32> to vector<1x1x16xf32>
        tpu.vector_store %arg14[%swap3A_301, %swap3A_302, %swap3A_303], %swap3A_306 {strides = array<i32>} : memref<40x8x16xf32, #tpu.memory_space<vmem>>, vector<1x1x16xf32>,
        %broadcast_in_dim3A_307 = arith.constant 6 : i32
        %broadcast_in_dim3A_308 = vector.broadcast %broadcast_in_dim3A_307 : i32 to vector<16xi32>
        %lt3A_309 = arith.constant 0 : i32
        %lt3A_310 = vector.broadcast %lt3A_309 : i32 to vector<16xi32>
        %lt3A_311 = arith.cmpi slt, %broadcast_in_dim3A_308, %lt3A_310 : vector<16xi32>
        %add3A_312 = arith.constant 16 : i32
        %add3A_313 = vector.broadcast %add3A_312 : i32 to vector<16xi32>
        %add3A_314 = arith.addi %broadcast_in_dim3A_308, %add3A_313 : vector<16xi32>
        %select_n3A_315 = arith.select %lt3A_311, %add3A_314, %broadcast_in_dim3A_308 : vector<16xi1>, vector<16xi32>
        %broadcast_in_dim3A_316 = vector.shape_cast %select_n3A_315 : vector<16xi32> to vector<16x1xi32>
        %gather3A_317 = vector.shape_cast %broadcast_in_dim3A_316 : vector<16x1xi32> to vector<16xi32>
        %gather3A_318 = tpu.dynamic_gather %exp3A[%gather3A_317] in [0] : vector<16xf32>, vector<16xi32> -> vector<16xf32>
        %get3A_319 = arith.constant 6 : i32
        %get3A_320 = arith.index_cast %add3A_138 : i32 to index
        %get3A_321 = arith.index_cast %get3A_319 : i32 to index
        %get3A_322 = arith.constant 0 : index
        %get3A_323 = tpu.vector_load %arg14[%get3A_320, %get3A_321, %get3A_322] {strides = array<i32>} : memref<40x8x16xf32, #tpu.memory_space<vmem>>, vector<1x1x16xf32>,
        %get3A_324 = vector.shape_cast %get3A_323 : vector<1x1x16xf32> to vector<16xf32>
        %mul3A_325 = arith.mulf %get3A_324, %gather3A_318 : vector<16xf32>
        %swap3A_326 = arith.constant 6 : i32
        %swap3A_327 = arith.index_cast %add3A_138 : i32 to index
        %swap3A_328 = arith.index_cast %swap3A_326 : i32 to index
        %swap3A_329 = arith.constant 0 : index
        %swap3A_330 = tpu.vector_load %arg14[%swap3A_327, %swap3A_328, %swap3A_329] {strides = array<i32>} : memref<40x8x16xf32, #tpu.memory_space<vmem>>, vector<1x1x16xf32>,
        %swap3A_331 = vector.shape_cast %swap3A_330 : vector<1x1x16xf32> to vector<16xf32>
        %swap3A_332 = vector.shape_cast %mul3A_325 : vector<16xf32> to vector<1x1x16xf32>
        tpu.vector_store %arg14[%swap3A_327, %swap3A_328, %swap3A_329], %swap3A_332 {strides = array<i32>} : memref<40x8x16xf32, #tpu.memory_space<vmem>>, vector<1x1x16xf32>,
        %broadcast_in_dim3A_333 = arith.constant 7 : i32
        %broadcast_in_dim3A_334 = vector.broadcast %broadcast_in_dim3A_333 : i32 to vector<16xi32>
        %lt3A_335 = arith.constant 0 : i32
        %lt3A_336 = vector.broadcast %lt3A_335 : i32 to vector<16xi32>
        %lt3A_337 = arith.cmpi slt, %broadcast_in_dim3A_334, %lt3A_336 : vector<16xi32>
        %add3A_338 = arith.constant 16 : i32
        %add3A_339 = vector.broadcast %add3A_338 : i32 to vector<16xi32>
        %add3A_340 = arith.addi %broadcast_in_dim3A_334, %add3A_339 : vector<16xi32>
        %select_n3A_341 = arith.select %lt3A_337, %add3A_340, %broadcast_in_dim3A_334 : vector<16xi1>, vector<16xi32>
        %broadcast_in_dim3A_342 = vector.shape_cast %select_n3A_341 : vector<16xi32> to vector<16x1xi32>
        %gather3A_343 = vector.shape_cast %broadcast_in_dim3A_342 : vector<16x1xi32> to vector<16xi32>
        %gather3A_344 = tpu.dynamic_gather %exp3A[%gather3A_343] in [0] : vector<16xf32>, vector<16xi32> -> vector<16xf32>
        %get3A_345 = arith.constant 7 : i32
        %get3A_346 = arith.index_cast %add3A_138 : i32 to index
        %get3A_347 = arith.index_cast %get3A_345 : i32 to index
        %get3A_348 = arith.constant 0 : index
        %get3A_349 = tpu.vector_load %arg14[%get3A_346, %get3A_347, %get3A_348] {strides = array<i32>} : memref<40x8x16xf32, #tpu.memory_space<vmem>>, vector<1x1x16xf32>,
        %get3A_350 = vector.shape_cast %get3A_349 : vector<1x1x16xf32> to vector<16xf32>
        %mul3A_351 = arith.mulf %get3A_350, %gather3A_344 : vector<16xf32>
        %swap3A_352 = arith.constant 7 : i32
        %swap3A_353 = arith.index_cast %add3A_138 : i32 to index
        %swap3A_354 = arith.index_cast %swap3A_352 : i32 to index
        %swap3A_355 = arith.constant 0 : index
        %swap3A_356 = tpu.vector_load %arg14[%swap3A_353, %swap3A_354, %swap3A_355] {strides = array<i32>} : memref<40x8x16xf32, #tpu.memory_space<vmem>>, vector<1x1x16xf32>,
        %swap3A_357 = vector.shape_cast %swap3A_356 : vector<1x1x16xf32> to vector<16xf32>
        %swap3A_358 = vector.shape_cast %mul3A_351 : vector<16xf32> to vector<1x1x16xf32>
        tpu.vector_store %arg14[%swap3A_353, %swap3A_354, %swap3A_355], %swap3A_358 {strides = array<i32>} : memref<40x8x16xf32, #tpu.memory_space<vmem>>, vector<1x1x16xf32>,
        %scan3A_359 = arith.constant 1 : i32
        %scan3A_360 = arith.addi %scan3A_134, %scan3A_359 : i32
        %mul3A_361 = arith.constant 1 : i32
        %mul3A_362 = arith.muli %scan3A_360, %mul3A_361 : i32
        %add3A_363 = arith.constant 0 : i32
        %add3A_364 = arith.addi %add3A_363, %mul3A_362 : i32
        %get3A_365 = arith.index_cast %add3A_364 : i32 to index
        %get3A_366 = arith.constant 0 : index
        %get3A_367 = tpu.vector_load %arg16[%get3A_365, %get3A_366] {strides = array<i32>} : memref<40x16xf32, #tpu.memory_space<vmem>>, vector<1x16xf32>,
        %get3A_368 = vector.shape_cast %get3A_367 : vector<1x16xf32> to vector<16xf32>
        %get3A_369 = arith.index_cast %add3A_364 : i32 to index
        %get3A_370 = arith.constant 0 : index
        %get3A_371 = tpu.vector_load %arg18[%get3A_369, %get3A_370] {strides = array<i32>} : memref<40x16xf32, #tpu.memory_space<vmem>>, vector<1x16xf32>,
        %get3A_372 = vector.shape_cast %get3A_371 : vector<1x16xf32> to vector<16xf32>
        %add3A_373 = arith.addf %get3A_368, %get3A_372 : vector<16xf32>
        %mul3A_374 = arith.constant 2.000000e-01 : f32
        %mul3A_375 = vector.broadcast %mul3A_374 : f32 to vector<16xf32>
        %mul3A_376 = arith.mulf %mul3A_375, %add3A_373 : vector<16xf32>
        %max3A_377 = arith.maximumf %add3A_373, %mul3A_376 : vector<16xf32>
        %exp3A_378 = math.exp %max3A_377 : vector<16xf32>
        %swap3A_379 = arith.index_cast %add3A_364 : i32 to index
        %swap3A_380 = arith.constant 0 : index
        %swap3A_381 = tpu.vector_load %arg19[%swap3A_379, %swap3A_380] {strides = array<i32>} : memref<40x16xf32, #tpu.memory_space<vmem>>, vector<1x16xf32>,
        %swap3A_382 = vector.shape_cast %swap3A_381 : vector<1x16xf32> to vector<16xf32>
        %swap3A_383 = vector.shape_cast %exp3A_378 : vector<16xf32> to vector<1x16xf32>
        tpu.vector_store %arg19[%swap3A_379, %swap3A_380], %swap3A_383 {strides = array<i32>} : memref<40x16xf32, #tpu.memory_space<vmem>>, vector<1x16xf32>,
        %broadcast_in_dim3A_384 = arith.constant 0 : i32
        %broadcast_in_dim3A_385 = vector.broadcast %broadcast_in_dim3A_384 : i32 to vector<16xi32>
        %lt3A_386 = arith.constant 0 : i32
        %lt3A_387 = vector.broadcast %lt3A_386 : i32 to vector<16xi32>
        %lt3A_388 = arith.cmpi slt, %broadcast_in_dim3A_385, %lt3A_387 : vector<16xi32>
        %add3A_389 = arith.constant 16 : i32
        %add3A_390 = vector.broadcast %add3A_389 : i32 to vector<16xi32>
        %add3A_391 = arith.addi %broadcast_in_dim3A_385, %add3A_390 : vector<16xi32>
        %select_n3A_392 = arith.select %lt3A_388, %add3A_391, %broadcast_in_dim3A_385 : vector<16xi1>, vector<16xi32>
        %broadcast_in_dim3A_393 = vector.shape_cast %select_n3A_392 : vector<16xi32> to vector<16x1xi32>
        %gather3A_394 = vector.shape_cast %broadcast_in_dim3A_393 : vector<16x1xi32> to vector<16xi32>
        %gather3A_395 = tpu.dynamic_gather %exp3A_378[%gather3A_394] in [0] : vector<16xf32>, vector<16xi32> -> vector<16xf32>
        %get3A_396 = arith.constant 0 : i32
        %get3A_397 = arith.index_cast %add3A_364 : i32 to index
        %get3A_398 = arith.index_cast %get3A_396 : i32 to index
        %get3A_399 = arith.constant 0 : index
        %get3A_400 = tpu.vector_load %arg14[%get3A_397, %get3A_398, %get3A_399] {strides = array<i32>} : memref<40x8x16xf32, #tpu.memory_space<vmem>>, vector<1x1x16xf32>,
        %get3A_401 = vector.shape_cast %get3A_400 : vector<1x1x16xf32> to vector<16xf32>
        %mul3A_402 = arith.mulf %get3A_401, %gather3A_395 : vector<16xf32>
        %swap3A_403 = arith.constant 0 : i32
        %swap3A_404 = arith.index_cast %add3A_364 : i32 to index
        %swap3A_405 = arith.index_cast %swap3A_403 : i32 to index
        %swap3A_406 = arith.constant 0 : index
        %swap3A_407 = tpu.vector_load %arg14[%swap3A_404, %swap3A_405, %swap3A_406] {strides = array<i32>} : memref<40x8x16xf32, #tpu.memory_space<vmem>>, vector<1x1x16xf32>,
        %swap3A_408 = vector.shape_cast %swap3A_407 : vector<1x1x16xf32> to vector<16xf32>
        %swap3A_409 = vector.shape_cast %mul3A_402 : vector<16xf32> to vector<1x1x16xf32>
        tpu.vector_store %arg14[%swap3A_404, %swap3A_405, %swap3A_406], %swap3A_409 {strides = array<i32>} : memref<40x8x16xf32, #tpu.memory_space<vmem>>, vector<1x1x16xf32>,
        %broadcast_in_dim3A_410 = arith.constant 1 : i32
        %broadcast_in_dim3A_411 = vector.broadcast %broadcast_in_dim3A_410 : i32 to vector<16xi32>
        %lt3A_412 = arith.constant 0 : i32
        %lt3A_413 = vector.broadcast %lt3A_412 : i32 to vector<16xi32>
        %lt3A_414 = arith.cmpi slt, %broadcast_in_dim3A_411, %lt3A_413 : vector<16xi32>
        %add3A_415 = arith.constant 16 : i32
        %add3A_416 = vector.broadcast %add3A_415 : i32 to vector<16xi32>
        %add3A_417 = arith.addi %broadcast_in_dim3A_411, %add3A_416 : vector<16xi32>
        %select_n3A_418 = arith.select %lt3A_414, %add3A_417, %broadcast_in_dim3A_411 : vector<16xi1>, vector<16xi32>
        %broadcast_in_dim3A_419 = vector.shape_cast %select_n3A_418 : vector<16xi32> to vector<16x1xi32>
        %gather3A_420 = vector.shape_cast %broadcast_in_dim3A_419 : vector<16x1xi32> to vector<16xi32>
        %gather3A_421 = tpu.dynamic_gather %exp3A_378[%gather3A_420] in [0] : vector<16xf32>, vector<16xi32> -> vector<16xf32>
        %get3A_422 = arith.constant 1 : i32
        %get3A_423 = arith.index_cast %add3A_364 : i32 to index
        %get3A_424 = arith.index_cast %get3A_422 : i32 to index
        %get3A_425 = arith.constant 0 : index
        %get3A_426 = tpu.vector_load %arg14[%get3A_423, %get3A_424, %get3A_425] {strides = array<i32>} : memref<40x8x16xf32, #tpu.memory_space<vmem>>, vector<1x1x16xf32>,
        %get3A_427 = vector.shape_cast %get3A_426 : vector<1x1x16xf32> to vector<16xf32>
        %mul3A_428 = arith.mulf %get3A_427, %gather3A_421 : vector<16xf32>
        %swap3A_429 = arith.constant 1 : i32
        %swap3A_430 = arith.index_cast %add3A_364 : i32 to index
        %swap3A_431 = arith.index_cast %swap3A_429 : i32 to index
        %swap3A_432 = arith.constant 0 : index
        %swap3A_433 = tpu.vector_load %arg14[%swap3A_430, %swap3A_431, %swap3A_432] {strides = array<i32>} : memref<40x8x16xf32, #tpu.memory_space<vmem>>, vector<1x1x16xf32>,
        %swap3A_434 = vector.shape_cast %swap3A_433 : vector<1x1x16xf32> to vector<16xf32>
        %swap3A_435 = vector.shape_cast %mul3A_428 : vector<16xf32> to vector<1x1x16xf32>
        tpu.vector_store %arg14[%swap3A_430, %swap3A_431, %swap3A_432], %swap3A_435 {strides = array<i32>} : memref<40x8x16xf32, #tpu.memory_space<vmem>>, vector<1x1x16xf32>,
        %broadcast_in_dim3A_436 = arith.constant 2 : i32
        %broadcast_in_dim3A_437 = vector.broadcast %broadcast_in_dim3A_436 : i32 to vector<16xi32>
        %lt3A_438 = arith.constant 0 : i32
        %lt3A_439 = vector.broadcast %lt3A_438 : i32 to vector<16xi32>
        %lt3A_440 = arith.cmpi slt, %broadcast_in_dim3A_437, %lt3A_439 : vector<16xi32>
        %add3A_441 = arith.constant 16 : i32
        %add3A_442 = vector.broadcast %add3A_441 : i32 to vector<16xi32>
        %add3A_443 = arith.addi %broadcast_in_dim3A_437, %add3A_442 : vector<16xi32>
        %select_n3A_444 = arith.select %lt3A_440, %add3A_443, %broadcast_in_dim3A_437 : vector<16xi1>, vector<16xi32>
        %broadcast_in_dim3A_445 = vector.shape_cast %select_n3A_444 : vector<16xi32> to vector<16x1xi32>
        %gather3A_446 = vector.shape_cast %broadcast_in_dim3A_445 : vector<16x1xi32> to vector<16xi32>
        %gather3A_447 = tpu.dynamic_gather %exp3A_378[%gather3A_446] in [0] : vector<16xf32>, vector<16xi32> -> vector<16xf32>
        %get3A_448 = arith.constant 2 : i32
        %get3A_449 = arith.index_cast %add3A_364 : i32 to index
        %get3A_450 = arith.index_cast %get3A_448 : i32 to index
        %get3A_451 = arith.constant 0 : index
        %get3A_452 = tpu.vector_load %arg14[%get3A_449, %get3A_450, %get3A_451] {strides = array<i32>} : memref<40x8x16xf32, #tpu.memory_space<vmem>>, vector<1x1x16xf32>,
        %get3A_453 = vector.shape_cast %get3A_452 : vector<1x1x16xf32> to vector<16xf32>
        %mul3A_454 = arith.mulf %get3A_453, %gather3A_447 : vector<16xf32>
        %swap3A_455 = arith.constant 2 : i32
        %swap3A_456 = arith.index_cast %add3A_364 : i32 to index
        %swap3A_457 = arith.index_cast %swap3A_455 : i32 to index
        %swap3A_458 = arith.constant 0 : index
        %swap3A_459 = tpu.vector_load %arg14[%swap3A_456, %swap3A_457, %swap3A_458] {strides = array<i32>} : memref<40x8x16xf32, #tpu.memory_space<vmem>>, vector<1x1x16xf32>,
        %swap3A_460 = vector.shape_cast %swap3A_459 : vector<1x1x16xf32> to vector<16xf32>
        %swap3A_461 = vector.shape_cast %mul3A_454 : vector<16xf32> to vector<1x1x16xf32>
        tpu.vector_store %arg14[%swap3A_456, %swap3A_457, %swap3A_458], %swap3A_461 {strides = array<i32>} : memref<40x8x16xf32, #tpu.memory_space<vmem>>, vector<1x1x16xf32>,
        %broadcast_in_dim3A_462 = arith.constant 3 : i32
        %broadcast_in_dim3A_463 = vector.broadcast %broadcast_in_dim3A_462 : i32 to vector<16xi32>
        %lt3A_464 = arith.constant 0 : i32
        %lt3A_465 = vector.broadcast %lt3A_464 : i32 to vector<16xi32>
        %lt3A_466 = arith.cmpi slt, %broadcast_in_dim3A_463, %lt3A_465 : vector<16xi32>
        %add3A_467 = arith.constant 16 : i32
        %add3A_468 = vector.broadcast %add3A_467 : i32 to vector<16xi32>
        %add3A_469 = arith.addi %broadcast_in_dim3A_463, %add3A_468 : vector<16xi32>
        %select_n3A_470 = arith.select %lt3A_466, %add3A_469, %broadcast_in_dim3A_463 : vector<16xi1>, vector<16xi32>
        %broadcast_in_dim3A_471 = vector.shape_cast %select_n3A_470 : vector<16xi32> to vector<16x1xi32>
        %gather3A_472 = vector.shape_cast %broadcast_in_dim3A_471 : vector<16x1xi32> to vector<16xi32>
        %gather3A_473 = tpu.dynamic_gather %exp3A_378[%gather3A_472] in [0] : vector<16xf32>, vector<16xi32> -> vector<16xf32>
        %get3A_474 = arith.constant 3 : i32
        %get3A_475 = arith.index_cast %add3A_364 : i32 to index
        %get3A_476 = arith.index_cast %get3A_474 : i32 to index
        %get3A_477 = arith.constant 0 : index
        %get3A_478 = tpu.vector_load %arg14[%get3A_475, %get3A_476, %get3A_477] {strides = array<i32>} : memref<40x8x16xf32, #tpu.memory_space<vmem>>, vector<1x1x16xf32>,
        %get3A_479 = vector.shape_cast %get3A_478 : vector<1x1x16xf32> to vector<16xf32>
        %mul3A_480 = arith.mulf %get3A_479, %gather3A_473 : vector<16xf32>
        %swap3A_481 = arith.constant 3 : i32
        %swap3A_482 = arith.index_cast %add3A_364 : i32 to index
        %swap3A_483 = arith.index_cast %swap3A_481 : i32 to index
        %swap3A_484 = arith.constant 0 : index
        %swap3A_485 = tpu.vector_load %arg14[%swap3A_482, %swap3A_483, %swap3A_484] {strides = array<i32>} : memref<40x8x16xf32, #tpu.memory_space<vmem>>, vector<1x1x16xf32>,
        %swap3A_486 = vector.shape_cast %swap3A_485 : vector<1x1x16xf32> to vector<16xf32>
        %swap3A_487 = vector.shape_cast %mul3A_480 : vector<16xf32> to vector<1x1x16xf32>
        tpu.vector_store %arg14[%swap3A_482, %swap3A_483, %swap3A_484], %swap3A_487 {strides = array<i32>} : memref<40x8x16xf32, #tpu.memory_space<vmem>>, vector<1x1x16xf32>,
        %broadcast_in_dim3A_488 = arith.constant 4 : i32
        %broadcast_in_dim3A_489 = vector.broadcast %broadcast_in_dim3A_488 : i32 to vector<16xi32>
        %lt3A_490 = arith.constant 0 : i32
        %lt3A_491 = vector.broadcast %lt3A_490 : i32 to vector<16xi32>
        %lt3A_492 = arith.cmpi slt, %broadcast_in_dim3A_489, %lt3A_491 : vector<16xi32>
        %add3A_493 = arith.constant 16 : i32
        %add3A_494 = vector.broadcast %add3A_493 : i32 to vector<16xi32>
        %add3A_495 = arith.addi %broadcast_in_dim3A_489, %add3A_494 : vector<16xi32>
        %select_n3A_496 = arith.select %lt3A_492, %add3A_495, %broadcast_in_dim3A_489 : vector<16xi1>, vector<16xi32>
        %broadcast_in_dim3A_497 = vector.shape_cast %select_n3A_496 : vector<16xi32> to vector<16x1xi32>
        %gather3A_498 = vector.shape_cast %broadcast_in_dim3A_497 : vector<16x1xi32> to vector<16xi32>
        %gather3A_499 = tpu.dynamic_gather %exp3A_378[%gather3A_498] in [0] : vector<16xf32>, vector<16xi32> -> vector<16xf32>
        %get3A_500 = arith.constant 4 : i32
        %get3A_501 = arith.index_cast %add3A_364 : i32 to index
        %get3A_502 = arith.index_cast %get3A_500 : i32 to index
        %get3A_503 = arith.constant 0 : index
        %get3A_504 = tpu.vector_load %arg14[%get3A_501, %get3A_502, %get3A_503] {strides = array<i32>} : memref<40x8x16xf32, #tpu.memory_space<vmem>>, vector<1x1x16xf32>,
        %get3A_505 = vector.shape_cast %get3A_504 : vector<1x1x16xf32> to vector<16xf32>
        %mul3A_506 = arith.mulf %get3A_505, %gather3A_499 : vector<16xf32>
        %swap3A_507 = arith.constant 4 : i32
        %swap3A_508 = arith.index_cast %add3A_364 : i32 to index
        %swap3A_509 = arith.index_cast %swap3A_507 : i32 to index
        %swap3A_510 = arith.constant 0 : index
        %swap3A_511 = tpu.vector_load %arg14[%swap3A_508, %swap3A_509, %swap3A_510] {strides = array<i32>} : memref<40x8x16xf32, #tpu.memory_space<vmem>>, vector<1x1x16xf32>,
        %swap3A_512 = vector.shape_cast %swap3A_511 : vector<1x1x16xf32> to vector<16xf32>
        %swap3A_513 = vector.shape_cast %mul3A_506 : vector<16xf32> to vector<1x1x16xf32>
        tpu.vector_store %arg14[%swap3A_508, %swap3A_509, %swap3A_510], %swap3A_513 {strides = array<i32>} : memref<40x8x16xf32, #tpu.memory_space<vmem>>, vector<1x1x16xf32>,
        %broadcast_in_dim3A_514 = arith.constant 5 : i32
        %broadcast_in_dim3A_515 = vector.broadcast %broadcast_in_dim3A_514 : i32 to vector<16xi32>
        %lt3A_516 = arith.constant 0 : i32
        %lt3A_517 = vector.broadcast %lt3A_516 : i32 to vector<16xi32>
        %lt3A_518 = arith.cmpi slt, %broadcast_in_dim3A_515, %lt3A_517 : vector<16xi32>
        %add3A_519 = arith.constant 16 : i32
        %add3A_520 = vector.broadcast %add3A_519 : i32 to vector<16xi32>
        %add3A_521 = arith.addi %broadcast_in_dim3A_515, %add3A_520 : vector<16xi32>
        %select_n3A_522 = arith.select %lt3A_518, %add3A_521, %broadcast_in_dim3A_515 : vector<16xi1>, vector<16xi32>
        %broadcast_in_dim3A_523 = vector.shape_cast %select_n3A_522 : vector<16xi32> to vector<16x1xi32>
        %gather3A_524 = vector.shape_cast %broadcast_in_dim3A_523 : vector<16x1xi32> to vector<16xi32>
        %gather3A_525 = tpu.dynamic_gather %exp3A_378[%gather3A_524] in [0] : vector<16xf32>, vector<16xi32> -> vector<16xf32>
        %get3A_526 = arith.constant 5 : i32
        %get3A_527 = arith.index_cast %add3A_364 : i32 to index
        %get3A_528 = arith.index_cast %get3A_526 : i32 to index
        %get3A_529 = arith.constant 0 : index
        %get3A_530 = tpu.vector_load %arg14[%get3A_527, %get3A_528, %get3A_529] {strides = array<i32>} : memref<40x8x16xf32, #tpu.memory_space<vmem>>, vector<1x1x16xf32>,
        %get3A_531 = vector.shape_cast %get3A_530 : vector<1x1x16xf32> to vector<16xf32>
        %mul3A_532 = arith.mulf %get3A_531, %gather3A_525 : vector<16xf32>
        %swap3A_533 = arith.constant 5 : i32
        %swap3A_534 = arith.index_cast %add3A_364 : i32 to index
        %swap3A_535 = arith.index_cast %swap3A_533 : i32 to index
        %swap3A_536 = arith.constant 0 : index
        %swap3A_537 = tpu.vector_load %arg14[%swap3A_534, %swap3A_535, %swap3A_536] {strides = array<i32>} : memref<40x8x16xf32, #tpu.memory_space<vmem>>, vector<1x1x16xf32>,
        %swap3A_538 = vector.shape_cast %swap3A_537 : vector<1x1x16xf32> to vector<16xf32>
        %swap3A_539 = vector.shape_cast %mul3A_532 : vector<16xf32> to vector<1x1x16xf32>
        tpu.vector_store %arg14[%swap3A_534, %swap3A_535, %swap3A_536], %swap3A_539 {strides = array<i32>} : memref<40x8x16xf32, #tpu.memory_space<vmem>>, vector<1x1x16xf32>,
        %broadcast_in_dim3A_540 = arith.constant 6 : i32
        %broadcast_in_dim3A_541 = vector.broadcast %broadcast_in_dim3A_540 : i32 to vector<16xi32>
        %lt3A_542 = arith.constant 0 : i32
        %lt3A_543 = vector.broadcast %lt3A_542 : i32 to vector<16xi32>
        %lt3A_544 = arith.cmpi slt, %broadcast_in_dim3A_541, %lt3A_543 : vector<16xi32>
        %add3A_545 = arith.constant 16 : i32
        %add3A_546 = vector.broadcast %add3A_545 : i32 to vector<16xi32>
        %add3A_547 = arith.addi %broadcast_in_dim3A_541, %add3A_546 : vector<16xi32>
        %select_n3A_548 = arith.select %lt3A_544, %add3A_547, %broadcast_in_dim3A_541 : vector<16xi1>, vector<16xi32>
        %broadcast_in_dim3A_549 = vector.shape_cast %select_n3A_548 : vector<16xi32> to vector<16x1xi32>
        %gather3A_550 = vector.shape_cast %broadcast_in_dim3A_549 : vector<16x1xi32> to vector<16xi32>
        %gather3A_551 = tpu.dynamic_gather %exp3A_378[%gather3A_550] in [0] : vector<16xf32>, vector<16xi32> -> vector<16xf32>
        %get3A_552 = arith.constant 6 : i32
        %get3A_553 = arith.index_cast %add3A_364 : i32 to index
        %get3A_554 = arith.index_cast %get3A_552 : i32 to index
        %get3A_555 = arith.constant 0 : index
        %get3A_556 = tpu.vector_load %arg14[%get3A_553, %get3A_554, %get3A_555] {strides = array<i32>} : memref<40x8x16xf32, #tpu.memory_space<vmem>>, vector<1x1x16xf32>,
        %get3A_557 = vector.shape_cast %get3A_556 : vector<1x1x16xf32> to vector<16xf32>
        %mul3A_558 = arith.mulf %get3A_557, %gather3A_551 : vector<16xf32>
        %swap3A_559 = arith.constant 6 : i32
        %swap3A_560 = arith.index_cast %add3A_364 : i32 to index
        %swap3A_561 = arith.index_cast %swap3A_559 : i32 to index
        %swap3A_562 = arith.constant 0 : index
        %swap3A_563 = tpu.vector_load %arg14[%swap3A_560, %swap3A_561, %swap3A_562] {strides = array<i32>} : memref<40x8x16xf32, #tpu.memory_space<vmem>>, vector<1x1x16xf32>,
        %swap3A_564 = vector.shape_cast %swap3A_563 : vector<1x1x16xf32> to vector<16xf32>
        %swap3A_565 = vector.shape_cast %mul3A_558 : vector<16xf32> to vector<1x1x16xf32>
        tpu.vector_store %arg14[%swap3A_560, %swap3A_561, %swap3A_562], %swap3A_565 {strides = array<i32>} : memref<40x8x16xf32, #tpu.memory_space<vmem>>, vector<1x1x16xf32>,
        %broadcast_in_dim3A_566 = arith.constant 7 : i32
        %broadcast_in_dim3A_567 = vector.broadcast %broadcast_in_dim3A_566 : i32 to vector<16xi32>
        %lt3A_568 = arith.constant 0 : i32
        %lt3A_569 = vector.broadcast %lt3A_568 : i32 to vector<16xi32>
        %lt3A_570 = arith.cmpi slt, %broadcast_in_dim3A_567, %lt3A_569 : vector<16xi32>
        %add3A_571 = arith.constant 16 : i32
        %add3A_572 = vector.broadcast %add3A_571 : i32 to vector<16xi32>
        %add3A_573 = arith.addi %broadcast_in_dim3A_567, %add3A_572 : vector<16xi32>
        %select_n3A_574 = arith.select %lt3A_570, %add3A_573, %broadcast_in_dim3A_567 : vector<16xi1>, vector<16xi32>
        %broadcast_in_dim3A_575 = vector.shape_cast %select_n3A_574 : vector<16xi32> to vector<16x1xi32>
        %gather3A_576 = vector.shape_cast %broadcast_in_dim3A_575 : vector<16x1xi32> to vector<16xi32>
        %gather3A_577 = tpu.dynamic_gather %exp3A_378[%gather3A_576] in [0] : vector<16xf32>, vector<16xi32> -> vector<16xf32>
        %get3A_578 = arith.constant 7 : i32
        %get3A_579 = arith.index_cast %add3A_364 : i32 to index
        %get3A_580 = arith.index_cast %get3A_578 : i32 to index
        %get3A_581 = arith.constant 0 : index
        %get3A_582 = tpu.vector_load %arg14[%get3A_579, %get3A_580, %get3A_581] {strides = array<i32>} : memref<40x8x16xf32, #tpu.memory_space<vmem>>, vector<1x1x16xf32>,
        %get3A_583 = vector.shape_cast %get3A_582 : vector<1x1x16xf32> to vector<16xf32>
        %mul3A_584 = arith.mulf %get3A_583, %gather3A_577 : vector<16xf32>
        %swap3A_585 = arith.constant 7 : i32
        %swap3A_586 = arith.index_cast %add3A_364 : i32 to index
        %swap3A_587 = arith.index_cast %swap3A_585 : i32 to index
        %swap3A_588 = arith.constant 0 : index
        %swap3A_589 = tpu.vector_load %arg14[%swap3A_586, %swap3A_587, %swap3A_588] {strides = array<i32>} : memref<40x8x16xf32, #tpu.memory_space<vmem>>, vector<1x1x16xf32>,
        %swap3A_590 = vector.shape_cast %swap3A_589 : vector<1x1x16xf32> to vector<16xf32>
        %swap3A_591 = vector.shape_cast %mul3A_584 : vector<16xf32> to vector<1x1x16xf32>
        tpu.vector_store %arg14[%swap3A_586, %swap3A_587, %swap3A_588], %swap3A_591 {strides = array<i32>} : memref<40x8x16xf32, #tpu.memory_space<vmem>>, vector<1x1x16xf32>,
        %scan3A_592 = arith.constant 2 : i32
        %scan3A_593 = arith.addi %scan3A_134, %scan3A_592 : i32
        %mul3A_594 = arith.constant 1 : i32
        %mul3A_595 = arith.muli %scan3A_593, %mul3A_594 : i32
        %add3A_596 = arith.constant 0 : i32
        %add3A_597 = arith.addi %add3A_596, %mul3A_595 : i32
        %get3A_598 = arith.index_cast %add3A_597 : i32 to index
        %get3A_599 = arith.constant 0 : index
        %get3A_600 = tpu.vector_load %arg16[%get3A_598, %get3A_599] {strides = array<i32>} : memref<40x16xf32, #tpu.memory_space<vmem>>, vector<1x16xf32>,
        %get3A_601 = vector.shape_cast %get3A_600 : vector<1x16xf32> to vector<16xf32>
        %get3A_602 = arith.index_cast %add3A_597 : i32 to index
        %get3A_603 = arith.constant 0 : index
        %get3A_604 = tpu.vector_load %arg18[%get3A_602, %get3A_603] {strides = array<i32>} : memref<40x16xf32, #tpu.memory_space<vmem>>, vector<1x16xf32>,
        %get3A_605 = vector.shape_cast %get3A_604 : vector<1x16xf32> to vector<16xf32>
        %add3A_606 = arith.addf %get3A_601, %get3A_605 : vector<16xf32>
        %mul3A_607 = arith.constant 2.000000e-01 : f32
        %mul3A_608 = vector.broadcast %mul3A_607 : f32 to vector<16xf32>
        %mul3A_609 = arith.mulf %mul3A_608, %add3A_606 : vector<16xf32>
        %max3A_610 = arith.maximumf %add3A_606, %mul3A_609 : vector<16xf32>
        %exp3A_611 = math.exp %max3A_610 : vector<16xf32>
        %swap3A_612 = arith.index_cast %add3A_597 : i32 to index
        %swap3A_613 = arith.constant 0 : index
        %swap3A_614 = tpu.vector_load %arg19[%swap3A_612, %swap3A_613] {strides = array<i32>} : memref<40x16xf32, #tpu.memory_space<vmem>>, vector<1x16xf32>,
        %swap3A_615 = vector.shape_cast %swap3A_614 : vector<1x16xf32> to vector<16xf32>
        %swap3A_616 = vector.shape_cast %exp3A_611 : vector<16xf32> to vector<1x16xf32>
        tpu.vector_store %arg19[%swap3A_612, %swap3A_613], %swap3A_616 {strides = array<i32>} : memref<40x16xf32, #tpu.memory_space<vmem>>, vector<1x16xf32>,
        %broadcast_in_dim3A_617 = arith.constant 0 : i32
        %broadcast_in_dim3A_618 = vector.broadcast %broadcast_in_dim3A_617 : i32 to vector<16xi32>
        %lt3A_619 = arith.constant 0 : i32
        %lt3A_620 = vector.broadcast %lt3A_619 : i32 to vector<16xi32>
        %lt3A_621 = arith.cmpi slt, %broadcast_in_dim3A_618, %lt3A_620 : vector<16xi32>
        %add3A_622 = arith.constant 16 : i32
        %add3A_623 = vector.broadcast %add3A_622 : i32 to vector<16xi32>
        %add3A_624 = arith.addi %broadcast_in_dim3A_618, %add3A_623 : vector<16xi32>
        %select_n3A_625 = arith.select %lt3A_621, %add3A_624, %broadcast_in_dim3A_618 : vector<16xi1>, vector<16xi32>
        %broadcast_in_dim3A_626 = vector.shape_cast %select_n3A_625 : vector<16xi32> to vector<16x1xi32>
        %gather3A_627 = vector.shape_cast %broadcast_in_dim3A_626 : vector<16x1xi32> to vector<16xi32>
        %gather3A_628 = tpu.dynamic_gather %exp3A_611[%gather3A_627] in [0] : vector<16xf32>, vector<16xi32> -> vector<16xf32>
        %get3A_629 = arith.constant 0 : i32
        %get3A_630 = arith.index_cast %add3A_597 : i32 to index
        %get3A_631 = arith.index_cast %get3A_629 : i32 to index
        %get3A_632 = arith.constant 0 : index
        %get3A_633 = tpu.vector_load %arg14[%get3A_630, %get3A_631, %get3A_632] {strides = array<i32>} : memref<40x8x16xf32, #tpu.memory_space<vmem>>, vector<1x1x16xf32>,
        %get3A_634 = vector.shape_cast %get3A_633 : vector<1x1x16xf32> to vector<16xf32>
        %mul3A_635 = arith.mulf %get3A_634, %gather3A_628 : vector<16xf32>
        %swap3A_636 = arith.constant 0 : i32
        %swap3A_637 = arith.index_cast %add3A_597 : i32 to index
        %swap3A_638 = arith.index_cast %swap3A_636 : i32 to index
        %swap3A_639 = arith.constant 0 : index
        %swap3A_640 = tpu.vector_load %arg14[%swap3A_637, %swap3A_638, %swap3A_639] {strides = array<i32>} : memref<40x8x16xf32, #tpu.memory_space<vmem>>, vector<1x1x16xf32>,
        %swap3A_641 = vector.shape_cast %swap3A_640 : vector<1x1x16xf32> to vector<16xf32>
        %swap3A_642 = vector.shape_cast %mul3A_635 : vector<16xf32> to vector<1x1x16xf32>
        tpu.vector_store %arg14[%swap3A_637, %swap3A_638, %swap3A_639], %swap3A_642 {strides = array<i32>} : memref<40x8x16xf32, #tpu.memory_space<vmem>>, vector<1x1x16xf32>,
        %broadcast_in_dim3A_643 = arith.constant 1 : i32
        %broadcast_in_dim3A_644 = vector.broadcast %broadcast_in_dim3A_643 : i32 to vector<16xi32>
        %lt3A_645 = arith.constant 0 : i32
        %lt3A_646 = vector.broadcast %lt3A_645 : i32 to vector<16xi32>
        %lt3A_647 = arith.cmpi slt, %broadcast_in_dim3A_644, %lt3A_646 : vector<16xi32>
        %add3A_648 = arith.constant 16 : i32
        %add3A_649 = vector.broadcast %add3A_648 : i32 to vector<16xi32>
        %add3A_650 = arith.addi %broadcast_in_dim3A_644, %add3A_649 : vector<16xi32>
        %select_n3A_651 = arith.select %lt3A_647, %add3A_650, %broadcast_in_dim3A_644 : vector<16xi1>, vector<16xi32>
        %broadcast_in_dim3A_652 = vector.shape_cast %select_n3A_651 : vector<16xi32> to vector<16x1xi32>
        %gather3A_653 = vector.shape_cast %broadcast_in_dim3A_652 : vector<16x1xi32> to vector<16xi32>
        %gather3A_654 = tpu.dynamic_gather %exp3A_611[%gather3A_653] in [0] : vector<16xf32>, vector<16xi32> -> vector<16xf32>
        %get3A_655 = arith.constant 1 : i32
        %get3A_656 = arith.index_cast %add3A_597 : i32 to index
        %get3A_657 = arith.index_cast %get3A_655 : i32 to index
        %get3A_658 = arith.constant 0 : index
        %get3A_659 = tpu.vector_load %arg14[%get3A_656, %get3A_657, %get3A_658] {strides = array<i32>} : memref<40x8x16xf32, #tpu.memory_space<vmem>>, vector<1x1x16xf32>,
        %get3A_660 = vector.shape_cast %get3A_659 : vector<1x1x16xf32> to vector<16xf32>
        %mul3A_661 = arith.mulf %get3A_660, %gather3A_654 : vector<16xf32>
        %swap3A_662 = arith.constant 1 : i32
        %swap3A_663 = arith.index_cast %add3A_597 : i32 to index
        %swap3A_664 = arith.index_cast %swap3A_662 : i32 to index
        %swap3A_665 = arith.constant 0 : index
        %swap3A_666 = tpu.vector_load %arg14[%swap3A_663, %swap3A_664, %swap3A_665] {strides = array<i32>} : memref<40x8x16xf32, #tpu.memory_space<vmem>>, vector<1x1x16xf32>,
        %swap3A_667 = vector.shape_cast %swap3A_666 : vector<1x1x16xf32> to vector<16xf32>
        %swap3A_668 = vector.shape_cast %mul3A_661 : vector<16xf32> to vector<1x1x16xf32>
        tpu.vector_store %arg14[%swap3A_663, %swap3A_664, %swap3A_665], %swap3A_668 {strides = array<i32>} : memref<40x8x16xf32, #tpu.memory_space<vmem>>, vector<1x1x16xf32>,
        %broadcast_in_dim3A_669 = arith.constant 2 : i32
        %broadcast_in_dim3A_670 = vector.broadcast %broadcast_in_dim3A_669 : i32 to vector<16xi32>
        %lt3A_671 = arith.constant 0 : i32
        %lt3A_672 = vector.broadcast %lt3A_671 : i32 to vector<16xi32>
        %lt3A_673 = arith.cmpi slt, %broadcast_in_dim3A_670, %lt3A_672 : vector<16xi32>
        %add3A_674 = arith.constant 16 : i32
        %add3A_675 = vector.broadcast %add3A_674 : i32 to vector<16xi32>
        %add3A_676 = arith.addi %broadcast_in_dim3A_670, %add3A_675 : vector<16xi32>
        %select_n3A_677 = arith.select %lt3A_673, %add3A_676, %broadcast_in_dim3A_670 : vector<16xi1>, vector<16xi32>
        %broadcast_in_dim3A_678 = vector.shape_cast %select_n3A_677 : vector<16xi32> to vector<16x1xi32>
        %gather3A_679 = vector.shape_cast %broadcast_in_dim3A_678 : vector<16x1xi32> to vector<16xi32>
        %gather3A_680 = tpu.dynamic_gather %exp3A_611[%gather3A_679] in [0] : vector<16xf32>, vector<16xi32> -> vector<16xf32>
        %get3A_681 = arith.constant 2 : i32
        %get3A_682 = arith.index_cast %add3A_597 : i32 to index
        %get3A_683 = arith.index_cast %get3A_681 : i32 to index
        %get3A_684 = arith.constant 0 : index
        %get3A_685 = tpu.vector_load %arg14[%get3A_682, %get3A_683, %get3A_684] {strides = array<i32>} : memref<40x8x16xf32, #tpu.memory_space<vmem>>, vector<1x1x16xf32>,
        %get3A_686 = vector.shape_cast %get3A_685 : vector<1x1x16xf32> to vector<16xf32>
        %mul3A_687 = arith.mulf %get3A_686, %gather3A_680 : vector<16xf32>
        %swap3A_688 = arith.constant 2 : i32
        %swap3A_689 = arith.index_cast %add3A_597 : i32 to index
        %swap3A_690 = arith.index_cast %swap3A_688 : i32 to index
        %swap3A_691 = arith.constant 0 : index
        %swap3A_692 = tpu.vector_load %arg14[%swap3A_689, %swap3A_690, %swap3A_691] {strides = array<i32>} : memref<40x8x16xf32, #tpu.memory_space<vmem>>, vector<1x1x16xf32>,
        %swap3A_693 = vector.shape_cast %swap3A_692 : vector<1x1x16xf32> to vector<16xf32>
        %swap3A_694 = vector.shape_cast %mul3A_687 : vector<16xf32> to vector<1x1x16xf32>
        tpu.vector_store %arg14[%swap3A_689, %swap3A_690, %swap3A_691], %swap3A_694 {strides = array<i32>} : memref<40x8x16xf32, #tpu.memory_space<vmem>>, vector<1x1x16xf32>,
        %broadcast_in_dim3A_695 = arith.constant 3 : i32
        %broadcast_in_dim3A_696 = vector.broadcast %broadcast_in_dim3A_695 : i32 to vector<16xi32>
        %lt3A_697 = arith.constant 0 : i32
        %lt3A_698 = vector.broadcast %lt3A_697 : i32 to vector<16xi32>
        %lt3A_699 = arith.cmpi slt, %broadcast_in_dim3A_696, %lt3A_698 : vector<16xi32>
        %add3A_700 = arith.constant 16 : i32
        %add3A_701 = vector.broadcast %add3A_700 : i32 to vector<16xi32>
        %add3A_702 = arith.addi %broadcast_in_dim3A_696, %add3A_701 : vector<16xi32>
        %select_n3A_703 = arith.select %lt3A_699, %add3A_702, %broadcast_in_dim3A_696 : vector<16xi1>, vector<16xi32>
        %broadcast_in_dim3A_704 = vector.shape_cast %select_n3A_703 : vector<16xi32> to vector<16x1xi32>
        %gather3A_705 = vector.shape_cast %broadcast_in_dim3A_704 : vector<16x1xi32> to vector<16xi32>
        %gather3A_706 = tpu.dynamic_gather %exp3A_611[%gather3A_705] in [0] : vector<16xf32>, vector<16xi32> -> vector<16xf32>
        %get3A_707 = arith.constant 3 : i32
        %get3A_708 = arith.index_cast %add3A_597 : i32 to index
        %get3A_709 = arith.index_cast %get3A_707 : i32 to index
        %get3A_710 = arith.constant 0 : index
        %get3A_711 = tpu.vector_load %arg14[%get3A_708, %get3A_709, %get3A_710] {strides = array<i32>} : memref<40x8x16xf32, #tpu.memory_space<vmem>>, vector<1x1x16xf32>,
        %get3A_712 = vector.shape_cast %get3A_711 : vector<1x1x16xf32> to vector<16xf32>
        %mul3A_713 = arith.mulf %get3A_712, %gather3A_706 : vector<16xf32>
        %swap3A_714 = arith.constant 3 : i32
        %swap3A_715 = arith.index_cast %add3A_597 : i32 to index
        %swap3A_716 = arith.index_cast %swap3A_714 : i32 to index
        %swap3A_717 = arith.constant 0 : index
        %swap3A_718 = tpu.vector_load %arg14[%swap3A_715, %swap3A_716, %swap3A_717] {strides = array<i32>} : memref<40x8x16xf32, #tpu.memory_space<vmem>>, vector<1x1x16xf32>,
        %swap3A_719 = vector.shape_cast %swap3A_718 : vector<1x1x16xf32> to vector<16xf32>
        %swap3A_720 = vector.shape_cast %mul3A_713 : vector<16xf32> to vector<1x1x16xf32>
        tpu.vector_store %arg14[%swap3A_715, %swap3A_716, %swap3A_717], %swap3A_720 {strides = array<i32>} : memref<40x8x16xf32, #tpu.memory_space<vmem>>, vector<1x1x16xf32>,
        %broadcast_in_dim3A_721 = arith.constant 4 : i32
        %broadcast_in_dim3A_722 = vector.broadcast %broadcast_in_dim3A_721 : i32 to vector<16xi32>
        %lt3A_723 = arith.constant 0 : i32
        %lt3A_724 = vector.broadcast %lt3A_723 : i32 to vector<16xi32>
        %lt3A_725 = arith.cmpi slt, %broadcast_in_dim3A_722, %lt3A_724 : vector<16xi32>
        %add3A_726 = arith.constant 16 : i32
        %add3A_727 = vector.broadcast %add3A_726 : i32 to vector<16xi32>
        %add3A_728 = arith.addi %broadcast_in_dim3A_722, %add3A_727 : vector<16xi32>
        %select_n3A_729 = arith.select %lt3A_725, %add3A_728, %broadcast_in_dim3A_722 : vector<16xi1>, vector<16xi32>
        %broadcast_in_dim3A_730 = vector.shape_cast %select_n3A_729 : vector<16xi32> to vector<16x1xi32>
        %gather3A_731 = vector.shape_cast %broadcast_in_dim3A_730 : vector<16x1xi32> to vector<16xi32>
        %gather3A_732 = tpu.dynamic_gather %exp3A_611[%gather3A_731] in [0] : vector<16xf32>, vector<16xi32> -> vector<16xf32>
        %get3A_733 = arith.constant 4 : i32
        %get3A_734 = arith.index_cast %add3A_597 : i32 to index
        %get3A_735 = arith.index_cast %get3A_733 : i32 to index
        %get3A_736 = arith.constant 0 : index
        %get3A_737 = tpu.vector_load %arg14[%get3A_734, %get3A_735, %get3A_736] {strides = array<i32>} : memref<40x8x16xf32, #tpu.memory_space<vmem>>, vector<1x1x16xf32>,
        %get3A_738 = vector.shape_cast %get3A_737 : vector<1x1x16xf32> to vector<16xf32>
        %mul3A_739 = arith.mulf %get3A_738, %gather3A_732 : vector<16xf32>
        %swap3A_740 = arith.constant 4 : i32
        %swap3A_741 = arith.index_cast %add3A_597 : i32 to index
        %swap3A_742 = arith.index_cast %swap3A_740 : i32 to index
        %swap3A_743 = arith.constant 0 : index
        %swap3A_744 = tpu.vector_load %arg14[%swap3A_741, %swap3A_742, %swap3A_743] {strides = array<i32>} : memref<40x8x16xf32, #tpu.memory_space<vmem>>, vector<1x1x16xf32>,
        %swap3A_745 = vector.shape_cast %swap3A_744 : vector<1x1x16xf32> to vector<16xf32>
        %swap3A_746 = vector.shape_cast %mul3A_739 : vector<16xf32> to vector<1x1x16xf32>
        tpu.vector_store %arg14[%swap3A_741, %swap3A_742, %swap3A_743], %swap3A_746 {strides = array<i32>} : memref<40x8x16xf32, #tpu.memory_space<vmem>>, vector<1x1x16xf32>,
        %broadcast_in_dim3A_747 = arith.constant 5 : i32
        %broadcast_in_dim3A_748 = vector.broadcast %broadcast_in_dim3A_747 : i32 to vector<16xi32>
        %lt3A_749 = arith.constant 0 : i32
        %lt3A_750 = vector.broadcast %lt3A_749 : i32 to vector<16xi32>
        %lt3A_751 = arith.cmpi slt, %broadcast_in_dim3A_748, %lt3A_750 : vector<16xi32>
        %add3A_752 = arith.constant 16 : i32
        %add3A_753 = vector.broadcast %add3A_752 : i32 to vector<16xi32>
        %add3A_754 = arith.addi %broadcast_in_dim3A_748, %add3A_753 : vector<16xi32>
        %select_n3A_755 = arith.select %lt3A_751, %add3A_754, %broadcast_in_dim3A_748 : vector<16xi1>, vector<16xi32>
        %broadcast_in_dim3A_756 = vector.shape_cast %select_n3A_755 : vector<16xi32> to vector<16x1xi32>
        %gather3A_757 = vector.shape_cast %broadcast_in_dim3A_756 : vector<16x1xi32> to vector<16xi32>
        %gather3A_758 = tpu.dynamic_gather %exp3A_611[%gather3A_757] in [0] : vector<16xf32>, vector<16xi32> -> vector<16xf32>
        %get3A_759 = arith.constant 5 : i32
        %get3A_760 = arith.index_cast %add3A_597 : i32 to index
        %get3A_761 = arith.index_cast %get3A_759 : i32 to index
        %get3A_762 = arith.constant 0 : index
        %get3A_763 = tpu.vector_load %arg14[%get3A_760, %get3A_761, %get3A_762] {strides = array<i32>} : memref<40x8x16xf32, #tpu.memory_space<vmem>>, vector<1x1x16xf32>,
        %get3A_764 = vector.shape_cast %get3A_763 : vector<1x1x16xf32> to vector<16xf32>
        %mul3A_765 = arith.mulf %get3A_764, %gather3A_758 : vector<16xf32>
        %swap3A_766 = arith.constant 5 : i32
        %swap3A_767 = arith.index_cast %add3A_597 : i32 to index
        %swap3A_768 = arith.index_cast %swap3A_766 : i32 to index
        %swap3A_769 = arith.constant 0 : index
        %swap3A_770 = tpu.vector_load %arg14[%swap3A_767, %swap3A_768, %swap3A_769] {strides = array<i32>} : memref<40x8x16xf32, #tpu.memory_space<vmem>>, vector<1x1x16xf32>,
        %swap3A_771 = vector.shape_cast %swap3A_770 : vector<1x1x16xf32> to vector<16xf32>
        %swap3A_772 = vector.shape_cast %mul3A_765 : vector<16xf32> to vector<1x1x16xf32>
        tpu.vector_store %arg14[%swap3A_767, %swap3A_768, %swap3A_769], %swap3A_772 {strides = array<i32>} : memref<40x8x16xf32, #tpu.memory_space<vmem>>, vector<1x1x16xf32>,
        %broadcast_in_dim3A_773 = arith.constant 6 : i32
        %broadcast_in_dim3A_774 = vector.broadcast %broadcast_in_dim3A_773 : i32 to vector<16xi32>
        %lt3A_775 = arith.constant 0 : i32
        %lt3A_776 = vector.broadcast %lt3A_775 : i32 to vector<16xi32>
        %lt3A_777 = arith.cmpi slt, %broadcast_in_dim3A_774, %lt3A_776 : vector<16xi32>
        %add3A_778 = arith.constant 16 : i32
        %add3A_779 = vector.broadcast %add3A_778 : i32 to vector<16xi32>
        %add3A_780 = arith.addi %broadcast_in_dim3A_774, %add3A_779 : vector<16xi32>
        %select_n3A_781 = arith.select %lt3A_777, %add3A_780, %broadcast_in_dim3A_774 : vector<16xi1>, vector<16xi32>
        %broadcast_in_dim3A_782 = vector.shape_cast %select_n3A_781 : vector<16xi32> to vector<16x1xi32>
        %gather3A_783 = vector.shape_cast %broadcast_in_dim3A_782 : vector<16x1xi32> to vector<16xi32>
        %gather3A_784 = tpu.dynamic_gather %exp3A_611[%gather3A_783] in [0] : vector<16xf32>, vector<16xi32> -> vector<16xf32>
        %get3A_785 = arith.constant 6 : i32
        %get3A_786 = arith.index_cast %add3A_597 : i32 to index
        %get3A_787 = arith.index_cast %get3A_785 : i32 to index
        %get3A_788 = arith.constant 0 : index
        %get3A_789 = tpu.vector_load %arg14[%get3A_786, %get3A_787, %get3A_788] {strides = array<i32>} : memref<40x8x16xf32, #tpu.memory_space<vmem>>, vector<1x1x16xf32>,
        %get3A_790 = vector.shape_cast %get3A_789 : vector<1x1x16xf32> to vector<16xf32>
        %mul3A_791 = arith.mulf %get3A_790, %gather3A_784 : vector<16xf32>
        %swap3A_792 = arith.constant 6 : i32
        %swap3A_793 = arith.index_cast %add3A_597 : i32 to index
        %swap3A_794 = arith.index_cast %swap3A_792 : i32 to index
        %swap3A_795 = arith.constant 0 : index
        %swap3A_796 = tpu.vector_load %arg14[%swap3A_793, %swap3A_794, %swap3A_795] {strides = array<i32>} : memref<40x8x16xf32, #tpu.memory_space<vmem>>, vector<1x1x16xf32>,
        %swap3A_797 = vector.shape_cast %swap3A_796 : vector<1x1x16xf32> to vector<16xf32>
        %swap3A_798 = vector.shape_cast %mul3A_791 : vector<16xf32> to vector<1x1x16xf32>
        tpu.vector_store %arg14[%swap3A_793, %swap3A_794, %swap3A_795], %swap3A_798 {strides = array<i32>} : memref<40x8x16xf32, #tpu.memory_space<vmem>>, vector<1x1x16xf32>,
        %broadcast_in_dim3A_799 = arith.constant 7 : i32
        %broadcast_in_dim3A_800 = vector.broadcast %broadcast_in_dim3A_799 : i32 to vector<16xi32>
        %lt3A_801 = arith.constant 0 : i32
        %lt3A_802 = vector.broadcast %lt3A_801 : i32 to vector<16xi32>
        %lt3A_803 = arith.cmpi slt, %broadcast_in_dim3A_800, %lt3A_802 : vector<16xi32>
        %add3A_804 = arith.constant 16 : i32
        %add3A_805 = vector.broadcast %add3A_804 : i32 to vector<16xi32>
        %add3A_806 = arith.addi %broadcast_in_dim3A_800, %add3A_805 : vector<16xi32>
        %select_n3A_807 = arith.select %lt3A_803, %add3A_806, %broadcast_in_dim3A_800 : vector<16xi1>, vector<16xi32>
        %broadcast_in_dim3A_808 = vector.shape_cast %select_n3A_807 : vector<16xi32> to vector<16x1xi32>
        %gather3A_809 = vector.shape_cast %broadcast_in_dim3A_808 : vector<16x1xi32> to vector<16xi32>
        %gather3A_810 = tpu.dynamic_gather %exp3A_611[%gather3A_809] in [0] : vector<16xf32>, vector<16xi32> -> vector<16xf32>
        %get3A_811 = arith.constant 7 : i32
        %get3A_812 = arith.index_cast %add3A_597 : i32 to index
        %get3A_813 = arith.index_cast %get3A_811 : i32 to index
        %get3A_814 = arith.constant 0 : index
        %get3A_815 = tpu.vector_load %arg14[%get3A_812, %get3A_813, %get3A_814] {strides = array<i32>} : memref<40x8x16xf32, #tpu.memory_space<vmem>>, vector<1x1x16xf32>,
        %get3A_816 = vector.shape_cast %get3A_815 : vector<1x1x16xf32> to vector<16xf32>
        %mul3A_817 = arith.mulf %get3A_816, %gather3A_810 : vector<16xf32>
        %swap3A_818 = arith.constant 7 : i32
        %swap3A_819 = arith.index_cast %add3A_597 : i32 to index
        %swap3A_820 = arith.index_cast %swap3A_818 : i32 to index
        %swap3A_821 = arith.constant 0 : index
        %swap3A_822 = tpu.vector_load %arg14[%swap3A_819, %swap3A_820, %swap3A_821] {strides = array<i32>} : memref<40x8x16xf32, #tpu.memory_space<vmem>>, vector<1x1x16xf32>,
        %swap3A_823 = vector.shape_cast %swap3A_822 : vector<1x1x16xf32> to vector<16xf32>
        %swap3A_824 = vector.shape_cast %mul3A_817 : vector<16xf32> to vector<1x1x16xf32>
        tpu.vector_store %arg14[%swap3A_819, %swap3A_820, %swap3A_821], %swap3A_824 {strides = array<i32>} : memref<40x8x16xf32, #tpu.memory_space<vmem>>, vector<1x1x16xf32>,
        %scan3A_825 = arith.constant 3 : i32
        %scan3A_826 = arith.addi %scan3A_134, %scan3A_825 : i32
        %mul3A_827 = arith.constant 1 : i32
        %mul3A_828 = arith.muli %scan3A_826, %mul3A_827 : i32
        %add3A_829 = arith.constant 0 : i32
        %add3A_830 = arith.addi %add3A_829, %mul3A_828 : i32
        %get3A_831 = arith.index_cast %add3A_830 : i32 to index
        %get3A_832 = arith.constant 0 : index
        %get3A_833 = tpu.vector_load %arg16[%get3A_831, %get3A_832] {strides = array<i32>} : memref<40x16xf32, #tpu.memory_space<vmem>>, vector<1x16xf32>,
        %get3A_834 = vector.shape_cast %get3A_833 : vector<1x16xf32> to vector<16xf32>
        %get3A_835 = arith.index_cast %add3A_830 : i32 to index
        %get3A_836 = arith.constant 0 : index
        %get3A_837 = tpu.vector_load %arg18[%get3A_835, %get3A_836] {strides = array<i32>} : memref<40x16xf32, #tpu.memory_space<vmem>>, vector<1x16xf32>,
        %get3A_838 = vector.shape_cast %get3A_837 : vector<1x16xf32> to vector<16xf32>
        %add3A_839 = arith.addf %get3A_834, %get3A_838 : vector<16xf32>
        %mul3A_840 = arith.constant 2.000000e-01 : f32
        %mul3A_841 = vector.broadcast %mul3A_840 : f32 to vector<16xf32>
        %mul3A_842 = arith.mulf %mul3A_841, %add3A_839 : vector<16xf32>
        %max3A_843 = arith.maximumf %add3A_839, %mul3A_842 : vector<16xf32>
        %exp3A_844 = math.exp %max3A_843 : vector<16xf32>
        %swap3A_845 = arith.index_cast %add3A_830 : i32 to index
        %swap3A_846 = arith.constant 0 : index
        %swap3A_847 = tpu.vector_load %arg19[%swap3A_845, %swap3A_846] {strides = array<i32>} : memref<40x16xf32, #tpu.memory_space<vmem>>, vector<1x16xf32>,
        %swap3A_848 = vector.shape_cast %swap3A_847 : vector<1x16xf32> to vector<16xf32>
        %swap3A_849 = vector.shape_cast %exp3A_844 : vector<16xf32> to vector<1x16xf32>
        tpu.vector_store %arg19[%swap3A_845, %swap3A_846], %swap3A_849 {strides = array<i32>} : memref<40x16xf32, #tpu.memory_space<vmem>>, vector<1x16xf32>,
        %broadcast_in_dim3A_850 = arith.constant 0 : i32
        %broadcast_in_dim3A_851 = vector.broadcast %broadcast_in_dim3A_850 : i32 to vector<16xi32>
        %lt3A_852 = arith.constant 0 : i32
        %lt3A_853 = vector.broadcast %lt3A_852 : i32 to vector<16xi32>
        %lt3A_854 = arith.cmpi slt, %broadcast_in_dim3A_851, %lt3A_853 : vector<16xi32>
        %add3A_855 = arith.constant 16 : i32
        %add3A_856 = vector.broadcast %add3A_855 : i32 to vector<16xi32>
        %add3A_857 = arith.addi %broadcast_in_dim3A_851, %add3A_856 : vector<16xi32>
        %select_n3A_858 = arith.select %lt3A_854, %add3A_857, %broadcast_in_dim3A_851 : vector<16xi1>, vector<16xi32>
        %broadcast_in_dim3A_859 = vector.shape_cast %select_n3A_858 : vector<16xi32> to vector<16x1xi32>
        %gather3A_860 = vector.shape_cast %broadcast_in_dim3A_859 : vector<16x1xi32> to vector<16xi32>
        %gather3A_861 = tpu.dynamic_gather %exp3A_844[%gather3A_860] in [0] : vector<16xf32>, vector<16xi32> -> vector<16xf32>
        %get3A_862 = arith.constant 0 : i32
        %get3A_863 = arith.index_cast %add3A_830 : i32 to index
        %get3A_864 = arith.index_cast %get3A_862 : i32 to index
        %get3A_865 = arith.constant 0 : index
        %get3A_866 = tpu.vector_load %arg14[%get3A_863, %get3A_864, %get3A_865] {strides = array<i32>} : memref<40x8x16xf32, #tpu.memory_space<vmem>>, vector<1x1x16xf32>,
        %get3A_867 = vector.shape_cast %get3A_866 : vector<1x1x16xf32> to vector<16xf32>
        %mul3A_868 = arith.mulf %get3A_867, %gather3A_861 : vector<16xf32>
        %swap3A_869 = arith.constant 0 : i32
        %swap3A_870 = arith.index_cast %add3A_830 : i32 to index
        %swap3A_871 = arith.index_cast %swap3A_869 : i32 to index
        %swap3A_872 = arith.constant 0 : index
        %swap3A_873 = tpu.vector_load %arg14[%swap3A_870, %swap3A_871, %swap3A_872] {strides = array<i32>} : memref<40x8x16xf32, #tpu.memory_space<vmem>>, vector<1x1x16xf32>,
        %swap3A_874 = vector.shape_cast %swap3A_873 : vector<1x1x16xf32> to vector<16xf32>
        %swap3A_875 = vector.shape_cast %mul3A_868 : vector<16xf32> to vector<1x1x16xf32>
        tpu.vector_store %arg14[%swap3A_870, %swap3A_871, %swap3A_872], %swap3A_875 {strides = array<i32>} : memref<40x8x16xf32, #tpu.memory_space<vmem>>, vector<1x1x16xf32>,
        %broadcast_in_dim3A_876 = arith.constant 1 : i32
        %broadcast_in_dim3A_877 = vector.broadcast %broadcast_in_dim3A_876 : i32 to vector<16xi32>
        %lt3A_878 = arith.constant 0 : i32
        %lt3A_879 = vector.broadcast %lt3A_878 : i32 to vector<16xi32>
        %lt3A_880 = arith.cmpi slt, %broadcast_in_dim3A_877, %lt3A_879 : vector<16xi32>
        %add3A_881 = arith.constant 16 : i32
        %add3A_882 = vector.broadcast %add3A_881 : i32 to vector<16xi32>
        %add3A_883 = arith.addi %broadcast_in_dim3A_877, %add3A_882 : vector<16xi32>
        %select_n3A_884 = arith.select %lt3A_880, %add3A_883, %broadcast_in_dim3A_877 : vector<16xi1>, vector<16xi32>
        %broadcast_in_dim3A_885 = vector.shape_cast %select_n3A_884 : vector<16xi32> to vector<16x1xi32>
        %gather3A_886 = vector.shape_cast %broadcast_in_dim3A_885 : vector<16x1xi32> to vector<16xi32>
        %gather3A_887 = tpu.dynamic_gather %exp3A_844[%gather3A_886] in [0] : vector<16xf32>, vector<16xi32> -> vector<16xf32>
        %get3A_888 = arith.constant 1 : i32
        %get3A_889 = arith.index_cast %add3A_830 : i32 to index
        %get3A_890 = arith.index_cast %get3A_888 : i32 to index
        %get3A_891 = arith.constant 0 : index
        %get3A_892 = tpu.vector_load %arg14[%get3A_889, %get3A_890, %get3A_891] {strides = array<i32>} : memref<40x8x16xf32, #tpu.memory_space<vmem>>, vector<1x1x16xf32>,
        %get3A_893 = vector.shape_cast %get3A_892 : vector<1x1x16xf32> to vector<16xf32>
        %mul3A_894 = arith.mulf %get3A_893, %gather3A_887 : vector<16xf32>
        %swap3A_895 = arith.constant 1 : i32
        %swap3A_896 = arith.index_cast %add3A_830 : i32 to index
        %swap3A_897 = arith.index_cast %swap3A_895 : i32 to index
        %swap3A_898 = arith.constant 0 : index
        %swap3A_899 = tpu.vector_load %arg14[%swap3A_896, %swap3A_897, %swap3A_898] {strides = array<i32>} : memref<40x8x16xf32, #tpu.memory_space<vmem>>, vector<1x1x16xf32>,
        %swap3A_900 = vector.shape_cast %swap3A_899 : vector<1x1x16xf32> to vector<16xf32>
        %swap3A_901 = vector.shape_cast %mul3A_894 : vector<16xf32> to vector<1x1x16xf32>
        tpu.vector_store %arg14[%swap3A_896, %swap3A_897, %swap3A_898], %swap3A_901 {strides = array<i32>} : memref<40x8x16xf32, #tpu.memory_space<vmem>>, vector<1x1x16xf32>,
        %broadcast_in_dim3A_902 = arith.constant 2 : i32
        %broadcast_in_dim3A_903 = vector.broadcast %broadcast_in_dim3A_902 : i32 to vector<16xi32>
        %lt3A_904 = arith.constant 0 : i32
        %lt3A_905 = vector.broadcast %lt3A_904 : i32 to vector<16xi32>
        %lt3A_906 = arith.cmpi slt, %broadcast_in_dim3A_903, %lt3A_905 : vector<16xi32>
        %add3A_907 = arith.constant 16 : i32
        %add3A_908 = vector.broadcast %add3A_907 : i32 to vector<16xi32>
        %add3A_909 = arith.addi %broadcast_in_dim3A_903, %add3A_908 : vector<16xi32>
        %select_n3A_910 = arith.select %lt3A_906, %add3A_909, %broadcast_in_dim3A_903 : vector<16xi1>, vector<16xi32>
        %broadcast_in_dim3A_911 = vector.shape_cast %select_n3A_910 : vector<16xi32> to vector<16x1xi32>
        %gather3A_912 = vector.shape_cast %broadcast_in_dim3A_911 : vector<16x1xi32> to vector<16xi32>
        %gather3A_913 = tpu.dynamic_gather %exp3A_844[%gather3A_912] in [0] : vector<16xf32>, vector<16xi32> -> vector<16xf32>
        %get3A_914 = arith.constant 2 : i32
        %get3A_915 = arith.index_cast %add3A_830 : i32 to index
        %get3A_916 = arith.index_cast %get3A_914 : i32 to index
        %get3A_917 = arith.constant 0 : index
        %get3A_918 = tpu.vector_load %arg14[%get3A_915, %get3A_916, %get3A_917] {strides = array<i32>} : memref<40x8x16xf32, #tpu.memory_space<vmem>>, vector<1x1x16xf32>,
        %get3A_919 = vector.shape_cast %get3A_918 : vector<1x1x16xf32> to vector<16xf32>
        %mul3A_920 = arith.mulf %get3A_919, %gather3A_913 : vector<16xf32>
        %swap3A_921 = arith.constant 2 : i32
        %swap3A_922 = arith.index_cast %add3A_830 : i32 to index
        %swap3A_923 = arith.index_cast %swap3A_921 : i32 to index
        %swap3A_924 = arith.constant 0 : index
        %swap3A_925 = tpu.vector_load %arg14[%swap3A_922, %swap3A_923, %swap3A_924] {strides = array<i32>} : memref<40x8x16xf32, #tpu.memory_space<vmem>>, vector<1x1x16xf32>,
        %swap3A_926 = vector.shape_cast %swap3A_925 : vector<1x1x16xf32> to vector<16xf32>
        %swap3A_927 = vector.shape_cast %mul3A_920 : vector<16xf32> to vector<1x1x16xf32>
        tpu.vector_store %arg14[%swap3A_922, %swap3A_923, %swap3A_924], %swap3A_927 {strides = array<i32>} : memref<40x8x16xf32, #tpu.memory_space<vmem>>, vector<1x1x16xf32>,
        %broadcast_in_dim3A_928 = arith.constant 3 : i32
        %broadcast_in_dim3A_929 = vector.broadcast %broadcast_in_dim3A_928 : i32 to vector<16xi32>
        %lt3A_930 = arith.constant 0 : i32
        %lt3A_931 = vector.broadcast %lt3A_930 : i32 to vector<16xi32>
        %lt3A_932 = arith.cmpi slt, %broadcast_in_dim3A_929, %lt3A_931 : vector<16xi32>
        %add3A_933 = arith.constant 16 : i32
        %add3A_934 = vector.broadcast %add3A_933 : i32 to vector<16xi32>
        %add3A_935 = arith.addi %broadcast_in_dim3A_929, %add3A_934 : vector<16xi32>
        %select_n3A_936 = arith.select %lt3A_932, %add3A_935, %broadcast_in_dim3A_929 : vector<16xi1>, vector<16xi32>
        %broadcast_in_dim3A_937 = vector.shape_cast %select_n3A_936 : vector<16xi32> to vector<16x1xi32>
        %gather3A_938 = vector.shape_cast %broadcast_in_dim3A_937 : vector<16x1xi32> to vector<16xi32>
        %gather3A_939 = tpu.dynamic_gather %exp3A_844[%gather3A_938] in [0] : vector<16xf32>, vector<16xi32> -> vector<16xf32>
        %get3A_940 = arith.constant 3 : i32
        %get3A_941 = arith.index_cast %add3A_830 : i32 to index
        %get3A_942 = arith.index_cast %get3A_940 : i32 to index
        %get3A_943 = arith.constant 0 : index
        %get3A_944 = tpu.vector_load %arg14[%get3A_941, %get3A_942, %get3A_943] {strides = array<i32>} : memref<40x8x16xf32, #tpu.memory_space<vmem>>, vector<1x1x16xf32>,
        %get3A_945 = vector.shape_cast %get3A_944 : vector<1x1x16xf32> to vector<16xf32>
        %mul3A_946 = arith.mulf %get3A_945, %gather3A_939 : vector<16xf32>
        %swap3A_947 = arith.constant 3 : i32
        %swap3A_948 = arith.index_cast %add3A_830 : i32 to index
        %swap3A_949 = arith.index_cast %swap3A_947 : i32 to index
        %swap3A_950 = arith.constant 0 : index
        %swap3A_951 = tpu.vector_load %arg14[%swap3A_948, %swap3A_949, %swap3A_950] {strides = array<i32>} : memref<40x8x16xf32, #tpu.memory_space<vmem>>, vector<1x1x16xf32>,
        %swap3A_952 = vector.shape_cast %swap3A_951 : vector<1x1x16xf32> to vector<16xf32>
        %swap3A_953 = vector.shape_cast %mul3A_946 : vector<16xf32> to vector<1x1x16xf32>
        tpu.vector_store %arg14[%swap3A_948, %swap3A_949, %swap3A_950], %swap3A_953 {strides = array<i32>} : memref<40x8x16xf32, #tpu.memory_space<vmem>>, vector<1x1x16xf32>,
        %broadcast_in_dim3A_954 = arith.constant 4 : i32
        %broadcast_in_dim3A_955 = vector.broadcast %broadcast_in_dim3A_954 : i32 to vector<16xi32>
        %lt3A_956 = arith.constant 0 : i32
        %lt3A_957 = vector.broadcast %lt3A_956 : i32 to vector<16xi32>
        %lt3A_958 = arith.cmpi slt, %broadcast_in_dim3A_955, %lt3A_957 : vector<16xi32>
        %add3A_959 = arith.constant 16 : i32
        %add3A_960 = vector.broadcast %add3A_959 : i32 to vector<16xi32>
        %add3A_961 = arith.addi %broadcast_in_dim3A_955, %add3A_960 : vector<16xi32>
        %select_n3A_962 = arith.select %lt3A_958, %add3A_961, %broadcast_in_dim3A_955 : vector<16xi1>, vector<16xi32>
        %broadcast_in_dim3A_963 = vector.shape_cast %select_n3A_962 : vector<16xi32> to vector<16x1xi32>
        %gather3A_964 = vector.shape_cast %broadcast_in_dim3A_963 : vector<16x1xi32> to vector<16xi32>
        %gather3A_965 = tpu.dynamic_gather %exp3A_844[%gather3A_964] in [0] : vector<16xf32>, vector<16xi32> -> vector<16xf32>
        %get3A_966 = arith.constant 4 : i32
        %get3A_967 = arith.index_cast %add3A_830 : i32 to index
        %get3A_968 = arith.index_cast %get3A_966 : i32 to index
        %get3A_969 = arith.constant 0 : index
        %get3A_970 = tpu.vector_load %arg14[%get3A_967, %get3A_968, %get3A_969] {strides = array<i32>} : memref<40x8x16xf32, #tpu.memory_space<vmem>>, vector<1x1x16xf32>,
        %get3A_971 = vector.shape_cast %get3A_970 : vector<1x1x16xf32> to vector<16xf32>
        %mul3A_972 = arith.mulf %get3A_971, %gather3A_965 : vector<16xf32>
        %swap3A_973 = arith.constant 4 : i32
        %swap3A_974 = arith.index_cast %add3A_830 : i32 to index
        %swap3A_975 = arith.index_cast %swap3A_973 : i32 to index
        %swap3A_976 = arith.constant 0 : index
        %swap3A_977 = tpu.vector_load %arg14[%swap3A_974, %swap3A_975, %swap3A_976] {strides = array<i32>} : memref<40x8x16xf32, #tpu.memory_space<vmem>>, vector<1x1x16xf32>,
        %swap3A_978 = vector.shape_cast %swap3A_977 : vector<1x1x16xf32> to vector<16xf32>
        %swap3A_979 = vector.shape_cast %mul3A_972 : vector<16xf32> to vector<1x1x16xf32>
        tpu.vector_store %arg14[%swap3A_974, %swap3A_975, %swap3A_976], %swap3A_979 {strides = array<i32>} : memref<40x8x16xf32, #tpu.memory_space<vmem>>, vector<1x1x16xf32>,
        %broadcast_in_dim3A_980 = arith.constant 5 : i32
        %broadcast_in_dim3A_981 = vector.broadcast %broadcast_in_dim3A_980 : i32 to vector<16xi32>
        %lt3A_982 = arith.constant 0 : i32
        %lt3A_983 = vector.broadcast %lt3A_982 : i32 to vector<16xi32>
        %lt3A_984 = arith.cmpi slt, %broadcast_in_dim3A_981, %lt3A_983 : vector<16xi32>
        %add3A_985 = arith.constant 16 : i32
        %add3A_986 = vector.broadcast %add3A_985 : i32 to vector<16xi32>
        %add3A_987 = arith.addi %broadcast_in_dim3A_981, %add3A_986 : vector<16xi32>
        %select_n3A_988 = arith.select %lt3A_984, %add3A_987, %broadcast_in_dim3A_981 : vector<16xi1>, vector<16xi32>
        %broadcast_in_dim3A_989 = vector.shape_cast %select_n3A_988 : vector<16xi32> to vector<16x1xi32>
        %gather3A_990 = vector.shape_cast %broadcast_in_dim3A_989 : vector<16x1xi32> to vector<16xi32>
        %gather3A_991 = tpu.dynamic_gather %exp3A_844[%gather3A_990] in [0] : vector<16xf32>, vector<16xi32> -> vector<16xf32>
        %get3A_992 = arith.constant 5 : i32
        %get3A_993 = arith.index_cast %add3A_830 : i32 to index
        %get3A_994 = arith.index_cast %get3A_992 : i32 to index
        %get3A_995 = arith.constant 0 : index
        %get3A_996 = tpu.vector_load %arg14[%get3A_993, %get3A_994, %get3A_995] {strides = array<i32>} : memref<40x8x16xf32, #tpu.memory_space<vmem>>, vector<1x1x16xf32>,
        %get3A_997 = vector.shape_cast %get3A_996 : vector<1x1x16xf32> to vector<16xf32>
        %mul3A_998 = arith.mulf %get3A_997, %gather3A_991 : vector<16xf32>
        %swap3A_999 = arith.constant 5 : i32
        %swap3A_1000 = arith.index_cast %add3A_830 : i32 to index
        %swap3A_1001 = arith.index_cast %swap3A_999 : i32 to index
        %swap3A_1002 = arith.constant 0 : index
        %swap3A_1003 = tpu.vector_load %arg14[%swap3A_1000, %swap3A_1001, %swap3A_1002] {strides = array<i32>} : memref<40x8x16xf32, #tpu.memory_space<vmem>>, vector<1x1x16xf32>,
        %swap3A_1004 = vector.shape_cast %swap3A_1003 : vector<1x1x16xf32> to vector<16xf32>
        %swap3A_1005 = vector.shape_cast %mul3A_998 : vector<16xf32> to vector<1x1x16xf32>
        tpu.vector_store %arg14[%swap3A_1000, %swap3A_1001, %swap3A_1002], %swap3A_1005 {strides = array<i32>} : memref<40x8x16xf32, #tpu.memory_space<vmem>>, vector<1x1x16xf32>,
        %broadcast_in_dim3A_1006 = arith.constant 6 : i32
        %broadcast_in_dim3A_1007 = vector.broadcast %broadcast_in_dim3A_1006 : i32 to vector<16xi32>
        %lt3A_1008 = arith.constant 0 : i32
        %lt3A_1009 = vector.broadcast %lt3A_1008 : i32 to vector<16xi32>
        %lt3A_1010 = arith.cmpi slt, %broadcast_in_dim3A_1007, %lt3A_1009 : vector<16xi32>
        %add3A_1011 = arith.constant 16 : i32
        %add3A_1012 = vector.broadcast %add3A_1011 : i32 to vector<16xi32>
        %add3A_1013 = arith.addi %broadcast_in_dim3A_1007, %add3A_1012 : vector<16xi32>
        %select_n3A_1014 = arith.select %lt3A_1010, %add3A_1013, %broadcast_in_dim3A_1007 : vector<16xi1>, vector<16xi32>
        %broadcast_in_dim3A_1015 = vector.shape_cast %select_n3A_1014 : vector<16xi32> to vector<16x1xi32>
        %gather3A_1016 = vector.shape_cast %broadcast_in_dim3A_1015 : vector<16x1xi32> to vector<16xi32>
        %gather3A_1017 = tpu.dynamic_gather %exp3A_844[%gather3A_1016] in [0] : vector<16xf32>, vector<16xi32> -> vector<16xf32>
        %get3A_1018 = arith.constant 6 : i32
        %get3A_1019 = arith.index_cast %add3A_830 : i32 to index
        %get3A_1020 = arith.index_cast %get3A_1018 : i32 to index
        %get3A_1021 = arith.constant 0 : index
        %get3A_1022 = tpu.vector_load %arg14[%get3A_1019, %get3A_1020, %get3A_1021] {strides = array<i32>} : memref<40x8x16xf32, #tpu.memory_space<vmem>>, vector<1x1x16xf32>,
        %get3A_1023 = vector.shape_cast %get3A_1022 : vector<1x1x16xf32> to vector<16xf32>
        %mul3A_1024 = arith.mulf %get3A_1023, %gather3A_1017 : vector<16xf32>
        %swap3A_1025 = arith.constant 6 : i32
        %swap3A_1026 = arith.index_cast %add3A_830 : i32 to index
        %swap3A_1027 = arith.index_cast %swap3A_1025 : i32 to index
        %swap3A_1028 = arith.constant 0 : index
        %swap3A_1029 = tpu.vector_load %arg14[%swap3A_1026, %swap3A_1027, %swap3A_1028] {strides = array<i32>} : memref<40x8x16xf32, #tpu.memory_space<vmem>>, vector<1x1x16xf32>,
        %swap3A_1030 = vector.shape_cast %swap3A_1029 : vector<1x1x16xf32> to vector<16xf32>
        %swap3A_1031 = vector.shape_cast %mul3A_1024 : vector<16xf32> to vector<1x1x16xf32>
        tpu.vector_store %arg14[%swap3A_1026, %swap3A_1027, %swap3A_1028], %swap3A_1031 {strides = array<i32>} : memref<40x8x16xf32, #tpu.memory_space<vmem>>, vector<1x1x16xf32>,
        %broadcast_in_dim3A_1032 = arith.constant 7 : i32
        %broadcast_in_dim3A_1033 = vector.broadcast %broadcast_in_dim3A_1032 : i32 to vector<16xi32>
        %lt3A_1034 = arith.constant 0 : i32
        %lt3A_1035 = vector.broadcast %lt3A_1034 : i32 to vector<16xi32>
        %lt3A_1036 = arith.cmpi slt, %broadcast_in_dim3A_1033, %lt3A_1035 : vector<16xi32>
        %add3A_1037 = arith.constant 16 : i32
        %add3A_1038 = vector.broadcast %add3A_1037 : i32 to vector<16xi32>
        %add3A_1039 = arith.addi %broadcast_in_dim3A_1033, %add3A_1038 : vector<16xi32>
        %select_n3A_1040 = arith.select %lt3A_1036, %add3A_1039, %broadcast_in_dim3A_1033 : vector<16xi1>, vector<16xi32>
        %broadcast_in_dim3A_1041 = vector.shape_cast %select_n3A_1040 : vector<16xi32> to vector<16x1xi32>
        %gather3A_1042 = vector.shape_cast %broadcast_in_dim3A_1041 : vector<16x1xi32> to vector<16xi32>
        %gather3A_1043 = tpu.dynamic_gather %exp3A_844[%gather3A_1042] in [0] : vector<16xf32>, vector<16xi32> -> vector<16xf32>
        %get3A_1044 = arith.constant 7 : i32
        %get3A_1045 = arith.index_cast %add3A_830 : i32 to index
        %get3A_1046 = arith.index_cast %get3A_1044 : i32 to index
        %get3A_1047 = arith.constant 0 : index
        %get3A_1048 = tpu.vector_load %arg14[%get3A_1045, %get3A_1046, %get3A_1047] {strides = array<i32>} : memref<40x8x16xf32, #tpu.memory_space<vmem>>, vector<1x1x16xf32>,
        %get3A_1049 = vector.shape_cast %get3A_1048 : vector<1x1x16xf32> to vector<16xf32>
        %mul3A_1050 = arith.mulf %get3A_1049, %gather3A_1043 : vector<16xf32>
        %swap3A_1051 = arith.constant 7 : i32
        %swap3A_1052 = arith.index_cast %add3A_830 : i32 to index
        %swap3A_1053 = arith.index_cast %swap3A_1051 : i32 to index
        %swap3A_1054 = arith.constant 0 : index
        %swap3A_1055 = tpu.vector_load %arg14[%swap3A_1052, %swap3A_1053, %swap3A_1054] {strides = array<i32>} : memref<40x8x16xf32, #tpu.memory_space<vmem>>, vector<1x1x16xf32>,
        %swap3A_1056 = vector.shape_cast %swap3A_1055 : vector<1x1x16xf32> to vector<16xf32>
        %swap3A_1057 = vector.shape_cast %mul3A_1050 : vector<16xf32> to vector<1x1x16xf32>
        tpu.vector_store %arg14[%swap3A_1052, %swap3A_1053, %swap3A_1054], %swap3A_1057 {strides = array<i32>} : memref<40x8x16xf32, #tpu.memory_space<vmem>>, vector<1x1x16xf32>,
      }
      %scan3A_133 = arith.constant 40 : i32
      "tpu.region"() ({
        %run_scoped3A = tpu.sem_alloc : memref<!tpu.dma_semaphore, #tpu.memory_space<semaphore_mem>>
        %dma_start3A_134 = arith.constant 0 : i32
        %dma_start3A_135 = tpu.memref_slice %arg12[%add3A_128, %dma_start3A_134] : memref<250x40xi32, #tpu.memory_space<vmem>> -> memref<1x40xi32, #tpu.memory_space<vmem>>
        %dma_start3A_136 = tpu.memref_squeeze %dma_start3A_135 : memref<1x40xi32, #tpu.memory_space<vmem>> -> memref<40xi32, #tpu.memory_space<vmem>>
        %dma_start3A_137 = arith.constant 0 : i32
        %dma_start3A_138 = arith.constant 0 : i32
        %dma_start3A_139 = arith.constant 0 : i32
        %dma_start3A_140 = tpu.memref_slice %arg24[%dma_start3A_137, %dma_start3A_138, %dma_start3A_139] : memref<10000x8x16xf32, #tpu.memory_space<vmem_shared>> -> memref<10000x8x16xf32, #tpu.memory_space<vmem_shared>>
        tpu.enqueue_indirect_dma source(%arg14 : memref<40x8x16xf32, #tpu.memory_space<vmem>>) target(%dma_start3A_140 : memref<10000x8x16xf32, #tpu.memory_space<vmem_shared>>) offsets(%dma_start3A_136 : memref<40xi32, #tpu.memory_space<vmem>>) semaphore(%run_scoped3A : memref<!tpu.dma_semaphore, #tpu.memory_space<semaphore_mem>>) {add = true}
        %dma_wait3A_141 = arith.constant 0 : i32
        %dma_wait3A_142 = tpu.memref_slice %arg12[%add3A_128, %dma_wait3A_141] : memref<250x40xi32, #tpu.memory_space<vmem>> -> memref<1x40xi32, #tpu.memory_space<vmem>>
        %dma_wait3A_143 = tpu.memref_squeeze %dma_wait3A_142 : memref<1x40xi32, #tpu.memory_space<vmem>> -> memref<40xi32, #tpu.memory_space<vmem>>
        %dma_wait3A_144 = arith.constant 0 : i32
        %dma_wait3A_145 = arith.constant 0 : i32
        %dma_wait3A_146 = arith.constant 0 : i32
        %dma_wait3A_147 = tpu.memref_slice %arg24[%dma_wait3A_144, %dma_wait3A_145, %dma_wait3A_146] : memref<10000x8x16xf32, #tpu.memory_space<vmem_shared>> -> memref<10000x8x16xf32, #tpu.memory_space<vmem_shared>>
        tpu.wait_indirect_dma semaphore(%run_scoped3A : memref<!tpu.dma_semaphore, #tpu.memory_space<semaphore_mem>>) src(%arg14 : memref<40x8x16xf32, #tpu.memory_space<vmem>>) dst(%dma_wait3A_147 : memref<10000x8x16xf32, #tpu.memory_space<vmem_shared>>)
        tpu.yield
      }) : () -> ()
      "tpu.region"() ({
        %run_scoped3A = tpu.sem_alloc : memref<!tpu.dma_semaphore, #tpu.memory_space<semaphore_mem>>
        %dma_start3A_134 = arith.constant 0 : i32
        %dma_start3A_135 = tpu.memref_slice %arg12[%add3A_128, %dma_start3A_134] : memref<250x40xi32, #tpu.memory_space<vmem>> -> memref<1x40xi32, #tpu.memory_space<vmem>>
        %dma_start3A_136 = tpu.memref_squeeze %dma_start3A_135 : memref<1x40xi32, #tpu.memory_space<vmem>> -> memref<40xi32, #tpu.memory_space<vmem>>
        %dma_start3A_137 = arith.constant 0 : i32
        %dma_start3A_138 = arith.constant 0 : i32
        %dma_start3A_139 = tpu.memref_slice %arg25[%dma_start3A_137, %dma_start3A_138] : memref<10000x16xf32, #tpu.memory_space<vmem_shared>> -> memref<10000x16xf32, #tpu.memory_space<vmem_shared>>
        tpu.enqueue_indirect_dma source(%arg19 : memref<40x16xf32, #tpu.memory_space<vmem>>) target(%dma_start3A_139 : memref<10000x16xf32, #tpu.memory_space<vmem_shared>>) offsets(%dma_start3A_136 : memref<40xi32, #tpu.memory_space<vmem>>) semaphore(%run_scoped3A : memref<!tpu.dma_semaphore, #tpu.memory_space<semaphore_mem>>) {add = true}
        %dma_wait3A_140 = arith.constant 0 : i32
        %dma_wait3A_141 = tpu.memref_slice %arg12[%add3A_128, %dma_wait3A_140] : memref<250x40xi32, #tpu.memory_space<vmem>> -> memref<1x40xi32, #tpu.memory_space<vmem>>
        %dma_wait3A_142 = tpu.memref_squeeze %dma_wait3A_141 : memref<1x40xi32, #tpu.memory_space<vmem>> -> memref<40xi32, #tpu.memory_space<vmem>>
        %dma_wait3A_143 = arith.constant 0 : i32
        %dma_wait3A_144 = arith.constant 0 : i32
        %dma_wait3A_145 = tpu.memref_slice %arg25[%dma_wait3A_143, %dma_wait3A_144] : memref<10000x16xf32, #tpu.memory_space<vmem_shared>> -> memref<10000x16xf32, #tpu.memory_space<vmem_shared>>
        tpu.wait_indirect_dma semaphore(%run_scoped3A : memref<!tpu.dma_semaphore, #tpu.memory_space<semaphore_mem>>) src(%arg19 : memref<40x16xf32, #tpu.memory_space<vmem>>) dst(%dma_wait3A_145 : memref<10000x16xf32, #tpu.memory_space<vmem_shared>>)
        tpu.yield
      }) : () -> ()
    }
    %scan3A_31 = arith.constant 125 : i32
    %barrier3A_32 = arith.constant 0 : index
    tpu.barrier barrier_id(%barrier3A_32)
    %lt3A = arith.constant 15 : i32
    %lt3A_33 = arith.cmpi slt, %arg1, %lt3A : i32
    %convert_element_type3A_34 = arith.extui %lt3A_33 : i1 to i32
    %cond3A_35 = arith.constant 0 : i32
    %cond3A_36 = arith.cmpi ne, %convert_element_type3A_34, %cond3A_35 : i32
    scf.if %cond3A_36 {
      %mul3A_42 = arith.constant 624 : i32
      %mul3A_43 = arith.muli %arg1, %mul3A_42 : i32
      %mul3A_44 = arith.constant 624 : i32
      %mul3A_45 = arith.muli %arg1, %mul3A_44 : i32
      "tpu.region"() ({
        %run_scoped3A = tpu.sem_alloc : memref<!tpu.dma_semaphore, #tpu.memory_space<semaphore_mem>>
        %dma_start3A_50 = arith.constant 0 : i32
        %dma_start3A_51 = arith.constant 0 : i32
        %dma_start3A_52 = tpu.memref_slice %arg9[%arg0, %mul3A_45, %dma_start3A_50, %dma_start3A_51] : memref<2x10000x8x16xf32, #tpu.memory_space<hbm>> -> memref<1x624x8x16xf32, #tpu.memory_space<hbm>>
        %dma_start3A_53 = tpu.memref_squeeze %dma_start3A_52 : memref<1x624x8x16xf32, #tpu.memory_space<hbm>> -> memref<624x8x16xf32, #tpu.memory_space<hbm>>
        %dma_start3A_54 = arith.constant 0 : i32
        %dma_start3A_55 = arith.constant 0 : i32
        %dma_start3A_56 = tpu.memref_slice %arg24[%mul3A_43, %dma_start3A_54, %dma_start3A_55] : memref<10000x8x16xf32, #tpu.memory_space<vmem_shared>> -> memref<624x8x16xf32, #tpu.memory_space<vmem_shared>>
        tpu.enqueue_dma source(%dma_start3A_56 : memref<624x8x16xf32, #tpu.memory_space<vmem_shared>>) target(%dma_start3A_53 : memref<624x8x16xf32, #tpu.memory_space<hbm>>) target_semaphore(%run_scoped3A : memref<!tpu.dma_semaphore, #tpu.memory_space<semaphore_mem>>)
        %dma_wait3A = arith.constant 0 : i32
        %dma_wait3A_57 = arith.constant 0 : i32
        %dma_wait3A_58 = tpu.memref_slice %arg9[%arg0, %mul3A_45, %dma_wait3A, %dma_wait3A_57] : memref<2x10000x8x16xf32, #tpu.memory_space<hbm>> -> memref<1x624x8x16xf32, #tpu.memory_space<hbm>>
        %dma_wait3A_59 = tpu.memref_squeeze %dma_wait3A_58 : memref<1x624x8x16xf32, #tpu.memory_space<hbm>> -> memref<624x8x16xf32, #tpu.memory_space<hbm>>
        %dma_wait3A_60 = arith.constant 0 : i32
        %dma_wait3A_61 = arith.constant 0 : i32
        %dma_wait3A_62 = tpu.memref_slice %arg24[%mul3A_43, %dma_wait3A_60, %dma_wait3A_61] : memref<10000x8x16xf32, #tpu.memory_space<vmem_shared>> -> memref<624x8x16xf32, #tpu.memory_space<vmem_shared>>
        tpu.wait_dma2 semaphore(%run_scoped3A : memref<!tpu.dma_semaphore, #tpu.memory_space<semaphore_mem>>) src(%dma_wait3A_62 : memref<624x8x16xf32, #tpu.memory_space<vmem_shared>>) dst(%dma_wait3A_59 : memref<624x8x16xf32, #tpu.memory_space<hbm>>)
        tpu.yield
      }) : () -> ()
      %mul3A_46 = arith.constant 624 : i32
      %mul3A_47 = arith.muli %arg1, %mul3A_46 : i32
      %mul3A_48 = arith.constant 624 : i32
      %mul3A_49 = arith.muli %arg1, %mul3A_48 : i32
      "tpu.region"() ({
        %run_scoped3A = tpu.sem_alloc : memref<!tpu.dma_semaphore, #tpu.memory_space<semaphore_mem>>
        %dma_start3A_50 = arith.constant 0 : i32
        %dma_start3A_51 = tpu.memref_slice %arg10[%arg0, %mul3A_49, %dma_start3A_50] : memref<2x10000x16xf32, #tpu.memory_space<hbm>> -> memref<1x624x16xf32, #tpu.memory_space<hbm>>
        %dma_start3A_52 = tpu.memref_squeeze %dma_start3A_51 : memref<1x624x16xf32, #tpu.memory_space<hbm>> -> memref<624x16xf32, #tpu.memory_space<hbm>>
        %dma_start3A_53 = arith.constant 0 : i32
        %dma_start3A_54 = tpu.memref_slice %arg25[%mul3A_47, %dma_start3A_53] : memref<10000x16xf32, #tpu.memory_space<vmem_shared>> -> memref<624x16xf32, #tpu.memory_space<vmem_shared>>
        tpu.enqueue_dma source(%dma_start3A_54 : memref<624x16xf32, #tpu.memory_space<vmem_shared>>) target(%dma_start3A_52 : memref<624x16xf32, #tpu.memory_space<hbm>>) target_semaphore(%run_scoped3A : memref<!tpu.dma_semaphore, #tpu.memory_space<semaphore_mem>>)
        %dma_wait3A = arith.constant 0 : i32
        %dma_wait3A_55 = tpu.memref_slice %arg10[%arg0, %mul3A_49, %dma_wait3A] : memref<2x10000x16xf32, #tpu.memory_space<hbm>> -> memref<1x624x16xf32, #tpu.memory_space<hbm>>
        %dma_wait3A_56 = tpu.memref_squeeze %dma_wait3A_55 : memref<1x624x16xf32, #tpu.memory_space<hbm>> -> memref<624x16xf32, #tpu.memory_space<hbm>>
        %dma_wait3A_57 = arith.constant 0 : i32
        %dma_wait3A_58 = tpu.memref_slice %arg25[%mul3A_47, %dma_wait3A_57] : memref<10000x16xf32, #tpu.memory_space<vmem_shared>> -> memref<624x16xf32, #tpu.memory_space<vmem_shared>>
        tpu.wait_dma2 semaphore(%run_scoped3A : memref<!tpu.dma_semaphore, #tpu.memory_space<semaphore_mem>>) src(%dma_wait3A_58 : memref<624x16xf32, #tpu.memory_space<vmem_shared>>) dst(%dma_wait3A_56 : memref<624x16xf32, #tpu.memory_space<hbm>>)
        tpu.yield
      }) : () -> ()
    } else {
    }
    %eq3A_37 = arith.constant 15 : i32
    %eq3A_38 = arith.cmpi eq, %arg1, %eq3A_37 : i32
    %convert_element_type3A_39 = arith.extui %eq3A_38 : i1 to i32
    %cond3A_40 = arith.constant 0 : i32
    %cond3A_41 = arith.cmpi ne, %convert_element_type3A_39, %cond3A_40 : i32
    scf.if %cond3A_41 {
      "tpu.region"() ({
        %run_scoped3A = tpu.sem_alloc : memref<!tpu.dma_semaphore, #tpu.memory_space<semaphore_mem>>
        %dma_start3A_42 = arith.constant 9360 : i32
        %dma_start3A_43 = arith.constant 0 : i32
        %dma_start3A_44 = arith.constant 0 : i32
        %dma_start3A_45 = tpu.memref_slice %arg9[%arg0, %dma_start3A_42, %dma_start3A_43, %dma_start3A_44] : memref<2x10000x8x16xf32, #tpu.memory_space<hbm>> -> memref<1x640x8x16xf32, #tpu.memory_space<hbm>>
        %dma_start3A_46 = tpu.memref_squeeze %dma_start3A_45 : memref<1x640x8x16xf32, #tpu.memory_space<hbm>> -> memref<640x8x16xf32, #tpu.memory_space<hbm>>
        %dma_start3A_47 = arith.constant 9360 : i32
        %dma_start3A_48 = arith.constant 0 : i32
        %dma_start3A_49 = arith.constant 0 : i32
        %dma_start3A_50 = tpu.memref_slice %arg24[%dma_start3A_47, %dma_start3A_48, %dma_start3A_49] : memref<10000x8x16xf32, #tpu.memory_space<vmem_shared>> -> memref<640x8x16xf32, #tpu.memory_space<vmem_shared>>
        tpu.enqueue_dma source(%dma_start3A_50 : memref<640x8x16xf32, #tpu.memory_space<vmem_shared>>) target(%dma_start3A_46 : memref<640x8x16xf32, #tpu.memory_space<hbm>>) target_semaphore(%run_scoped3A : memref<!tpu.dma_semaphore, #tpu.memory_space<semaphore_mem>>)
        %dma_wait3A = arith.constant 9360 : i32
        %dma_wait3A_51 = arith.constant 0 : i32
        %dma_wait3A_52 = arith.constant 0 : i32
        %dma_wait3A_53 = tpu.memref_slice %arg9[%arg0, %dma_wait3A, %dma_wait3A_51, %dma_wait3A_52] : memref<2x10000x8x16xf32, #tpu.memory_space<hbm>> -> memref<1x640x8x16xf32, #tpu.memory_space<hbm>>
        %dma_wait3A_54 = tpu.memref_squeeze %dma_wait3A_53 : memref<1x640x8x16xf32, #tpu.memory_space<hbm>> -> memref<640x8x16xf32, #tpu.memory_space<hbm>>
        %dma_wait3A_55 = arith.constant 9360 : i32
        %dma_wait3A_56 = arith.constant 0 : i32
        %dma_wait3A_57 = arith.constant 0 : i32
        %dma_wait3A_58 = tpu.memref_slice %arg24[%dma_wait3A_55, %dma_wait3A_56, %dma_wait3A_57] : memref<10000x8x16xf32, #tpu.memory_space<vmem_shared>> -> memref<640x8x16xf32, #tpu.memory_space<vmem_shared>>
        tpu.wait_dma2 semaphore(%run_scoped3A : memref<!tpu.dma_semaphore, #tpu.memory_space<semaphore_mem>>) src(%dma_wait3A_58 : memref<640x8x16xf32, #tpu.memory_space<vmem_shared>>) dst(%dma_wait3A_54 : memref<640x8x16xf32, #tpu.memory_space<hbm>>)
        tpu.yield
      }) : () -> ()
      "tpu.region"() ({
        %run_scoped3A = tpu.sem_alloc : memref<!tpu.dma_semaphore, #tpu.memory_space<semaphore_mem>>
        %dma_start3A_42 = arith.constant 9360 : i32
        %dma_start3A_43 = arith.constant 0 : i32
        %dma_start3A_44 = tpu.memref_slice %arg10[%arg0, %dma_start3A_42, %dma_start3A_43] : memref<2x10000x16xf32, #tpu.memory_space<hbm>> -> memref<1x640x16xf32, #tpu.memory_space<hbm>>
        %dma_start3A_45 = tpu.memref_squeeze %dma_start3A_44 : memref<1x640x16xf32, #tpu.memory_space<hbm>> -> memref<640x16xf32, #tpu.memory_space<hbm>>
        %dma_start3A_46 = arith.constant 9360 : i32
        %dma_start3A_47 = arith.constant 0 : i32
        %dma_start3A_48 = tpu.memref_slice %arg25[%dma_start3A_46, %dma_start3A_47] : memref<10000x16xf32, #tpu.memory_space<vmem_shared>> -> memref<640x16xf32, #tpu.memory_space<vmem_shared>>
        tpu.enqueue_dma source(%dma_start3A_48 : memref<640x16xf32, #tpu.memory_space<vmem_shared>>) target(%dma_start3A_45 : memref<640x16xf32, #tpu.memory_space<hbm>>) target_semaphore(%run_scoped3A : memref<!tpu.dma_semaphore, #tpu.memory_space<semaphore_mem>>)
        %dma_wait3A = arith.constant 9360 : i32
        %dma_wait3A_49 = arith.constant 0 : i32
        %dma_wait3A_50 = tpu.memref_slice %arg10[%arg0, %dma_wait3A, %dma_wait3A_49] : memref<2x10000x16xf32, #tpu.memory_space<hbm>> -> memref<1x640x16xf32, #tpu.memory_space<hbm>>
        %dma_wait3A_51 = tpu.memref_squeeze %dma_wait3A_50 : memref<1x640x16xf32, #tpu.memory_space<hbm>> -> memref<640x16xf32, #tpu.memory_space<hbm>>
        %dma_wait3A_52 = arith.constant 9360 : i32
        %dma_wait3A_53 = arith.constant 0 : i32
        %dma_wait3A_54 = tpu.memref_slice %arg25[%dma_wait3A_52, %dma_wait3A_53] : memref<10000x16xf32, #tpu.memory_space<vmem_shared>> -> memref<640x16xf32, #tpu.memory_space<vmem_shared>>
        tpu.wait_dma2 semaphore(%run_scoped3A : memref<!tpu.dma_semaphore, #tpu.memory_space<semaphore_mem>>) src(%dma_wait3A_54 : memref<640x16xf32, #tpu.memory_space<vmem_shared>>) dst(%dma_wait3A_51 : memref<640x16xf32, #tpu.memory_space<hbm>>)
        tpu.yield
      }) : () -> ()
    } else {
    }
    return
  }
}

#map = affine_map<(d0, d1) -> (0, 0, 0)>
#map1 = affine_map<(d0, d1) -> (0)>
#map2 = affine_map<(d0, d1) -> (0, 0)>
#map3 = affine_map<(d0, d1) -> (0, 0, 0, 0)>
module attributes {stable_mosaic.version = 14 : i64} {
  func.func @_sc2_body(%arg0: i32, %arg1: i32, %arg2: memref<10000x3x16xf32, #tpu.memory_space<hbm>>, %arg3: memref<10000xf32, #tpu.memory_space<hbm>>, %arg4: memref<10000xf32, #tpu.memory_space<hbm>>, %arg5: memref<2500x128xi32, #tpu.memory_space<hbm>>, %arg6: memref<2500x128xi32, #tpu.memory_space<hbm>>, %arg7: memref<10000x3x16xf32, #tpu.memory_space<hbm>>, %arg8: memref<10000x16xf32, #tpu.memory_space<hbm>>, %arg9: memref<2x10000x3x16xf32, #tpu.memory_space<hbm>>, %arg10: memref<2x10000x16xf32, #tpu.memory_space<hbm>>, %arg11: memref<78x128xi32, #tpu.memory_space<vmem>>, %arg12: memref<78x128xi32, #tpu.memory_space<vmem>>, %arg13: memref<128xi32, #tpu.memory_space<vmem>>, %arg14: memref<128xi32, #tpu.memory_space<vmem>>, %arg15: memref<128x3x16xf32, #tpu.memory_space<vmem>>, %arg16: memref<128x3x16xf32, #tpu.memory_space<vmem>>, %arg17: memref<128xf32, #tpu.memory_space<vmem>>, %arg18: memref<128xf32, #tpu.memory_space<vmem>>, %arg19: memref<128xf32, #tpu.memory_space<vmem>>, %arg20: memref<128xf32, #tpu.memory_space<vmem>>, %arg21: memref<8x16xf32, #tpu.memory_space<vmem>>, %arg22: memref<128x16xf32, #tpu.memory_space<vmem>>, %arg23: memref<!tpu.dma_semaphore, #tpu.memory_space<semaphore_mem>>, %arg24: memref<!tpu.dma_semaphore, #tpu.memory_space<semaphore_mem>>, %arg25: memref<!tpu.dma_semaphore, #tpu.memory_space<semaphore_mem>>, %arg26: memref<!tpu.dma_semaphore, #tpu.memory_space<semaphore_mem>>, %arg27: memref<10000x3x16xf32, #tpu.memory_space<vmem_shared>>, %arg28: memref<10000x16xf32, #tpu.memory_space<vmem_shared>>) attributes {dimension_semantics = [#tpu.dimension_semantics<core_parallel>, #tpu.dimension_semantics<subcore_parallel>], iteration_bounds = array<i64: 2, 16>, scalar_prefetch = 0 : i64, scratch_operands = 18 : i64, tpu.core_type = #tpu.core_type<sc_vector_subcore>, window_params = [{transform_indices = #map}, {transform_indices = #map1}, {transform_indices = #map1}, {transform_indices = #map2}, {transform_indices = #map2}, {transform_indices = #map}, {transform_indices = #map2}, {transform_indices = #map3}, {transform_indices = #map}]} {
    %mul3A = arith.constant 16 : i32
    %mul3A_0 = arith.muli %arg0, %mul3A : i32
    %add3A = arith.addi %mul3A_0, %arg1 : i32
    %eq3A = arith.constant 0 : i32
    %eq3A_1 = arith.cmpi eq, %arg1, %eq3A : i32
    %convert_element_type3A = arith.extui %eq3A_1 : i1 to i32
    %cond3A = arith.constant 0 : i32
    %cond3A_2 = arith.cmpi ne, %convert_element_type3A, %cond3A : i32
    scf.if %cond3A_2 {
      "tpu.region"() ({
        %run_scoped3A = tpu.sem_alloc : memref<!tpu.dma_semaphore, #tpu.memory_space<semaphore_mem>>
        tpu.enqueue_dma source(%arg7 : memref<10000x3x16xf32, #tpu.memory_space<hbm>>) target(%arg27 : memref<10000x3x16xf32, #tpu.memory_space<vmem_shared>>) target_semaphore(%run_scoped3A : memref<!tpu.dma_semaphore, #tpu.memory_space<semaphore_mem>>)
        tpu.wait_dma2 semaphore(%run_scoped3A : memref<!tpu.dma_semaphore, #tpu.memory_space<semaphore_mem>>) src(%arg7 : memref<10000x3x16xf32, #tpu.memory_space<hbm>>) dst(%arg27 : memref<10000x3x16xf32, #tpu.memory_space<vmem_shared>>)
        tpu.yield
      }) : () -> ()
      "tpu.region"() ({
        %run_scoped3A = tpu.sem_alloc : memref<!tpu.dma_semaphore, #tpu.memory_space<semaphore_mem>>
        tpu.enqueue_dma source(%arg8 : memref<10000x16xf32, #tpu.memory_space<hbm>>) target(%arg28 : memref<10000x16xf32, #tpu.memory_space<vmem_shared>>) target_semaphore(%run_scoped3A : memref<!tpu.dma_semaphore, #tpu.memory_space<semaphore_mem>>)
        tpu.wait_dma2 semaphore(%run_scoped3A : memref<!tpu.dma_semaphore, #tpu.memory_space<semaphore_mem>>) src(%arg8 : memref<10000x16xf32, #tpu.memory_space<hbm>>) dst(%arg28 : memref<10000x16xf32, #tpu.memory_space<vmem_shared>>)
        tpu.yield
      }) : () -> ()
    } else {
    }
    %barrier3A = arith.constant 0 : index
    tpu.barrier barrier_id(%barrier3A)
    %mul3A_3 = arith.constant 78 : i32
    %mul3A_4 = arith.muli %add3A, %mul3A_3 : i32
    "tpu.region"() ({
      %run_scoped3A = tpu.sem_alloc : memref<!tpu.dma_semaphore, #tpu.memory_space<semaphore_mem>>
      %dma_start3A_60 = arith.constant 0 : i32
      %dma_start3A_61 = tpu.memref_slice %arg5[%mul3A_4, %dma_start3A_60] : memref<2500x128xi32, #tpu.memory_space<hbm>> -> memref<78x128xi32, #tpu.memory_space<hbm>>
      %dma_start3A_62 = arith.constant 0 : i32
      %dma_start3A_63 = tpu.memref_slice %arg5[%mul3A_4, %dma_start3A_62] : memref<2500x128xi32, #tpu.memory_space<hbm>> -> memref<78x128xi32, #tpu.memory_space<hbm>>
      tpu.enqueue_dma source(%dma_start3A_63 : memref<78x128xi32, #tpu.memory_space<hbm>>) target(%arg11 : memref<78x128xi32, #tpu.memory_space<vmem>>) target_semaphore(%run_scoped3A : memref<!tpu.dma_semaphore, #tpu.memory_space<semaphore_mem>>)
      %dma_wait3A = arith.constant 0 : i32
      %dma_wait3A_64 = tpu.memref_slice %arg5[%mul3A_4, %dma_wait3A] : memref<2500x128xi32, #tpu.memory_space<hbm>> -> memref<78x128xi32, #tpu.memory_space<hbm>>
      %dma_wait3A_65 = arith.constant 0 : i32
      %dma_wait3A_66 = tpu.memref_slice %arg5[%mul3A_4, %dma_wait3A_65] : memref<2500x128xi32, #tpu.memory_space<hbm>> -> memref<78x128xi32, #tpu.memory_space<hbm>>
      tpu.wait_dma2 semaphore(%run_scoped3A : memref<!tpu.dma_semaphore, #tpu.memory_space<semaphore_mem>>) src(%dma_wait3A_66 : memref<78x128xi32, #tpu.memory_space<hbm>>) dst(%arg11 : memref<78x128xi32, #tpu.memory_space<vmem>>)
      tpu.yield
    }) : () -> ()
    %mul3A_5 = arith.constant 78 : i32
    %mul3A_6 = arith.muli %add3A, %mul3A_5 : i32
    "tpu.region"() ({
      %run_scoped3A = tpu.sem_alloc : memref<!tpu.dma_semaphore, #tpu.memory_space<semaphore_mem>>
      %dma_start3A_60 = arith.constant 0 : i32
      %dma_start3A_61 = tpu.memref_slice %arg6[%mul3A_6, %dma_start3A_60] : memref<2500x128xi32, #tpu.memory_space<hbm>> -> memref<78x128xi32, #tpu.memory_space<hbm>>
      %dma_start3A_62 = arith.constant 0 : i32
      %dma_start3A_63 = tpu.memref_slice %arg6[%mul3A_6, %dma_start3A_62] : memref<2500x128xi32, #tpu.memory_space<hbm>> -> memref<78x128xi32, #tpu.memory_space<hbm>>
      tpu.enqueue_dma source(%dma_start3A_63 : memref<78x128xi32, #tpu.memory_space<hbm>>) target(%arg12 : memref<78x128xi32, #tpu.memory_space<vmem>>) target_semaphore(%run_scoped3A : memref<!tpu.dma_semaphore, #tpu.memory_space<semaphore_mem>>)
      %dma_wait3A = arith.constant 0 : i32
      %dma_wait3A_64 = tpu.memref_slice %arg6[%mul3A_6, %dma_wait3A] : memref<2500x128xi32, #tpu.memory_space<hbm>> -> memref<78x128xi32, #tpu.memory_space<hbm>>
      %dma_wait3A_65 = arith.constant 0 : i32
      %dma_wait3A_66 = tpu.memref_slice %arg6[%mul3A_6, %dma_wait3A_65] : memref<2500x128xi32, #tpu.memory_space<hbm>> -> memref<78x128xi32, #tpu.memory_space<hbm>>
      tpu.wait_dma2 semaphore(%run_scoped3A : memref<!tpu.dma_semaphore, #tpu.memory_space<semaphore_mem>>) src(%dma_wait3A_66 : memref<78x128xi32, #tpu.memory_space<hbm>>) dst(%arg12 : memref<78x128xi32, #tpu.memory_space<vmem>>)
      tpu.yield
    }) : () -> ()
    %lt3A = arith.constant 4 : i32
    %lt3A_7 = arith.cmpi slt, %add3A, %lt3A : i32
    %convert_element_type3A_8 = arith.extui %lt3A_7 : i1 to i32
    %cond3A_9 = arith.constant 0 : i32
    %cond3A_10 = arith.cmpi ne, %convert_element_type3A_8, %cond3A_9 : i32
    scf.if %cond3A_10 {
      %add3A_60 = arith.constant 2496 : i32
      %add3A_61 = arith.addi %add3A_60, %add3A : i32
      "tpu.region"() ({
        %run_scoped3A = tpu.sem_alloc : memref<!tpu.dma_semaphore, #tpu.memory_space<semaphore_mem>>
        %dma_start3A_64 = arith.constant 0 : i32
        %dma_start3A_65 = tpu.memref_slice %arg5[%add3A_61, %dma_start3A_64] : memref<2500x128xi32, #tpu.memory_space<hbm>> -> memref<1x128xi32, #tpu.memory_space<hbm>>
        %dma_start3A_66 = tpu.memref_squeeze %dma_start3A_65 : memref<1x128xi32, #tpu.memory_space<hbm>> -> memref<128xi32, #tpu.memory_space<hbm>>
        %dma_start3A_67 = arith.constant 0 : i32
        %dma_start3A_68 = tpu.memref_slice %arg5[%add3A_61, %dma_start3A_67] : memref<2500x128xi32, #tpu.memory_space<hbm>> -> memref<1x128xi32, #tpu.memory_space<hbm>>
        %dma_start3A_69 = tpu.memref_squeeze %dma_start3A_68 : memref<1x128xi32, #tpu.memory_space<hbm>> -> memref<128xi32, #tpu.memory_space<hbm>>
        tpu.enqueue_dma source(%dma_start3A_69 : memref<128xi32, #tpu.memory_space<hbm>>) target(%arg13 : memref<128xi32, #tpu.memory_space<vmem>>) target_semaphore(%run_scoped3A : memref<!tpu.dma_semaphore, #tpu.memory_space<semaphore_mem>>)
        %dma_wait3A = arith.constant 0 : i32
        %dma_wait3A_70 = tpu.memref_slice %arg5[%add3A_61, %dma_wait3A] : memref<2500x128xi32, #tpu.memory_space<hbm>> -> memref<1x128xi32, #tpu.memory_space<hbm>>
        %dma_wait3A_71 = tpu.memref_squeeze %dma_wait3A_70 : memref<1x128xi32, #tpu.memory_space<hbm>> -> memref<128xi32, #tpu.memory_space<hbm>>
        %dma_wait3A_72 = arith.constant 0 : i32
        %dma_wait3A_73 = tpu.memref_slice %arg5[%add3A_61, %dma_wait3A_72] : memref<2500x128xi32, #tpu.memory_space<hbm>> -> memref<1x128xi32, #tpu.memory_space<hbm>>
        %dma_wait3A_74 = tpu.memref_squeeze %dma_wait3A_73 : memref<1x128xi32, #tpu.memory_space<hbm>> -> memref<128xi32, #tpu.memory_space<hbm>>
        tpu.wait_dma2 semaphore(%run_scoped3A : memref<!tpu.dma_semaphore, #tpu.memory_space<semaphore_mem>>) src(%dma_wait3A_74 : memref<128xi32, #tpu.memory_space<hbm>>) dst(%arg13 : memref<128xi32, #tpu.memory_space<vmem>>)
        tpu.yield
      }) : () -> ()
      %add3A_62 = arith.constant 2496 : i32
      %add3A_63 = arith.addi %add3A_62, %add3A : i32
      "tpu.region"() ({
        %run_scoped3A = tpu.sem_alloc : memref<!tpu.dma_semaphore, #tpu.memory_space<semaphore_mem>>
        %dma_start3A_64 = arith.constant 0 : i32
        %dma_start3A_65 = tpu.memref_slice %arg6[%add3A_63, %dma_start3A_64] : memref<2500x128xi32, #tpu.memory_space<hbm>> -> memref<1x128xi32, #tpu.memory_space<hbm>>
        %dma_start3A_66 = tpu.memref_squeeze %dma_start3A_65 : memref<1x128xi32, #tpu.memory_space<hbm>> -> memref<128xi32, #tpu.memory_space<hbm>>
        %dma_start3A_67 = arith.constant 0 : i32
        %dma_start3A_68 = tpu.memref_slice %arg6[%add3A_63, %dma_start3A_67] : memref<2500x128xi32, #tpu.memory_space<hbm>> -> memref<1x128xi32, #tpu.memory_space<hbm>>
        %dma_start3A_69 = tpu.memref_squeeze %dma_start3A_68 : memref<1x128xi32, #tpu.memory_space<hbm>> -> memref<128xi32, #tpu.memory_space<hbm>>
        tpu.enqueue_dma source(%dma_start3A_69 : memref<128xi32, #tpu.memory_space<hbm>>) target(%arg14 : memref<128xi32, #tpu.memory_space<vmem>>) target_semaphore(%run_scoped3A : memref<!tpu.dma_semaphore, #tpu.memory_space<semaphore_mem>>)
        %dma_wait3A = arith.constant 0 : i32
        %dma_wait3A_70 = tpu.memref_slice %arg6[%add3A_63, %dma_wait3A] : memref<2500x128xi32, #tpu.memory_space<hbm>> -> memref<1x128xi32, #tpu.memory_space<hbm>>
        %dma_wait3A_71 = tpu.memref_squeeze %dma_wait3A_70 : memref<1x128xi32, #tpu.memory_space<hbm>> -> memref<128xi32, #tpu.memory_space<hbm>>
        %dma_wait3A_72 = arith.constant 0 : i32
        %dma_wait3A_73 = tpu.memref_slice %arg6[%add3A_63, %dma_wait3A_72] : memref<2500x128xi32, #tpu.memory_space<hbm>> -> memref<1x128xi32, #tpu.memory_space<hbm>>
        %dma_wait3A_74 = tpu.memref_squeeze %dma_wait3A_73 : memref<1x128xi32, #tpu.memory_space<hbm>> -> memref<128xi32, #tpu.memory_space<hbm>>
        tpu.wait_dma2 semaphore(%run_scoped3A : memref<!tpu.dma_semaphore, #tpu.memory_space<semaphore_mem>>) src(%dma_wait3A_74 : memref<128xi32, #tpu.memory_space<hbm>>) dst(%arg14 : memref<128xi32, #tpu.memory_space<vmem>>)
        tpu.yield
      }) : () -> ()
    } else {
    }
    %scan3A = arith.constant 0 : i32
    %scan3A_11 = arith.constant 128 : i32
    %scan3A_12 = arith.addi %scan3A, %scan3A_11 : i32
    %scan3A_13 = arith.constant 1 : i32
    scf.for %scan3A_60 = %scan3A to %scan3A_12 step %scan3A_13  : i32 {
      %mul3A_61 = arith.constant 1 : i32
      %mul3A_62 = arith.muli %scan3A_60, %mul3A_61 : i32
      %add3A_63 = arith.constant 0 : i32
      %add3A_64 = arith.addi %add3A_63, %mul3A_62 : i32
      %broadcast_in_dim3A_65 = arith.constant 0.000000e+00 : f32
      %broadcast_in_dim3A_66 = vector.broadcast %broadcast_in_dim3A_65 : f32 to vector<16xf32>
      %swap3A = arith.index_cast %add3A_64 : i32 to index
      %swap3A_67 = arith.constant 0 : index
      %swap3A_68 = tpu.vector_load %arg22[%swap3A, %swap3A_67] {strides = array<i32>} : memref<128x16xf32, #tpu.memory_space<vmem>>, vector<1x16xf32>,
      %swap3A_69 = vector.shape_cast %swap3A_68 : vector<1x16xf32> to vector<16xf32>
      %swap3A_70 = vector.shape_cast %broadcast_in_dim3A_66 : vector<16xf32> to vector<1x16xf32>
      tpu.vector_store %arg22[%swap3A, %swap3A_67], %swap3A_70 {strides = array<i32>} : memref<128x16xf32, #tpu.memory_space<vmem>>, vector<1x16xf32>,
    }
    %scan3A_14 = arith.constant 128 : i32
    %iota3A = tpu.iota {dimensions = array<i32: 0>} : vector<16xi32>
    %eq3A_15 = arith.constant 0 : i32
    %eq3A_16 = vector.broadcast %eq3A_15 : i32 to vector<16xi32>
    %eq3A_17 = arith.cmpi eq, %iota3A, %eq3A_16 : vector<16xi32>
    %jit3A = arith.constant 1.000000e+00 : f32
    %jit3A_18 = arith.constant 0.000000e+00 : f32
    %broadcast_in_dim3A = vector.broadcast %jit3A : f32 to vector<16xf32>
    %broadcast_in_dim3A_19 = vector.broadcast %jit3A_18 : f32 to vector<16xf32>
    %select_n3A = arith.select %eq3A_17, %broadcast_in_dim3A, %broadcast_in_dim3A_19 : vector<16xi1>, vector<16xf32>
    %dma_start3A = arith.constant 0 : i32
    %dma_start3A_20 = arith.constant 0 : i32
    %dma_start3A_21 = tpu.memref_slice %arg11[%dma_start3A, %dma_start3A_20] : memref<78x128xi32, #tpu.memory_space<vmem>> -> memref<1x128xi32, #tpu.memory_space<vmem>>
    %dma_start3A_22 = tpu.memref_squeeze %dma_start3A_21 : memref<1x128xi32, #tpu.memory_space<vmem>> -> memref<128xi32, #tpu.memory_space<vmem>>
    %dma_start3A_23 = arith.constant 0 : i32
    %dma_start3A_24 = arith.constant 0 : i32
    %dma_start3A_25 = arith.constant 0 : i32
    %dma_start3A_26 = tpu.memref_slice %arg2[%dma_start3A_23, %dma_start3A_24, %dma_start3A_25] : memref<10000x3x16xf32, #tpu.memory_space<hbm>> -> memref<10000x3x16xf32, #tpu.memory_space<hbm>>
    tpu.enqueue_indirect_dma source(%dma_start3A_26 : memref<10000x3x16xf32, #tpu.memory_space<hbm>>) target(%arg15 : memref<128x3x16xf32, #tpu.memory_space<vmem>>) offsets(%dma_start3A_22 : memref<128xi32, #tpu.memory_space<vmem>>) semaphore(%arg23 : memref<!tpu.dma_semaphore, #tpu.memory_space<semaphore_mem>>)
    %dma_start3A_27 = arith.constant 0 : i32
    %dma_start3A_28 = arith.constant 0 : i32
    %dma_start3A_29 = tpu.memref_slice %arg11[%dma_start3A_27, %dma_start3A_28] : memref<78x128xi32, #tpu.memory_space<vmem>> -> memref<1x128xi32, #tpu.memory_space<vmem>>
    %dma_start3A_30 = tpu.memref_squeeze %dma_start3A_29 : memref<1x128xi32, #tpu.memory_space<vmem>> -> memref<128xi32, #tpu.memory_space<vmem>>
    %dma_start3A_31 = arith.constant 0 : i32
    %dma_start3A_32 = tpu.memref_slice %arg3[%dma_start3A_31] : memref<10000xf32, #tpu.memory_space<hbm>> -> memref<10000xf32, #tpu.memory_space<hbm>>
    tpu.enqueue_indirect_dma source(%dma_start3A_32 : memref<10000xf32, #tpu.memory_space<hbm>>) target(%arg17 : memref<128xf32, #tpu.memory_space<vmem>>) offsets(%dma_start3A_30 : memref<128xi32, #tpu.memory_space<vmem>>) semaphore(%arg25 : memref<!tpu.dma_semaphore, #tpu.memory_space<semaphore_mem>>)
    %dma_start3A_33 = arith.constant 0 : i32
    %dma_start3A_34 = arith.constant 0 : i32
    %dma_start3A_35 = tpu.memref_slice %arg12[%dma_start3A_33, %dma_start3A_34] : memref<78x128xi32, #tpu.memory_space<vmem>> -> memref<1x128xi32, #tpu.memory_space<vmem>>
    %dma_start3A_36 = tpu.memref_squeeze %dma_start3A_35 : memref<1x128xi32, #tpu.memory_space<vmem>> -> memref<128xi32, #tpu.memory_space<vmem>>
    %dma_start3A_37 = arith.constant 0 : i32
    %dma_start3A_38 = tpu.memref_slice %arg4[%dma_start3A_37] : memref<10000xf32, #tpu.memory_space<hbm>> -> memref<10000xf32, #tpu.memory_space<hbm>>
    tpu.enqueue_indirect_dma source(%dma_start3A_38 : memref<10000xf32, #tpu.memory_space<hbm>>) target(%arg19 : memref<128xf32, #tpu.memory_space<vmem>>) offsets(%dma_start3A_36 : memref<128xi32, #tpu.memory_space<vmem>>) semaphore(%arg25 : memref<!tpu.dma_semaphore, #tpu.memory_space<semaphore_mem>>)
    %scan3A_39 = arith.constant 0 : i32
    %scan3A_40 = arith.constant 39 : i32
    %scan3A_41 = arith.addi %scan3A_39, %scan3A_40 : i32
    %scan3A_42 = arith.constant 1 : i32
    scf.for %scan3A_60 = %scan3A_39 to %scan3A_41 step %scan3A_42  : i32 {
      %mul3A_61 = arith.constant 1 : i32
      %mul3A_62 = arith.muli %scan3A_60, %mul3A_61 : i32
      %add3A_63 = arith.constant 0 : i32
      %add3A_64 = arith.addi %add3A_63, %mul3A_62 : i32
      %mul3A_65 = arith.constant 2 : i32
      %mul3A_66 = arith.muli %mul3A_65, %add3A_64 : i32
      %add3A_67 = arith.constant 1 : i32
      %add3A_68 = arith.addi %mul3A_66, %add3A_67 : i32
      %add3A_69 = arith.constant 1 : i32
      %add3A_70 = arith.addi %mul3A_66, %add3A_69 : i32
      %dma_start3A_71 = arith.constant 0 : i32
      %dma_start3A_72 = tpu.memref_slice %arg11[%add3A_68, %dma_start3A_71] : memref<78x128xi32, #tpu.memory_space<vmem>> -> memref<1x128xi32, #tpu.memory_space<vmem>>
      %dma_start3A_73 = tpu.memref_squeeze %dma_start3A_72 : memref<1x128xi32, #tpu.memory_space<vmem>> -> memref<128xi32, #tpu.memory_space<vmem>>
      %dma_start3A_74 = arith.constant 0 : i32
      %dma_start3A_75 = arith.constant 0 : i32
      %dma_start3A_76 = arith.constant 0 : i32
      %dma_start3A_77 = tpu.memref_slice %arg2[%dma_start3A_74, %dma_start3A_75, %dma_start3A_76] : memref<10000x3x16xf32, #tpu.memory_space<hbm>> -> memref<10000x3x16xf32, #tpu.memory_space<hbm>>
      tpu.enqueue_indirect_dma source(%dma_start3A_77 : memref<10000x3x16xf32, #tpu.memory_space<hbm>>) target(%arg16 : memref<128x3x16xf32, #tpu.memory_space<vmem>>) offsets(%dma_start3A_73 : memref<128xi32, #tpu.memory_space<vmem>>) semaphore(%arg24 : memref<!tpu.dma_semaphore, #tpu.memory_space<semaphore_mem>>)
      %dma_start3A_78 = arith.constant 0 : i32
      %dma_start3A_79 = tpu.memref_slice %arg11[%add3A_68, %dma_start3A_78] : memref<78x128xi32, #tpu.memory_space<vmem>> -> memref<1x128xi32, #tpu.memory_space<vmem>>
      %dma_start3A_80 = tpu.memref_squeeze %dma_start3A_79 : memref<1x128xi32, #tpu.memory_space<vmem>> -> memref<128xi32, #tpu.memory_space<vmem>>
      %dma_start3A_81 = arith.constant 0 : i32
      %dma_start3A_82 = tpu.memref_slice %arg3[%dma_start3A_81] : memref<10000xf32, #tpu.memory_space<hbm>> -> memref<10000xf32, #tpu.memory_space<hbm>>
      tpu.enqueue_indirect_dma source(%dma_start3A_82 : memref<10000xf32, #tpu.memory_space<hbm>>) target(%arg18 : memref<128xf32, #tpu.memory_space<vmem>>) offsets(%dma_start3A_80 : memref<128xi32, #tpu.memory_space<vmem>>) semaphore(%arg26 : memref<!tpu.dma_semaphore, #tpu.memory_space<semaphore_mem>>)
      %dma_start3A_83 = arith.constant 0 : i32
      %dma_start3A_84 = tpu.memref_slice %arg12[%add3A_70, %dma_start3A_83] : memref<78x128xi32, #tpu.memory_space<vmem>> -> memref<1x128xi32, #tpu.memory_space<vmem>>
      %dma_start3A_85 = tpu.memref_squeeze %dma_start3A_84 : memref<1x128xi32, #tpu.memory_space<vmem>> -> memref<128xi32, #tpu.memory_space<vmem>>
      %dma_start3A_86 = arith.constant 0 : i32
      %dma_start3A_87 = tpu.memref_slice %arg4[%dma_start3A_86] : memref<10000xf32, #tpu.memory_space<hbm>> -> memref<10000xf32, #tpu.memory_space<hbm>>
      tpu.enqueue_indirect_dma source(%dma_start3A_87 : memref<10000xf32, #tpu.memory_space<hbm>>) target(%arg20 : memref<128xf32, #tpu.memory_space<vmem>>) offsets(%dma_start3A_85 : memref<128xi32, #tpu.memory_space<vmem>>) semaphore(%arg26 : memref<!tpu.dma_semaphore, #tpu.memory_space<semaphore_mem>>)
      %dma_wait3A = arith.constant 0 : i32
      %dma_wait3A_88 = arith.constant 0 : i32
      %dma_wait3A_89 = tpu.memref_slice %arg11[%dma_wait3A, %dma_wait3A_88] : memref<78x128xi32, #tpu.memory_space<vmem>> -> memref<1x128xi32, #tpu.memory_space<vmem>>
      %dma_wait3A_90 = tpu.memref_squeeze %dma_wait3A_89 : memref<1x128xi32, #tpu.memory_space<vmem>> -> memref<128xi32, #tpu.memory_space<vmem>>
      %dma_wait3A_91 = arith.constant 0 : i32
      %dma_wait3A_92 = arith.constant 0 : i32
      %dma_wait3A_93 = arith.constant 0 : i32
      %dma_wait3A_94 = tpu.memref_slice %arg2[%dma_wait3A_91, %dma_wait3A_92, %dma_wait3A_93] : memref<10000x3x16xf32, #tpu.memory_space<hbm>> -> memref<10000x3x16xf32, #tpu.memory_space<hbm>>
      tpu.wait_indirect_dma semaphore(%arg23 : memref<!tpu.dma_semaphore, #tpu.memory_space<semaphore_mem>>) src(%dma_wait3A_94 : memref<10000x3x16xf32, #tpu.memory_space<hbm>>) dst(%arg15 : memref<128x3x16xf32, #tpu.memory_space<vmem>>)
      %dma_wait3A_95 = arith.constant 0 : i32
      %dma_wait3A_96 = arith.constant 0 : i32
      %dma_wait3A_97 = tpu.memref_slice %arg11[%dma_wait3A_95, %dma_wait3A_96] : memref<78x128xi32, #tpu.memory_space<vmem>> -> memref<1x128xi32, #tpu.memory_space<vmem>>
      %dma_wait3A_98 = tpu.memref_squeeze %dma_wait3A_97 : memref<1x128xi32, #tpu.memory_space<vmem>> -> memref<128xi32, #tpu.memory_space<vmem>>
      %dma_wait3A_99 = arith.constant 0 : i32
      %dma_wait3A_100 = tpu.memref_slice %arg3[%dma_wait3A_99] : memref<10000xf32, #tpu.memory_space<hbm>> -> memref<10000xf32, #tpu.memory_space<hbm>>
      tpu.wait_indirect_dma semaphore(%arg25 : memref<!tpu.dma_semaphore, #tpu.memory_space<semaphore_mem>>) src(%dma_wait3A_100 : memref<10000xf32, #tpu.memory_space<hbm>>) dst(%arg17 : memref<128xf32, #tpu.memory_space<vmem>>)
      %dma_wait3A_101 = arith.constant 0 : i32
      %dma_wait3A_102 = arith.constant 0 : i32
      %dma_wait3A_103 = tpu.memref_slice %arg12[%dma_wait3A_101, %dma_wait3A_102] : memref<78x128xi32, #tpu.memory_space<vmem>> -> memref<1x128xi32, #tpu.memory_space<vmem>>
      %dma_wait3A_104 = tpu.memref_squeeze %dma_wait3A_103 : memref<1x128xi32, #tpu.memory_space<vmem>> -> memref<128xi32, #tpu.memory_space<vmem>>
      %dma_wait3A_105 = arith.constant 0 : i32
      %dma_wait3A_106 = tpu.memref_slice %arg4[%dma_wait3A_105] : memref<10000xf32, #tpu.memory_space<hbm>> -> memref<10000xf32, #tpu.memory_space<hbm>>
      tpu.wait_indirect_dma semaphore(%arg25 : memref<!tpu.dma_semaphore, #tpu.memory_space<semaphore_mem>>) src(%dma_wait3A_106 : memref<10000xf32, #tpu.memory_space<hbm>>) dst(%arg19 : memref<128xf32, #tpu.memory_space<vmem>>)
      %get3A = arith.constant 0 : index
      %get3A_107 = tpu.vector_load %arg17[%get3A] {strides = array<i32>} : memref<128xf32, #tpu.memory_space<vmem>>, vector<16xf32>,
      %get3A_108 = vector.shape_cast %get3A_107 : vector<16xf32> to vector<16xf32>
      %get3A_109 = arith.constant 0 : index
      %get3A_110 = tpu.vector_load %arg19[%get3A_109] {strides = array<i32>} : memref<128xf32, #tpu.memory_space<vmem>>, vector<16xf32>,
      %get3A_111 = vector.shape_cast %get3A_110 : vector<16xf32> to vector<16xf32>
      %add3A_112 = arith.addf %get3A_108, %get3A_111 : vector<16xf32>
      %mul3A_113 = arith.constant 2.000000e-01 : f32
      %mul3A_114 = vector.broadcast %mul3A_113 : f32 to vector<16xf32>
      %mul3A_115 = arith.mulf %mul3A_114, %add3A_112 : vector<16xf32>
      %max3A = arith.maximumf %add3A_112, %mul3A_115 : vector<16xf32>
      %exp3A = math.exp %max3A : vector<16xf32>
      %swap3A = arith.constant 0 : i32
      %swap3A_116 = arith.index_cast %swap3A : i32 to index
      %swap3A_117 = arith.constant 0 : index
      %swap3A_118 = tpu.vector_load %arg21[%swap3A_116, %swap3A_117] {strides = array<i32>} : memref<8x16xf32, #tpu.memory_space<vmem>>, vector<1x16xf32>,
      %swap3A_119 = vector.shape_cast %swap3A_118 : vector<1x16xf32> to vector<16xf32>
      %swap3A_120 = vector.shape_cast %exp3A : vector<16xf32> to vector<1x16xf32>
      tpu.vector_store %arg21[%swap3A_116, %swap3A_117], %swap3A_120 {strides = array<i32>} : memref<8x16xf32, #tpu.memory_space<vmem>>, vector<1x16xf32>,
      %get3A_121 = arith.constant 16 : index
      %get3A_122 = tpu.vector_load %arg17[%get3A_121] {strides = array<i32>} : memref<128xf32, #tpu.memory_space<vmem>>, vector<16xf32>,
      %get3A_123 = vector.shape_cast %get3A_122 : vector<16xf32> to vector<16xf32>
      %get3A_124 = arith.constant 16 : index
      %get3A_125 = tpu.vector_load %arg19[%get3A_124] {strides = array<i32>} : memref<128xf32, #tpu.memory_space<vmem>>, vector<16xf32>,
      %get3A_126 = vector.shape_cast %get3A_125 : vector<16xf32> to vector<16xf32>
      %add3A_127 = arith.addf %get3A_123, %get3A_126 : vector<16xf32>
      %mul3A_128 = arith.constant 2.000000e-01 : f32
      %mul3A_129 = vector.broadcast %mul3A_128 : f32 to vector<16xf32>
      %mul3A_130 = arith.mulf %mul3A_129, %add3A_127 : vector<16xf32>
      %max3A_131 = arith.maximumf %add3A_127, %mul3A_130 : vector<16xf32>
      %exp3A_132 = math.exp %max3A_131 : vector<16xf32>
      %swap3A_133 = arith.constant 1 : i32
      %swap3A_134 = arith.index_cast %swap3A_133 : i32 to index
      %swap3A_135 = arith.constant 0 : index
      %swap3A_136 = tpu.vector_load %arg21[%swap3A_134, %swap3A_135] {strides = array<i32>} : memref<8x16xf32, #tpu.memory_space<vmem>>, vector<1x16xf32>,
      %swap3A_137 = vector.shape_cast %swap3A_136 : vector<1x16xf32> to vector<16xf32>
      %swap3A_138 = vector.shape_cast %exp3A_132 : vector<16xf32> to vector<1x16xf32>
      tpu.vector_store %arg21[%swap3A_134, %swap3A_135], %swap3A_138 {strides = array<i32>} : memref<8x16xf32, #tpu.memory_space<vmem>>, vector<1x16xf32>,
      %get3A_139 = arith.constant 32 : index
      %get3A_140 = tpu.vector_load %arg17[%get3A_139] {strides = array<i32>} : memref<128xf32, #tpu.memory_space<vmem>>, vector<16xf32>,
      %get3A_141 = vector.shape_cast %get3A_140 : vector<16xf32> to vector<16xf32>
      %get3A_142 = arith.constant 32 : index
      %get3A_143 = tpu.vector_load %arg19[%get3A_142] {strides = array<i32>} : memref<128xf32, #tpu.memory_space<vmem>>, vector<16xf32>,
      %get3A_144 = vector.shape_cast %get3A_143 : vector<16xf32> to vector<16xf32>
      %add3A_145 = arith.addf %get3A_141, %get3A_144 : vector<16xf32>
      %mul3A_146 = arith.constant 2.000000e-01 : f32
      %mul3A_147 = vector.broadcast %mul3A_146 : f32 to vector<16xf32>
      %mul3A_148 = arith.mulf %mul3A_147, %add3A_145 : vector<16xf32>
      %max3A_149 = arith.maximumf %add3A_145, %mul3A_148 : vector<16xf32>
      %exp3A_150 = math.exp %max3A_149 : vector<16xf32>
      %swap3A_151 = arith.constant 2 : i32
      %swap3A_152 = arith.index_cast %swap3A_151 : i32 to index
      %swap3A_153 = arith.constant 0 : index
      %swap3A_154 = tpu.vector_load %arg21[%swap3A_152, %swap3A_153] {strides = array<i32>} : memref<8x16xf32, #tpu.memory_space<vmem>>, vector<1x16xf32>,
      %swap3A_155 = vector.shape_cast %swap3A_154 : vector<1x16xf32> to vector<16xf32>
      %swap3A_156 = vector.shape_cast %exp3A_150 : vector<16xf32> to vector<1x16xf32>
      tpu.vector_store %arg21[%swap3A_152, %swap3A_153], %swap3A_156 {strides = array<i32>} : memref<8x16xf32, #tpu.memory_space<vmem>>, vector<1x16xf32>,
      %get3A_157 = arith.constant 48 : index
      %get3A_158 = tpu.vector_load %arg17[%get3A_157] {strides = array<i32>} : memref<128xf32, #tpu.memory_space<vmem>>, vector<16xf32>,
      %get3A_159 = vector.shape_cast %get3A_158 : vector<16xf32> to vector<16xf32>
      %get3A_160 = arith.constant 48 : index
      %get3A_161 = tpu.vector_load %arg19[%get3A_160] {strides = array<i32>} : memref<128xf32, #tpu.memory_space<vmem>>, vector<16xf32>,
      %get3A_162 = vector.shape_cast %get3A_161 : vector<16xf32> to vector<16xf32>
      %add3A_163 = arith.addf %get3A_159, %get3A_162 : vector<16xf32>
      %mul3A_164 = arith.constant 2.000000e-01 : f32
      %mul3A_165 = vector.broadcast %mul3A_164 : f32 to vector<16xf32>
      %mul3A_166 = arith.mulf %mul3A_165, %add3A_163 : vector<16xf32>
      %max3A_167 = arith.maximumf %add3A_163, %mul3A_166 : vector<16xf32>
      %exp3A_168 = math.exp %max3A_167 : vector<16xf32>
      %swap3A_169 = arith.constant 3 : i32
      %swap3A_170 = arith.index_cast %swap3A_169 : i32 to index
      %swap3A_171 = arith.constant 0 : index
      %swap3A_172 = tpu.vector_load %arg21[%swap3A_170, %swap3A_171] {strides = array<i32>} : memref<8x16xf32, #tpu.memory_space<vmem>>, vector<1x16xf32>,
      %swap3A_173 = vector.shape_cast %swap3A_172 : vector<1x16xf32> to vector<16xf32>
      %swap3A_174 = vector.shape_cast %exp3A_168 : vector<16xf32> to vector<1x16xf32>
      tpu.vector_store %arg21[%swap3A_170, %swap3A_171], %swap3A_174 {strides = array<i32>} : memref<8x16xf32, #tpu.memory_space<vmem>>, vector<1x16xf32>,
      %get3A_175 = arith.constant 64 : index
      %get3A_176 = tpu.vector_load %arg17[%get3A_175] {strides = array<i32>} : memref<128xf32, #tpu.memory_space<vmem>>, vector<16xf32>,
      %get3A_177 = vector.shape_cast %get3A_176 : vector<16xf32> to vector<16xf32>
      %get3A_178 = arith.constant 64 : index
      %get3A_179 = tpu.vector_load %arg19[%get3A_178] {strides = array<i32>} : memref<128xf32, #tpu.memory_space<vmem>>, vector<16xf32>,
      %get3A_180 = vector.shape_cast %get3A_179 : vector<16xf32> to vector<16xf32>
      %add3A_181 = arith.addf %get3A_177, %get3A_180 : vector<16xf32>
      %mul3A_182 = arith.constant 2.000000e-01 : f32
      %mul3A_183 = vector.broadcast %mul3A_182 : f32 to vector<16xf32>
      %mul3A_184 = arith.mulf %mul3A_183, %add3A_181 : vector<16xf32>
      %max3A_185 = arith.maximumf %add3A_181, %mul3A_184 : vector<16xf32>
      %exp3A_186 = math.exp %max3A_185 : vector<16xf32>
      %swap3A_187 = arith.constant 4 : i32
      %swap3A_188 = arith.index_cast %swap3A_187 : i32 to index
      %swap3A_189 = arith.constant 0 : index
      %swap3A_190 = tpu.vector_load %arg21[%swap3A_188, %swap3A_189] {strides = array<i32>} : memref<8x16xf32, #tpu.memory_space<vmem>>, vector<1x16xf32>,
      %swap3A_191 = vector.shape_cast %swap3A_190 : vector<1x16xf32> to vector<16xf32>
      %swap3A_192 = vector.shape_cast %exp3A_186 : vector<16xf32> to vector<1x16xf32>
      tpu.vector_store %arg21[%swap3A_188, %swap3A_189], %swap3A_192 {strides = array<i32>} : memref<8x16xf32, #tpu.memory_space<vmem>>, vector<1x16xf32>,
      %get3A_193 = arith.constant 80 : index
      %get3A_194 = tpu.vector_load %arg17[%get3A_193] {strides = array<i32>} : memref<128xf32, #tpu.memory_space<vmem>>, vector<16xf32>,
      %get3A_195 = vector.shape_cast %get3A_194 : vector<16xf32> to vector<16xf32>
      %get3A_196 = arith.constant 80 : index
      %get3A_197 = tpu.vector_load %arg19[%get3A_196] {strides = array<i32>} : memref<128xf32, #tpu.memory_space<vmem>>, vector<16xf32>,
      %get3A_198 = vector.shape_cast %get3A_197 : vector<16xf32> to vector<16xf32>
      %add3A_199 = arith.addf %get3A_195, %get3A_198 : vector<16xf32>
      %mul3A_200 = arith.constant 2.000000e-01 : f32
      %mul3A_201 = vector.broadcast %mul3A_200 : f32 to vector<16xf32>
      %mul3A_202 = arith.mulf %mul3A_201, %add3A_199 : vector<16xf32>
      %max3A_203 = arith.maximumf %add3A_199, %mul3A_202 : vector<16xf32>
      %exp3A_204 = math.exp %max3A_203 : vector<16xf32>
      %swap3A_205 = arith.constant 5 : i32
      %swap3A_206 = arith.index_cast %swap3A_205 : i32 to index
      %swap3A_207 = arith.constant 0 : index
      %swap3A_208 = tpu.vector_load %arg21[%swap3A_206, %swap3A_207] {strides = array<i32>} : memref<8x16xf32, #tpu.memory_space<vmem>>, vector<1x16xf32>,
      %swap3A_209 = vector.shape_cast %swap3A_208 : vector<1x16xf32> to vector<16xf32>
      %swap3A_210 = vector.shape_cast %exp3A_204 : vector<16xf32> to vector<1x16xf32>
      tpu.vector_store %arg21[%swap3A_206, %swap3A_207], %swap3A_210 {strides = array<i32>} : memref<8x16xf32, #tpu.memory_space<vmem>>, vector<1x16xf32>,
      %get3A_211 = arith.constant 96 : index
      %get3A_212 = tpu.vector_load %arg17[%get3A_211] {strides = array<i32>} : memref<128xf32, #tpu.memory_space<vmem>>, vector<16xf32>,
      %get3A_213 = vector.shape_cast %get3A_212 : vector<16xf32> to vector<16xf32>
      %get3A_214 = arith.constant 96 : index
      %get3A_215 = tpu.vector_load %arg19[%get3A_214] {strides = array<i32>} : memref<128xf32, #tpu.memory_space<vmem>>, vector<16xf32>,
      %get3A_216 = vector.shape_cast %get3A_215 : vector<16xf32> to vector<16xf32>
      %add3A_217 = arith.addf %get3A_213, %get3A_216 : vector<16xf32>
      %mul3A_218 = arith.constant 2.000000e-01 : f32
      %mul3A_219 = vector.broadcast %mul3A_218 : f32 to vector<16xf32>
      %mul3A_220 = arith.mulf %mul3A_219, %add3A_217 : vector<16xf32>
      %max3A_221 = arith.maximumf %add3A_217, %mul3A_220 : vector<16xf32>
      %exp3A_222 = math.exp %max3A_221 : vector<16xf32>
      %swap3A_223 = arith.constant 6 : i32
      %swap3A_224 = arith.index_cast %swap3A_223 : i32 to index
      %swap3A_225 = arith.constant 0 : index
      %swap3A_226 = tpu.vector_load %arg21[%swap3A_224, %swap3A_225] {strides = array<i32>} : memref<8x16xf32, #tpu.memory_space<vmem>>, vector<1x16xf32>,
      %swap3A_227 = vector.shape_cast %swap3A_226 : vector<1x16xf32> to vector<16xf32>
      %swap3A_228 = vector.shape_cast %exp3A_222 : vector<16xf32> to vector<1x16xf32>
      tpu.vector_store %arg21[%swap3A_224, %swap3A_225], %swap3A_228 {strides = array<i32>} : memref<8x16xf32, #tpu.memory_space<vmem>>, vector<1x16xf32>,
      %get3A_229 = arith.constant 112 : index
      %get3A_230 = tpu.vector_load %arg17[%get3A_229] {strides = array<i32>} : memref<128xf32, #tpu.memory_space<vmem>>, vector<16xf32>,
      %get3A_231 = vector.shape_cast %get3A_230 : vector<16xf32> to vector<16xf32>
      %get3A_232 = arith.constant 112 : index
      %get3A_233 = tpu.vector_load %arg19[%get3A_232] {strides = array<i32>} : memref<128xf32, #tpu.memory_space<vmem>>, vector<16xf32>,
      %get3A_234 = vector.shape_cast %get3A_233 : vector<16xf32> to vector<16xf32>
      %add3A_235 = arith.addf %get3A_231, %get3A_234 : vector<16xf32>
      %mul3A_236 = arith.constant 2.000000e-01 : f32
      %mul3A_237 = vector.broadcast %mul3A_236 : f32 to vector<16xf32>
      %mul3A_238 = arith.mulf %mul3A_237, %add3A_235 : vector<16xf32>
      %max3A_239 = arith.maximumf %add3A_235, %mul3A_238 : vector<16xf32>
      %exp3A_240 = math.exp %max3A_239 : vector<16xf32>
      %swap3A_241 = arith.constant 7 : i32
      %swap3A_242 = arith.index_cast %swap3A_241 : i32 to index
      %swap3A_243 = arith.constant 0 : index
      %swap3A_244 = tpu.vector_load %arg21[%swap3A_242, %swap3A_243] {strides = array<i32>} : memref<8x16xf32, #tpu.memory_space<vmem>>, vector<1x16xf32>,
      %swap3A_245 = vector.shape_cast %swap3A_244 : vector<1x16xf32> to vector<16xf32>
      %swap3A_246 = vector.shape_cast %exp3A_240 : vector<16xf32> to vector<1x16xf32>
      tpu.vector_store %arg21[%swap3A_242, %swap3A_243], %swap3A_246 {strides = array<i32>} : memref<8x16xf32, #tpu.memory_space<vmem>>, vector<1x16xf32>,
      %scan3A_247 = arith.constant 0 : i32
      %scan3A_248 = arith.constant 128 : i32
      %scan3A_249 = arith.addi %scan3A_247, %scan3A_248 : i32
      %scan3A_250 = arith.constant 4 : i32
      scf.for %scan3A_439 = %scan3A_247 to %scan3A_249 step %scan3A_250  : i32 {
        %mul3A_440 = arith.constant 1 : i32
        %mul3A_441 = arith.muli %scan3A_439, %mul3A_440 : i32
        %add3A_442 = arith.constant 0 : i32
        %add3A_443 = arith.addi %add3A_442, %mul3A_441 : i32
        %jit3A_444 = arith.constant 16 : i32
        %div3A = arith.divsi %add3A_443, %jit3A_444 : i32
        %sign3A = arith.constant 0 : i32
        %sign3A_445 = arith.cmpi sgt, %add3A_443, %sign3A : i32
        %sign3A_446 = arith.extui %sign3A_445 : i1 to i32
        %sign3A_447 = arith.constant 0 : i32
        %sign3A_448 = arith.cmpi slt, %add3A_443, %sign3A_447 : i32
        %sign3A_449 = arith.extui %sign3A_448 : i1 to i32
        %sign3A_450 = arith.subi %sign3A_446, %sign3A_449 : i32
        %sign3A_451 = arith.constant 0 : i32
        %sign3A_452 = arith.cmpi sgt, %jit3A_444, %sign3A_451 : i32
        %sign3A_453 = arith.extui %sign3A_452 : i1 to i32
        %sign3A_454 = arith.constant 0 : i32
        %sign3A_455 = arith.cmpi slt, %jit3A_444, %sign3A_454 : i32
        %sign3A_456 = arith.extui %sign3A_455 : i1 to i32
        %sign3A_457 = arith.subi %sign3A_453, %sign3A_456 : i32
        %ne3A = arith.cmpi ne, %sign3A_450, %sign3A_457 : i32
        %rem3A = arith.remsi %add3A_443, %jit3A_444 : i32
        %ne3A_458 = arith.constant 0 : i32
        %ne3A_459 = arith.cmpi ne, %rem3A, %ne3A_458 : i32
        %and3A_460 = arith.andi %ne3A, %ne3A_459 : i1
        %sub3A = arith.constant 1 : i32
        %sub3A_461 = arith.subi %div3A, %sub3A : i32
        %select_n3A_462 = arith.select %and3A_460, %sub3A_461, %div3A : i32
        %get3A_463 = arith.index_cast %select_n3A_462 : i32 to index
        %get3A_464 = arith.constant 0 : index
        %get3A_465 = tpu.vector_load %arg21[%get3A_463, %get3A_464] {strides = array<i32>} : memref<8x16xf32, #tpu.memory_space<vmem>>, vector<1x16xf32>,
        %get3A_466 = vector.shape_cast %get3A_465 : vector<1x16xf32> to vector<16xf32>
        %jit3A_467 = arith.constant 16 : i32
        %eq3A_468 = arith.constant 0 : i32
        %eq3A_469 = arith.cmpi eq, %jit3A_467, %eq3A_468 : i32
        %jit3A_470 = arith.constant 1 : i32
        %select_n3A_471 = arith.select %eq3A_469, %jit3A_470, %jit3A_467 : i32
        %rem3A_472 = arith.remsi %add3A_443, %select_n3A_471 : i32
        %ne3A_473 = arith.constant 0 : i32
        %ne3A_474 = arith.cmpi ne, %rem3A_472, %ne3A_473 : i32
        %lt3A_475 = arith.constant 0 : i32
        %lt3A_476 = arith.cmpi slt, %rem3A_472, %lt3A_475 : i32
        %lt3A_477 = arith.constant 0 : i32
        %lt3A_478 = arith.cmpi slt, %select_n3A_471, %lt3A_477 : i32
        %ne3A_479 = arith.xori %lt3A_476, %lt3A_478 : i1
        %and3A_480 = arith.andi %ne3A_479, %ne3A_474 : i1
        %add3A_481 = arith.addi %rem3A_472, %select_n3A_471 : i32
        %select_n3A_482 = arith.select %and3A_480, %add3A_481, %rem3A_472 : i32
        %broadcast_in_dim3A_483 = vector.broadcast %select_n3A_482 : i32 to vector<16xi32>
        %lt3A_484 = arith.constant 0 : i32
        %lt3A_485 = vector.broadcast %lt3A_484 : i32 to vector<16xi32>
        %lt3A_486 = arith.cmpi slt, %broadcast_in_dim3A_483, %lt3A_485 : vector<16xi32>
        %add3A_487 = arith.constant 16 : i32
        %add3A_488 = vector.broadcast %add3A_487 : i32 to vector<16xi32>
        %add3A_489 = arith.addi %broadcast_in_dim3A_483, %add3A_488 : vector<16xi32>
        %select_n3A_490 = arith.select %lt3A_486, %add3A_489, %broadcast_in_dim3A_483 : vector<16xi1>, vector<16xi32>
        %broadcast_in_dim3A_491 = vector.shape_cast %select_n3A_490 : vector<16xi32> to vector<16x1xi32>
        %gather3A = vector.shape_cast %broadcast_in_dim3A_491 : vector<16x1xi32> to vector<16xi32>
        %gather3A_492 = tpu.dynamic_gather %get3A_466[%gather3A] in [0] : vector<16xf32>, vector<16xi32> -> vector<16xf32>
        %mul3A_493 = arith.mulf %gather3A_492, %select_n3A : vector<16xf32>
        %swap3A_494 = arith.index_cast %add3A_443 : i32 to index
        %swap3A_495 = arith.constant 0 : index
        %swap3A_496 = tpu.vector_load %arg22[%swap3A_494, %swap3A_495] {strides = array<i32>} : memref<128x16xf32, #tpu.memory_space<vmem>>, vector<1x16xf32>,
        %swap3A_497 = vector.shape_cast %swap3A_496 : vector<1x16xf32> to vector<16xf32>
        %swap3A_498 = vector.shape_cast %mul3A_493 : vector<16xf32> to vector<1x16xf32>
        tpu.vector_store %arg22[%swap3A_494, %swap3A_495], %swap3A_498 {strides = array<i32>} : memref<128x16xf32, #tpu.memory_space<vmem>>, vector<1x16xf32>,
        %get3A_499 = arith.constant 0 : i32
        %get3A_500 = arith.index_cast %add3A_443 : i32 to index
        %get3A_501 = arith.index_cast %get3A_499 : i32 to index
        %get3A_502 = arith.constant 0 : index
        %get3A_503 = tpu.vector_load %arg15[%get3A_500, %get3A_501, %get3A_502] {strides = array<i32>} : memref<128x3x16xf32, #tpu.memory_space<vmem>>, vector<1x1x16xf32>,
        %get3A_504 = vector.shape_cast %get3A_503 : vector<1x1x16xf32> to vector<16xf32>
        %mul3A_505 = arith.mulf %get3A_504, %gather3A_492 : vector<16xf32>
        %swap3A_506 = arith.constant 0 : i32
        %swap3A_507 = arith.index_cast %add3A_443 : i32 to index
        %swap3A_508 = arith.index_cast %swap3A_506 : i32 to index
        %swap3A_509 = arith.constant 0 : index
        %swap3A_510 = tpu.vector_load %arg15[%swap3A_507, %swap3A_508, %swap3A_509] {strides = array<i32>} : memref<128x3x16xf32, #tpu.memory_space<vmem>>, vector<1x1x16xf32>,
        %swap3A_511 = vector.shape_cast %swap3A_510 : vector<1x1x16xf32> to vector<16xf32>
        %swap3A_512 = vector.shape_cast %mul3A_505 : vector<16xf32> to vector<1x1x16xf32>
        tpu.vector_store %arg15[%swap3A_507, %swap3A_508, %swap3A_509], %swap3A_512 {strides = array<i32>} : memref<128x3x16xf32, #tpu.memory_space<vmem>>, vector<1x1x16xf32>,
        %get3A_513 = arith.constant 1 : i32
        %get3A_514 = arith.index_cast %add3A_443 : i32 to index
        %get3A_515 = arith.index_cast %get3A_513 : i32 to index
        %get3A_516 = arith.constant 0 : index
        %get3A_517 = tpu.vector_load %arg15[%get3A_514, %get3A_515, %get3A_516] {strides = array<i32>} : memref<128x3x16xf32, #tpu.memory_space<vmem>>, vector<1x1x16xf32>,
        %get3A_518 = vector.shape_cast %get3A_517 : vector<1x1x16xf32> to vector<16xf32>
        %mul3A_519 = arith.mulf %get3A_518, %gather3A_492 : vector<16xf32>
        %swap3A_520 = arith.constant 1 : i32
        %swap3A_521 = arith.index_cast %add3A_443 : i32 to index
        %swap3A_522 = arith.index_cast %swap3A_520 : i32 to index
        %swap3A_523 = arith.constant 0 : index
        %swap3A_524 = tpu.vector_load %arg15[%swap3A_521, %swap3A_522, %swap3A_523] {strides = array<i32>} : memref<128x3x16xf32, #tpu.memory_space<vmem>>, vector<1x1x16xf32>,
        %swap3A_525 = vector.shape_cast %swap3A_524 : vector<1x1x16xf32> to vector<16xf32>
        %swap3A_526 = vector.shape_cast %mul3A_519 : vector<16xf32> to vector<1x1x16xf32>
        tpu.vector_store %arg15[%swap3A_521, %swap3A_522, %swap3A_523], %swap3A_526 {strides = array<i32>} : memref<128x3x16xf32, #tpu.memory_space<vmem>>, vector<1x1x16xf32>,
        %get3A_527 = arith.constant 2 : i32
        %get3A_528 = arith.index_cast %add3A_443 : i32 to index
        %get3A_529 = arith.index_cast %get3A_527 : i32 to index
        %get3A_530 = arith.constant 0 : index
        %get3A_531 = tpu.vector_load %arg15[%get3A_528, %get3A_529, %get3A_530] {strides = array<i32>} : memref<128x3x16xf32, #tpu.memory_space<vmem>>, vector<1x1x16xf32>,
        %get3A_532 = vector.shape_cast %get3A_531 : vector<1x1x16xf32> to vector<16xf32>
        %mul3A_533 = arith.mulf %get3A_532, %gather3A_492 : vector<16xf32>
        %swap3A_534 = arith.constant 2 : i32
        %swap3A_535 = arith.index_cast %add3A_443 : i32 to index
        %swap3A_536 = arith.index_cast %swap3A_534 : i32 to index
        %swap3A_537 = arith.constant 0 : index
        %swap3A_538 = tpu.vector_load %arg15[%swap3A_535, %swap3A_536, %swap3A_537] {strides = array<i32>} : memref<128x3x16xf32, #tpu.memory_space<vmem>>, vector<1x1x16xf32>,
        %swap3A_539 = vector.shape_cast %swap3A_538 : vector<1x1x16xf32> to vector<16xf32>
        %swap3A_540 = vector.shape_cast %mul3A_533 : vector<16xf32> to vector<1x1x16xf32>
        tpu.vector_store %arg15[%swap3A_535, %swap3A_536, %swap3A_537], %swap3A_540 {strides = array<i32>} : memref<128x3x16xf32, #tpu.memory_space<vmem>>, vector<1x1x16xf32>,
        %scan3A_541 = arith.constant 1 : i32
        %scan3A_542 = arith.addi %scan3A_439, %scan3A_541 : i32
        %mul3A_543 = arith.constant 1 : i32
        %mul3A_544 = arith.muli %scan3A_542, %mul3A_543 : i32
        %add3A_545 = arith.constant 0 : i32
        %add3A_546 = arith.addi %add3A_545, %mul3A_544 : i32
        %jit3A_547 = arith.constant 16 : i32
        %div3A_548 = arith.divsi %add3A_546, %jit3A_547 : i32
        %sign3A_549 = arith.constant 0 : i32
        %sign3A_550 = arith.cmpi sgt, %add3A_546, %sign3A_549 : i32
        %sign3A_551 = arith.extui %sign3A_550 : i1 to i32
        %sign3A_552 = arith.constant 0 : i32
        %sign3A_553 = arith.cmpi slt, %add3A_546, %sign3A_552 : i32
        %sign3A_554 = arith.extui %sign3A_553 : i1 to i32
        %sign3A_555 = arith.subi %sign3A_551, %sign3A_554 : i32
        %sign3A_556 = arith.constant 0 : i32
        %sign3A_557 = arith.cmpi sgt, %jit3A_547, %sign3A_556 : i32
        %sign3A_558 = arith.extui %sign3A_557 : i1 to i32
        %sign3A_559 = arith.constant 0 : i32
        %sign3A_560 = arith.cmpi slt, %jit3A_547, %sign3A_559 : i32
        %sign3A_561 = arith.extui %sign3A_560 : i1 to i32
        %sign3A_562 = arith.subi %sign3A_558, %sign3A_561 : i32
        %ne3A_563 = arith.cmpi ne, %sign3A_555, %sign3A_562 : i32
        %rem3A_564 = arith.remsi %add3A_546, %jit3A_547 : i32
        %ne3A_565 = arith.constant 0 : i32
        %ne3A_566 = arith.cmpi ne, %rem3A_564, %ne3A_565 : i32
        %and3A_567 = arith.andi %ne3A_563, %ne3A_566 : i1
        %sub3A_568 = arith.constant 1 : i32
        %sub3A_569 = arith.subi %div3A_548, %sub3A_568 : i32
        %select_n3A_570 = arith.select %and3A_567, %sub3A_569, %div3A_548 : i32
        %get3A_571 = arith.index_cast %select_n3A_570 : i32 to index
        %get3A_572 = arith.constant 0 : index
        %get3A_573 = tpu.vector_load %arg21[%get3A_571, %get3A_572] {strides = array<i32>} : memref<8x16xf32, #tpu.memory_space<vmem>>, vector<1x16xf32>,
        %get3A_574 = vector.shape_cast %get3A_573 : vector<1x16xf32> to vector<16xf32>
        %jit3A_575 = arith.constant 16 : i32
        %eq3A_576 = arith.constant 0 : i32
        %eq3A_577 = arith.cmpi eq, %jit3A_575, %eq3A_576 : i32
        %jit3A_578 = arith.constant 1 : i32
        %select_n3A_579 = arith.select %eq3A_577, %jit3A_578, %jit3A_575 : i32
        %rem3A_580 = arith.remsi %add3A_546, %select_n3A_579 : i32
        %ne3A_581 = arith.constant 0 : i32
        %ne3A_582 = arith.cmpi ne, %rem3A_580, %ne3A_581 : i32
        %lt3A_583 = arith.constant 0 : i32
        %lt3A_584 = arith.cmpi slt, %rem3A_580, %lt3A_583 : i32
        %lt3A_585 = arith.constant 0 : i32
        %lt3A_586 = arith.cmpi slt, %select_n3A_579, %lt3A_585 : i32
        %ne3A_587 = arith.xori %lt3A_584, %lt3A_586 : i1
        %and3A_588 = arith.andi %ne3A_587, %ne3A_582 : i1
        %add3A_589 = arith.addi %rem3A_580, %select_n3A_579 : i32
        %select_n3A_590 = arith.select %and3A_588, %add3A_589, %rem3A_580 : i32
        %broadcast_in_dim3A_591 = vector.broadcast %select_n3A_590 : i32 to vector<16xi32>
        %lt3A_592 = arith.constant 0 : i32
        %lt3A_593 = vector.broadcast %lt3A_592 : i32 to vector<16xi32>
        %lt3A_594 = arith.cmpi slt, %broadcast_in_dim3A_591, %lt3A_593 : vector<16xi32>
        %add3A_595 = arith.constant 16 : i32
        %add3A_596 = vector.broadcast %add3A_595 : i32 to vector<16xi32>
        %add3A_597 = arith.addi %broadcast_in_dim3A_591, %add3A_596 : vector<16xi32>
        %select_n3A_598 = arith.select %lt3A_594, %add3A_597, %broadcast_in_dim3A_591 : vector<16xi1>, vector<16xi32>
        %broadcast_in_dim3A_599 = vector.shape_cast %select_n3A_598 : vector<16xi32> to vector<16x1xi32>
        %gather3A_600 = vector.shape_cast %broadcast_in_dim3A_599 : vector<16x1xi32> to vector<16xi32>
        %gather3A_601 = tpu.dynamic_gather %get3A_574[%gather3A_600] in [0] : vector<16xf32>, vector<16xi32> -> vector<16xf32>
        %mul3A_602 = arith.mulf %gather3A_601, %select_n3A : vector<16xf32>
        %swap3A_603 = arith.index_cast %add3A_546 : i32 to index
        %swap3A_604 = arith.constant 0 : index
        %swap3A_605 = tpu.vector_load %arg22[%swap3A_603, %swap3A_604] {strides = array<i32>} : memref<128x16xf32, #tpu.memory_space<vmem>>, vector<1x16xf32>,
        %swap3A_606 = vector.shape_cast %swap3A_605 : vector<1x16xf32> to vector<16xf32>
        %swap3A_607 = vector.shape_cast %mul3A_602 : vector<16xf32> to vector<1x16xf32>
        tpu.vector_store %arg22[%swap3A_603, %swap3A_604], %swap3A_607 {strides = array<i32>} : memref<128x16xf32, #tpu.memory_space<vmem>>, vector<1x16xf32>,
        %get3A_608 = arith.constant 0 : i32
        %get3A_609 = arith.index_cast %add3A_546 : i32 to index
        %get3A_610 = arith.index_cast %get3A_608 : i32 to index
        %get3A_611 = arith.constant 0 : index
        %get3A_612 = tpu.vector_load %arg15[%get3A_609, %get3A_610, %get3A_611] {strides = array<i32>} : memref<128x3x16xf32, #tpu.memory_space<vmem>>, vector<1x1x16xf32>,
        %get3A_613 = vector.shape_cast %get3A_612 : vector<1x1x16xf32> to vector<16xf32>
        %mul3A_614 = arith.mulf %get3A_613, %gather3A_601 : vector<16xf32>
        %swap3A_615 = arith.constant 0 : i32
        %swap3A_616 = arith.index_cast %add3A_546 : i32 to index
        %swap3A_617 = arith.index_cast %swap3A_615 : i32 to index
        %swap3A_618 = arith.constant 0 : index
        %swap3A_619 = tpu.vector_load %arg15[%swap3A_616, %swap3A_617, %swap3A_618] {strides = array<i32>} : memref<128x3x16xf32, #tpu.memory_space<vmem>>, vector<1x1x16xf32>,
        %swap3A_620 = vector.shape_cast %swap3A_619 : vector<1x1x16xf32> to vector<16xf32>
        %swap3A_621 = vector.shape_cast %mul3A_614 : vector<16xf32> to vector<1x1x16xf32>
        tpu.vector_store %arg15[%swap3A_616, %swap3A_617, %swap3A_618], %swap3A_621 {strides = array<i32>} : memref<128x3x16xf32, #tpu.memory_space<vmem>>, vector<1x1x16xf32>,
        %get3A_622 = arith.constant 1 : i32
        %get3A_623 = arith.index_cast %add3A_546 : i32 to index
        %get3A_624 = arith.index_cast %get3A_622 : i32 to index
        %get3A_625 = arith.constant 0 : index
        %get3A_626 = tpu.vector_load %arg15[%get3A_623, %get3A_624, %get3A_625] {strides = array<i32>} : memref<128x3x16xf32, #tpu.memory_space<vmem>>, vector<1x1x16xf32>,
        %get3A_627 = vector.shape_cast %get3A_626 : vector<1x1x16xf32> to vector<16xf32>
        %mul3A_628 = arith.mulf %get3A_627, %gather3A_601 : vector<16xf32>
        %swap3A_629 = arith.constant 1 : i32
        %swap3A_630 = arith.index_cast %add3A_546 : i32 to index
        %swap3A_631 = arith.index_cast %swap3A_629 : i32 to index
        %swap3A_632 = arith.constant 0 : index
        %swap3A_633 = tpu.vector_load %arg15[%swap3A_630, %swap3A_631, %swap3A_632] {strides = array<i32>} : memref<128x3x16xf32, #tpu.memory_space<vmem>>, vector<1x1x16xf32>,
        %swap3A_634 = vector.shape_cast %swap3A_633 : vector<1x1x16xf32> to vector<16xf32>
        %swap3A_635 = vector.shape_cast %mul3A_628 : vector<16xf32> to vector<1x1x16xf32>
        tpu.vector_store %arg15[%swap3A_630, %swap3A_631, %swap3A_632], %swap3A_635 {strides = array<i32>} : memref<128x3x16xf32, #tpu.memory_space<vmem>>, vector<1x1x16xf32>,
        %get3A_636 = arith.constant 2 : i32
        %get3A_637 = arith.index_cast %add3A_546 : i32 to index
        %get3A_638 = arith.index_cast %get3A_636 : i32 to index
        %get3A_639 = arith.constant 0 : index
        %get3A_640 = tpu.vector_load %arg15[%get3A_637, %get3A_638, %get3A_639] {strides = array<i32>} : memref<128x3x16xf32, #tpu.memory_space<vmem>>, vector<1x1x16xf32>,
        %get3A_641 = vector.shape_cast %get3A_640 : vector<1x1x16xf32> to vector<16xf32>
        %mul3A_642 = arith.mulf %get3A_641, %gather3A_601 : vector<16xf32>
        %swap3A_643 = arith.constant 2 : i32
        %swap3A_644 = arith.index_cast %add3A_546 : i32 to index
        %swap3A_645 = arith.index_cast %swap3A_643 : i32 to index
        %swap3A_646 = arith.constant 0 : index
        %swap3A_647 = tpu.vector_load %arg15[%swap3A_644, %swap3A_645, %swap3A_646] {strides = array<i32>} : memref<128x3x16xf32, #tpu.memory_space<vmem>>, vector<1x1x16xf32>,
        %swap3A_648 = vector.shape_cast %swap3A_647 : vector<1x1x16xf32> to vector<16xf32>
        %swap3A_649 = vector.shape_cast %mul3A_642 : vector<16xf32> to vector<1x1x16xf32>
        tpu.vector_store %arg15[%swap3A_644, %swap3A_645, %swap3A_646], %swap3A_649 {strides = array<i32>} : memref<128x3x16xf32, #tpu.memory_space<vmem>>, vector<1x1x16xf32>,
        %scan3A_650 = arith.constant 2 : i32
        %scan3A_651 = arith.addi %scan3A_439, %scan3A_650 : i32
        %mul3A_652 = arith.constant 1 : i32
        %mul3A_653 = arith.muli %scan3A_651, %mul3A_652 : i32
        %add3A_654 = arith.constant 0 : i32
        %add3A_655 = arith.addi %add3A_654, %mul3A_653 : i32
        %jit3A_656 = arith.constant 16 : i32
        %div3A_657 = arith.divsi %add3A_655, %jit3A_656 : i32
        %sign3A_658 = arith.constant 0 : i32
        %sign3A_659 = arith.cmpi sgt, %add3A_655, %sign3A_658 : i32
        %sign3A_660 = arith.extui %sign3A_659 : i1 to i32
        %sign3A_661 = arith.constant 0 : i32
        %sign3A_662 = arith.cmpi slt, %add3A_655, %sign3A_661 : i32
        %sign3A_663 = arith.extui %sign3A_662 : i1 to i32
        %sign3A_664 = arith.subi %sign3A_660, %sign3A_663 : i32
        %sign3A_665 = arith.constant 0 : i32
        %sign3A_666 = arith.cmpi sgt, %jit3A_656, %sign3A_665 : i32
        %sign3A_667 = arith.extui %sign3A_666 : i1 to i32
        %sign3A_668 = arith.constant 0 : i32
        %sign3A_669 = arith.cmpi slt, %jit3A_656, %sign3A_668 : i32
        %sign3A_670 = arith.extui %sign3A_669 : i1 to i32
        %sign3A_671 = arith.subi %sign3A_667, %sign3A_670 : i32
        %ne3A_672 = arith.cmpi ne, %sign3A_664, %sign3A_671 : i32
        %rem3A_673 = arith.remsi %add3A_655, %jit3A_656 : i32
        %ne3A_674 = arith.constant 0 : i32
        %ne3A_675 = arith.cmpi ne, %rem3A_673, %ne3A_674 : i32
        %and3A_676 = arith.andi %ne3A_672, %ne3A_675 : i1
        %sub3A_677 = arith.constant 1 : i32
        %sub3A_678 = arith.subi %div3A_657, %sub3A_677 : i32
        %select_n3A_679 = arith.select %and3A_676, %sub3A_678, %div3A_657 : i32
        %get3A_680 = arith.index_cast %select_n3A_679 : i32 to index
        %get3A_681 = arith.constant 0 : index
        %get3A_682 = tpu.vector_load %arg21[%get3A_680, %get3A_681] {strides = array<i32>} : memref<8x16xf32, #tpu.memory_space<vmem>>, vector<1x16xf32>,
        %get3A_683 = vector.shape_cast %get3A_682 : vector<1x16xf32> to vector<16xf32>
        %jit3A_684 = arith.constant 16 : i32
        %eq3A_685 = arith.constant 0 : i32
        %eq3A_686 = arith.cmpi eq, %jit3A_684, %eq3A_685 : i32
        %jit3A_687 = arith.constant 1 : i32
        %select_n3A_688 = arith.select %eq3A_686, %jit3A_687, %jit3A_684 : i32
        %rem3A_689 = arith.remsi %add3A_655, %select_n3A_688 : i32
        %ne3A_690 = arith.constant 0 : i32
        %ne3A_691 = arith.cmpi ne, %rem3A_689, %ne3A_690 : i32
        %lt3A_692 = arith.constant 0 : i32
        %lt3A_693 = arith.cmpi slt, %rem3A_689, %lt3A_692 : i32
        %lt3A_694 = arith.constant 0 : i32
        %lt3A_695 = arith.cmpi slt, %select_n3A_688, %lt3A_694 : i32
        %ne3A_696 = arith.xori %lt3A_693, %lt3A_695 : i1
        %and3A_697 = arith.andi %ne3A_696, %ne3A_691 : i1
        %add3A_698 = arith.addi %rem3A_689, %select_n3A_688 : i32
        %select_n3A_699 = arith.select %and3A_697, %add3A_698, %rem3A_689 : i32
        %broadcast_in_dim3A_700 = vector.broadcast %select_n3A_699 : i32 to vector<16xi32>
        %lt3A_701 = arith.constant 0 : i32
        %lt3A_702 = vector.broadcast %lt3A_701 : i32 to vector<16xi32>
        %lt3A_703 = arith.cmpi slt, %broadcast_in_dim3A_700, %lt3A_702 : vector<16xi32>
        %add3A_704 = arith.constant 16 : i32
        %add3A_705 = vector.broadcast %add3A_704 : i32 to vector<16xi32>
        %add3A_706 = arith.addi %broadcast_in_dim3A_700, %add3A_705 : vector<16xi32>
        %select_n3A_707 = arith.select %lt3A_703, %add3A_706, %broadcast_in_dim3A_700 : vector<16xi1>, vector<16xi32>
        %broadcast_in_dim3A_708 = vector.shape_cast %select_n3A_707 : vector<16xi32> to vector<16x1xi32>
        %gather3A_709 = vector.shape_cast %broadcast_in_dim3A_708 : vector<16x1xi32> to vector<16xi32>
        %gather3A_710 = tpu.dynamic_gather %get3A_683[%gather3A_709] in [0] : vector<16xf32>, vector<16xi32> -> vector<16xf32>
        %mul3A_711 = arith.mulf %gather3A_710, %select_n3A : vector<16xf32>
        %swap3A_712 = arith.index_cast %add3A_655 : i32 to index
        %swap3A_713 = arith.constant 0 : index
        %swap3A_714 = tpu.vector_load %arg22[%swap3A_712, %swap3A_713] {strides = array<i32>} : memref<128x16xf32, #tpu.memory_space<vmem>>, vector<1x16xf32>,
        %swap3A_715 = vector.shape_cast %swap3A_714 : vector<1x16xf32> to vector<16xf32>
        %swap3A_716 = vector.shape_cast %mul3A_711 : vector<16xf32> to vector<1x16xf32>
        tpu.vector_store %arg22[%swap3A_712, %swap3A_713], %swap3A_716 {strides = array<i32>} : memref<128x16xf32, #tpu.memory_space<vmem>>, vector<1x16xf32>,
        %get3A_717 = arith.constant 0 : i32
        %get3A_718 = arith.index_cast %add3A_655 : i32 to index
        %get3A_719 = arith.index_cast %get3A_717 : i32 to index
        %get3A_720 = arith.constant 0 : index
        %get3A_721 = tpu.vector_load %arg15[%get3A_718, %get3A_719, %get3A_720] {strides = array<i32>} : memref<128x3x16xf32, #tpu.memory_space<vmem>>, vector<1x1x16xf32>,
        %get3A_722 = vector.shape_cast %get3A_721 : vector<1x1x16xf32> to vector<16xf32>
        %mul3A_723 = arith.mulf %get3A_722, %gather3A_710 : vector<16xf32>
        %swap3A_724 = arith.constant 0 : i32
        %swap3A_725 = arith.index_cast %add3A_655 : i32 to index
        %swap3A_726 = arith.index_cast %swap3A_724 : i32 to index
        %swap3A_727 = arith.constant 0 : index
        %swap3A_728 = tpu.vector_load %arg15[%swap3A_725, %swap3A_726, %swap3A_727] {strides = array<i32>} : memref<128x3x16xf32, #tpu.memory_space<vmem>>, vector<1x1x16xf32>,
        %swap3A_729 = vector.shape_cast %swap3A_728 : vector<1x1x16xf32> to vector<16xf32>
        %swap3A_730 = vector.shape_cast %mul3A_723 : vector<16xf32> to vector<1x1x16xf32>
        tpu.vector_store %arg15[%swap3A_725, %swap3A_726, %swap3A_727], %swap3A_730 {strides = array<i32>} : memref<128x3x16xf32, #tpu.memory_space<vmem>>, vector<1x1x16xf32>,
        %get3A_731 = arith.constant 1 : i32
        %get3A_732 = arith.index_cast %add3A_655 : i32 to index
        %get3A_733 = arith.index_cast %get3A_731 : i32 to index
        %get3A_734 = arith.constant 0 : index
        %get3A_735 = tpu.vector_load %arg15[%get3A_732, %get3A_733, %get3A_734] {strides = array<i32>} : memref<128x3x16xf32, #tpu.memory_space<vmem>>, vector<1x1x16xf32>,
        %get3A_736 = vector.shape_cast %get3A_735 : vector<1x1x16xf32> to vector<16xf32>
        %mul3A_737 = arith.mulf %get3A_736, %gather3A_710 : vector<16xf32>
        %swap3A_738 = arith.constant 1 : i32
        %swap3A_739 = arith.index_cast %add3A_655 : i32 to index
        %swap3A_740 = arith.index_cast %swap3A_738 : i32 to index
        %swap3A_741 = arith.constant 0 : index
        %swap3A_742 = tpu.vector_load %arg15[%swap3A_739, %swap3A_740, %swap3A_741] {strides = array<i32>} : memref<128x3x16xf32, #tpu.memory_space<vmem>>, vector<1x1x16xf32>,
        %swap3A_743 = vector.shape_cast %swap3A_742 : vector<1x1x16xf32> to vector<16xf32>
        %swap3A_744 = vector.shape_cast %mul3A_737 : vector<16xf32> to vector<1x1x16xf32>
        tpu.vector_store %arg15[%swap3A_739, %swap3A_740, %swap3A_741], %swap3A_744 {strides = array<i32>} : memref<128x3x16xf32, #tpu.memory_space<vmem>>, vector<1x1x16xf32>,
        %get3A_745 = arith.constant 2 : i32
        %get3A_746 = arith.index_cast %add3A_655 : i32 to index
        %get3A_747 = arith.index_cast %get3A_745 : i32 to index
        %get3A_748 = arith.constant 0 : index
        %get3A_749 = tpu.vector_load %arg15[%get3A_746, %get3A_747, %get3A_748] {strides = array<i32>} : memref<128x3x16xf32, #tpu.memory_space<vmem>>, vector<1x1x16xf32>,
        %get3A_750 = vector.shape_cast %get3A_749 : vector<1x1x16xf32> to vector<16xf32>
        %mul3A_751 = arith.mulf %get3A_750, %gather3A_710 : vector<16xf32>
        %swap3A_752 = arith.constant 2 : i32
        %swap3A_753 = arith.index_cast %add3A_655 : i32 to index
        %swap3A_754 = arith.index_cast %swap3A_752 : i32 to index
        %swap3A_755 = arith.constant 0 : index
        %swap3A_756 = tpu.vector_load %arg15[%swap3A_753, %swap3A_754, %swap3A_755] {strides = array<i32>} : memref<128x3x16xf32, #tpu.memory_space<vmem>>, vector<1x1x16xf32>,
        %swap3A_757 = vector.shape_cast %swap3A_756 : vector<1x1x16xf32> to vector<16xf32>
        %swap3A_758 = vector.shape_cast %mul3A_751 : vector<16xf32> to vector<1x1x16xf32>
        tpu.vector_store %arg15[%swap3A_753, %swap3A_754, %swap3A_755], %swap3A_758 {strides = array<i32>} : memref<128x3x16xf32, #tpu.memory_space<vmem>>, vector<1x1x16xf32>,
        %scan3A_759 = arith.constant 3 : i32
        %scan3A_760 = arith.addi %scan3A_439, %scan3A_759 : i32
        %mul3A_761 = arith.constant 1 : i32
        %mul3A_762 = arith.muli %scan3A_760, %mul3A_761 : i32
        %add3A_763 = arith.constant 0 : i32
        %add3A_764 = arith.addi %add3A_763, %mul3A_762 : i32
        %jit3A_765 = arith.constant 16 : i32
        %div3A_766 = arith.divsi %add3A_764, %jit3A_765 : i32
        %sign3A_767 = arith.constant 0 : i32
        %sign3A_768 = arith.cmpi sgt, %add3A_764, %sign3A_767 : i32
        %sign3A_769 = arith.extui %sign3A_768 : i1 to i32
        %sign3A_770 = arith.constant 0 : i32
        %sign3A_771 = arith.cmpi slt, %add3A_764, %sign3A_770 : i32
        %sign3A_772 = arith.extui %sign3A_771 : i1 to i32
        %sign3A_773 = arith.subi %sign3A_769, %sign3A_772 : i32
        %sign3A_774 = arith.constant 0 : i32
        %sign3A_775 = arith.cmpi sgt, %jit3A_765, %sign3A_774 : i32
        %sign3A_776 = arith.extui %sign3A_775 : i1 to i32
        %sign3A_777 = arith.constant 0 : i32
        %sign3A_778 = arith.cmpi slt, %jit3A_765, %sign3A_777 : i32
        %sign3A_779 = arith.extui %sign3A_778 : i1 to i32
        %sign3A_780 = arith.subi %sign3A_776, %sign3A_779 : i32
        %ne3A_781 = arith.cmpi ne, %sign3A_773, %sign3A_780 : i32
        %rem3A_782 = arith.remsi %add3A_764, %jit3A_765 : i32
        %ne3A_783 = arith.constant 0 : i32
        %ne3A_784 = arith.cmpi ne, %rem3A_782, %ne3A_783 : i32
        %and3A_785 = arith.andi %ne3A_781, %ne3A_784 : i1
        %sub3A_786 = arith.constant 1 : i32
        %sub3A_787 = arith.subi %div3A_766, %sub3A_786 : i32
        %select_n3A_788 = arith.select %and3A_785, %sub3A_787, %div3A_766 : i32
        %get3A_789 = arith.index_cast %select_n3A_788 : i32 to index
        %get3A_790 = arith.constant 0 : index
        %get3A_791 = tpu.vector_load %arg21[%get3A_789, %get3A_790] {strides = array<i32>} : memref<8x16xf32, #tpu.memory_space<vmem>>, vector<1x16xf32>,
        %get3A_792 = vector.shape_cast %get3A_791 : vector<1x16xf32> to vector<16xf32>
        %jit3A_793 = arith.constant 16 : i32
        %eq3A_794 = arith.constant 0 : i32
        %eq3A_795 = arith.cmpi eq, %jit3A_793, %eq3A_794 : i32
        %jit3A_796 = arith.constant 1 : i32
        %select_n3A_797 = arith.select %eq3A_795, %jit3A_796, %jit3A_793 : i32
        %rem3A_798 = arith.remsi %add3A_764, %select_n3A_797 : i32
        %ne3A_799 = arith.constant 0 : i32
        %ne3A_800 = arith.cmpi ne, %rem3A_798, %ne3A_799 : i32
        %lt3A_801 = arith.constant 0 : i32
        %lt3A_802 = arith.cmpi slt, %rem3A_798, %lt3A_801 : i32
        %lt3A_803 = arith.constant 0 : i32
        %lt3A_804 = arith.cmpi slt, %select_n3A_797, %lt3A_803 : i32
        %ne3A_805 = arith.xori %lt3A_802, %lt3A_804 : i1
        %and3A_806 = arith.andi %ne3A_805, %ne3A_800 : i1
        %add3A_807 = arith.addi %rem3A_798, %select_n3A_797 : i32
        %select_n3A_808 = arith.select %and3A_806, %add3A_807, %rem3A_798 : i32
        %broadcast_in_dim3A_809 = vector.broadcast %select_n3A_808 : i32 to vector<16xi32>
        %lt3A_810 = arith.constant 0 : i32
        %lt3A_811 = vector.broadcast %lt3A_810 : i32 to vector<16xi32>
        %lt3A_812 = arith.cmpi slt, %broadcast_in_dim3A_809, %lt3A_811 : vector<16xi32>
        %add3A_813 = arith.constant 16 : i32
        %add3A_814 = vector.broadcast %add3A_813 : i32 to vector<16xi32>
        %add3A_815 = arith.addi %broadcast_in_dim3A_809, %add3A_814 : vector<16xi32>
        %select_n3A_816 = arith.select %lt3A_812, %add3A_815, %broadcast_in_dim3A_809 : vector<16xi1>, vector<16xi32>
        %broadcast_in_dim3A_817 = vector.shape_cast %select_n3A_816 : vector<16xi32> to vector<16x1xi32>
        %gather3A_818 = vector.shape_cast %broadcast_in_dim3A_817 : vector<16x1xi32> to vector<16xi32>
        %gather3A_819 = tpu.dynamic_gather %get3A_792[%gather3A_818] in [0] : vector<16xf32>, vector<16xi32> -> vector<16xf32>
        %mul3A_820 = arith.mulf %gather3A_819, %select_n3A : vector<16xf32>
        %swap3A_821 = arith.index_cast %add3A_764 : i32 to index
        %swap3A_822 = arith.constant 0 : index
        %swap3A_823 = tpu.vector_load %arg22[%swap3A_821, %swap3A_822] {strides = array<i32>} : memref<128x16xf32, #tpu.memory_space<vmem>>, vector<1x16xf32>,
        %swap3A_824 = vector.shape_cast %swap3A_823 : vector<1x16xf32> to vector<16xf32>
        %swap3A_825 = vector.shape_cast %mul3A_820 : vector<16xf32> to vector<1x16xf32>
        tpu.vector_store %arg22[%swap3A_821, %swap3A_822], %swap3A_825 {strides = array<i32>} : memref<128x16xf32, #tpu.memory_space<vmem>>, vector<1x16xf32>,
        %get3A_826 = arith.constant 0 : i32
        %get3A_827 = arith.index_cast %add3A_764 : i32 to index
        %get3A_828 = arith.index_cast %get3A_826 : i32 to index
        %get3A_829 = arith.constant 0 : index
        %get3A_830 = tpu.vector_load %arg15[%get3A_827, %get3A_828, %get3A_829] {strides = array<i32>} : memref<128x3x16xf32, #tpu.memory_space<vmem>>, vector<1x1x16xf32>,
        %get3A_831 = vector.shape_cast %get3A_830 : vector<1x1x16xf32> to vector<16xf32>
        %mul3A_832 = arith.mulf %get3A_831, %gather3A_819 : vector<16xf32>
        %swap3A_833 = arith.constant 0 : i32
        %swap3A_834 = arith.index_cast %add3A_764 : i32 to index
        %swap3A_835 = arith.index_cast %swap3A_833 : i32 to index
        %swap3A_836 = arith.constant 0 : index
        %swap3A_837 = tpu.vector_load %arg15[%swap3A_834, %swap3A_835, %swap3A_836] {strides = array<i32>} : memref<128x3x16xf32, #tpu.memory_space<vmem>>, vector<1x1x16xf32>,
        %swap3A_838 = vector.shape_cast %swap3A_837 : vector<1x1x16xf32> to vector<16xf32>
        %swap3A_839 = vector.shape_cast %mul3A_832 : vector<16xf32> to vector<1x1x16xf32>
        tpu.vector_store %arg15[%swap3A_834, %swap3A_835, %swap3A_836], %swap3A_839 {strides = array<i32>} : memref<128x3x16xf32, #tpu.memory_space<vmem>>, vector<1x1x16xf32>,
        %get3A_840 = arith.constant 1 : i32
        %get3A_841 = arith.index_cast %add3A_764 : i32 to index
        %get3A_842 = arith.index_cast %get3A_840 : i32 to index
        %get3A_843 = arith.constant 0 : index
        %get3A_844 = tpu.vector_load %arg15[%get3A_841, %get3A_842, %get3A_843] {strides = array<i32>} : memref<128x3x16xf32, #tpu.memory_space<vmem>>, vector<1x1x16xf32>,
        %get3A_845 = vector.shape_cast %get3A_844 : vector<1x1x16xf32> to vector<16xf32>
        %mul3A_846 = arith.mulf %get3A_845, %gather3A_819 : vector<16xf32>
        %swap3A_847 = arith.constant 1 : i32
        %swap3A_848 = arith.index_cast %add3A_764 : i32 to index
        %swap3A_849 = arith.index_cast %swap3A_847 : i32 to index
        %swap3A_850 = arith.constant 0 : index
        %swap3A_851 = tpu.vector_load %arg15[%swap3A_848, %swap3A_849, %swap3A_850] {strides = array<i32>} : memref<128x3x16xf32, #tpu.memory_space<vmem>>, vector<1x1x16xf32>,
        %swap3A_852 = vector.shape_cast %swap3A_851 : vector<1x1x16xf32> to vector<16xf32>
        %swap3A_853 = vector.shape_cast %mul3A_846 : vector<16xf32> to vector<1x1x16xf32>
        tpu.vector_store %arg15[%swap3A_848, %swap3A_849, %swap3A_850], %swap3A_853 {strides = array<i32>} : memref<128x3x16xf32, #tpu.memory_space<vmem>>, vector<1x1x16xf32>,
        %get3A_854 = arith.constant 2 : i32
        %get3A_855 = arith.index_cast %add3A_764 : i32 to index
        %get3A_856 = arith.index_cast %get3A_854 : i32 to index
        %get3A_857 = arith.constant 0 : index
        %get3A_858 = tpu.vector_load %arg15[%get3A_855, %get3A_856, %get3A_857] {strides = array<i32>} : memref<128x3x16xf32, #tpu.memory_space<vmem>>, vector<1x1x16xf32>,
        %get3A_859 = vector.shape_cast %get3A_858 : vector<1x1x16xf32> to vector<16xf32>
        %mul3A_860 = arith.mulf %get3A_859, %gather3A_819 : vector<16xf32>
        %swap3A_861 = arith.constant 2 : i32
        %swap3A_862 = arith.index_cast %add3A_764 : i32 to index
        %swap3A_863 = arith.index_cast %swap3A_861 : i32 to index
        %swap3A_864 = arith.constant 0 : index
        %swap3A_865 = tpu.vector_load %arg15[%swap3A_862, %swap3A_863, %swap3A_864] {strides = array<i32>} : memref<128x3x16xf32, #tpu.memory_space<vmem>>, vector<1x1x16xf32>,
        %swap3A_866 = vector.shape_cast %swap3A_865 : vector<1x1x16xf32> to vector<16xf32>
        %swap3A_867 = vector.shape_cast %mul3A_860 : vector<16xf32> to vector<1x1x16xf32>
        tpu.vector_store %arg15[%swap3A_862, %swap3A_863, %swap3A_864], %swap3A_867 {strides = array<i32>} : memref<128x3x16xf32, #tpu.memory_space<vmem>>, vector<1x1x16xf32>,
      }
      %scan3A_251 = arith.constant 128 : i32
      "tpu.region"() ({
        %run_scoped3A = tpu.sem_alloc : memref<!tpu.dma_semaphore, #tpu.memory_space<semaphore_mem>>
        %dma_start3A_439 = arith.constant 0 : i32
        %dma_start3A_440 = tpu.memref_slice %arg12[%mul3A_66, %dma_start3A_439] : memref<78x128xi32, #tpu.memory_space<vmem>> -> memref<1x128xi32, #tpu.memory_space<vmem>>
        %dma_start3A_441 = tpu.memref_squeeze %dma_start3A_440 : memref<1x128xi32, #tpu.memory_space<vmem>> -> memref<128xi32, #tpu.memory_space<vmem>>
        %dma_start3A_442 = arith.constant 0 : i32
        %dma_start3A_443 = arith.constant 0 : i32
        %dma_start3A_444 = arith.constant 0 : i32
        %dma_start3A_445 = tpu.memref_slice %arg27[%dma_start3A_442, %dma_start3A_443, %dma_start3A_444] : memref<10000x3x16xf32, #tpu.memory_space<vmem_shared>> -> memref<10000x3x16xf32, #tpu.memory_space<vmem_shared>>
        tpu.enqueue_indirect_dma source(%arg15 : memref<128x3x16xf32, #tpu.memory_space<vmem>>) target(%dma_start3A_445 : memref<10000x3x16xf32, #tpu.memory_space<vmem_shared>>) offsets(%dma_start3A_441 : memref<128xi32, #tpu.memory_space<vmem>>) semaphore(%run_scoped3A : memref<!tpu.dma_semaphore, #tpu.memory_space<semaphore_mem>>) {add = true}
        %dma_wait3A_446 = arith.constant 0 : i32
        %dma_wait3A_447 = tpu.memref_slice %arg12[%mul3A_66, %dma_wait3A_446] : memref<78x128xi32, #tpu.memory_space<vmem>> -> memref<1x128xi32, #tpu.memory_space<vmem>>
        %dma_wait3A_448 = tpu.memref_squeeze %dma_wait3A_447 : memref<1x128xi32, #tpu.memory_space<vmem>> -> memref<128xi32, #tpu.memory_space<vmem>>
        %dma_wait3A_449 = arith.constant 0 : i32
        %dma_wait3A_450 = arith.constant 0 : i32
        %dma_wait3A_451 = arith.constant 0 : i32
        %dma_wait3A_452 = tpu.memref_slice %arg27[%dma_wait3A_449, %dma_wait3A_450, %dma_wait3A_451] : memref<10000x3x16xf32, #tpu.memory_space<vmem_shared>> -> memref<10000x3x16xf32, #tpu.memory_space<vmem_shared>>
        tpu.wait_indirect_dma semaphore(%run_scoped3A : memref<!tpu.dma_semaphore, #tpu.memory_space<semaphore_mem>>) src(%arg15 : memref<128x3x16xf32, #tpu.memory_space<vmem>>) dst(%dma_wait3A_452 : memref<10000x3x16xf32, #tpu.memory_space<vmem_shared>>)
        tpu.yield
      }) : () -> ()
      "tpu.region"() ({
        %run_scoped3A = tpu.sem_alloc : memref<!tpu.dma_semaphore, #tpu.memory_space<semaphore_mem>>
        %dma_start3A_439 = arith.constant 0 : i32
        %dma_start3A_440 = tpu.memref_slice %arg12[%mul3A_66, %dma_start3A_439] : memref<78x128xi32, #tpu.memory_space<vmem>> -> memref<1x128xi32, #tpu.memory_space<vmem>>
        %dma_start3A_441 = tpu.memref_squeeze %dma_start3A_440 : memref<1x128xi32, #tpu.memory_space<vmem>> -> memref<128xi32, #tpu.memory_space<vmem>>
        %dma_start3A_442 = arith.constant 0 : i32
        %dma_start3A_443 = arith.constant 0 : i32
        %dma_start3A_444 = tpu.memref_slice %arg28[%dma_start3A_442, %dma_start3A_443] : memref<10000x16xf32, #tpu.memory_space<vmem_shared>> -> memref<10000x16xf32, #tpu.memory_space<vmem_shared>>
        tpu.enqueue_indirect_dma source(%arg22 : memref<128x16xf32, #tpu.memory_space<vmem>>) target(%dma_start3A_444 : memref<10000x16xf32, #tpu.memory_space<vmem_shared>>) offsets(%dma_start3A_441 : memref<128xi32, #tpu.memory_space<vmem>>) semaphore(%run_scoped3A : memref<!tpu.dma_semaphore, #tpu.memory_space<semaphore_mem>>) {add = true}
        %dma_wait3A_445 = arith.constant 0 : i32
        %dma_wait3A_446 = tpu.memref_slice %arg12[%mul3A_66, %dma_wait3A_445] : memref<78x128xi32, #tpu.memory_space<vmem>> -> memref<1x128xi32, #tpu.memory_space<vmem>>
        %dma_wait3A_447 = tpu.memref_squeeze %dma_wait3A_446 : memref<1x128xi32, #tpu.memory_space<vmem>> -> memref<128xi32, #tpu.memory_space<vmem>>
        %dma_wait3A_448 = arith.constant 0 : i32
        %dma_wait3A_449 = arith.constant 0 : i32
        %dma_wait3A_450 = tpu.memref_slice %arg28[%dma_wait3A_448, %dma_wait3A_449] : memref<10000x16xf32, #tpu.memory_space<vmem_shared>> -> memref<10000x16xf32, #tpu.memory_space<vmem_shared>>
        tpu.wait_indirect_dma semaphore(%run_scoped3A : memref<!tpu.dma_semaphore, #tpu.memory_space<semaphore_mem>>) src(%arg22 : memref<128x16xf32, #tpu.memory_space<vmem>>) dst(%dma_wait3A_450 : memref<10000x16xf32, #tpu.memory_space<vmem_shared>>)
        tpu.yield
      }) : () -> ()
      %add3A_252 = arith.constant 2 : i32
      %add3A_253 = arith.addi %mul3A_66, %add3A_252 : i32
      %lt3A_254 = arith.constant 78 : i32
      %lt3A_255 = arith.cmpi slt, %add3A_253, %lt3A_254 : i32
      %convert_element_type3A_256 = arith.extui %lt3A_255 : i1 to i32
      %cond3A_257 = arith.constant 0 : i32
      %cond3A_258 = arith.cmpi ne, %convert_element_type3A_256, %cond3A_257 : i32
      scf.if %cond3A_258 {
        %add3A_439 = arith.constant 2 : i32
        %add3A_440 = arith.addi %mul3A_66, %add3A_439 : i32
        %add3A_441 = arith.constant 2 : i32
        %add3A_442 = arith.addi %mul3A_66, %add3A_441 : i32
        %dma_start3A_443 = arith.constant 0 : i32
        %dma_start3A_444 = tpu.memref_slice %arg11[%add3A_440, %dma_start3A_443] : memref<78x128xi32, #tpu.memory_space<vmem>> -> memref<1x128xi32, #tpu.memory_space<vmem>>
        %dma_start3A_445 = tpu.memref_squeeze %dma_start3A_444 : memref<1x128xi32, #tpu.memory_space<vmem>> -> memref<128xi32, #tpu.memory_space<vmem>>
        %dma_start3A_446 = arith.constant 0 : i32
        %dma_start3A_447 = arith.constant 0 : i32
        %dma_start3A_448 = arith.constant 0 : i32
        %dma_start3A_449 = tpu.memref_slice %arg2[%dma_start3A_446, %dma_start3A_447, %dma_start3A_448] : memref<10000x3x16xf32, #tpu.memory_space<hbm>> -> memref<10000x3x16xf32, #tpu.memory_space<hbm>>
        tpu.enqueue_indirect_dma source(%dma_start3A_449 : memref<10000x3x16xf32, #tpu.memory_space<hbm>>) target(%arg15 : memref<128x3x16xf32, #tpu.memory_space<vmem>>) offsets(%dma_start3A_445 : memref<128xi32, #tpu.memory_space<vmem>>) semaphore(%arg23 : memref<!tpu.dma_semaphore, #tpu.memory_space<semaphore_mem>>)
        %dma_start3A_450 = arith.constant 0 : i32
        %dma_start3A_451 = tpu.memref_slice %arg11[%add3A_440, %dma_start3A_450] : memref<78x128xi32, #tpu.memory_space<vmem>> -> memref<1x128xi32, #tpu.memory_space<vmem>>
        %dma_start3A_452 = tpu.memref_squeeze %dma_start3A_451 : memref<1x128xi32, #tpu.memory_space<vmem>> -> memref<128xi32, #tpu.memory_space<vmem>>
        %dma_start3A_453 = arith.constant 0 : i32
        %dma_start3A_454 = tpu.memref_slice %arg3[%dma_start3A_453] : memref<10000xf32, #tpu.memory_space<hbm>> -> memref<10000xf32, #tpu.memory_space<hbm>>
        tpu.enqueue_indirect_dma source(%dma_start3A_454 : memref<10000xf32, #tpu.memory_space<hbm>>) target(%arg17 : memref<128xf32, #tpu.memory_space<vmem>>) offsets(%dma_start3A_452 : memref<128xi32, #tpu.memory_space<vmem>>) semaphore(%arg25 : memref<!tpu.dma_semaphore, #tpu.memory_space<semaphore_mem>>)
        %dma_start3A_455 = arith.constant 0 : i32
        %dma_start3A_456 = tpu.memref_slice %arg12[%add3A_442, %dma_start3A_455] : memref<78x128xi32, #tpu.memory_space<vmem>> -> memref<1x128xi32, #tpu.memory_space<vmem>>
        %dma_start3A_457 = tpu.memref_squeeze %dma_start3A_456 : memref<1x128xi32, #tpu.memory_space<vmem>> -> memref<128xi32, #tpu.memory_space<vmem>>
        %dma_start3A_458 = arith.constant 0 : i32
        %dma_start3A_459 = tpu.memref_slice %arg4[%dma_start3A_458] : memref<10000xf32, #tpu.memory_space<hbm>> -> memref<10000xf32, #tpu.memory_space<hbm>>
        tpu.enqueue_indirect_dma source(%dma_start3A_459 : memref<10000xf32, #tpu.memory_space<hbm>>) target(%arg19 : memref<128xf32, #tpu.memory_space<vmem>>) offsets(%dma_start3A_457 : memref<128xi32, #tpu.memory_space<vmem>>) semaphore(%arg25 : memref<!tpu.dma_semaphore, #tpu.memory_space<semaphore_mem>>)
      } else {
      }
      %add3A_259 = arith.constant 2 : i32
      %add3A_260 = arith.addi %mul3A_66, %add3A_259 : i32
      %eq3A_261 = arith.constant 78 : i32
      %eq3A_262 = arith.cmpi eq, %add3A_260, %eq3A_261 : i32
      %lt3A_263 = arith.constant 4 : i32
      %lt3A_264 = arith.cmpi slt, %add3A, %lt3A_263 : i32
      %and3A = arith.andi %eq3A_262, %lt3A_264 : i1
      %convert_element_type3A_265 = arith.extui %and3A : i1 to i32
      %cond3A_266 = arith.constant 0 : i32
      %cond3A_267 = arith.cmpi ne, %convert_element_type3A_265, %cond3A_266 : i32
      scf.if %cond3A_267 {
        %dma_start3A_439 = arith.constant 0 : i32
        %dma_start3A_440 = arith.constant 0 : i32
        %dma_start3A_441 = arith.constant 0 : i32
        %dma_start3A_442 = tpu.memref_slice %arg2[%dma_start3A_439, %dma_start3A_440, %dma_start3A_441] : memref<10000x3x16xf32, #tpu.memory_space<hbm>> -> memref<10000x3x16xf32, #tpu.memory_space<hbm>>
        tpu.enqueue_indirect_dma source(%dma_start3A_442 : memref<10000x3x16xf32, #tpu.memory_space<hbm>>) target(%arg15 : memref<128x3x16xf32, #tpu.memory_space<vmem>>) offsets(%arg13 : memref<128xi32, #tpu.memory_space<vmem>>) semaphore(%arg23 : memref<!tpu.dma_semaphore, #tpu.memory_space<semaphore_mem>>)
        %dma_start3A_443 = arith.constant 0 : i32
        %dma_start3A_444 = tpu.memref_slice %arg3[%dma_start3A_443] : memref<10000xf32, #tpu.memory_space<hbm>> -> memref<10000xf32, #tpu.memory_space<hbm>>
        tpu.enqueue_indirect_dma source(%dma_start3A_444 : memref<10000xf32, #tpu.memory_space<hbm>>) target(%arg17 : memref<128xf32, #tpu.memory_space<vmem>>) offsets(%arg13 : memref<128xi32, #tpu.memory_space<vmem>>) semaphore(%arg25 : memref<!tpu.dma_semaphore, #tpu.memory_space<semaphore_mem>>)
        %dma_start3A_445 = arith.constant 0 : i32
        %dma_start3A_446 = tpu.memref_slice %arg4[%dma_start3A_445] : memref<10000xf32, #tpu.memory_space<hbm>> -> memref<10000xf32, #tpu.memory_space<hbm>>
        tpu.enqueue_indirect_dma source(%dma_start3A_446 : memref<10000xf32, #tpu.memory_space<hbm>>) target(%arg19 : memref<128xf32, #tpu.memory_space<vmem>>) offsets(%arg14 : memref<128xi32, #tpu.memory_space<vmem>>) semaphore(%arg25 : memref<!tpu.dma_semaphore, #tpu.memory_space<semaphore_mem>>)
      } else {
      }
      %dma_wait3A_268 = arith.constant 0 : i32
      %dma_wait3A_269 = arith.constant 0 : i32
      %dma_wait3A_270 = tpu.memref_slice %arg11[%dma_wait3A_268, %dma_wait3A_269] : memref<78x128xi32, #tpu.memory_space<vmem>> -> memref<1x128xi32, #tpu.memory_space<vmem>>
      %dma_wait3A_271 = tpu.memref_squeeze %dma_wait3A_270 : memref<1x128xi32, #tpu.memory_space<vmem>> -> memref<128xi32, #tpu.memory_space<vmem>>
      %dma_wait3A_272 = arith.constant 0 : i32
      %dma_wait3A_273 = arith.constant 0 : i32
      %dma_wait3A_274 = arith.constant 0 : i32
      %dma_wait3A_275 = tpu.memref_slice %arg2[%dma_wait3A_272, %dma_wait3A_273, %dma_wait3A_274] : memref<10000x3x16xf32, #tpu.memory_space<hbm>> -> memref<10000x3x16xf32, #tpu.memory_space<hbm>>
      tpu.wait_indirect_dma semaphore(%arg24 : memref<!tpu.dma_semaphore, #tpu.memory_space<semaphore_mem>>) src(%dma_wait3A_275 : memref<10000x3x16xf32, #tpu.memory_space<hbm>>) dst(%arg16 : memref<128x3x16xf32, #tpu.memory_space<vmem>>)
      %dma_wait3A_276 = arith.constant 0 : i32
      %dma_wait3A_277 = arith.constant 0 : i32
      %dma_wait3A_278 = tpu.memref_slice %arg11[%dma_wait3A_276, %dma_wait3A_277] : memref<78x128xi32, #tpu.memory_space<vmem>> -> memref<1x128xi32, #tpu.memory_space<vmem>>
      %dma_wait3A_279 = tpu.memref_squeeze %dma_wait3A_278 : memref<1x128xi32, #tpu.memory_space<vmem>> -> memref<128xi32, #tpu.memory_space<vmem>>
      %dma_wait3A_280 = arith.constant 0 : i32
      %dma_wait3A_281 = tpu.memref_slice %arg3[%dma_wait3A_280] : memref<10000xf32, #tpu.memory_space<hbm>> -> memref<10000xf32, #tpu.memory_space<hbm>>
      tpu.wait_indirect_dma semaphore(%arg26 : memref<!tpu.dma_semaphore, #tpu.memory_space<semaphore_mem>>) src(%dma_wait3A_281 : memref<10000xf32, #tpu.memory_space<hbm>>) dst(%arg18 : memref<128xf32, #tpu.memory_space<vmem>>)
      %dma_wait3A_282 = arith.constant 0 : i32
      %dma_wait3A_283 = arith.constant 0 : i32
      %dma_wait3A_284 = tpu.memref_slice %arg12[%dma_wait3A_282, %dma_wait3A_283] : memref<78x128xi32, #tpu.memory_space<vmem>> -> memref<1x128xi32, #tpu.memory_space<vmem>>
      %dma_wait3A_285 = tpu.memref_squeeze %dma_wait3A_284 : memref<1x128xi32, #tpu.memory_space<vmem>> -> memref<128xi32, #tpu.memory_space<vmem>>
      %dma_wait3A_286 = arith.constant 0 : i32
      %dma_wait3A_287 = tpu.memref_slice %arg4[%dma_wait3A_286] : memref<10000xf32, #tpu.memory_space<hbm>> -> memref<10000xf32, #tpu.memory_space<hbm>>
      tpu.wait_indirect_dma semaphore(%arg26 : memref<!tpu.dma_semaphore, #tpu.memory_space<semaphore_mem>>) src(%dma_wait3A_287 : memref<10000xf32, #tpu.memory_space<hbm>>) dst(%arg20 : memref<128xf32, #tpu.memory_space<vmem>>)
      %add3A_288 = arith.constant 1 : i32
      %add3A_289 = arith.addi %mul3A_66, %add3A_288 : i32
      %get3A_290 = arith.constant 0 : index
      %get3A_291 = tpu.vector_load %arg18[%get3A_290] {strides = array<i32>} : memref<128xf32, #tpu.memory_space<vmem>>, vector<16xf32>,
      %get3A_292 = vector.shape_cast %get3A_291 : vector<16xf32> to vector<16xf32>
      %get3A_293 = arith.constant 0 : index
      %get3A_294 = tpu.vector_load %arg20[%get3A_293] {strides = array<i32>} : memref<128xf32, #tpu.memory_space<vmem>>, vector<16xf32>,
      %get3A_295 = vector.shape_cast %get3A_294 : vector<16xf32> to vector<16xf32>
      %add3A_296 = arith.addf %get3A_292, %get3A_295 : vector<16xf32>
      %mul3A_297 = arith.constant 2.000000e-01 : f32
      %mul3A_298 = vector.broadcast %mul3A_297 : f32 to vector<16xf32>
      %mul3A_299 = arith.mulf %mul3A_298, %add3A_296 : vector<16xf32>
      %max3A_300 = arith.maximumf %add3A_296, %mul3A_299 : vector<16xf32>
      %exp3A_301 = math.exp %max3A_300 : vector<16xf32>
      %swap3A_302 = arith.constant 0 : i32
      %swap3A_303 = arith.index_cast %swap3A_302 : i32 to index
      %swap3A_304 = arith.constant 0 : index
      %swap3A_305 = tpu.vector_load %arg21[%swap3A_303, %swap3A_304] {strides = array<i32>} : memref<8x16xf32, #tpu.memory_space<vmem>>, vector<1x16xf32>,
      %swap3A_306 = vector.shape_cast %swap3A_305 : vector<1x16xf32> to vector<16xf32>
      %swap3A_307 = vector.shape_cast %exp3A_301 : vector<16xf32> to vector<1x16xf32>
      tpu.vector_store %arg21[%swap3A_303, %swap3A_304], %swap3A_307 {strides = array<i32>} : memref<8x16xf32, #tpu.memory_space<vmem>>, vector<1x16xf32>,
      %get3A_308 = arith.constant 16 : index
      %get3A_309 = tpu.vector_load %arg18[%get3A_308] {strides = array<i32>} : memref<128xf32, #tpu.memory_space<vmem>>, vector<16xf32>,
      %get3A_310 = vector.shape_cast %get3A_309 : vector<16xf32> to vector<16xf32>
      %get3A_311 = arith.constant 16 : index
      %get3A_312 = tpu.vector_load %arg20[%get3A_311] {strides = array<i32>} : memref<128xf32, #tpu.memory_space<vmem>>, vector<16xf32>,
      %get3A_313 = vector.shape_cast %get3A_312 : vector<16xf32> to vector<16xf32>
      %add3A_314 = arith.addf %get3A_310, %get3A_313 : vector<16xf32>
      %mul3A_315 = arith.constant 2.000000e-01 : f32
      %mul3A_316 = vector.broadcast %mul3A_315 : f32 to vector<16xf32>
      %mul3A_317 = arith.mulf %mul3A_316, %add3A_314 : vector<16xf32>
      %max3A_318 = arith.maximumf %add3A_314, %mul3A_317 : vector<16xf32>
      %exp3A_319 = math.exp %max3A_318 : vector<16xf32>
      %swap3A_320 = arith.constant 1 : i32
      %swap3A_321 = arith.index_cast %swap3A_320 : i32 to index
      %swap3A_322 = arith.constant 0 : index
      %swap3A_323 = tpu.vector_load %arg21[%swap3A_321, %swap3A_322] {strides = array<i32>} : memref<8x16xf32, #tpu.memory_space<vmem>>, vector<1x16xf32>,
      %swap3A_324 = vector.shape_cast %swap3A_323 : vector<1x16xf32> to vector<16xf32>
      %swap3A_325 = vector.shape_cast %exp3A_319 : vector<16xf32> to vector<1x16xf32>
      tpu.vector_store %arg21[%swap3A_321, %swap3A_322], %swap3A_325 {strides = array<i32>} : memref<8x16xf32, #tpu.memory_space<vmem>>, vector<1x16xf32>,
      %get3A_326 = arith.constant 32 : index
      %get3A_327 = tpu.vector_load %arg18[%get3A_326] {strides = array<i32>} : memref<128xf32, #tpu.memory_space<vmem>>, vector<16xf32>,
      %get3A_328 = vector.shape_cast %get3A_327 : vector<16xf32> to vector<16xf32>
      %get3A_329 = arith.constant 32 : index
      %get3A_330 = tpu.vector_load %arg20[%get3A_329] {strides = array<i32>} : memref<128xf32, #tpu.memory_space<vmem>>, vector<16xf32>,
      %get3A_331 = vector.shape_cast %get3A_330 : vector<16xf32> to vector<16xf32>
      %add3A_332 = arith.addf %get3A_328, %get3A_331 : vector<16xf32>
      %mul3A_333 = arith.constant 2.000000e-01 : f32
      %mul3A_334 = vector.broadcast %mul3A_333 : f32 to vector<16xf32>
      %mul3A_335 = arith.mulf %mul3A_334, %add3A_332 : vector<16xf32>
      %max3A_336 = arith.maximumf %add3A_332, %mul3A_335 : vector<16xf32>
      %exp3A_337 = math.exp %max3A_336 : vector<16xf32>
      %swap3A_338 = arith.constant 2 : i32
      %swap3A_339 = arith.index_cast %swap3A_338 : i32 to index
      %swap3A_340 = arith.constant 0 : index
      %swap3A_341 = tpu.vector_load %arg21[%swap3A_339, %swap3A_340] {strides = array<i32>} : memref<8x16xf32, #tpu.memory_space<vmem>>, vector<1x16xf32>,
      %swap3A_342 = vector.shape_cast %swap3A_341 : vector<1x16xf32> to vector<16xf32>
      %swap3A_343 = vector.shape_cast %exp3A_337 : vector<16xf32> to vector<1x16xf32>
      tpu.vector_store %arg21[%swap3A_339, %swap3A_340], %swap3A_343 {strides = array<i32>} : memref<8x16xf32, #tpu.memory_space<vmem>>, vector<1x16xf32>,
      %get3A_344 = arith.constant 48 : index
      %get3A_345 = tpu.vector_load %arg18[%get3A_344] {strides = array<i32>} : memref<128xf32, #tpu.memory_space<vmem>>, vector<16xf32>,
      %get3A_346 = vector.shape_cast %get3A_345 : vector<16xf32> to vector<16xf32>
      %get3A_347 = arith.constant 48 : index
      %get3A_348 = tpu.vector_load %arg20[%get3A_347] {strides = array<i32>} : memref<128xf32, #tpu.memory_space<vmem>>, vector<16xf32>,
      %get3A_349 = vector.shape_cast %get3A_348 : vector<16xf32> to vector<16xf32>
      %add3A_350 = arith.addf %get3A_346, %get3A_349 : vector<16xf32>
      %mul3A_351 = arith.constant 2.000000e-01 : f32
      %mul3A_352 = vector.broadcast %mul3A_351 : f32 to vector<16xf32>
      %mul3A_353 = arith.mulf %mul3A_352, %add3A_350 : vector<16xf32>
      %max3A_354 = arith.maximumf %add3A_350, %mul3A_353 : vector<16xf32>
      %exp3A_355 = math.exp %max3A_354 : vector<16xf32>
      %swap3A_356 = arith.constant 3 : i32
      %swap3A_357 = arith.index_cast %swap3A_356 : i32 to index
      %swap3A_358 = arith.constant 0 : index
      %swap3A_359 = tpu.vector_load %arg21[%swap3A_357, %swap3A_358] {strides = array<i32>} : memref<8x16xf32, #tpu.memory_space<vmem>>, vector<1x16xf32>,
      %swap3A_360 = vector.shape_cast %swap3A_359 : vector<1x16xf32> to vector<16xf32>
      %swap3A_361 = vector.shape_cast %exp3A_355 : vector<16xf32> to vector<1x16xf32>
      tpu.vector_store %arg21[%swap3A_357, %swap3A_358], %swap3A_361 {strides = array<i32>} : memref<8x16xf32, #tpu.memory_space<vmem>>, vector<1x16xf32>,
      %get3A_362 = arith.constant 64 : index
      %get3A_363 = tpu.vector_load %arg18[%get3A_362] {strides = array<i32>} : memref<128xf32, #tpu.memory_space<vmem>>, vector<16xf32>,
      %get3A_364 = vector.shape_cast %get3A_363 : vector<16xf32> to vector<16xf32>
      %get3A_365 = arith.constant 64 : index
      %get3A_366 = tpu.vector_load %arg20[%get3A_365] {strides = array<i32>} : memref<128xf32, #tpu.memory_space<vmem>>, vector<16xf32>,
      %get3A_367 = vector.shape_cast %get3A_366 : vector<16xf32> to vector<16xf32>
      %add3A_368 = arith.addf %get3A_364, %get3A_367 : vector<16xf32>
      %mul3A_369 = arith.constant 2.000000e-01 : f32
      %mul3A_370 = vector.broadcast %mul3A_369 : f32 to vector<16xf32>
      %mul3A_371 = arith.mulf %mul3A_370, %add3A_368 : vector<16xf32>
      %max3A_372 = arith.maximumf %add3A_368, %mul3A_371 : vector<16xf32>
      %exp3A_373 = math.exp %max3A_372 : vector<16xf32>
      %swap3A_374 = arith.constant 4 : i32
      %swap3A_375 = arith.index_cast %swap3A_374 : i32 to index
      %swap3A_376 = arith.constant 0 : index
      %swap3A_377 = tpu.vector_load %arg21[%swap3A_375, %swap3A_376] {strides = array<i32>} : memref<8x16xf32, #tpu.memory_space<vmem>>, vector<1x16xf32>,
      %swap3A_378 = vector.shape_cast %swap3A_377 : vector<1x16xf32> to vector<16xf32>
      %swap3A_379 = vector.shape_cast %exp3A_373 : vector<16xf32> to vector<1x16xf32>
      tpu.vector_store %arg21[%swap3A_375, %swap3A_376], %swap3A_379 {strides = array<i32>} : memref<8x16xf32, #tpu.memory_space<vmem>>, vector<1x16xf32>,
      %get3A_380 = arith.constant 80 : index
      %get3A_381 = tpu.vector_load %arg18[%get3A_380] {strides = array<i32>} : memref<128xf32, #tpu.memory_space<vmem>>, vector<16xf32>,
      %get3A_382 = vector.shape_cast %get3A_381 : vector<16xf32> to vector<16xf32>
      %get3A_383 = arith.constant 80 : index
      %get3A_384 = tpu.vector_load %arg20[%get3A_383] {strides = array<i32>} : memref<128xf32, #tpu.memory_space<vmem>>, vector<16xf32>,
      %get3A_385 = vector.shape_cast %get3A_384 : vector<16xf32> to vector<16xf32>
      %add3A_386 = arith.addf %get3A_382, %get3A_385 : vector<16xf32>
      %mul3A_387 = arith.constant 2.000000e-01 : f32
      %mul3A_388 = vector.broadcast %mul3A_387 : f32 to vector<16xf32>
      %mul3A_389 = arith.mulf %mul3A_388, %add3A_386 : vector<16xf32>
      %max3A_390 = arith.maximumf %add3A_386, %mul3A_389 : vector<16xf32>
      %exp3A_391 = math.exp %max3A_390 : vector<16xf32>
      %swap3A_392 = arith.constant 5 : i32
      %swap3A_393 = arith.index_cast %swap3A_392 : i32 to index
      %swap3A_394 = arith.constant 0 : index
      %swap3A_395 = tpu.vector_load %arg21[%swap3A_393, %swap3A_394] {strides = array<i32>} : memref<8x16xf32, #tpu.memory_space<vmem>>, vector<1x16xf32>,
      %swap3A_396 = vector.shape_cast %swap3A_395 : vector<1x16xf32> to vector<16xf32>
      %swap3A_397 = vector.shape_cast %exp3A_391 : vector<16xf32> to vector<1x16xf32>
      tpu.vector_store %arg21[%swap3A_393, %swap3A_394], %swap3A_397 {strides = array<i32>} : memref<8x16xf32, #tpu.memory_space<vmem>>, vector<1x16xf32>,
      %get3A_398 = arith.constant 96 : index
      %get3A_399 = tpu.vector_load %arg18[%get3A_398] {strides = array<i32>} : memref<128xf32, #tpu.memory_space<vmem>>, vector<16xf32>,
      %get3A_400 = vector.shape_cast %get3A_399 : vector<16xf32> to vector<16xf32>
      %get3A_401 = arith.constant 96 : index
      %get3A_402 = tpu.vector_load %arg20[%get3A_401] {strides = array<i32>} : memref<128xf32, #tpu.memory_space<vmem>>, vector<16xf32>,
      %get3A_403 = vector.shape_cast %get3A_402 : vector<16xf32> to vector<16xf32>
      %add3A_404 = arith.addf %get3A_400, %get3A_403 : vector<16xf32>
      %mul3A_405 = arith.constant 2.000000e-01 : f32
      %mul3A_406 = vector.broadcast %mul3A_405 : f32 to vector<16xf32>
      %mul3A_407 = arith.mulf %mul3A_406, %add3A_404 : vector<16xf32>
      %max3A_408 = arith.maximumf %add3A_404, %mul3A_407 : vector<16xf32>
      %exp3A_409 = math.exp %max3A_408 : vector<16xf32>
      %swap3A_410 = arith.constant 6 : i32
      %swap3A_411 = arith.index_cast %swap3A_410 : i32 to index
      %swap3A_412 = arith.constant 0 : index
      %swap3A_413 = tpu.vector_load %arg21[%swap3A_411, %swap3A_412] {strides = array<i32>} : memref<8x16xf32, #tpu.memory_space<vmem>>, vector<1x16xf32>,
      %swap3A_414 = vector.shape_cast %swap3A_413 : vector<1x16xf32> to vector<16xf32>
      %swap3A_415 = vector.shape_cast %exp3A_409 : vector<16xf32> to vector<1x16xf32>
      tpu.vector_store %arg21[%swap3A_411, %swap3A_412], %swap3A_415 {strides = array<i32>} : memref<8x16xf32, #tpu.memory_space<vmem>>, vector<1x16xf32>,
      %get3A_416 = arith.constant 112 : index
      %get3A_417 = tpu.vector_load %arg18[%get3A_416] {strides = array<i32>} : memref<128xf32, #tpu.memory_space<vmem>>, vector<16xf32>,
      %get3A_418 = vector.shape_cast %get3A_417 : vector<16xf32> to vector<16xf32>
      %get3A_419 = arith.constant 112 : index
      %get3A_420 = tpu.vector_load %arg20[%get3A_419] {strides = array<i32>} : memref<128xf32, #tpu.memory_space<vmem>>, vector<16xf32>,
      %get3A_421 = vector.shape_cast %get3A_420 : vector<16xf32> to vector<16xf32>
      %add3A_422 = arith.addf %get3A_418, %get3A_421 : vector<16xf32>
      %mul3A_423 = arith.constant 2.000000e-01 : f32
      %mul3A_424 = vector.broadcast %mul3A_423 : f32 to vector<16xf32>
      %mul3A_425 = arith.mulf %mul3A_424, %add3A_422 : vector<16xf32>
      %max3A_426 = arith.maximumf %add3A_422, %mul3A_425 : vector<16xf32>
      %exp3A_427 = math.exp %max3A_426 : vector<16xf32>
      %swap3A_428 = arith.constant 7 : i32
      %swap3A_429 = arith.index_cast %swap3A_428 : i32 to index
      %swap3A_430 = arith.constant 0 : index
      %swap3A_431 = tpu.vector_load %arg21[%swap3A_429, %swap3A_430] {strides = array<i32>} : memref<8x16xf32, #tpu.memory_space<vmem>>, vector<1x16xf32>,
      %swap3A_432 = vector.shape_cast %swap3A_431 : vector<1x16xf32> to vector<16xf32>
      %swap3A_433 = vector.shape_cast %exp3A_427 : vector<16xf32> to vector<1x16xf32>
      tpu.vector_store %arg21[%swap3A_429, %swap3A_430], %swap3A_433 {strides = array<i32>} : memref<8x16xf32, #tpu.memory_space<vmem>>, vector<1x16xf32>,
      %scan3A_434 = arith.constant 0 : i32
      %scan3A_435 = arith.constant 128 : i32
      %scan3A_436 = arith.addi %scan3A_434, %scan3A_435 : i32
      %scan3A_437 = arith.constant 4 : i32
      scf.for %scan3A_439 = %scan3A_434 to %scan3A_436 step %scan3A_437  : i32 {
        %mul3A_440 = arith.constant 1 : i32
        %mul3A_441 = arith.muli %scan3A_439, %mul3A_440 : i32
        %add3A_442 = arith.constant 0 : i32
        %add3A_443 = arith.addi %add3A_442, %mul3A_441 : i32
        %jit3A_444 = arith.constant 16 : i32
        %div3A = arith.divsi %add3A_443, %jit3A_444 : i32
        %sign3A = arith.constant 0 : i32
        %sign3A_445 = arith.cmpi sgt, %add3A_443, %sign3A : i32
        %sign3A_446 = arith.extui %sign3A_445 : i1 to i32
        %sign3A_447 = arith.constant 0 : i32
        %sign3A_448 = arith.cmpi slt, %add3A_443, %sign3A_447 : i32
        %sign3A_449 = arith.extui %sign3A_448 : i1 to i32
        %sign3A_450 = arith.subi %sign3A_446, %sign3A_449 : i32
        %sign3A_451 = arith.constant 0 : i32
        %sign3A_452 = arith.cmpi sgt, %jit3A_444, %sign3A_451 : i32
        %sign3A_453 = arith.extui %sign3A_452 : i1 to i32
        %sign3A_454 = arith.constant 0 : i32
        %sign3A_455 = arith.cmpi slt, %jit3A_444, %sign3A_454 : i32
        %sign3A_456 = arith.extui %sign3A_455 : i1 to i32
        %sign3A_457 = arith.subi %sign3A_453, %sign3A_456 : i32
        %ne3A = arith.cmpi ne, %sign3A_450, %sign3A_457 : i32
        %rem3A = arith.remsi %add3A_443, %jit3A_444 : i32
        %ne3A_458 = arith.constant 0 : i32
        %ne3A_459 = arith.cmpi ne, %rem3A, %ne3A_458 : i32
        %and3A_460 = arith.andi %ne3A, %ne3A_459 : i1
        %sub3A = arith.constant 1 : i32
        %sub3A_461 = arith.subi %div3A, %sub3A : i32
        %select_n3A_462 = arith.select %and3A_460, %sub3A_461, %div3A : i32
        %get3A_463 = arith.index_cast %select_n3A_462 : i32 to index
        %get3A_464 = arith.constant 0 : index
        %get3A_465 = tpu.vector_load %arg21[%get3A_463, %get3A_464] {strides = array<i32>} : memref<8x16xf32, #tpu.memory_space<vmem>>, vector<1x16xf32>,
        %get3A_466 = vector.shape_cast %get3A_465 : vector<1x16xf32> to vector<16xf32>
        %jit3A_467 = arith.constant 16 : i32
        %eq3A_468 = arith.constant 0 : i32
        %eq3A_469 = arith.cmpi eq, %jit3A_467, %eq3A_468 : i32
        %jit3A_470 = arith.constant 1 : i32
        %select_n3A_471 = arith.select %eq3A_469, %jit3A_470, %jit3A_467 : i32
        %rem3A_472 = arith.remsi %add3A_443, %select_n3A_471 : i32
        %ne3A_473 = arith.constant 0 : i32
        %ne3A_474 = arith.cmpi ne, %rem3A_472, %ne3A_473 : i32
        %lt3A_475 = arith.constant 0 : i32
        %lt3A_476 = arith.cmpi slt, %rem3A_472, %lt3A_475 : i32
        %lt3A_477 = arith.constant 0 : i32
        %lt3A_478 = arith.cmpi slt, %select_n3A_471, %lt3A_477 : i32
        %ne3A_479 = arith.xori %lt3A_476, %lt3A_478 : i1
        %and3A_480 = arith.andi %ne3A_479, %ne3A_474 : i1
        %add3A_481 = arith.addi %rem3A_472, %select_n3A_471 : i32
        %select_n3A_482 = arith.select %and3A_480, %add3A_481, %rem3A_472 : i32
        %broadcast_in_dim3A_483 = vector.broadcast %select_n3A_482 : i32 to vector<16xi32>
        %lt3A_484 = arith.constant 0 : i32
        %lt3A_485 = vector.broadcast %lt3A_484 : i32 to vector<16xi32>
        %lt3A_486 = arith.cmpi slt, %broadcast_in_dim3A_483, %lt3A_485 : vector<16xi32>
        %add3A_487 = arith.constant 16 : i32
        %add3A_488 = vector.broadcast %add3A_487 : i32 to vector<16xi32>
        %add3A_489 = arith.addi %broadcast_in_dim3A_483, %add3A_488 : vector<16xi32>
        %select_n3A_490 = arith.select %lt3A_486, %add3A_489, %broadcast_in_dim3A_483 : vector<16xi1>, vector<16xi32>
        %broadcast_in_dim3A_491 = vector.shape_cast %select_n3A_490 : vector<16xi32> to vector<16x1xi32>
        %gather3A = vector.shape_cast %broadcast_in_dim3A_491 : vector<16x1xi32> to vector<16xi32>
        %gather3A_492 = tpu.dynamic_gather %get3A_466[%gather3A] in [0] : vector<16xf32>, vector<16xi32> -> vector<16xf32>
        %mul3A_493 = arith.mulf %gather3A_492, %select_n3A : vector<16xf32>
        %swap3A_494 = arith.index_cast %add3A_443 : i32 to index
        %swap3A_495 = arith.constant 0 : index
        %swap3A_496 = tpu.vector_load %arg22[%swap3A_494, %swap3A_495] {strides = array<i32>} : memref<128x16xf32, #tpu.memory_space<vmem>>, vector<1x16xf32>,
        %swap3A_497 = vector.shape_cast %swap3A_496 : vector<1x16xf32> to vector<16xf32>
        %swap3A_498 = vector.shape_cast %mul3A_493 : vector<16xf32> to vector<1x16xf32>
        tpu.vector_store %arg22[%swap3A_494, %swap3A_495], %swap3A_498 {strides = array<i32>} : memref<128x16xf32, #tpu.memory_space<vmem>>, vector<1x16xf32>,
        %get3A_499 = arith.constant 0 : i32
        %get3A_500 = arith.index_cast %add3A_443 : i32 to index
        %get3A_501 = arith.index_cast %get3A_499 : i32 to index
        %get3A_502 = arith.constant 0 : index
        %get3A_503 = tpu.vector_load %arg16[%get3A_500, %get3A_501, %get3A_502] {strides = array<i32>} : memref<128x3x16xf32, #tpu.memory_space<vmem>>, vector<1x1x16xf32>,
        %get3A_504 = vector.shape_cast %get3A_503 : vector<1x1x16xf32> to vector<16xf32>
        %mul3A_505 = arith.mulf %get3A_504, %gather3A_492 : vector<16xf32>
        %swap3A_506 = arith.constant 0 : i32
        %swap3A_507 = arith.index_cast %add3A_443 : i32 to index
        %swap3A_508 = arith.index_cast %swap3A_506 : i32 to index
        %swap3A_509 = arith.constant 0 : index
        %swap3A_510 = tpu.vector_load %arg16[%swap3A_507, %swap3A_508, %swap3A_509] {strides = array<i32>} : memref<128x3x16xf32, #tpu.memory_space<vmem>>, vector<1x1x16xf32>,
        %swap3A_511 = vector.shape_cast %swap3A_510 : vector<1x1x16xf32> to vector<16xf32>
        %swap3A_512 = vector.shape_cast %mul3A_505 : vector<16xf32> to vector<1x1x16xf32>
        tpu.vector_store %arg16[%swap3A_507, %swap3A_508, %swap3A_509], %swap3A_512 {strides = array<i32>} : memref<128x3x16xf32, #tpu.memory_space<vmem>>, vector<1x1x16xf32>,
        %get3A_513 = arith.constant 1 : i32
        %get3A_514 = arith.index_cast %add3A_443 : i32 to index
        %get3A_515 = arith.index_cast %get3A_513 : i32 to index
        %get3A_516 = arith.constant 0 : index
        %get3A_517 = tpu.vector_load %arg16[%get3A_514, %get3A_515, %get3A_516] {strides = array<i32>} : memref<128x3x16xf32, #tpu.memory_space<vmem>>, vector<1x1x16xf32>,
        %get3A_518 = vector.shape_cast %get3A_517 : vector<1x1x16xf32> to vector<16xf32>
        %mul3A_519 = arith.mulf %get3A_518, %gather3A_492 : vector<16xf32>
        %swap3A_520 = arith.constant 1 : i32
        %swap3A_521 = arith.index_cast %add3A_443 : i32 to index
        %swap3A_522 = arith.index_cast %swap3A_520 : i32 to index
        %swap3A_523 = arith.constant 0 : index
        %swap3A_524 = tpu.vector_load %arg16[%swap3A_521, %swap3A_522, %swap3A_523] {strides = array<i32>} : memref<128x3x16xf32, #tpu.memory_space<vmem>>, vector<1x1x16xf32>,
        %swap3A_525 = vector.shape_cast %swap3A_524 : vector<1x1x16xf32> to vector<16xf32>
        %swap3A_526 = vector.shape_cast %mul3A_519 : vector<16xf32> to vector<1x1x16xf32>
        tpu.vector_store %arg16[%swap3A_521, %swap3A_522, %swap3A_523], %swap3A_526 {strides = array<i32>} : memref<128x3x16xf32, #tpu.memory_space<vmem>>, vector<1x1x16xf32>,
        %get3A_527 = arith.constant 2 : i32
        %get3A_528 = arith.index_cast %add3A_443 : i32 to index
        %get3A_529 = arith.index_cast %get3A_527 : i32 to index
        %get3A_530 = arith.constant 0 : index
        %get3A_531 = tpu.vector_load %arg16[%get3A_528, %get3A_529, %get3A_530] {strides = array<i32>} : memref<128x3x16xf32, #tpu.memory_space<vmem>>, vector<1x1x16xf32>,
        %get3A_532 = vector.shape_cast %get3A_531 : vector<1x1x16xf32> to vector<16xf32>
        %mul3A_533 = arith.mulf %get3A_532, %gather3A_492 : vector<16xf32>
        %swap3A_534 = arith.constant 2 : i32
        %swap3A_535 = arith.index_cast %add3A_443 : i32 to index
        %swap3A_536 = arith.index_cast %swap3A_534 : i32 to index
        %swap3A_537 = arith.constant 0 : index
        %swap3A_538 = tpu.vector_load %arg16[%swap3A_535, %swap3A_536, %swap3A_537] {strides = array<i32>} : memref<128x3x16xf32, #tpu.memory_space<vmem>>, vector<1x1x16xf32>,
        %swap3A_539 = vector.shape_cast %swap3A_538 : vector<1x1x16xf32> to vector<16xf32>
        %swap3A_540 = vector.shape_cast %mul3A_533 : vector<16xf32> to vector<1x1x16xf32>
        tpu.vector_store %arg16[%swap3A_535, %swap3A_536, %swap3A_537], %swap3A_540 {strides = array<i32>} : memref<128x3x16xf32, #tpu.memory_space<vmem>>, vector<1x1x16xf32>,
        %scan3A_541 = arith.constant 1 : i32
        %scan3A_542 = arith.addi %scan3A_439, %scan3A_541 : i32
        %mul3A_543 = arith.constant 1 : i32
        %mul3A_544 = arith.muli %scan3A_542, %mul3A_543 : i32
        %add3A_545 = arith.constant 0 : i32
        %add3A_546 = arith.addi %add3A_545, %mul3A_544 : i32
        %jit3A_547 = arith.constant 16 : i32
        %div3A_548 = arith.divsi %add3A_546, %jit3A_547 : i32
        %sign3A_549 = arith.constant 0 : i32
        %sign3A_550 = arith.cmpi sgt, %add3A_546, %sign3A_549 : i32
        %sign3A_551 = arith.extui %sign3A_550 : i1 to i32
        %sign3A_552 = arith.constant 0 : i32
        %sign3A_553 = arith.cmpi slt, %add3A_546, %sign3A_552 : i32
        %sign3A_554 = arith.extui %sign3A_553 : i1 to i32
        %sign3A_555 = arith.subi %sign3A_551, %sign3A_554 : i32
        %sign3A_556 = arith.constant 0 : i32
        %sign3A_557 = arith.cmpi sgt, %jit3A_547, %sign3A_556 : i32
        %sign3A_558 = arith.extui %sign3A_557 : i1 to i32
        %sign3A_559 = arith.constant 0 : i32
        %sign3A_560 = arith.cmpi slt, %jit3A_547, %sign3A_559 : i32
        %sign3A_561 = arith.extui %sign3A_560 : i1 to i32
        %sign3A_562 = arith.subi %sign3A_558, %sign3A_561 : i32
        %ne3A_563 = arith.cmpi ne, %sign3A_555, %sign3A_562 : i32
        %rem3A_564 = arith.remsi %add3A_546, %jit3A_547 : i32
        %ne3A_565 = arith.constant 0 : i32
        %ne3A_566 = arith.cmpi ne, %rem3A_564, %ne3A_565 : i32
        %and3A_567 = arith.andi %ne3A_563, %ne3A_566 : i1
        %sub3A_568 = arith.constant 1 : i32
        %sub3A_569 = arith.subi %div3A_548, %sub3A_568 : i32
        %select_n3A_570 = arith.select %and3A_567, %sub3A_569, %div3A_548 : i32
        %get3A_571 = arith.index_cast %select_n3A_570 : i32 to index
        %get3A_572 = arith.constant 0 : index
        %get3A_573 = tpu.vector_load %arg21[%get3A_571, %get3A_572] {strides = array<i32>} : memref<8x16xf32, #tpu.memory_space<vmem>>, vector<1x16xf32>,
        %get3A_574 = vector.shape_cast %get3A_573 : vector<1x16xf32> to vector<16xf32>
        %jit3A_575 = arith.constant 16 : i32
        %eq3A_576 = arith.constant 0 : i32
        %eq3A_577 = arith.cmpi eq, %jit3A_575, %eq3A_576 : i32
        %jit3A_578 = arith.constant 1 : i32
        %select_n3A_579 = arith.select %eq3A_577, %jit3A_578, %jit3A_575 : i32
        %rem3A_580 = arith.remsi %add3A_546, %select_n3A_579 : i32
        %ne3A_581 = arith.constant 0 : i32
        %ne3A_582 = arith.cmpi ne, %rem3A_580, %ne3A_581 : i32
        %lt3A_583 = arith.constant 0 : i32
        %lt3A_584 = arith.cmpi slt, %rem3A_580, %lt3A_583 : i32
        %lt3A_585 = arith.constant 0 : i32
        %lt3A_586 = arith.cmpi slt, %select_n3A_579, %lt3A_585 : i32
        %ne3A_587 = arith.xori %lt3A_584, %lt3A_586 : i1
        %and3A_588 = arith.andi %ne3A_587, %ne3A_582 : i1
        %add3A_589 = arith.addi %rem3A_580, %select_n3A_579 : i32
        %select_n3A_590 = arith.select %and3A_588, %add3A_589, %rem3A_580 : i32
        %broadcast_in_dim3A_591 = vector.broadcast %select_n3A_590 : i32 to vector<16xi32>
        %lt3A_592 = arith.constant 0 : i32
        %lt3A_593 = vector.broadcast %lt3A_592 : i32 to vector<16xi32>
        %lt3A_594 = arith.cmpi slt, %broadcast_in_dim3A_591, %lt3A_593 : vector<16xi32>
        %add3A_595 = arith.constant 16 : i32
        %add3A_596 = vector.broadcast %add3A_595 : i32 to vector<16xi32>
        %add3A_597 = arith.addi %broadcast_in_dim3A_591, %add3A_596 : vector<16xi32>
        %select_n3A_598 = arith.select %lt3A_594, %add3A_597, %broadcast_in_dim3A_591 : vector<16xi1>, vector<16xi32>
        %broadcast_in_dim3A_599 = vector.shape_cast %select_n3A_598 : vector<16xi32> to vector<16x1xi32>
        %gather3A_600 = vector.shape_cast %broadcast_in_dim3A_599 : vector<16x1xi32> to vector<16xi32>
        %gather3A_601 = tpu.dynamic_gather %get3A_574[%gather3A_600] in [0] : vector<16xf32>, vector<16xi32> -> vector<16xf32>
        %mul3A_602 = arith.mulf %gather3A_601, %select_n3A : vector<16xf32>
        %swap3A_603 = arith.index_cast %add3A_546 : i32 to index
        %swap3A_604 = arith.constant 0 : index
        %swap3A_605 = tpu.vector_load %arg22[%swap3A_603, %swap3A_604] {strides = array<i32>} : memref<128x16xf32, #tpu.memory_space<vmem>>, vector<1x16xf32>,
        %swap3A_606 = vector.shape_cast %swap3A_605 : vector<1x16xf32> to vector<16xf32>
        %swap3A_607 = vector.shape_cast %mul3A_602 : vector<16xf32> to vector<1x16xf32>
        tpu.vector_store %arg22[%swap3A_603, %swap3A_604], %swap3A_607 {strides = array<i32>} : memref<128x16xf32, #tpu.memory_space<vmem>>, vector<1x16xf32>,
        %get3A_608 = arith.constant 0 : i32
        %get3A_609 = arith.index_cast %add3A_546 : i32 to index
        %get3A_610 = arith.index_cast %get3A_608 : i32 to index
        %get3A_611 = arith.constant 0 : index
        %get3A_612 = tpu.vector_load %arg16[%get3A_609, %get3A_610, %get3A_611] {strides = array<i32>} : memref<128x3x16xf32, #tpu.memory_space<vmem>>, vector<1x1x16xf32>,
        %get3A_613 = vector.shape_cast %get3A_612 : vector<1x1x16xf32> to vector<16xf32>
        %mul3A_614 = arith.mulf %get3A_613, %gather3A_601 : vector<16xf32>
        %swap3A_615 = arith.constant 0 : i32
        %swap3A_616 = arith.index_cast %add3A_546 : i32 to index
        %swap3A_617 = arith.index_cast %swap3A_615 : i32 to index
        %swap3A_618 = arith.constant 0 : index
        %swap3A_619 = tpu.vector_load %arg16[%swap3A_616, %swap3A_617, %swap3A_618] {strides = array<i32>} : memref<128x3x16xf32, #tpu.memory_space<vmem>>, vector<1x1x16xf32>,
        %swap3A_620 = vector.shape_cast %swap3A_619 : vector<1x1x16xf32> to vector<16xf32>
        %swap3A_621 = vector.shape_cast %mul3A_614 : vector<16xf32> to vector<1x1x16xf32>
        tpu.vector_store %arg16[%swap3A_616, %swap3A_617, %swap3A_618], %swap3A_621 {strides = array<i32>} : memref<128x3x16xf32, #tpu.memory_space<vmem>>, vector<1x1x16xf32>,
        %get3A_622 = arith.constant 1 : i32
        %get3A_623 = arith.index_cast %add3A_546 : i32 to index
        %get3A_624 = arith.index_cast %get3A_622 : i32 to index
        %get3A_625 = arith.constant 0 : index
        %get3A_626 = tpu.vector_load %arg16[%get3A_623, %get3A_624, %get3A_625] {strides = array<i32>} : memref<128x3x16xf32, #tpu.memory_space<vmem>>, vector<1x1x16xf32>,
        %get3A_627 = vector.shape_cast %get3A_626 : vector<1x1x16xf32> to vector<16xf32>
        %mul3A_628 = arith.mulf %get3A_627, %gather3A_601 : vector<16xf32>
        %swap3A_629 = arith.constant 1 : i32
        %swap3A_630 = arith.index_cast %add3A_546 : i32 to index
        %swap3A_631 = arith.index_cast %swap3A_629 : i32 to index
        %swap3A_632 = arith.constant 0 : index
        %swap3A_633 = tpu.vector_load %arg16[%swap3A_630, %swap3A_631, %swap3A_632] {strides = array<i32>} : memref<128x3x16xf32, #tpu.memory_space<vmem>>, vector<1x1x16xf32>,
        %swap3A_634 = vector.shape_cast %swap3A_633 : vector<1x1x16xf32> to vector<16xf32>
        %swap3A_635 = vector.shape_cast %mul3A_628 : vector<16xf32> to vector<1x1x16xf32>
        tpu.vector_store %arg16[%swap3A_630, %swap3A_631, %swap3A_632], %swap3A_635 {strides = array<i32>} : memref<128x3x16xf32, #tpu.memory_space<vmem>>, vector<1x1x16xf32>,
        %get3A_636 = arith.constant 2 : i32
        %get3A_637 = arith.index_cast %add3A_546 : i32 to index
        %get3A_638 = arith.index_cast %get3A_636 : i32 to index
        %get3A_639 = arith.constant 0 : index
        %get3A_640 = tpu.vector_load %arg16[%get3A_637, %get3A_638, %get3A_639] {strides = array<i32>} : memref<128x3x16xf32, #tpu.memory_space<vmem>>, vector<1x1x16xf32>,
        %get3A_641 = vector.shape_cast %get3A_640 : vector<1x1x16xf32> to vector<16xf32>
        %mul3A_642 = arith.mulf %get3A_641, %gather3A_601 : vector<16xf32>
        %swap3A_643 = arith.constant 2 : i32
        %swap3A_644 = arith.index_cast %add3A_546 : i32 to index
        %swap3A_645 = arith.index_cast %swap3A_643 : i32 to index
        %swap3A_646 = arith.constant 0 : index
        %swap3A_647 = tpu.vector_load %arg16[%swap3A_644, %swap3A_645, %swap3A_646] {strides = array<i32>} : memref<128x3x16xf32, #tpu.memory_space<vmem>>, vector<1x1x16xf32>,
        %swap3A_648 = vector.shape_cast %swap3A_647 : vector<1x1x16xf32> to vector<16xf32>
        %swap3A_649 = vector.shape_cast %mul3A_642 : vector<16xf32> to vector<1x1x16xf32>
        tpu.vector_store %arg16[%swap3A_644, %swap3A_645, %swap3A_646], %swap3A_649 {strides = array<i32>} : memref<128x3x16xf32, #tpu.memory_space<vmem>>, vector<1x1x16xf32>,
        %scan3A_650 = arith.constant 2 : i32
        %scan3A_651 = arith.addi %scan3A_439, %scan3A_650 : i32
        %mul3A_652 = arith.constant 1 : i32
        %mul3A_653 = arith.muli %scan3A_651, %mul3A_652 : i32
        %add3A_654 = arith.constant 0 : i32
        %add3A_655 = arith.addi %add3A_654, %mul3A_653 : i32
        %jit3A_656 = arith.constant 16 : i32
        %div3A_657 = arith.divsi %add3A_655, %jit3A_656 : i32
        %sign3A_658 = arith.constant 0 : i32
        %sign3A_659 = arith.cmpi sgt, %add3A_655, %sign3A_658 : i32
        %sign3A_660 = arith.extui %sign3A_659 : i1 to i32
        %sign3A_661 = arith.constant 0 : i32
        %sign3A_662 = arith.cmpi slt, %add3A_655, %sign3A_661 : i32
        %sign3A_663 = arith.extui %sign3A_662 : i1 to i32
        %sign3A_664 = arith.subi %sign3A_660, %sign3A_663 : i32
        %sign3A_665 = arith.constant 0 : i32
        %sign3A_666 = arith.cmpi sgt, %jit3A_656, %sign3A_665 : i32
        %sign3A_667 = arith.extui %sign3A_666 : i1 to i32
        %sign3A_668 = arith.constant 0 : i32
        %sign3A_669 = arith.cmpi slt, %jit3A_656, %sign3A_668 : i32
        %sign3A_670 = arith.extui %sign3A_669 : i1 to i32
        %sign3A_671 = arith.subi %sign3A_667, %sign3A_670 : i32
        %ne3A_672 = arith.cmpi ne, %sign3A_664, %sign3A_671 : i32
        %rem3A_673 = arith.remsi %add3A_655, %jit3A_656 : i32
        %ne3A_674 = arith.constant 0 : i32
        %ne3A_675 = arith.cmpi ne, %rem3A_673, %ne3A_674 : i32
        %and3A_676 = arith.andi %ne3A_672, %ne3A_675 : i1
        %sub3A_677 = arith.constant 1 : i32
        %sub3A_678 = arith.subi %div3A_657, %sub3A_677 : i32
        %select_n3A_679 = arith.select %and3A_676, %sub3A_678, %div3A_657 : i32
        %get3A_680 = arith.index_cast %select_n3A_679 : i32 to index
        %get3A_681 = arith.constant 0 : index
        %get3A_682 = tpu.vector_load %arg21[%get3A_680, %get3A_681] {strides = array<i32>} : memref<8x16xf32, #tpu.memory_space<vmem>>, vector<1x16xf32>,
        %get3A_683 = vector.shape_cast %get3A_682 : vector<1x16xf32> to vector<16xf32>
        %jit3A_684 = arith.constant 16 : i32
        %eq3A_685 = arith.constant 0 : i32
        %eq3A_686 = arith.cmpi eq, %jit3A_684, %eq3A_685 : i32
        %jit3A_687 = arith.constant 1 : i32
        %select_n3A_688 = arith.select %eq3A_686, %jit3A_687, %jit3A_684 : i32
        %rem3A_689 = arith.remsi %add3A_655, %select_n3A_688 : i32
        %ne3A_690 = arith.constant 0 : i32
        %ne3A_691 = arith.cmpi ne, %rem3A_689, %ne3A_690 : i32
        %lt3A_692 = arith.constant 0 : i32
        %lt3A_693 = arith.cmpi slt, %rem3A_689, %lt3A_692 : i32
        %lt3A_694 = arith.constant 0 : i32
        %lt3A_695 = arith.cmpi slt, %select_n3A_688, %lt3A_694 : i32
        %ne3A_696 = arith.xori %lt3A_693, %lt3A_695 : i1
        %and3A_697 = arith.andi %ne3A_696, %ne3A_691 : i1
        %add3A_698 = arith.addi %rem3A_689, %select_n3A_688 : i32
        %select_n3A_699 = arith.select %and3A_697, %add3A_698, %rem3A_689 : i32
        %broadcast_in_dim3A_700 = vector.broadcast %select_n3A_699 : i32 to vector<16xi32>
        %lt3A_701 = arith.constant 0 : i32
        %lt3A_702 = vector.broadcast %lt3A_701 : i32 to vector<16xi32>
        %lt3A_703 = arith.cmpi slt, %broadcast_in_dim3A_700, %lt3A_702 : vector<16xi32>
        %add3A_704 = arith.constant 16 : i32
        %add3A_705 = vector.broadcast %add3A_704 : i32 to vector<16xi32>
        %add3A_706 = arith.addi %broadcast_in_dim3A_700, %add3A_705 : vector<16xi32>
        %select_n3A_707 = arith.select %lt3A_703, %add3A_706, %broadcast_in_dim3A_700 : vector<16xi1>, vector<16xi32>
        %broadcast_in_dim3A_708 = vector.shape_cast %select_n3A_707 : vector<16xi32> to vector<16x1xi32>
        %gather3A_709 = vector.shape_cast %broadcast_in_dim3A_708 : vector<16x1xi32> to vector<16xi32>
        %gather3A_710 = tpu.dynamic_gather %get3A_683[%gather3A_709] in [0] : vector<16xf32>, vector<16xi32> -> vector<16xf32>
        %mul3A_711 = arith.mulf %gather3A_710, %select_n3A : vector<16xf32>
        %swap3A_712 = arith.index_cast %add3A_655 : i32 to index
        %swap3A_713 = arith.constant 0 : index
        %swap3A_714 = tpu.vector_load %arg22[%swap3A_712, %swap3A_713] {strides = array<i32>} : memref<128x16xf32, #tpu.memory_space<vmem>>, vector<1x16xf32>,
        %swap3A_715 = vector.shape_cast %swap3A_714 : vector<1x16xf32> to vector<16xf32>
        %swap3A_716 = vector.shape_cast %mul3A_711 : vector<16xf32> to vector<1x16xf32>
        tpu.vector_store %arg22[%swap3A_712, %swap3A_713], %swap3A_716 {strides = array<i32>} : memref<128x16xf32, #tpu.memory_space<vmem>>, vector<1x16xf32>,
        %get3A_717 = arith.constant 0 : i32
        %get3A_718 = arith.index_cast %add3A_655 : i32 to index
        %get3A_719 = arith.index_cast %get3A_717 : i32 to index
        %get3A_720 = arith.constant 0 : index
        %get3A_721 = tpu.vector_load %arg16[%get3A_718, %get3A_719, %get3A_720] {strides = array<i32>} : memref<128x3x16xf32, #tpu.memory_space<vmem>>, vector<1x1x16xf32>,
        %get3A_722 = vector.shape_cast %get3A_721 : vector<1x1x16xf32> to vector<16xf32>
        %mul3A_723 = arith.mulf %get3A_722, %gather3A_710 : vector<16xf32>
        %swap3A_724 = arith.constant 0 : i32
        %swap3A_725 = arith.index_cast %add3A_655 : i32 to index
        %swap3A_726 = arith.index_cast %swap3A_724 : i32 to index
        %swap3A_727 = arith.constant 0 : index
        %swap3A_728 = tpu.vector_load %arg16[%swap3A_725, %swap3A_726, %swap3A_727] {strides = array<i32>} : memref<128x3x16xf32, #tpu.memory_space<vmem>>, vector<1x1x16xf32>,
        %swap3A_729 = vector.shape_cast %swap3A_728 : vector<1x1x16xf32> to vector<16xf32>
        %swap3A_730 = vector.shape_cast %mul3A_723 : vector<16xf32> to vector<1x1x16xf32>
        tpu.vector_store %arg16[%swap3A_725, %swap3A_726, %swap3A_727], %swap3A_730 {strides = array<i32>} : memref<128x3x16xf32, #tpu.memory_space<vmem>>, vector<1x1x16xf32>,
        %get3A_731 = arith.constant 1 : i32
        %get3A_732 = arith.index_cast %add3A_655 : i32 to index
        %get3A_733 = arith.index_cast %get3A_731 : i32 to index
        %get3A_734 = arith.constant 0 : index
        %get3A_735 = tpu.vector_load %arg16[%get3A_732, %get3A_733, %get3A_734] {strides = array<i32>} : memref<128x3x16xf32, #tpu.memory_space<vmem>>, vector<1x1x16xf32>,
        %get3A_736 = vector.shape_cast %get3A_735 : vector<1x1x16xf32> to vector<16xf32>
        %mul3A_737 = arith.mulf %get3A_736, %gather3A_710 : vector<16xf32>
        %swap3A_738 = arith.constant 1 : i32
        %swap3A_739 = arith.index_cast %add3A_655 : i32 to index
        %swap3A_740 = arith.index_cast %swap3A_738 : i32 to index
        %swap3A_741 = arith.constant 0 : index
        %swap3A_742 = tpu.vector_load %arg16[%swap3A_739, %swap3A_740, %swap3A_741] {strides = array<i32>} : memref<128x3x16xf32, #tpu.memory_space<vmem>>, vector<1x1x16xf32>,
        %swap3A_743 = vector.shape_cast %swap3A_742 : vector<1x1x16xf32> to vector<16xf32>
        %swap3A_744 = vector.shape_cast %mul3A_737 : vector<16xf32> to vector<1x1x16xf32>
        tpu.vector_store %arg16[%swap3A_739, %swap3A_740, %swap3A_741], %swap3A_744 {strides = array<i32>} : memref<128x3x16xf32, #tpu.memory_space<vmem>>, vector<1x1x16xf32>,
        %get3A_745 = arith.constant 2 : i32
        %get3A_746 = arith.index_cast %add3A_655 : i32 to index
        %get3A_747 = arith.index_cast %get3A_745 : i32 to index
        %get3A_748 = arith.constant 0 : index
        %get3A_749 = tpu.vector_load %arg16[%get3A_746, %get3A_747, %get3A_748] {strides = array<i32>} : memref<128x3x16xf32, #tpu.memory_space<vmem>>, vector<1x1x16xf32>,
        %get3A_750 = vector.shape_cast %get3A_749 : vector<1x1x16xf32> to vector<16xf32>
        %mul3A_751 = arith.mulf %get3A_750, %gather3A_710 : vector<16xf32>
        %swap3A_752 = arith.constant 2 : i32
        %swap3A_753 = arith.index_cast %add3A_655 : i32 to index
        %swap3A_754 = arith.index_cast %swap3A_752 : i32 to index
        %swap3A_755 = arith.constant 0 : index
        %swap3A_756 = tpu.vector_load %arg16[%swap3A_753, %swap3A_754, %swap3A_755] {strides = array<i32>} : memref<128x3x16xf32, #tpu.memory_space<vmem>>, vector<1x1x16xf32>,
        %swap3A_757 = vector.shape_cast %swap3A_756 : vector<1x1x16xf32> to vector<16xf32>
        %swap3A_758 = vector.shape_cast %mul3A_751 : vector<16xf32> to vector<1x1x16xf32>
        tpu.vector_store %arg16[%swap3A_753, %swap3A_754, %swap3A_755], %swap3A_758 {strides = array<i32>} : memref<128x3x16xf32, #tpu.memory_space<vmem>>, vector<1x1x16xf32>,
        %scan3A_759 = arith.constant 3 : i32
        %scan3A_760 = arith.addi %scan3A_439, %scan3A_759 : i32
        %mul3A_761 = arith.constant 1 : i32
        %mul3A_762 = arith.muli %scan3A_760, %mul3A_761 : i32
        %add3A_763 = arith.constant 0 : i32
        %add3A_764 = arith.addi %add3A_763, %mul3A_762 : i32
        %jit3A_765 = arith.constant 16 : i32
        %div3A_766 = arith.divsi %add3A_764, %jit3A_765 : i32
        %sign3A_767 = arith.constant 0 : i32
        %sign3A_768 = arith.cmpi sgt, %add3A_764, %sign3A_767 : i32
        %sign3A_769 = arith.extui %sign3A_768 : i1 to i32
        %sign3A_770 = arith.constant 0 : i32
        %sign3A_771 = arith.cmpi slt, %add3A_764, %sign3A_770 : i32
        %sign3A_772 = arith.extui %sign3A_771 : i1 to i32
        %sign3A_773 = arith.subi %sign3A_769, %sign3A_772 : i32
        %sign3A_774 = arith.constant 0 : i32
        %sign3A_775 = arith.cmpi sgt, %jit3A_765, %sign3A_774 : i32
        %sign3A_776 = arith.extui %sign3A_775 : i1 to i32
        %sign3A_777 = arith.constant 0 : i32
        %sign3A_778 = arith.cmpi slt, %jit3A_765, %sign3A_777 : i32
        %sign3A_779 = arith.extui %sign3A_778 : i1 to i32
        %sign3A_780 = arith.subi %sign3A_776, %sign3A_779 : i32
        %ne3A_781 = arith.cmpi ne, %sign3A_773, %sign3A_780 : i32
        %rem3A_782 = arith.remsi %add3A_764, %jit3A_765 : i32
        %ne3A_783 = arith.constant 0 : i32
        %ne3A_784 = arith.cmpi ne, %rem3A_782, %ne3A_783 : i32
        %and3A_785 = arith.andi %ne3A_781, %ne3A_784 : i1
        %sub3A_786 = arith.constant 1 : i32
        %sub3A_787 = arith.subi %div3A_766, %sub3A_786 : i32
        %select_n3A_788 = arith.select %and3A_785, %sub3A_787, %div3A_766 : i32
        %get3A_789 = arith.index_cast %select_n3A_788 : i32 to index
        %get3A_790 = arith.constant 0 : index
        %get3A_791 = tpu.vector_load %arg21[%get3A_789, %get3A_790] {strides = array<i32>} : memref<8x16xf32, #tpu.memory_space<vmem>>, vector<1x16xf32>,
        %get3A_792 = vector.shape_cast %get3A_791 : vector<1x16xf32> to vector<16xf32>
        %jit3A_793 = arith.constant 16 : i32
        %eq3A_794 = arith.constant 0 : i32
        %eq3A_795 = arith.cmpi eq, %jit3A_793, %eq3A_794 : i32
        %jit3A_796 = arith.constant 1 : i32
        %select_n3A_797 = arith.select %eq3A_795, %jit3A_796, %jit3A_793 : i32
        %rem3A_798 = arith.remsi %add3A_764, %select_n3A_797 : i32
        %ne3A_799 = arith.constant 0 : i32
        %ne3A_800 = arith.cmpi ne, %rem3A_798, %ne3A_799 : i32
        %lt3A_801 = arith.constant 0 : i32
        %lt3A_802 = arith.cmpi slt, %rem3A_798, %lt3A_801 : i32
        %lt3A_803 = arith.constant 0 : i32
        %lt3A_804 = arith.cmpi slt, %select_n3A_797, %lt3A_803 : i32
        %ne3A_805 = arith.xori %lt3A_802, %lt3A_804 : i1
        %and3A_806 = arith.andi %ne3A_805, %ne3A_800 : i1
        %add3A_807 = arith.addi %rem3A_798, %select_n3A_797 : i32
        %select_n3A_808 = arith.select %and3A_806, %add3A_807, %rem3A_798 : i32
        %broadcast_in_dim3A_809 = vector.broadcast %select_n3A_808 : i32 to vector<16xi32>
        %lt3A_810 = arith.constant 0 : i32
        %lt3A_811 = vector.broadcast %lt3A_810 : i32 to vector<16xi32>
        %lt3A_812 = arith.cmpi slt, %broadcast_in_dim3A_809, %lt3A_811 : vector<16xi32>
        %add3A_813 = arith.constant 16 : i32
        %add3A_814 = vector.broadcast %add3A_813 : i32 to vector<16xi32>
        %add3A_815 = arith.addi %broadcast_in_dim3A_809, %add3A_814 : vector<16xi32>
        %select_n3A_816 = arith.select %lt3A_812, %add3A_815, %broadcast_in_dim3A_809 : vector<16xi1>, vector<16xi32>
        %broadcast_in_dim3A_817 = vector.shape_cast %select_n3A_816 : vector<16xi32> to vector<16x1xi32>
        %gather3A_818 = vector.shape_cast %broadcast_in_dim3A_817 : vector<16x1xi32> to vector<16xi32>
        %gather3A_819 = tpu.dynamic_gather %get3A_792[%gather3A_818] in [0] : vector<16xf32>, vector<16xi32> -> vector<16xf32>
        %mul3A_820 = arith.mulf %gather3A_819, %select_n3A : vector<16xf32>
        %swap3A_821 = arith.index_cast %add3A_764 : i32 to index
        %swap3A_822 = arith.constant 0 : index
        %swap3A_823 = tpu.vector_load %arg22[%swap3A_821, %swap3A_822] {strides = array<i32>} : memref<128x16xf32, #tpu.memory_space<vmem>>, vector<1x16xf32>,
        %swap3A_824 = vector.shape_cast %swap3A_823 : vector<1x16xf32> to vector<16xf32>
        %swap3A_825 = vector.shape_cast %mul3A_820 : vector<16xf32> to vector<1x16xf32>
        tpu.vector_store %arg22[%swap3A_821, %swap3A_822], %swap3A_825 {strides = array<i32>} : memref<128x16xf32, #tpu.memory_space<vmem>>, vector<1x16xf32>,
        %get3A_826 = arith.constant 0 : i32
        %get3A_827 = arith.index_cast %add3A_764 : i32 to index
        %get3A_828 = arith.index_cast %get3A_826 : i32 to index
        %get3A_829 = arith.constant 0 : index
        %get3A_830 = tpu.vector_load %arg16[%get3A_827, %get3A_828, %get3A_829] {strides = array<i32>} : memref<128x3x16xf32, #tpu.memory_space<vmem>>, vector<1x1x16xf32>,
        %get3A_831 = vector.shape_cast %get3A_830 : vector<1x1x16xf32> to vector<16xf32>
        %mul3A_832 = arith.mulf %get3A_831, %gather3A_819 : vector<16xf32>
        %swap3A_833 = arith.constant 0 : i32
        %swap3A_834 = arith.index_cast %add3A_764 : i32 to index
        %swap3A_835 = arith.index_cast %swap3A_833 : i32 to index
        %swap3A_836 = arith.constant 0 : index
        %swap3A_837 = tpu.vector_load %arg16[%swap3A_834, %swap3A_835, %swap3A_836] {strides = array<i32>} : memref<128x3x16xf32, #tpu.memory_space<vmem>>, vector<1x1x16xf32>,
        %swap3A_838 = vector.shape_cast %swap3A_837 : vector<1x1x16xf32> to vector<16xf32>
        %swap3A_839 = vector.shape_cast %mul3A_832 : vector<16xf32> to vector<1x1x16xf32>
        tpu.vector_store %arg16[%swap3A_834, %swap3A_835, %swap3A_836], %swap3A_839 {strides = array<i32>} : memref<128x3x16xf32, #tpu.memory_space<vmem>>, vector<1x1x16xf32>,
        %get3A_840 = arith.constant 1 : i32
        %get3A_841 = arith.index_cast %add3A_764 : i32 to index
        %get3A_842 = arith.index_cast %get3A_840 : i32 to index
        %get3A_843 = arith.constant 0 : index
        %get3A_844 = tpu.vector_load %arg16[%get3A_841, %get3A_842, %get3A_843] {strides = array<i32>} : memref<128x3x16xf32, #tpu.memory_space<vmem>>, vector<1x1x16xf32>,
        %get3A_845 = vector.shape_cast %get3A_844 : vector<1x1x16xf32> to vector<16xf32>
        %mul3A_846 = arith.mulf %get3A_845, %gather3A_819 : vector<16xf32>
        %swap3A_847 = arith.constant 1 : i32
        %swap3A_848 = arith.index_cast %add3A_764 : i32 to index
        %swap3A_849 = arith.index_cast %swap3A_847 : i32 to index
        %swap3A_850 = arith.constant 0 : index
        %swap3A_851 = tpu.vector_load %arg16[%swap3A_848, %swap3A_849, %swap3A_850] {strides = array<i32>} : memref<128x3x16xf32, #tpu.memory_space<vmem>>, vector<1x1x16xf32>,
        %swap3A_852 = vector.shape_cast %swap3A_851 : vector<1x1x16xf32> to vector<16xf32>
        %swap3A_853 = vector.shape_cast %mul3A_846 : vector<16xf32> to vector<1x1x16xf32>
        tpu.vector_store %arg16[%swap3A_848, %swap3A_849, %swap3A_850], %swap3A_853 {strides = array<i32>} : memref<128x3x16xf32, #tpu.memory_space<vmem>>, vector<1x1x16xf32>,
        %get3A_854 = arith.constant 2 : i32
        %get3A_855 = arith.index_cast %add3A_764 : i32 to index
        %get3A_856 = arith.index_cast %get3A_854 : i32 to index
        %get3A_857 = arith.constant 0 : index
        %get3A_858 = tpu.vector_load %arg16[%get3A_855, %get3A_856, %get3A_857] {strides = array<i32>} : memref<128x3x16xf32, #tpu.memory_space<vmem>>, vector<1x1x16xf32>,
        %get3A_859 = vector.shape_cast %get3A_858 : vector<1x1x16xf32> to vector<16xf32>
        %mul3A_860 = arith.mulf %get3A_859, %gather3A_819 : vector<16xf32>
        %swap3A_861 = arith.constant 2 : i32
        %swap3A_862 = arith.index_cast %add3A_764 : i32 to index
        %swap3A_863 = arith.index_cast %swap3A_861 : i32 to index
        %swap3A_864 = arith.constant 0 : index
        %swap3A_865 = tpu.vector_load %arg16[%swap3A_862, %swap3A_863, %swap3A_864] {strides = array<i32>} : memref<128x3x16xf32, #tpu.memory_space<vmem>>, vector<1x1x16xf32>,
        %swap3A_866 = vector.shape_cast %swap3A_865 : vector<1x1x16xf32> to vector<16xf32>
        %swap3A_867 = vector.shape_cast %mul3A_860 : vector<16xf32> to vector<1x1x16xf32>
        tpu.vector_store %arg16[%swap3A_862, %swap3A_863, %swap3A_864], %swap3A_867 {strides = array<i32>} : memref<128x3x16xf32, #tpu.memory_space<vmem>>, vector<1x1x16xf32>,
      }
      %scan3A_438 = arith.constant 128 : i32
      "tpu.region"() ({
        %run_scoped3A = tpu.sem_alloc : memref<!tpu.dma_semaphore, #tpu.memory_space<semaphore_mem>>
        %dma_start3A_439 = arith.constant 0 : i32
        %dma_start3A_440 = tpu.memref_slice %arg12[%add3A_289, %dma_start3A_439] : memref<78x128xi32, #tpu.memory_space<vmem>> -> memref<1x128xi32, #tpu.memory_space<vmem>>
        %dma_start3A_441 = tpu.memref_squeeze %dma_start3A_440 : memref<1x128xi32, #tpu.memory_space<vmem>> -> memref<128xi32, #tpu.memory_space<vmem>>
        %dma_start3A_442 = arith.constant 0 : i32
        %dma_start3A_443 = arith.constant 0 : i32
        %dma_start3A_444 = arith.constant 0 : i32
        %dma_start3A_445 = tpu.memref_slice %arg27[%dma_start3A_442, %dma_start3A_443, %dma_start3A_444] : memref<10000x3x16xf32, #tpu.memory_space<vmem_shared>> -> memref<10000x3x16xf32, #tpu.memory_space<vmem_shared>>
        tpu.enqueue_indirect_dma source(%arg16 : memref<128x3x16xf32, #tpu.memory_space<vmem>>) target(%dma_start3A_445 : memref<10000x3x16xf32, #tpu.memory_space<vmem_shared>>) offsets(%dma_start3A_441 : memref<128xi32, #tpu.memory_space<vmem>>) semaphore(%run_scoped3A : memref<!tpu.dma_semaphore, #tpu.memory_space<semaphore_mem>>) {add = true}
        %dma_wait3A_446 = arith.constant 0 : i32
        %dma_wait3A_447 = tpu.memref_slice %arg12[%add3A_289, %dma_wait3A_446] : memref<78x128xi32, #tpu.memory_space<vmem>> -> memref<1x128xi32, #tpu.memory_space<vmem>>
        %dma_wait3A_448 = tpu.memref_squeeze %dma_wait3A_447 : memref<1x128xi32, #tpu.memory_space<vmem>> -> memref<128xi32, #tpu.memory_space<vmem>>
        %dma_wait3A_449 = arith.constant 0 : i32
        %dma_wait3A_450 = arith.constant 0 : i32
        %dma_wait3A_451 = arith.constant 0 : i32
        %dma_wait3A_452 = tpu.memref_slice %arg27[%dma_wait3A_449, %dma_wait3A_450, %dma_wait3A_451] : memref<10000x3x16xf32, #tpu.memory_space<vmem_shared>> -> memref<10000x3x16xf32, #tpu.memory_space<vmem_shared>>
        tpu.wait_indirect_dma semaphore(%run_scoped3A : memref<!tpu.dma_semaphore, #tpu.memory_space<semaphore_mem>>) src(%arg16 : memref<128x3x16xf32, #tpu.memory_space<vmem>>) dst(%dma_wait3A_452 : memref<10000x3x16xf32, #tpu.memory_space<vmem_shared>>)
        tpu.yield
      }) : () -> ()
      "tpu.region"() ({
        %run_scoped3A = tpu.sem_alloc : memref<!tpu.dma_semaphore, #tpu.memory_space<semaphore_mem>>
        %dma_start3A_439 = arith.constant 0 : i32
        %dma_start3A_440 = tpu.memref_slice %arg12[%add3A_289, %dma_start3A_439] : memref<78x128xi32, #tpu.memory_space<vmem>> -> memref<1x128xi32, #tpu.memory_space<vmem>>
        %dma_start3A_441 = tpu.memref_squeeze %dma_start3A_440 : memref<1x128xi32, #tpu.memory_space<vmem>> -> memref<128xi32, #tpu.memory_space<vmem>>
        %dma_start3A_442 = arith.constant 0 : i32
        %dma_start3A_443 = arith.constant 0 : i32
        %dma_start3A_444 = tpu.memref_slice %arg28[%dma_start3A_442, %dma_start3A_443] : memref<10000x16xf32, #tpu.memory_space<vmem_shared>> -> memref<10000x16xf32, #tpu.memory_space<vmem_shared>>
        tpu.enqueue_indirect_dma source(%arg22 : memref<128x16xf32, #tpu.memory_space<vmem>>) target(%dma_start3A_444 : memref<10000x16xf32, #tpu.memory_space<vmem_shared>>) offsets(%dma_start3A_441 : memref<128xi32, #tpu.memory_space<vmem>>) semaphore(%run_scoped3A : memref<!tpu.dma_semaphore, #tpu.memory_space<semaphore_mem>>) {add = true}
        %dma_wait3A_445 = arith.constant 0 : i32
        %dma_wait3A_446 = tpu.memref_slice %arg12[%add3A_289, %dma_wait3A_445] : memref<78x128xi32, #tpu.memory_space<vmem>> -> memref<1x128xi32, #tpu.memory_space<vmem>>
        %dma_wait3A_447 = tpu.memref_squeeze %dma_wait3A_446 : memref<1x128xi32, #tpu.memory_space<vmem>> -> memref<128xi32, #tpu.memory_space<vmem>>
        %dma_wait3A_448 = arith.constant 0 : i32
        %dma_wait3A_449 = arith.constant 0 : i32
        %dma_wait3A_450 = tpu.memref_slice %arg28[%dma_wait3A_448, %dma_wait3A_449] : memref<10000x16xf32, #tpu.memory_space<vmem_shared>> -> memref<10000x16xf32, #tpu.memory_space<vmem_shared>>
        tpu.wait_indirect_dma semaphore(%run_scoped3A : memref<!tpu.dma_semaphore, #tpu.memory_space<semaphore_mem>>) src(%arg22 : memref<128x16xf32, #tpu.memory_space<vmem>>) dst(%dma_wait3A_450 : memref<10000x16xf32, #tpu.memory_space<vmem_shared>>)
        tpu.yield
      }) : () -> ()
    }
    %scan3A_43 = arith.constant 39 : i32
    %lt3A_44 = arith.constant 4 : i32
    %lt3A_45 = arith.cmpi slt, %add3A, %lt3A_44 : i32
    %convert_element_type3A_46 = arith.extui %lt3A_45 : i1 to i32
    %cond3A_47 = arith.constant 0 : i32
    %cond3A_48 = arith.cmpi ne, %convert_element_type3A_46, %cond3A_47 : i32
    scf.if %cond3A_48 {
      %dma_wait3A = arith.constant 0 : i32
      %dma_wait3A_60 = arith.constant 0 : i32
      %dma_wait3A_61 = tpu.memref_slice %arg11[%dma_wait3A, %dma_wait3A_60] : memref<78x128xi32, #tpu.memory_space<vmem>> -> memref<1x128xi32, #tpu.memory_space<vmem>>
      %dma_wait3A_62 = tpu.memref_squeeze %dma_wait3A_61 : memref<1x128xi32, #tpu.memory_space<vmem>> -> memref<128xi32, #tpu.memory_space<vmem>>
      %dma_wait3A_63 = arith.constant 0 : i32
      %dma_wait3A_64 = arith.constant 0 : i32
      %dma_wait3A_65 = arith.constant 0 : i32
      %dma_wait3A_66 = tpu.memref_slice %arg2[%dma_wait3A_63, %dma_wait3A_64, %dma_wait3A_65] : memref<10000x3x16xf32, #tpu.memory_space<hbm>> -> memref<10000x3x16xf32, #tpu.memory_space<hbm>>
      tpu.wait_indirect_dma semaphore(%arg23 : memref<!tpu.dma_semaphore, #tpu.memory_space<semaphore_mem>>) src(%dma_wait3A_66 : memref<10000x3x16xf32, #tpu.memory_space<hbm>>) dst(%arg15 : memref<128x3x16xf32, #tpu.memory_space<vmem>>)
      %dma_wait3A_67 = arith.constant 0 : i32
      %dma_wait3A_68 = arith.constant 0 : i32
      %dma_wait3A_69 = tpu.memref_slice %arg11[%dma_wait3A_67, %dma_wait3A_68] : memref<78x128xi32, #tpu.memory_space<vmem>> -> memref<1x128xi32, #tpu.memory_space<vmem>>
      %dma_wait3A_70 = tpu.memref_squeeze %dma_wait3A_69 : memref<1x128xi32, #tpu.memory_space<vmem>> -> memref<128xi32, #tpu.memory_space<vmem>>
      %dma_wait3A_71 = arith.constant 0 : i32
      %dma_wait3A_72 = tpu.memref_slice %arg3[%dma_wait3A_71] : memref<10000xf32, #tpu.memory_space<hbm>> -> memref<10000xf32, #tpu.memory_space<hbm>>
      tpu.wait_indirect_dma semaphore(%arg25 : memref<!tpu.dma_semaphore, #tpu.memory_space<semaphore_mem>>) src(%dma_wait3A_72 : memref<10000xf32, #tpu.memory_space<hbm>>) dst(%arg17 : memref<128xf32, #tpu.memory_space<vmem>>)
      %dma_wait3A_73 = arith.constant 0 : i32
      %dma_wait3A_74 = arith.constant 0 : i32
      %dma_wait3A_75 = tpu.memref_slice %arg12[%dma_wait3A_73, %dma_wait3A_74] : memref<78x128xi32, #tpu.memory_space<vmem>> -> memref<1x128xi32, #tpu.memory_space<vmem>>
      %dma_wait3A_76 = tpu.memref_squeeze %dma_wait3A_75 : memref<1x128xi32, #tpu.memory_space<vmem>> -> memref<128xi32, #tpu.memory_space<vmem>>
      %dma_wait3A_77 = arith.constant 0 : i32
      %dma_wait3A_78 = tpu.memref_slice %arg4[%dma_wait3A_77] : memref<10000xf32, #tpu.memory_space<hbm>> -> memref<10000xf32, #tpu.memory_space<hbm>>
      tpu.wait_indirect_dma semaphore(%arg25 : memref<!tpu.dma_semaphore, #tpu.memory_space<semaphore_mem>>) src(%dma_wait3A_78 : memref<10000xf32, #tpu.memory_space<hbm>>) dst(%arg19 : memref<128xf32, #tpu.memory_space<vmem>>)
      %get3A = arith.constant 0 : index
      %get3A_79 = tpu.vector_load %arg17[%get3A] {strides = array<i32>} : memref<128xf32, #tpu.memory_space<vmem>>, vector<16xf32>,
      %get3A_80 = vector.shape_cast %get3A_79 : vector<16xf32> to vector<16xf32>
      %get3A_81 = arith.constant 0 : index
      %get3A_82 = tpu.vector_load %arg19[%get3A_81] {strides = array<i32>} : memref<128xf32, #tpu.memory_space<vmem>>, vector<16xf32>,
      %get3A_83 = vector.shape_cast %get3A_82 : vector<16xf32> to vector<16xf32>
      %add3A_84 = arith.addf %get3A_80, %get3A_83 : vector<16xf32>
      %mul3A_85 = arith.constant 2.000000e-01 : f32
      %mul3A_86 = vector.broadcast %mul3A_85 : f32 to vector<16xf32>
      %mul3A_87 = arith.mulf %mul3A_86, %add3A_84 : vector<16xf32>
      %max3A = arith.maximumf %add3A_84, %mul3A_87 : vector<16xf32>
      %exp3A = math.exp %max3A : vector<16xf32>
      %swap3A = arith.constant 0 : i32
      %swap3A_88 = arith.index_cast %swap3A : i32 to index
      %swap3A_89 = arith.constant 0 : index
      %swap3A_90 = tpu.vector_load %arg21[%swap3A_88, %swap3A_89] {strides = array<i32>} : memref<8x16xf32, #tpu.memory_space<vmem>>, vector<1x16xf32>,
      %swap3A_91 = vector.shape_cast %swap3A_90 : vector<1x16xf32> to vector<16xf32>
      %swap3A_92 = vector.shape_cast %exp3A : vector<16xf32> to vector<1x16xf32>
      tpu.vector_store %arg21[%swap3A_88, %swap3A_89], %swap3A_92 {strides = array<i32>} : memref<8x16xf32, #tpu.memory_space<vmem>>, vector<1x16xf32>,
      %get3A_93 = arith.constant 16 : index
      %get3A_94 = tpu.vector_load %arg17[%get3A_93] {strides = array<i32>} : memref<128xf32, #tpu.memory_space<vmem>>, vector<16xf32>,
      %get3A_95 = vector.shape_cast %get3A_94 : vector<16xf32> to vector<16xf32>
      %get3A_96 = arith.constant 16 : index
      %get3A_97 = tpu.vector_load %arg19[%get3A_96] {strides = array<i32>} : memref<128xf32, #tpu.memory_space<vmem>>, vector<16xf32>,
      %get3A_98 = vector.shape_cast %get3A_97 : vector<16xf32> to vector<16xf32>
      %add3A_99 = arith.addf %get3A_95, %get3A_98 : vector<16xf32>
      %mul3A_100 = arith.constant 2.000000e-01 : f32
      %mul3A_101 = vector.broadcast %mul3A_100 : f32 to vector<16xf32>
      %mul3A_102 = arith.mulf %mul3A_101, %add3A_99 : vector<16xf32>
      %max3A_103 = arith.maximumf %add3A_99, %mul3A_102 : vector<16xf32>
      %exp3A_104 = math.exp %max3A_103 : vector<16xf32>
      %swap3A_105 = arith.constant 1 : i32
      %swap3A_106 = arith.index_cast %swap3A_105 : i32 to index
      %swap3A_107 = arith.constant 0 : index
      %swap3A_108 = tpu.vector_load %arg21[%swap3A_106, %swap3A_107] {strides = array<i32>} : memref<8x16xf32, #tpu.memory_space<vmem>>, vector<1x16xf32>,
      %swap3A_109 = vector.shape_cast %swap3A_108 : vector<1x16xf32> to vector<16xf32>
      %swap3A_110 = vector.shape_cast %exp3A_104 : vector<16xf32> to vector<1x16xf32>
      tpu.vector_store %arg21[%swap3A_106, %swap3A_107], %swap3A_110 {strides = array<i32>} : memref<8x16xf32, #tpu.memory_space<vmem>>, vector<1x16xf32>,
      %get3A_111 = arith.constant 32 : index
      %get3A_112 = tpu.vector_load %arg17[%get3A_111] {strides = array<i32>} : memref<128xf32, #tpu.memory_space<vmem>>, vector<16xf32>,
      %get3A_113 = vector.shape_cast %get3A_112 : vector<16xf32> to vector<16xf32>
      %get3A_114 = arith.constant 32 : index
      %get3A_115 = tpu.vector_load %arg19[%get3A_114] {strides = array<i32>} : memref<128xf32, #tpu.memory_space<vmem>>, vector<16xf32>,
      %get3A_116 = vector.shape_cast %get3A_115 : vector<16xf32> to vector<16xf32>
      %add3A_117 = arith.addf %get3A_113, %get3A_116 : vector<16xf32>
      %mul3A_118 = arith.constant 2.000000e-01 : f32
      %mul3A_119 = vector.broadcast %mul3A_118 : f32 to vector<16xf32>
      %mul3A_120 = arith.mulf %mul3A_119, %add3A_117 : vector<16xf32>
      %max3A_121 = arith.maximumf %add3A_117, %mul3A_120 : vector<16xf32>
      %exp3A_122 = math.exp %max3A_121 : vector<16xf32>
      %swap3A_123 = arith.constant 2 : i32
      %swap3A_124 = arith.index_cast %swap3A_123 : i32 to index
      %swap3A_125 = arith.constant 0 : index
      %swap3A_126 = tpu.vector_load %arg21[%swap3A_124, %swap3A_125] {strides = array<i32>} : memref<8x16xf32, #tpu.memory_space<vmem>>, vector<1x16xf32>,
      %swap3A_127 = vector.shape_cast %swap3A_126 : vector<1x16xf32> to vector<16xf32>
      %swap3A_128 = vector.shape_cast %exp3A_122 : vector<16xf32> to vector<1x16xf32>
      tpu.vector_store %arg21[%swap3A_124, %swap3A_125], %swap3A_128 {strides = array<i32>} : memref<8x16xf32, #tpu.memory_space<vmem>>, vector<1x16xf32>,
      %get3A_129 = arith.constant 48 : index
      %get3A_130 = tpu.vector_load %arg17[%get3A_129] {strides = array<i32>} : memref<128xf32, #tpu.memory_space<vmem>>, vector<16xf32>,
      %get3A_131 = vector.shape_cast %get3A_130 : vector<16xf32> to vector<16xf32>
      %get3A_132 = arith.constant 48 : index
      %get3A_133 = tpu.vector_load %arg19[%get3A_132] {strides = array<i32>} : memref<128xf32, #tpu.memory_space<vmem>>, vector<16xf32>,
      %get3A_134 = vector.shape_cast %get3A_133 : vector<16xf32> to vector<16xf32>
      %add3A_135 = arith.addf %get3A_131, %get3A_134 : vector<16xf32>
      %mul3A_136 = arith.constant 2.000000e-01 : f32
      %mul3A_137 = vector.broadcast %mul3A_136 : f32 to vector<16xf32>
      %mul3A_138 = arith.mulf %mul3A_137, %add3A_135 : vector<16xf32>
      %max3A_139 = arith.maximumf %add3A_135, %mul3A_138 : vector<16xf32>
      %exp3A_140 = math.exp %max3A_139 : vector<16xf32>
      %swap3A_141 = arith.constant 3 : i32
      %swap3A_142 = arith.index_cast %swap3A_141 : i32 to index
      %swap3A_143 = arith.constant 0 : index
      %swap3A_144 = tpu.vector_load %arg21[%swap3A_142, %swap3A_143] {strides = array<i32>} : memref<8x16xf32, #tpu.memory_space<vmem>>, vector<1x16xf32>,
      %swap3A_145 = vector.shape_cast %swap3A_144 : vector<1x16xf32> to vector<16xf32>
      %swap3A_146 = vector.shape_cast %exp3A_140 : vector<16xf32> to vector<1x16xf32>
      tpu.vector_store %arg21[%swap3A_142, %swap3A_143], %swap3A_146 {strides = array<i32>} : memref<8x16xf32, #tpu.memory_space<vmem>>, vector<1x16xf32>,
      %get3A_147 = arith.constant 64 : index
      %get3A_148 = tpu.vector_load %arg17[%get3A_147] {strides = array<i32>} : memref<128xf32, #tpu.memory_space<vmem>>, vector<16xf32>,
      %get3A_149 = vector.shape_cast %get3A_148 : vector<16xf32> to vector<16xf32>
      %get3A_150 = arith.constant 64 : index
      %get3A_151 = tpu.vector_load %arg19[%get3A_150] {strides = array<i32>} : memref<128xf32, #tpu.memory_space<vmem>>, vector<16xf32>,
      %get3A_152 = vector.shape_cast %get3A_151 : vector<16xf32> to vector<16xf32>
      %add3A_153 = arith.addf %get3A_149, %get3A_152 : vector<16xf32>
      %mul3A_154 = arith.constant 2.000000e-01 : f32
      %mul3A_155 = vector.broadcast %mul3A_154 : f32 to vector<16xf32>
      %mul3A_156 = arith.mulf %mul3A_155, %add3A_153 : vector<16xf32>
      %max3A_157 = arith.maximumf %add3A_153, %mul3A_156 : vector<16xf32>
      %exp3A_158 = math.exp %max3A_157 : vector<16xf32>
      %swap3A_159 = arith.constant 4 : i32
      %swap3A_160 = arith.index_cast %swap3A_159 : i32 to index
      %swap3A_161 = arith.constant 0 : index
      %swap3A_162 = tpu.vector_load %arg21[%swap3A_160, %swap3A_161] {strides = array<i32>} : memref<8x16xf32, #tpu.memory_space<vmem>>, vector<1x16xf32>,
      %swap3A_163 = vector.shape_cast %swap3A_162 : vector<1x16xf32> to vector<16xf32>
      %swap3A_164 = vector.shape_cast %exp3A_158 : vector<16xf32> to vector<1x16xf32>
      tpu.vector_store %arg21[%swap3A_160, %swap3A_161], %swap3A_164 {strides = array<i32>} : memref<8x16xf32, #tpu.memory_space<vmem>>, vector<1x16xf32>,
      %get3A_165 = arith.constant 80 : index
      %get3A_166 = tpu.vector_load %arg17[%get3A_165] {strides = array<i32>} : memref<128xf32, #tpu.memory_space<vmem>>, vector<16xf32>,
      %get3A_167 = vector.shape_cast %get3A_166 : vector<16xf32> to vector<16xf32>
      %get3A_168 = arith.constant 80 : index
      %get3A_169 = tpu.vector_load %arg19[%get3A_168] {strides = array<i32>} : memref<128xf32, #tpu.memory_space<vmem>>, vector<16xf32>,
      %get3A_170 = vector.shape_cast %get3A_169 : vector<16xf32> to vector<16xf32>
      %add3A_171 = arith.addf %get3A_167, %get3A_170 : vector<16xf32>
      %mul3A_172 = arith.constant 2.000000e-01 : f32
      %mul3A_173 = vector.broadcast %mul3A_172 : f32 to vector<16xf32>
      %mul3A_174 = arith.mulf %mul3A_173, %add3A_171 : vector<16xf32>
      %max3A_175 = arith.maximumf %add3A_171, %mul3A_174 : vector<16xf32>
      %exp3A_176 = math.exp %max3A_175 : vector<16xf32>
      %swap3A_177 = arith.constant 5 : i32
      %swap3A_178 = arith.index_cast %swap3A_177 : i32 to index
      %swap3A_179 = arith.constant 0 : index
      %swap3A_180 = tpu.vector_load %arg21[%swap3A_178, %swap3A_179] {strides = array<i32>} : memref<8x16xf32, #tpu.memory_space<vmem>>, vector<1x16xf32>,
      %swap3A_181 = vector.shape_cast %swap3A_180 : vector<1x16xf32> to vector<16xf32>
      %swap3A_182 = vector.shape_cast %exp3A_176 : vector<16xf32> to vector<1x16xf32>
      tpu.vector_store %arg21[%swap3A_178, %swap3A_179], %swap3A_182 {strides = array<i32>} : memref<8x16xf32, #tpu.memory_space<vmem>>, vector<1x16xf32>,
      %get3A_183 = arith.constant 96 : index
      %get3A_184 = tpu.vector_load %arg17[%get3A_183] {strides = array<i32>} : memref<128xf32, #tpu.memory_space<vmem>>, vector<16xf32>,
      %get3A_185 = vector.shape_cast %get3A_184 : vector<16xf32> to vector<16xf32>
      %get3A_186 = arith.constant 96 : index
      %get3A_187 = tpu.vector_load %arg19[%get3A_186] {strides = array<i32>} : memref<128xf32, #tpu.memory_space<vmem>>, vector<16xf32>,
      %get3A_188 = vector.shape_cast %get3A_187 : vector<16xf32> to vector<16xf32>
      %add3A_189 = arith.addf %get3A_185, %get3A_188 : vector<16xf32>
      %mul3A_190 = arith.constant 2.000000e-01 : f32
      %mul3A_191 = vector.broadcast %mul3A_190 : f32 to vector<16xf32>
      %mul3A_192 = arith.mulf %mul3A_191, %add3A_189 : vector<16xf32>
      %max3A_193 = arith.maximumf %add3A_189, %mul3A_192 : vector<16xf32>
      %exp3A_194 = math.exp %max3A_193 : vector<16xf32>
      %swap3A_195 = arith.constant 6 : i32
      %swap3A_196 = arith.index_cast %swap3A_195 : i32 to index
      %swap3A_197 = arith.constant 0 : index
      %swap3A_198 = tpu.vector_load %arg21[%swap3A_196, %swap3A_197] {strides = array<i32>} : memref<8x16xf32, #tpu.memory_space<vmem>>, vector<1x16xf32>,
      %swap3A_199 = vector.shape_cast %swap3A_198 : vector<1x16xf32> to vector<16xf32>
      %swap3A_200 = vector.shape_cast %exp3A_194 : vector<16xf32> to vector<1x16xf32>
      tpu.vector_store %arg21[%swap3A_196, %swap3A_197], %swap3A_200 {strides = array<i32>} : memref<8x16xf32, #tpu.memory_space<vmem>>, vector<1x16xf32>,
      %get3A_201 = arith.constant 112 : index
      %get3A_202 = tpu.vector_load %arg17[%get3A_201] {strides = array<i32>} : memref<128xf32, #tpu.memory_space<vmem>>, vector<16xf32>,
      %get3A_203 = vector.shape_cast %get3A_202 : vector<16xf32> to vector<16xf32>
      %get3A_204 = arith.constant 112 : index
      %get3A_205 = tpu.vector_load %arg19[%get3A_204] {strides = array<i32>} : memref<128xf32, #tpu.memory_space<vmem>>, vector<16xf32>,
      %get3A_206 = vector.shape_cast %get3A_205 : vector<16xf32> to vector<16xf32>
      %add3A_207 = arith.addf %get3A_203, %get3A_206 : vector<16xf32>
      %mul3A_208 = arith.constant 2.000000e-01 : f32
      %mul3A_209 = vector.broadcast %mul3A_208 : f32 to vector<16xf32>
      %mul3A_210 = arith.mulf %mul3A_209, %add3A_207 : vector<16xf32>
      %max3A_211 = arith.maximumf %add3A_207, %mul3A_210 : vector<16xf32>
      %exp3A_212 = math.exp %max3A_211 : vector<16xf32>
      %swap3A_213 = arith.constant 7 : i32
      %swap3A_214 = arith.index_cast %swap3A_213 : i32 to index
      %swap3A_215 = arith.constant 0 : index
      %swap3A_216 = tpu.vector_load %arg21[%swap3A_214, %swap3A_215] {strides = array<i32>} : memref<8x16xf32, #tpu.memory_space<vmem>>, vector<1x16xf32>,
      %swap3A_217 = vector.shape_cast %swap3A_216 : vector<1x16xf32> to vector<16xf32>
      %swap3A_218 = vector.shape_cast %exp3A_212 : vector<16xf32> to vector<1x16xf32>
      tpu.vector_store %arg21[%swap3A_214, %swap3A_215], %swap3A_218 {strides = array<i32>} : memref<8x16xf32, #tpu.memory_space<vmem>>, vector<1x16xf32>,
      %scan3A_219 = arith.constant 0 : i32
      %scan3A_220 = arith.constant 128 : i32
      %scan3A_221 = arith.addi %scan3A_219, %scan3A_220 : i32
      %scan3A_222 = arith.constant 4 : i32
      scf.for %scan3A_224 = %scan3A_219 to %scan3A_221 step %scan3A_222  : i32 {
        %mul3A_225 = arith.constant 1 : i32
        %mul3A_226 = arith.muli %scan3A_224, %mul3A_225 : i32
        %add3A_227 = arith.constant 0 : i32
        %add3A_228 = arith.addi %add3A_227, %mul3A_226 : i32
        %jit3A_229 = arith.constant 16 : i32
        %div3A = arith.divsi %add3A_228, %jit3A_229 : i32
        %sign3A = arith.constant 0 : i32
        %sign3A_230 = arith.cmpi sgt, %add3A_228, %sign3A : i32
        %sign3A_231 = arith.extui %sign3A_230 : i1 to i32
        %sign3A_232 = arith.constant 0 : i32
        %sign3A_233 = arith.cmpi slt, %add3A_228, %sign3A_232 : i32
        %sign3A_234 = arith.extui %sign3A_233 : i1 to i32
        %sign3A_235 = arith.subi %sign3A_231, %sign3A_234 : i32
        %sign3A_236 = arith.constant 0 : i32
        %sign3A_237 = arith.cmpi sgt, %jit3A_229, %sign3A_236 : i32
        %sign3A_238 = arith.extui %sign3A_237 : i1 to i32
        %sign3A_239 = arith.constant 0 : i32
        %sign3A_240 = arith.cmpi slt, %jit3A_229, %sign3A_239 : i32
        %sign3A_241 = arith.extui %sign3A_240 : i1 to i32
        %sign3A_242 = arith.subi %sign3A_238, %sign3A_241 : i32
        %ne3A = arith.cmpi ne, %sign3A_235, %sign3A_242 : i32
        %rem3A = arith.remsi %add3A_228, %jit3A_229 : i32
        %ne3A_243 = arith.constant 0 : i32
        %ne3A_244 = arith.cmpi ne, %rem3A, %ne3A_243 : i32
        %and3A = arith.andi %ne3A, %ne3A_244 : i1
        %sub3A = arith.constant 1 : i32
        %sub3A_245 = arith.subi %div3A, %sub3A : i32
        %select_n3A_246 = arith.select %and3A, %sub3A_245, %div3A : i32
        %get3A_247 = arith.index_cast %select_n3A_246 : i32 to index
        %get3A_248 = arith.constant 0 : index
        %get3A_249 = tpu.vector_load %arg21[%get3A_247, %get3A_248] {strides = array<i32>} : memref<8x16xf32, #tpu.memory_space<vmem>>, vector<1x16xf32>,
        %get3A_250 = vector.shape_cast %get3A_249 : vector<1x16xf32> to vector<16xf32>
        %jit3A_251 = arith.constant 16 : i32
        %eq3A_252 = arith.constant 0 : i32
        %eq3A_253 = arith.cmpi eq, %jit3A_251, %eq3A_252 : i32
        %jit3A_254 = arith.constant 1 : i32
        %select_n3A_255 = arith.select %eq3A_253, %jit3A_254, %jit3A_251 : i32
        %rem3A_256 = arith.remsi %add3A_228, %select_n3A_255 : i32
        %ne3A_257 = arith.constant 0 : i32
        %ne3A_258 = arith.cmpi ne, %rem3A_256, %ne3A_257 : i32
        %lt3A_259 = arith.constant 0 : i32
        %lt3A_260 = arith.cmpi slt, %rem3A_256, %lt3A_259 : i32
        %lt3A_261 = arith.constant 0 : i32
        %lt3A_262 = arith.cmpi slt, %select_n3A_255, %lt3A_261 : i32
        %ne3A_263 = arith.xori %lt3A_260, %lt3A_262 : i1
        %and3A_264 = arith.andi %ne3A_263, %ne3A_258 : i1
        %add3A_265 = arith.addi %rem3A_256, %select_n3A_255 : i32
        %select_n3A_266 = arith.select %and3A_264, %add3A_265, %rem3A_256 : i32
        %broadcast_in_dim3A_267 = vector.broadcast %select_n3A_266 : i32 to vector<16xi32>
        %lt3A_268 = arith.constant 0 : i32
        %lt3A_269 = vector.broadcast %lt3A_268 : i32 to vector<16xi32>
        %lt3A_270 = arith.cmpi slt, %broadcast_in_dim3A_267, %lt3A_269 : vector<16xi32>
        %add3A_271 = arith.constant 16 : i32
        %add3A_272 = vector.broadcast %add3A_271 : i32 to vector<16xi32>
        %add3A_273 = arith.addi %broadcast_in_dim3A_267, %add3A_272 : vector<16xi32>
        %select_n3A_274 = arith.select %lt3A_270, %add3A_273, %broadcast_in_dim3A_267 : vector<16xi1>, vector<16xi32>
        %broadcast_in_dim3A_275 = vector.shape_cast %select_n3A_274 : vector<16xi32> to vector<16x1xi32>
        %gather3A = vector.shape_cast %broadcast_in_dim3A_275 : vector<16x1xi32> to vector<16xi32>
        %gather3A_276 = tpu.dynamic_gather %get3A_250[%gather3A] in [0] : vector<16xf32>, vector<16xi32> -> vector<16xf32>
        %mul3A_277 = arith.mulf %gather3A_276, %select_n3A : vector<16xf32>
        %swap3A_278 = arith.index_cast %add3A_228 : i32 to index
        %swap3A_279 = arith.constant 0 : index
        %swap3A_280 = tpu.vector_load %arg22[%swap3A_278, %swap3A_279] {strides = array<i32>} : memref<128x16xf32, #tpu.memory_space<vmem>>, vector<1x16xf32>,
        %swap3A_281 = vector.shape_cast %swap3A_280 : vector<1x16xf32> to vector<16xf32>
        %swap3A_282 = vector.shape_cast %mul3A_277 : vector<16xf32> to vector<1x16xf32>
        tpu.vector_store %arg22[%swap3A_278, %swap3A_279], %swap3A_282 {strides = array<i32>} : memref<128x16xf32, #tpu.memory_space<vmem>>, vector<1x16xf32>,
        %get3A_283 = arith.constant 0 : i32
        %get3A_284 = arith.index_cast %add3A_228 : i32 to index
        %get3A_285 = arith.index_cast %get3A_283 : i32 to index
        %get3A_286 = arith.constant 0 : index
        %get3A_287 = tpu.vector_load %arg15[%get3A_284, %get3A_285, %get3A_286] {strides = array<i32>} : memref<128x3x16xf32, #tpu.memory_space<vmem>>, vector<1x1x16xf32>,
        %get3A_288 = vector.shape_cast %get3A_287 : vector<1x1x16xf32> to vector<16xf32>
        %mul3A_289 = arith.mulf %get3A_288, %gather3A_276 : vector<16xf32>
        %swap3A_290 = arith.constant 0 : i32
        %swap3A_291 = arith.index_cast %add3A_228 : i32 to index
        %swap3A_292 = arith.index_cast %swap3A_290 : i32 to index
        %swap3A_293 = arith.constant 0 : index
        %swap3A_294 = tpu.vector_load %arg15[%swap3A_291, %swap3A_292, %swap3A_293] {strides = array<i32>} : memref<128x3x16xf32, #tpu.memory_space<vmem>>, vector<1x1x16xf32>,
        %swap3A_295 = vector.shape_cast %swap3A_294 : vector<1x1x16xf32> to vector<16xf32>
        %swap3A_296 = vector.shape_cast %mul3A_289 : vector<16xf32> to vector<1x1x16xf32>
        tpu.vector_store %arg15[%swap3A_291, %swap3A_292, %swap3A_293], %swap3A_296 {strides = array<i32>} : memref<128x3x16xf32, #tpu.memory_space<vmem>>, vector<1x1x16xf32>,
        %get3A_297 = arith.constant 1 : i32
        %get3A_298 = arith.index_cast %add3A_228 : i32 to index
        %get3A_299 = arith.index_cast %get3A_297 : i32 to index
        %get3A_300 = arith.constant 0 : index
        %get3A_301 = tpu.vector_load %arg15[%get3A_298, %get3A_299, %get3A_300] {strides = array<i32>} : memref<128x3x16xf32, #tpu.memory_space<vmem>>, vector<1x1x16xf32>,
        %get3A_302 = vector.shape_cast %get3A_301 : vector<1x1x16xf32> to vector<16xf32>
        %mul3A_303 = arith.mulf %get3A_302, %gather3A_276 : vector<16xf32>
        %swap3A_304 = arith.constant 1 : i32
        %swap3A_305 = arith.index_cast %add3A_228 : i32 to index
        %swap3A_306 = arith.index_cast %swap3A_304 : i32 to index
        %swap3A_307 = arith.constant 0 : index
        %swap3A_308 = tpu.vector_load %arg15[%swap3A_305, %swap3A_306, %swap3A_307] {strides = array<i32>} : memref<128x3x16xf32, #tpu.memory_space<vmem>>, vector<1x1x16xf32>,
        %swap3A_309 = vector.shape_cast %swap3A_308 : vector<1x1x16xf32> to vector<16xf32>
        %swap3A_310 = vector.shape_cast %mul3A_303 : vector<16xf32> to vector<1x1x16xf32>
        tpu.vector_store %arg15[%swap3A_305, %swap3A_306, %swap3A_307], %swap3A_310 {strides = array<i32>} : memref<128x3x16xf32, #tpu.memory_space<vmem>>, vector<1x1x16xf32>,
        %get3A_311 = arith.constant 2 : i32
        %get3A_312 = arith.index_cast %add3A_228 : i32 to index
        %get3A_313 = arith.index_cast %get3A_311 : i32 to index
        %get3A_314 = arith.constant 0 : index
        %get3A_315 = tpu.vector_load %arg15[%get3A_312, %get3A_313, %get3A_314] {strides = array<i32>} : memref<128x3x16xf32, #tpu.memory_space<vmem>>, vector<1x1x16xf32>,
        %get3A_316 = vector.shape_cast %get3A_315 : vector<1x1x16xf32> to vector<16xf32>
        %mul3A_317 = arith.mulf %get3A_316, %gather3A_276 : vector<16xf32>
        %swap3A_318 = arith.constant 2 : i32
        %swap3A_319 = arith.index_cast %add3A_228 : i32 to index
        %swap3A_320 = arith.index_cast %swap3A_318 : i32 to index
        %swap3A_321 = arith.constant 0 : index
        %swap3A_322 = tpu.vector_load %arg15[%swap3A_319, %swap3A_320, %swap3A_321] {strides = array<i32>} : memref<128x3x16xf32, #tpu.memory_space<vmem>>, vector<1x1x16xf32>,
        %swap3A_323 = vector.shape_cast %swap3A_322 : vector<1x1x16xf32> to vector<16xf32>
        %swap3A_324 = vector.shape_cast %mul3A_317 : vector<16xf32> to vector<1x1x16xf32>
        tpu.vector_store %arg15[%swap3A_319, %swap3A_320, %swap3A_321], %swap3A_324 {strides = array<i32>} : memref<128x3x16xf32, #tpu.memory_space<vmem>>, vector<1x1x16xf32>,
        %scan3A_325 = arith.constant 1 : i32
        %scan3A_326 = arith.addi %scan3A_224, %scan3A_325 : i32
        %mul3A_327 = arith.constant 1 : i32
        %mul3A_328 = arith.muli %scan3A_326, %mul3A_327 : i32
        %add3A_329 = arith.constant 0 : i32
        %add3A_330 = arith.addi %add3A_329, %mul3A_328 : i32
        %jit3A_331 = arith.constant 16 : i32
        %div3A_332 = arith.divsi %add3A_330, %jit3A_331 : i32
        %sign3A_333 = arith.constant 0 : i32
        %sign3A_334 = arith.cmpi sgt, %add3A_330, %sign3A_333 : i32
        %sign3A_335 = arith.extui %sign3A_334 : i1 to i32
        %sign3A_336 = arith.constant 0 : i32
        %sign3A_337 = arith.cmpi slt, %add3A_330, %sign3A_336 : i32
        %sign3A_338 = arith.extui %sign3A_337 : i1 to i32
        %sign3A_339 = arith.subi %sign3A_335, %sign3A_338 : i32
        %sign3A_340 = arith.constant 0 : i32
        %sign3A_341 = arith.cmpi sgt, %jit3A_331, %sign3A_340 : i32
        %sign3A_342 = arith.extui %sign3A_341 : i1 to i32
        %sign3A_343 = arith.constant 0 : i32
        %sign3A_344 = arith.cmpi slt, %jit3A_331, %sign3A_343 : i32
        %sign3A_345 = arith.extui %sign3A_344 : i1 to i32
        %sign3A_346 = arith.subi %sign3A_342, %sign3A_345 : i32
        %ne3A_347 = arith.cmpi ne, %sign3A_339, %sign3A_346 : i32
        %rem3A_348 = arith.remsi %add3A_330, %jit3A_331 : i32
        %ne3A_349 = arith.constant 0 : i32
        %ne3A_350 = arith.cmpi ne, %rem3A_348, %ne3A_349 : i32
        %and3A_351 = arith.andi %ne3A_347, %ne3A_350 : i1
        %sub3A_352 = arith.constant 1 : i32
        %sub3A_353 = arith.subi %div3A_332, %sub3A_352 : i32
        %select_n3A_354 = arith.select %and3A_351, %sub3A_353, %div3A_332 : i32
        %get3A_355 = arith.index_cast %select_n3A_354 : i32 to index
        %get3A_356 = arith.constant 0 : index
        %get3A_357 = tpu.vector_load %arg21[%get3A_355, %get3A_356] {strides = array<i32>} : memref<8x16xf32, #tpu.memory_space<vmem>>, vector<1x16xf32>,
        %get3A_358 = vector.shape_cast %get3A_357 : vector<1x16xf32> to vector<16xf32>
        %jit3A_359 = arith.constant 16 : i32
        %eq3A_360 = arith.constant 0 : i32
        %eq3A_361 = arith.cmpi eq, %jit3A_359, %eq3A_360 : i32
        %jit3A_362 = arith.constant 1 : i32
        %select_n3A_363 = arith.select %eq3A_361, %jit3A_362, %jit3A_359 : i32
        %rem3A_364 = arith.remsi %add3A_330, %select_n3A_363 : i32
        %ne3A_365 = arith.constant 0 : i32
        %ne3A_366 = arith.cmpi ne, %rem3A_364, %ne3A_365 : i32
        %lt3A_367 = arith.constant 0 : i32
        %lt3A_368 = arith.cmpi slt, %rem3A_364, %lt3A_367 : i32
        %lt3A_369 = arith.constant 0 : i32
        %lt3A_370 = arith.cmpi slt, %select_n3A_363, %lt3A_369 : i32
        %ne3A_371 = arith.xori %lt3A_368, %lt3A_370 : i1
        %and3A_372 = arith.andi %ne3A_371, %ne3A_366 : i1
        %add3A_373 = arith.addi %rem3A_364, %select_n3A_363 : i32
        %select_n3A_374 = arith.select %and3A_372, %add3A_373, %rem3A_364 : i32
        %broadcast_in_dim3A_375 = vector.broadcast %select_n3A_374 : i32 to vector<16xi32>
        %lt3A_376 = arith.constant 0 : i32
        %lt3A_377 = vector.broadcast %lt3A_376 : i32 to vector<16xi32>
        %lt3A_378 = arith.cmpi slt, %broadcast_in_dim3A_375, %lt3A_377 : vector<16xi32>
        %add3A_379 = arith.constant 16 : i32
        %add3A_380 = vector.broadcast %add3A_379 : i32 to vector<16xi32>
        %add3A_381 = arith.addi %broadcast_in_dim3A_375, %add3A_380 : vector<16xi32>
        %select_n3A_382 = arith.select %lt3A_378, %add3A_381, %broadcast_in_dim3A_375 : vector<16xi1>, vector<16xi32>
        %broadcast_in_dim3A_383 = vector.shape_cast %select_n3A_382 : vector<16xi32> to vector<16x1xi32>
        %gather3A_384 = vector.shape_cast %broadcast_in_dim3A_383 : vector<16x1xi32> to vector<16xi32>
        %gather3A_385 = tpu.dynamic_gather %get3A_358[%gather3A_384] in [0] : vector<16xf32>, vector<16xi32> -> vector<16xf32>
        %mul3A_386 = arith.mulf %gather3A_385, %select_n3A : vector<16xf32>
        %swap3A_387 = arith.index_cast %add3A_330 : i32 to index
        %swap3A_388 = arith.constant 0 : index
        %swap3A_389 = tpu.vector_load %arg22[%swap3A_387, %swap3A_388] {strides = array<i32>} : memref<128x16xf32, #tpu.memory_space<vmem>>, vector<1x16xf32>,
        %swap3A_390 = vector.shape_cast %swap3A_389 : vector<1x16xf32> to vector<16xf32>
        %swap3A_391 = vector.shape_cast %mul3A_386 : vector<16xf32> to vector<1x16xf32>
        tpu.vector_store %arg22[%swap3A_387, %swap3A_388], %swap3A_391 {strides = array<i32>} : memref<128x16xf32, #tpu.memory_space<vmem>>, vector<1x16xf32>,
        %get3A_392 = arith.constant 0 : i32
        %get3A_393 = arith.index_cast %add3A_330 : i32 to index
        %get3A_394 = arith.index_cast %get3A_392 : i32 to index
        %get3A_395 = arith.constant 0 : index
        %get3A_396 = tpu.vector_load %arg15[%get3A_393, %get3A_394, %get3A_395] {strides = array<i32>} : memref<128x3x16xf32, #tpu.memory_space<vmem>>, vector<1x1x16xf32>,
        %get3A_397 = vector.shape_cast %get3A_396 : vector<1x1x16xf32> to vector<16xf32>
        %mul3A_398 = arith.mulf %get3A_397, %gather3A_385 : vector<16xf32>
        %swap3A_399 = arith.constant 0 : i32
        %swap3A_400 = arith.index_cast %add3A_330 : i32 to index
        %swap3A_401 = arith.index_cast %swap3A_399 : i32 to index
        %swap3A_402 = arith.constant 0 : index
        %swap3A_403 = tpu.vector_load %arg15[%swap3A_400, %swap3A_401, %swap3A_402] {strides = array<i32>} : memref<128x3x16xf32, #tpu.memory_space<vmem>>, vector<1x1x16xf32>,
        %swap3A_404 = vector.shape_cast %swap3A_403 : vector<1x1x16xf32> to vector<16xf32>
        %swap3A_405 = vector.shape_cast %mul3A_398 : vector<16xf32> to vector<1x1x16xf32>
        tpu.vector_store %arg15[%swap3A_400, %swap3A_401, %swap3A_402], %swap3A_405 {strides = array<i32>} : memref<128x3x16xf32, #tpu.memory_space<vmem>>, vector<1x1x16xf32>,
        %get3A_406 = arith.constant 1 : i32
        %get3A_407 = arith.index_cast %add3A_330 : i32 to index
        %get3A_408 = arith.index_cast %get3A_406 : i32 to index
        %get3A_409 = arith.constant 0 : index
        %get3A_410 = tpu.vector_load %arg15[%get3A_407, %get3A_408, %get3A_409] {strides = array<i32>} : memref<128x3x16xf32, #tpu.memory_space<vmem>>, vector<1x1x16xf32>,
        %get3A_411 = vector.shape_cast %get3A_410 : vector<1x1x16xf32> to vector<16xf32>
        %mul3A_412 = arith.mulf %get3A_411, %gather3A_385 : vector<16xf32>
        %swap3A_413 = arith.constant 1 : i32
        %swap3A_414 = arith.index_cast %add3A_330 : i32 to index
        %swap3A_415 = arith.index_cast %swap3A_413 : i32 to index
        %swap3A_416 = arith.constant 0 : index
        %swap3A_417 = tpu.vector_load %arg15[%swap3A_414, %swap3A_415, %swap3A_416] {strides = array<i32>} : memref<128x3x16xf32, #tpu.memory_space<vmem>>, vector<1x1x16xf32>,
        %swap3A_418 = vector.shape_cast %swap3A_417 : vector<1x1x16xf32> to vector<16xf32>
        %swap3A_419 = vector.shape_cast %mul3A_412 : vector<16xf32> to vector<1x1x16xf32>
        tpu.vector_store %arg15[%swap3A_414, %swap3A_415, %swap3A_416], %swap3A_419 {strides = array<i32>} : memref<128x3x16xf32, #tpu.memory_space<vmem>>, vector<1x1x16xf32>,
        %get3A_420 = arith.constant 2 : i32
        %get3A_421 = arith.index_cast %add3A_330 : i32 to index
        %get3A_422 = arith.index_cast %get3A_420 : i32 to index
        %get3A_423 = arith.constant 0 : index
        %get3A_424 = tpu.vector_load %arg15[%get3A_421, %get3A_422, %get3A_423] {strides = array<i32>} : memref<128x3x16xf32, #tpu.memory_space<vmem>>, vector<1x1x16xf32>,
        %get3A_425 = vector.shape_cast %get3A_424 : vector<1x1x16xf32> to vector<16xf32>
        %mul3A_426 = arith.mulf %get3A_425, %gather3A_385 : vector<16xf32>
        %swap3A_427 = arith.constant 2 : i32
        %swap3A_428 = arith.index_cast %add3A_330 : i32 to index
        %swap3A_429 = arith.index_cast %swap3A_427 : i32 to index
        %swap3A_430 = arith.constant 0 : index
        %swap3A_431 = tpu.vector_load %arg15[%swap3A_428, %swap3A_429, %swap3A_430] {strides = array<i32>} : memref<128x3x16xf32, #tpu.memory_space<vmem>>, vector<1x1x16xf32>,
        %swap3A_432 = vector.shape_cast %swap3A_431 : vector<1x1x16xf32> to vector<16xf32>
        %swap3A_433 = vector.shape_cast %mul3A_426 : vector<16xf32> to vector<1x1x16xf32>
        tpu.vector_store %arg15[%swap3A_428, %swap3A_429, %swap3A_430], %swap3A_433 {strides = array<i32>} : memref<128x3x16xf32, #tpu.memory_space<vmem>>, vector<1x1x16xf32>,
        %scan3A_434 = arith.constant 2 : i32
        %scan3A_435 = arith.addi %scan3A_224, %scan3A_434 : i32
        %mul3A_436 = arith.constant 1 : i32
        %mul3A_437 = arith.muli %scan3A_435, %mul3A_436 : i32
        %add3A_438 = arith.constant 0 : i32
        %add3A_439 = arith.addi %add3A_438, %mul3A_437 : i32
        %jit3A_440 = arith.constant 16 : i32
        %div3A_441 = arith.divsi %add3A_439, %jit3A_440 : i32
        %sign3A_442 = arith.constant 0 : i32
        %sign3A_443 = arith.cmpi sgt, %add3A_439, %sign3A_442 : i32
        %sign3A_444 = arith.extui %sign3A_443 : i1 to i32
        %sign3A_445 = arith.constant 0 : i32
        %sign3A_446 = arith.cmpi slt, %add3A_439, %sign3A_445 : i32
        %sign3A_447 = arith.extui %sign3A_446 : i1 to i32
        %sign3A_448 = arith.subi %sign3A_444, %sign3A_447 : i32
        %sign3A_449 = arith.constant 0 : i32
        %sign3A_450 = arith.cmpi sgt, %jit3A_440, %sign3A_449 : i32
        %sign3A_451 = arith.extui %sign3A_450 : i1 to i32
        %sign3A_452 = arith.constant 0 : i32
        %sign3A_453 = arith.cmpi slt, %jit3A_440, %sign3A_452 : i32
        %sign3A_454 = arith.extui %sign3A_453 : i1 to i32
        %sign3A_455 = arith.subi %sign3A_451, %sign3A_454 : i32
        %ne3A_456 = arith.cmpi ne, %sign3A_448, %sign3A_455 : i32
        %rem3A_457 = arith.remsi %add3A_439, %jit3A_440 : i32
        %ne3A_458 = arith.constant 0 : i32
        %ne3A_459 = arith.cmpi ne, %rem3A_457, %ne3A_458 : i32
        %and3A_460 = arith.andi %ne3A_456, %ne3A_459 : i1
        %sub3A_461 = arith.constant 1 : i32
        %sub3A_462 = arith.subi %div3A_441, %sub3A_461 : i32
        %select_n3A_463 = arith.select %and3A_460, %sub3A_462, %div3A_441 : i32
        %get3A_464 = arith.index_cast %select_n3A_463 : i32 to index
        %get3A_465 = arith.constant 0 : index
        %get3A_466 = tpu.vector_load %arg21[%get3A_464, %get3A_465] {strides = array<i32>} : memref<8x16xf32, #tpu.memory_space<vmem>>, vector<1x16xf32>,
        %get3A_467 = vector.shape_cast %get3A_466 : vector<1x16xf32> to vector<16xf32>
        %jit3A_468 = arith.constant 16 : i32
        %eq3A_469 = arith.constant 0 : i32
        %eq3A_470 = arith.cmpi eq, %jit3A_468, %eq3A_469 : i32
        %jit3A_471 = arith.constant 1 : i32
        %select_n3A_472 = arith.select %eq3A_470, %jit3A_471, %jit3A_468 : i32
        %rem3A_473 = arith.remsi %add3A_439, %select_n3A_472 : i32
        %ne3A_474 = arith.constant 0 : i32
        %ne3A_475 = arith.cmpi ne, %rem3A_473, %ne3A_474 : i32
        %lt3A_476 = arith.constant 0 : i32
        %lt3A_477 = arith.cmpi slt, %rem3A_473, %lt3A_476 : i32
        %lt3A_478 = arith.constant 0 : i32
        %lt3A_479 = arith.cmpi slt, %select_n3A_472, %lt3A_478 : i32
        %ne3A_480 = arith.xori %lt3A_477, %lt3A_479 : i1
        %and3A_481 = arith.andi %ne3A_480, %ne3A_475 : i1
        %add3A_482 = arith.addi %rem3A_473, %select_n3A_472 : i32
        %select_n3A_483 = arith.select %and3A_481, %add3A_482, %rem3A_473 : i32
        %broadcast_in_dim3A_484 = vector.broadcast %select_n3A_483 : i32 to vector<16xi32>
        %lt3A_485 = arith.constant 0 : i32
        %lt3A_486 = vector.broadcast %lt3A_485 : i32 to vector<16xi32>
        %lt3A_487 = arith.cmpi slt, %broadcast_in_dim3A_484, %lt3A_486 : vector<16xi32>
        %add3A_488 = arith.constant 16 : i32
        %add3A_489 = vector.broadcast %add3A_488 : i32 to vector<16xi32>
        %add3A_490 = arith.addi %broadcast_in_dim3A_484, %add3A_489 : vector<16xi32>
        %select_n3A_491 = arith.select %lt3A_487, %add3A_490, %broadcast_in_dim3A_484 : vector<16xi1>, vector<16xi32>
        %broadcast_in_dim3A_492 = vector.shape_cast %select_n3A_491 : vector<16xi32> to vector<16x1xi32>
        %gather3A_493 = vector.shape_cast %broadcast_in_dim3A_492 : vector<16x1xi32> to vector<16xi32>
        %gather3A_494 = tpu.dynamic_gather %get3A_467[%gather3A_493] in [0] : vector<16xf32>, vector<16xi32> -> vector<16xf32>
        %mul3A_495 = arith.mulf %gather3A_494, %select_n3A : vector<16xf32>
        %swap3A_496 = arith.index_cast %add3A_439 : i32 to index
        %swap3A_497 = arith.constant 0 : index
        %swap3A_498 = tpu.vector_load %arg22[%swap3A_496, %swap3A_497] {strides = array<i32>} : memref<128x16xf32, #tpu.memory_space<vmem>>, vector<1x16xf32>,
        %swap3A_499 = vector.shape_cast %swap3A_498 : vector<1x16xf32> to vector<16xf32>
        %swap3A_500 = vector.shape_cast %mul3A_495 : vector<16xf32> to vector<1x16xf32>
        tpu.vector_store %arg22[%swap3A_496, %swap3A_497], %swap3A_500 {strides = array<i32>} : memref<128x16xf32, #tpu.memory_space<vmem>>, vector<1x16xf32>,
        %get3A_501 = arith.constant 0 : i32
        %get3A_502 = arith.index_cast %add3A_439 : i32 to index
        %get3A_503 = arith.index_cast %get3A_501 : i32 to index
        %get3A_504 = arith.constant 0 : index
        %get3A_505 = tpu.vector_load %arg15[%get3A_502, %get3A_503, %get3A_504] {strides = array<i32>} : memref<128x3x16xf32, #tpu.memory_space<vmem>>, vector<1x1x16xf32>,
        %get3A_506 = vector.shape_cast %get3A_505 : vector<1x1x16xf32> to vector<16xf32>
        %mul3A_507 = arith.mulf %get3A_506, %gather3A_494 : vector<16xf32>
        %swap3A_508 = arith.constant 0 : i32
        %swap3A_509 = arith.index_cast %add3A_439 : i32 to index
        %swap3A_510 = arith.index_cast %swap3A_508 : i32 to index
        %swap3A_511 = arith.constant 0 : index
        %swap3A_512 = tpu.vector_load %arg15[%swap3A_509, %swap3A_510, %swap3A_511] {strides = array<i32>} : memref<128x3x16xf32, #tpu.memory_space<vmem>>, vector<1x1x16xf32>,
        %swap3A_513 = vector.shape_cast %swap3A_512 : vector<1x1x16xf32> to vector<16xf32>
        %swap3A_514 = vector.shape_cast %mul3A_507 : vector<16xf32> to vector<1x1x16xf32>
        tpu.vector_store %arg15[%swap3A_509, %swap3A_510, %swap3A_511], %swap3A_514 {strides = array<i32>} : memref<128x3x16xf32, #tpu.memory_space<vmem>>, vector<1x1x16xf32>,
        %get3A_515 = arith.constant 1 : i32
        %get3A_516 = arith.index_cast %add3A_439 : i32 to index
        %get3A_517 = arith.index_cast %get3A_515 : i32 to index
        %get3A_518 = arith.constant 0 : index
        %get3A_519 = tpu.vector_load %arg15[%get3A_516, %get3A_517, %get3A_518] {strides = array<i32>} : memref<128x3x16xf32, #tpu.memory_space<vmem>>, vector<1x1x16xf32>,
        %get3A_520 = vector.shape_cast %get3A_519 : vector<1x1x16xf32> to vector<16xf32>
        %mul3A_521 = arith.mulf %get3A_520, %gather3A_494 : vector<16xf32>
        %swap3A_522 = arith.constant 1 : i32
        %swap3A_523 = arith.index_cast %add3A_439 : i32 to index
        %swap3A_524 = arith.index_cast %swap3A_522 : i32 to index
        %swap3A_525 = arith.constant 0 : index
        %swap3A_526 = tpu.vector_load %arg15[%swap3A_523, %swap3A_524, %swap3A_525] {strides = array<i32>} : memref<128x3x16xf32, #tpu.memory_space<vmem>>, vector<1x1x16xf32>,
        %swap3A_527 = vector.shape_cast %swap3A_526 : vector<1x1x16xf32> to vector<16xf32>
        %swap3A_528 = vector.shape_cast %mul3A_521 : vector<16xf32> to vector<1x1x16xf32>
        tpu.vector_store %arg15[%swap3A_523, %swap3A_524, %swap3A_525], %swap3A_528 {strides = array<i32>} : memref<128x3x16xf32, #tpu.memory_space<vmem>>, vector<1x1x16xf32>,
        %get3A_529 = arith.constant 2 : i32
        %get3A_530 = arith.index_cast %add3A_439 : i32 to index
        %get3A_531 = arith.index_cast %get3A_529 : i32 to index
        %get3A_532 = arith.constant 0 : index
        %get3A_533 = tpu.vector_load %arg15[%get3A_530, %get3A_531, %get3A_532] {strides = array<i32>} : memref<128x3x16xf32, #tpu.memory_space<vmem>>, vector<1x1x16xf32>,
        %get3A_534 = vector.shape_cast %get3A_533 : vector<1x1x16xf32> to vector<16xf32>
        %mul3A_535 = arith.mulf %get3A_534, %gather3A_494 : vector<16xf32>
        %swap3A_536 = arith.constant 2 : i32
        %swap3A_537 = arith.index_cast %add3A_439 : i32 to index
        %swap3A_538 = arith.index_cast %swap3A_536 : i32 to index
        %swap3A_539 = arith.constant 0 : index
        %swap3A_540 = tpu.vector_load %arg15[%swap3A_537, %swap3A_538, %swap3A_539] {strides = array<i32>} : memref<128x3x16xf32, #tpu.memory_space<vmem>>, vector<1x1x16xf32>,
        %swap3A_541 = vector.shape_cast %swap3A_540 : vector<1x1x16xf32> to vector<16xf32>
        %swap3A_542 = vector.shape_cast %mul3A_535 : vector<16xf32> to vector<1x1x16xf32>
        tpu.vector_store %arg15[%swap3A_537, %swap3A_538, %swap3A_539], %swap3A_542 {strides = array<i32>} : memref<128x3x16xf32, #tpu.memory_space<vmem>>, vector<1x1x16xf32>,
        %scan3A_543 = arith.constant 3 : i32
        %scan3A_544 = arith.addi %scan3A_224, %scan3A_543 : i32
        %mul3A_545 = arith.constant 1 : i32
        %mul3A_546 = arith.muli %scan3A_544, %mul3A_545 : i32
        %add3A_547 = arith.constant 0 : i32
        %add3A_548 = arith.addi %add3A_547, %mul3A_546 : i32
        %jit3A_549 = arith.constant 16 : i32
        %div3A_550 = arith.divsi %add3A_548, %jit3A_549 : i32
        %sign3A_551 = arith.constant 0 : i32
        %sign3A_552 = arith.cmpi sgt, %add3A_548, %sign3A_551 : i32
        %sign3A_553 = arith.extui %sign3A_552 : i1 to i32
        %sign3A_554 = arith.constant 0 : i32
        %sign3A_555 = arith.cmpi slt, %add3A_548, %sign3A_554 : i32
        %sign3A_556 = arith.extui %sign3A_555 : i1 to i32
        %sign3A_557 = arith.subi %sign3A_553, %sign3A_556 : i32
        %sign3A_558 = arith.constant 0 : i32
        %sign3A_559 = arith.cmpi sgt, %jit3A_549, %sign3A_558 : i32
        %sign3A_560 = arith.extui %sign3A_559 : i1 to i32
        %sign3A_561 = arith.constant 0 : i32
        %sign3A_562 = arith.cmpi slt, %jit3A_549, %sign3A_561 : i32
        %sign3A_563 = arith.extui %sign3A_562 : i1 to i32
        %sign3A_564 = arith.subi %sign3A_560, %sign3A_563 : i32
        %ne3A_565 = arith.cmpi ne, %sign3A_557, %sign3A_564 : i32
        %rem3A_566 = arith.remsi %add3A_548, %jit3A_549 : i32
        %ne3A_567 = arith.constant 0 : i32
        %ne3A_568 = arith.cmpi ne, %rem3A_566, %ne3A_567 : i32
        %and3A_569 = arith.andi %ne3A_565, %ne3A_568 : i1
        %sub3A_570 = arith.constant 1 : i32
        %sub3A_571 = arith.subi %div3A_550, %sub3A_570 : i32
        %select_n3A_572 = arith.select %and3A_569, %sub3A_571, %div3A_550 : i32
        %get3A_573 = arith.index_cast %select_n3A_572 : i32 to index
        %get3A_574 = arith.constant 0 : index
        %get3A_575 = tpu.vector_load %arg21[%get3A_573, %get3A_574] {strides = array<i32>} : memref<8x16xf32, #tpu.memory_space<vmem>>, vector<1x16xf32>,
        %get3A_576 = vector.shape_cast %get3A_575 : vector<1x16xf32> to vector<16xf32>
        %jit3A_577 = arith.constant 16 : i32
        %eq3A_578 = arith.constant 0 : i32
        %eq3A_579 = arith.cmpi eq, %jit3A_577, %eq3A_578 : i32
        %jit3A_580 = arith.constant 1 : i32
        %select_n3A_581 = arith.select %eq3A_579, %jit3A_580, %jit3A_577 : i32
        %rem3A_582 = arith.remsi %add3A_548, %select_n3A_581 : i32
        %ne3A_583 = arith.constant 0 : i32
        %ne3A_584 = arith.cmpi ne, %rem3A_582, %ne3A_583 : i32
        %lt3A_585 = arith.constant 0 : i32
        %lt3A_586 = arith.cmpi slt, %rem3A_582, %lt3A_585 : i32
        %lt3A_587 = arith.constant 0 : i32
        %lt3A_588 = arith.cmpi slt, %select_n3A_581, %lt3A_587 : i32
        %ne3A_589 = arith.xori %lt3A_586, %lt3A_588 : i1
        %and3A_590 = arith.andi %ne3A_589, %ne3A_584 : i1
        %add3A_591 = arith.addi %rem3A_582, %select_n3A_581 : i32
        %select_n3A_592 = arith.select %and3A_590, %add3A_591, %rem3A_582 : i32
        %broadcast_in_dim3A_593 = vector.broadcast %select_n3A_592 : i32 to vector<16xi32>
        %lt3A_594 = arith.constant 0 : i32
        %lt3A_595 = vector.broadcast %lt3A_594 : i32 to vector<16xi32>
        %lt3A_596 = arith.cmpi slt, %broadcast_in_dim3A_593, %lt3A_595 : vector<16xi32>
        %add3A_597 = arith.constant 16 : i32
        %add3A_598 = vector.broadcast %add3A_597 : i32 to vector<16xi32>
        %add3A_599 = arith.addi %broadcast_in_dim3A_593, %add3A_598 : vector<16xi32>
        %select_n3A_600 = arith.select %lt3A_596, %add3A_599, %broadcast_in_dim3A_593 : vector<16xi1>, vector<16xi32>
        %broadcast_in_dim3A_601 = vector.shape_cast %select_n3A_600 : vector<16xi32> to vector<16x1xi32>
        %gather3A_602 = vector.shape_cast %broadcast_in_dim3A_601 : vector<16x1xi32> to vector<16xi32>
        %gather3A_603 = tpu.dynamic_gather %get3A_576[%gather3A_602] in [0] : vector<16xf32>, vector<16xi32> -> vector<16xf32>
        %mul3A_604 = arith.mulf %gather3A_603, %select_n3A : vector<16xf32>
        %swap3A_605 = arith.index_cast %add3A_548 : i32 to index
        %swap3A_606 = arith.constant 0 : index
        %swap3A_607 = tpu.vector_load %arg22[%swap3A_605, %swap3A_606] {strides = array<i32>} : memref<128x16xf32, #tpu.memory_space<vmem>>, vector<1x16xf32>,
        %swap3A_608 = vector.shape_cast %swap3A_607 : vector<1x16xf32> to vector<16xf32>
        %swap3A_609 = vector.shape_cast %mul3A_604 : vector<16xf32> to vector<1x16xf32>
        tpu.vector_store %arg22[%swap3A_605, %swap3A_606], %swap3A_609 {strides = array<i32>} : memref<128x16xf32, #tpu.memory_space<vmem>>, vector<1x16xf32>,
        %get3A_610 = arith.constant 0 : i32
        %get3A_611 = arith.index_cast %add3A_548 : i32 to index
        %get3A_612 = arith.index_cast %get3A_610 : i32 to index
        %get3A_613 = arith.constant 0 : index
        %get3A_614 = tpu.vector_load %arg15[%get3A_611, %get3A_612, %get3A_613] {strides = array<i32>} : memref<128x3x16xf32, #tpu.memory_space<vmem>>, vector<1x1x16xf32>,
        %get3A_615 = vector.shape_cast %get3A_614 : vector<1x1x16xf32> to vector<16xf32>
        %mul3A_616 = arith.mulf %get3A_615, %gather3A_603 : vector<16xf32>
        %swap3A_617 = arith.constant 0 : i32
        %swap3A_618 = arith.index_cast %add3A_548 : i32 to index
        %swap3A_619 = arith.index_cast %swap3A_617 : i32 to index
        %swap3A_620 = arith.constant 0 : index
        %swap3A_621 = tpu.vector_load %arg15[%swap3A_618, %swap3A_619, %swap3A_620] {strides = array<i32>} : memref<128x3x16xf32, #tpu.memory_space<vmem>>, vector<1x1x16xf32>,
        %swap3A_622 = vector.shape_cast %swap3A_621 : vector<1x1x16xf32> to vector<16xf32>
        %swap3A_623 = vector.shape_cast %mul3A_616 : vector<16xf32> to vector<1x1x16xf32>
        tpu.vector_store %arg15[%swap3A_618, %swap3A_619, %swap3A_620], %swap3A_623 {strides = array<i32>} : memref<128x3x16xf32, #tpu.memory_space<vmem>>, vector<1x1x16xf32>,
        %get3A_624 = arith.constant 1 : i32
        %get3A_625 = arith.index_cast %add3A_548 : i32 to index
        %get3A_626 = arith.index_cast %get3A_624 : i32 to index
        %get3A_627 = arith.constant 0 : index
        %get3A_628 = tpu.vector_load %arg15[%get3A_625, %get3A_626, %get3A_627] {strides = array<i32>} : memref<128x3x16xf32, #tpu.memory_space<vmem>>, vector<1x1x16xf32>,
        %get3A_629 = vector.shape_cast %get3A_628 : vector<1x1x16xf32> to vector<16xf32>
        %mul3A_630 = arith.mulf %get3A_629, %gather3A_603 : vector<16xf32>
        %swap3A_631 = arith.constant 1 : i32
        %swap3A_632 = arith.index_cast %add3A_548 : i32 to index
        %swap3A_633 = arith.index_cast %swap3A_631 : i32 to index
        %swap3A_634 = arith.constant 0 : index
        %swap3A_635 = tpu.vector_load %arg15[%swap3A_632, %swap3A_633, %swap3A_634] {strides = array<i32>} : memref<128x3x16xf32, #tpu.memory_space<vmem>>, vector<1x1x16xf32>,
        %swap3A_636 = vector.shape_cast %swap3A_635 : vector<1x1x16xf32> to vector<16xf32>
        %swap3A_637 = vector.shape_cast %mul3A_630 : vector<16xf32> to vector<1x1x16xf32>
        tpu.vector_store %arg15[%swap3A_632, %swap3A_633, %swap3A_634], %swap3A_637 {strides = array<i32>} : memref<128x3x16xf32, #tpu.memory_space<vmem>>, vector<1x1x16xf32>,
        %get3A_638 = arith.constant 2 : i32
        %get3A_639 = arith.index_cast %add3A_548 : i32 to index
        %get3A_640 = arith.index_cast %get3A_638 : i32 to index
        %get3A_641 = arith.constant 0 : index
        %get3A_642 = tpu.vector_load %arg15[%get3A_639, %get3A_640, %get3A_641] {strides = array<i32>} : memref<128x3x16xf32, #tpu.memory_space<vmem>>, vector<1x1x16xf32>,
        %get3A_643 = vector.shape_cast %get3A_642 : vector<1x1x16xf32> to vector<16xf32>
        %mul3A_644 = arith.mulf %get3A_643, %gather3A_603 : vector<16xf32>
        %swap3A_645 = arith.constant 2 : i32
        %swap3A_646 = arith.index_cast %add3A_548 : i32 to index
        %swap3A_647 = arith.index_cast %swap3A_645 : i32 to index
        %swap3A_648 = arith.constant 0 : index
        %swap3A_649 = tpu.vector_load %arg15[%swap3A_646, %swap3A_647, %swap3A_648] {strides = array<i32>} : memref<128x3x16xf32, #tpu.memory_space<vmem>>, vector<1x1x16xf32>,
        %swap3A_650 = vector.shape_cast %swap3A_649 : vector<1x1x16xf32> to vector<16xf32>
        %swap3A_651 = vector.shape_cast %mul3A_644 : vector<16xf32> to vector<1x1x16xf32>
        tpu.vector_store %arg15[%swap3A_646, %swap3A_647, %swap3A_648], %swap3A_651 {strides = array<i32>} : memref<128x3x16xf32, #tpu.memory_space<vmem>>, vector<1x1x16xf32>,
      }
      %scan3A_223 = arith.constant 128 : i32
      "tpu.region"() ({
        %run_scoped3A = tpu.sem_alloc : memref<!tpu.dma_semaphore, #tpu.memory_space<semaphore_mem>>
        %dma_start3A_224 = arith.constant 0 : i32
        %dma_start3A_225 = arith.constant 0 : i32
        %dma_start3A_226 = arith.constant 0 : i32
        %dma_start3A_227 = tpu.memref_slice %arg27[%dma_start3A_224, %dma_start3A_225, %dma_start3A_226] : memref<10000x3x16xf32, #tpu.memory_space<vmem_shared>> -> memref<10000x3x16xf32, #tpu.memory_space<vmem_shared>>
        tpu.enqueue_indirect_dma source(%arg15 : memref<128x3x16xf32, #tpu.memory_space<vmem>>) target(%dma_start3A_227 : memref<10000x3x16xf32, #tpu.memory_space<vmem_shared>>) offsets(%arg14 : memref<128xi32, #tpu.memory_space<vmem>>) semaphore(%run_scoped3A : memref<!tpu.dma_semaphore, #tpu.memory_space<semaphore_mem>>) {add = true}
        %dma_wait3A_228 = arith.constant 0 : i32
        %dma_wait3A_229 = arith.constant 0 : i32
        %dma_wait3A_230 = arith.constant 0 : i32
        %dma_wait3A_231 = tpu.memref_slice %arg27[%dma_wait3A_228, %dma_wait3A_229, %dma_wait3A_230] : memref<10000x3x16xf32, #tpu.memory_space<vmem_shared>> -> memref<10000x3x16xf32, #tpu.memory_space<vmem_shared>>
        tpu.wait_indirect_dma semaphore(%run_scoped3A : memref<!tpu.dma_semaphore, #tpu.memory_space<semaphore_mem>>) src(%arg15 : memref<128x3x16xf32, #tpu.memory_space<vmem>>) dst(%dma_wait3A_231 : memref<10000x3x16xf32, #tpu.memory_space<vmem_shared>>)
        tpu.yield
      }) : () -> ()
      "tpu.region"() ({
        %run_scoped3A = tpu.sem_alloc : memref<!tpu.dma_semaphore, #tpu.memory_space<semaphore_mem>>
        %dma_start3A_224 = arith.constant 0 : i32
        %dma_start3A_225 = arith.constant 0 : i32
        %dma_start3A_226 = tpu.memref_slice %arg28[%dma_start3A_224, %dma_start3A_225] : memref<10000x16xf32, #tpu.memory_space<vmem_shared>> -> memref<10000x16xf32, #tpu.memory_space<vmem_shared>>
        tpu.enqueue_indirect_dma source(%arg22 : memref<128x16xf32, #tpu.memory_space<vmem>>) target(%dma_start3A_226 : memref<10000x16xf32, #tpu.memory_space<vmem_shared>>) offsets(%arg14 : memref<128xi32, #tpu.memory_space<vmem>>) semaphore(%run_scoped3A : memref<!tpu.dma_semaphore, #tpu.memory_space<semaphore_mem>>) {add = true}
        %dma_wait3A_227 = arith.constant 0 : i32
        %dma_wait3A_228 = arith.constant 0 : i32
        %dma_wait3A_229 = tpu.memref_slice %arg28[%dma_wait3A_227, %dma_wait3A_228] : memref<10000x16xf32, #tpu.memory_space<vmem_shared>> -> memref<10000x16xf32, #tpu.memory_space<vmem_shared>>
        tpu.wait_indirect_dma semaphore(%run_scoped3A : memref<!tpu.dma_semaphore, #tpu.memory_space<semaphore_mem>>) src(%arg22 : memref<128x16xf32, #tpu.memory_space<vmem>>) dst(%dma_wait3A_229 : memref<10000x16xf32, #tpu.memory_space<vmem_shared>>)
        tpu.yield
      }) : () -> ()
    } else {
    }
    %barrier3A_49 = arith.constant 0 : index
    tpu.barrier barrier_id(%barrier3A_49)
    %lt3A_50 = arith.constant 15 : i32
    %lt3A_51 = arith.cmpi slt, %arg1, %lt3A_50 : i32
    %convert_element_type3A_52 = arith.extui %lt3A_51 : i1 to i32
    %cond3A_53 = arith.constant 0 : i32
    %cond3A_54 = arith.cmpi ne, %convert_element_type3A_52, %cond3A_53 : i32
    scf.if %cond3A_54 {
      %mul3A_60 = arith.constant 624 : i32
      %mul3A_61 = arith.muli %arg1, %mul3A_60 : i32
      %mul3A_62 = arith.constant 624 : i32
      %mul3A_63 = arith.muli %arg1, %mul3A_62 : i32
      "tpu.region"() ({
        %run_scoped3A = tpu.sem_alloc : memref<!tpu.dma_semaphore, #tpu.memory_space<semaphore_mem>>
        %dma_start3A_68 = arith.constant 0 : i32
        %dma_start3A_69 = arith.constant 0 : i32
        %dma_start3A_70 = tpu.memref_slice %arg9[%arg0, %mul3A_63, %dma_start3A_68, %dma_start3A_69] : memref<2x10000x3x16xf32, #tpu.memory_space<hbm>> -> memref<1x624x3x16xf32, #tpu.memory_space<hbm>>
        %dma_start3A_71 = tpu.memref_squeeze %dma_start3A_70 : memref<1x624x3x16xf32, #tpu.memory_space<hbm>> -> memref<624x3x16xf32, #tpu.memory_space<hbm>>
        %dma_start3A_72 = arith.constant 0 : i32
        %dma_start3A_73 = arith.constant 0 : i32
        %dma_start3A_74 = tpu.memref_slice %arg27[%mul3A_61, %dma_start3A_72, %dma_start3A_73] : memref<10000x3x16xf32, #tpu.memory_space<vmem_shared>> -> memref<624x3x16xf32, #tpu.memory_space<vmem_shared>>
        tpu.enqueue_dma source(%dma_start3A_74 : memref<624x3x16xf32, #tpu.memory_space<vmem_shared>>) target(%dma_start3A_71 : memref<624x3x16xf32, #tpu.memory_space<hbm>>) target_semaphore(%run_scoped3A : memref<!tpu.dma_semaphore, #tpu.memory_space<semaphore_mem>>)
        %dma_wait3A = arith.constant 0 : i32
        %dma_wait3A_75 = arith.constant 0 : i32
        %dma_wait3A_76 = tpu.memref_slice %arg9[%arg0, %mul3A_63, %dma_wait3A, %dma_wait3A_75] : memref<2x10000x3x16xf32, #tpu.memory_space<hbm>> -> memref<1x624x3x16xf32, #tpu.memory_space<hbm>>
        %dma_wait3A_77 = tpu.memref_squeeze %dma_wait3A_76 : memref<1x624x3x16xf32, #tpu.memory_space<hbm>> -> memref<624x3x16xf32, #tpu.memory_space<hbm>>
        %dma_wait3A_78 = arith.constant 0 : i32
        %dma_wait3A_79 = arith.constant 0 : i32
        %dma_wait3A_80 = tpu.memref_slice %arg27[%mul3A_61, %dma_wait3A_78, %dma_wait3A_79] : memref<10000x3x16xf32, #tpu.memory_space<vmem_shared>> -> memref<624x3x16xf32, #tpu.memory_space<vmem_shared>>
        tpu.wait_dma2 semaphore(%run_scoped3A : memref<!tpu.dma_semaphore, #tpu.memory_space<semaphore_mem>>) src(%dma_wait3A_80 : memref<624x3x16xf32, #tpu.memory_space<vmem_shared>>) dst(%dma_wait3A_77 : memref<624x3x16xf32, #tpu.memory_space<hbm>>)
        tpu.yield
      }) : () -> ()
      %mul3A_64 = arith.constant 624 : i32
      %mul3A_65 = arith.muli %arg1, %mul3A_64 : i32
      %mul3A_66 = arith.constant 624 : i32
      %mul3A_67 = arith.muli %arg1, %mul3A_66 : i32
      "tpu.region"() ({
        %run_scoped3A = tpu.sem_alloc : memref<!tpu.dma_semaphore, #tpu.memory_space<semaphore_mem>>
        %dma_start3A_68 = arith.constant 0 : i32
        %dma_start3A_69 = tpu.memref_slice %arg10[%arg0, %mul3A_67, %dma_start3A_68] : memref<2x10000x16xf32, #tpu.memory_space<hbm>> -> memref<1x624x16xf32, #tpu.memory_space<hbm>>
        %dma_start3A_70 = tpu.memref_squeeze %dma_start3A_69 : memref<1x624x16xf32, #tpu.memory_space<hbm>> -> memref<624x16xf32, #tpu.memory_space<hbm>>
        %dma_start3A_71 = arith.constant 0 : i32
        %dma_start3A_72 = tpu.memref_slice %arg28[%mul3A_65, %dma_start3A_71] : memref<10000x16xf32, #tpu.memory_space<vmem_shared>> -> memref<624x16xf32, #tpu.memory_space<vmem_shared>>
        tpu.enqueue_dma source(%dma_start3A_72 : memref<624x16xf32, #tpu.memory_space<vmem_shared>>) target(%dma_start3A_70 : memref<624x16xf32, #tpu.memory_space<hbm>>) target_semaphore(%run_scoped3A : memref<!tpu.dma_semaphore, #tpu.memory_space<semaphore_mem>>)
        %dma_wait3A = arith.constant 0 : i32
        %dma_wait3A_73 = tpu.memref_slice %arg10[%arg0, %mul3A_67, %dma_wait3A] : memref<2x10000x16xf32, #tpu.memory_space<hbm>> -> memref<1x624x16xf32, #tpu.memory_space<hbm>>
        %dma_wait3A_74 = tpu.memref_squeeze %dma_wait3A_73 : memref<1x624x16xf32, #tpu.memory_space<hbm>> -> memref<624x16xf32, #tpu.memory_space<hbm>>
        %dma_wait3A_75 = arith.constant 0 : i32
        %dma_wait3A_76 = tpu.memref_slice %arg28[%mul3A_65, %dma_wait3A_75] : memref<10000x16xf32, #tpu.memory_space<vmem_shared>> -> memref<624x16xf32, #tpu.memory_space<vmem_shared>>
        tpu.wait_dma2 semaphore(%run_scoped3A : memref<!tpu.dma_semaphore, #tpu.memory_space<semaphore_mem>>) src(%dma_wait3A_76 : memref<624x16xf32, #tpu.memory_space<vmem_shared>>) dst(%dma_wait3A_74 : memref<624x16xf32, #tpu.memory_space<hbm>>)
        tpu.yield
      }) : () -> ()
    } else {
    }
    %eq3A_55 = arith.constant 15 : i32
    %eq3A_56 = arith.cmpi eq, %arg1, %eq3A_55 : i32
    %convert_element_type3A_57 = arith.extui %eq3A_56 : i1 to i32
    %cond3A_58 = arith.constant 0 : i32
    %cond3A_59 = arith.cmpi ne, %convert_element_type3A_57, %cond3A_58 : i32
    scf.if %cond3A_59 {
      "tpu.region"() ({
        %run_scoped3A = tpu.sem_alloc : memref<!tpu.dma_semaphore, #tpu.memory_space<semaphore_mem>>
        %dma_start3A_60 = arith.constant 9360 : i32
        %dma_start3A_61 = arith.constant 0 : i32
        %dma_start3A_62 = arith.constant 0 : i32
        %dma_start3A_63 = tpu.memref_slice %arg9[%arg0, %dma_start3A_60, %dma_start3A_61, %dma_start3A_62] : memref<2x10000x3x16xf32, #tpu.memory_space<hbm>> -> memref<1x640x3x16xf32, #tpu.memory_space<hbm>>
        %dma_start3A_64 = tpu.memref_squeeze %dma_start3A_63 : memref<1x640x3x16xf32, #tpu.memory_space<hbm>> -> memref<640x3x16xf32, #tpu.memory_space<hbm>>
        %dma_start3A_65 = arith.constant 9360 : i32
        %dma_start3A_66 = arith.constant 0 : i32
        %dma_start3A_67 = arith.constant 0 : i32
        %dma_start3A_68 = tpu.memref_slice %arg27[%dma_start3A_65, %dma_start3A_66, %dma_start3A_67] : memref<10000x3x16xf32, #tpu.memory_space<vmem_shared>> -> memref<640x3x16xf32, #tpu.memory_space<vmem_shared>>
        tpu.enqueue_dma source(%dma_start3A_68 : memref<640x3x16xf32, #tpu.memory_space<vmem_shared>>) target(%dma_start3A_64 : memref<640x3x16xf32, #tpu.memory_space<hbm>>) target_semaphore(%run_scoped3A : memref<!tpu.dma_semaphore, #tpu.memory_space<semaphore_mem>>)
        %dma_wait3A = arith.constant 9360 : i32
        %dma_wait3A_69 = arith.constant 0 : i32
        %dma_wait3A_70 = arith.constant 0 : i32
        %dma_wait3A_71 = tpu.memref_slice %arg9[%arg0, %dma_wait3A, %dma_wait3A_69, %dma_wait3A_70] : memref<2x10000x3x16xf32, #tpu.memory_space<hbm>> -> memref<1x640x3x16xf32, #tpu.memory_space<hbm>>
        %dma_wait3A_72 = tpu.memref_squeeze %dma_wait3A_71 : memref<1x640x3x16xf32, #tpu.memory_space<hbm>> -> memref<640x3x16xf32, #tpu.memory_space<hbm>>
        %dma_wait3A_73 = arith.constant 9360 : i32
        %dma_wait3A_74 = arith.constant 0 : i32
        %dma_wait3A_75 = arith.constant 0 : i32
        %dma_wait3A_76 = tpu.memref_slice %arg27[%dma_wait3A_73, %dma_wait3A_74, %dma_wait3A_75] : memref<10000x3x16xf32, #tpu.memory_space<vmem_shared>> -> memref<640x3x16xf32, #tpu.memory_space<vmem_shared>>
        tpu.wait_dma2 semaphore(%run_scoped3A : memref<!tpu.dma_semaphore, #tpu.memory_space<semaphore_mem>>) src(%dma_wait3A_76 : memref<640x3x16xf32, #tpu.memory_space<vmem_shared>>) dst(%dma_wait3A_72 : memref<640x3x16xf32, #tpu.memory_space<hbm>>)
        tpu.yield
      }) : () -> ()
      "tpu.region"() ({
        %run_scoped3A = tpu.sem_alloc : memref<!tpu.dma_semaphore, #tpu.memory_space<semaphore_mem>>
        %dma_start3A_60 = arith.constant 9360 : i32
        %dma_start3A_61 = arith.constant 0 : i32
        %dma_start3A_62 = tpu.memref_slice %arg10[%arg0, %dma_start3A_60, %dma_start3A_61] : memref<2x10000x16xf32, #tpu.memory_space<hbm>> -> memref<1x640x16xf32, #tpu.memory_space<hbm>>
        %dma_start3A_63 = tpu.memref_squeeze %dma_start3A_62 : memref<1x640x16xf32, #tpu.memory_space<hbm>> -> memref<640x16xf32, #tpu.memory_space<hbm>>
        %dma_start3A_64 = arith.constant 9360 : i32
        %dma_start3A_65 = arith.constant 0 : i32
        %dma_start3A_66 = tpu.memref_slice %arg28[%dma_start3A_64, %dma_start3A_65] : memref<10000x16xf32, #tpu.memory_space<vmem_shared>> -> memref<640x16xf32, #tpu.memory_space<vmem_shared>>
        tpu.enqueue_dma source(%dma_start3A_66 : memref<640x16xf32, #tpu.memory_space<vmem_shared>>) target(%dma_start3A_63 : memref<640x16xf32, #tpu.memory_space<hbm>>) target_semaphore(%run_scoped3A : memref<!tpu.dma_semaphore, #tpu.memory_space<semaphore_mem>>)
        %dma_wait3A = arith.constant 9360 : i32
        %dma_wait3A_67 = arith.constant 0 : i32
        %dma_wait3A_68 = tpu.memref_slice %arg10[%arg0, %dma_wait3A, %dma_wait3A_67] : memref<2x10000x16xf32, #tpu.memory_space<hbm>> -> memref<1x640x16xf32, #tpu.memory_space<hbm>>
        %dma_wait3A_69 = tpu.memref_squeeze %dma_wait3A_68 : memref<1x640x16xf32, #tpu.memory_space<hbm>> -> memref<640x16xf32, #tpu.memory_space<hbm>>
        %dma_wait3A_70 = arith.constant 9360 : i32
        %dma_wait3A_71 = arith.constant 0 : i32
        %dma_wait3A_72 = tpu.memref_slice %arg28[%dma_wait3A_70, %dma_wait3A_71] : memref<10000x16xf32, #tpu.memory_space<vmem_shared>> -> memref<640x16xf32, #tpu.memory_space<vmem_shared>>
        tpu.wait_dma2 semaphore(%run_scoped3A : memref<!tpu.dma_semaphore, #tpu.memory_space<semaphore_mem>>) src(%dma_wait3A_72 : memref<640x16xf32, #tpu.memory_space<vmem_shared>>) dst(%dma_wait3A_69 : memref<640x16xf32, #tpu.memory_space<hbm>>)
        tpu.yield
      }) : () -> ()
    } else {
    }
    return
  }
}

module attributes {stable_mosaic.version = 14 : i64} {
  func.func @_tc1_body(%arg0: i32, %arg1: memref<400x128xf32, #tpu.memory_space<vmem>>, %arg2: memref<128x128xf32, #tpu.memory_space<vmem>>, %arg3: memref<128x16xf32, #tpu.memory_space<vmem>>, %arg4: memref<128x16xf32, #tpu.memory_space<vmem>>, %arg5: memref<400x128xf32, #tpu.memory_space<vmem>>, %arg6: memref<400x16xf32, #tpu.memory_space<vmem>>, %arg7: memref<400x16xf32, #tpu.memory_space<vmem>>) attributes {dimension_semantics = [#tpu.dimension_semantics<arbitrary>], iteration_bounds = array<i64: 25>, scalar_prefetch = 0 : i64, scratch_operands = 0 : i64, tpu.core_type = #tpu.core_type<tc>, window_params = [{transform_indices = @transform_0, window_bounds = array<i64: 400, 128>}, {pipeline_mode = #tpu.pipeline_mode<synchronous>, transform_indices = @transform_1, window_bounds = array<i64: 128, 128>}, {pipeline_mode = #tpu.pipeline_mode<synchronous>, transform_indices = @transform_2, window_bounds = array<i64: 128, 16>}, {pipeline_mode = #tpu.pipeline_mode<synchronous>, transform_indices = @transform_3, window_bounds = array<i64: 128, 16>}, {transform_indices = @transform_4, window_bounds = array<i64: 400, 128>}, {transform_indices = @transform_5, window_bounds = array<i64: 400, 16>}, {transform_indices = @transform_6, window_bounds = array<i64: 400, 16>}]} {
    %get3A = arith.constant 0 : index
    %get3A_0 = arith.constant 0 : index
    %get3A_1 = vector.load %arg1[%get3A, %get3A_0] : memref<400x128xf32, #tpu.memory_space<vmem>>, vector<400x128xf32>
    %get3A_2 = arith.constant 0 : index
    %get3A_3 = arith.constant 0 : index
    %get3A_4 = vector.load %arg2[%get3A_2, %get3A_3] : memref<128x128xf32, #tpu.memory_space<vmem>>, vector<128x128xf32>
    %dot_general3A = arith.constant dense<0.000000e+00> : vector<400x128xf32>
    %dot_general3A_5 = tpu.matmul %get3A_1, %get3A_4, %dot_general3A {dimension_numbers = #tpu.dot_dimension_numbers<[1], [0], [0], [1], [0, 0, 1, 1], [], []>, precision = #tpu.contract_precision<fp32>, transpose_lhs_hint = false} : vector<400x128xf32>, vector<128x128xf32>, vector<400x128xf32> -> vector<400x128xf32>
    %swap3A = arith.constant 0 : index
    %swap3A_6 = arith.constant 0 : index
    %swap3A_7 = vector.load %arg5[%swap3A, %swap3A_6] : memref<400x128xf32, #tpu.memory_space<vmem>>, vector<400x128xf32>
    tpu.vector_store %arg5[%swap3A, %swap3A_6], %dot_general3A_5 {strides = array<i32>} : memref<400x128xf32, #tpu.memory_space<vmem>>, vector<400x128xf32>,
    %get3A_8 = arith.constant 0 : index
    %get3A_9 = arith.constant 0 : index
    %get3A_10 = vector.load %arg3[%get3A_8, %get3A_9] : memref<128x16xf32, #tpu.memory_space<vmem>>, vector<128x16xf32>
    %dot_general3A_11 = arith.constant dense<0.000000e+00> : vector<400x16xf32>
    %dot_general3A_12 = tpu.matmul %dot_general3A_5, %get3A_10, %dot_general3A_11 {dimension_numbers = #tpu.dot_dimension_numbers<[1], [0], [0], [1], [0, 0, 1, 1], [], []>, precision = #tpu.contract_precision<fp32>, transpose_lhs_hint = false} : vector<400x128xf32>, vector<128x16xf32>, vector<400x16xf32> -> vector<400x16xf32>
    %swap3A_13 = arith.constant 0 : index
    %swap3A_14 = arith.constant 0 : index
    %swap3A_15 = vector.load %arg6[%swap3A_13, %swap3A_14] : memref<400x16xf32, #tpu.memory_space<vmem>>, vector<400x16xf32>
    tpu.vector_store %arg6[%swap3A_13, %swap3A_14], %dot_general3A_12 {strides = array<i32>} : memref<400x16xf32, #tpu.memory_space<vmem>>, vector<400x16xf32>,
    %get3A_16 = arith.constant 0 : index
    %get3A_17 = arith.constant 0 : index
    %get3A_18 = vector.load %arg4[%get3A_16, %get3A_17] : memref<128x16xf32, #tpu.memory_space<vmem>>, vector<128x16xf32>
    %dot_general3A_19 = arith.constant dense<0.000000e+00> : vector<400x16xf32>
    %dot_general3A_20 = tpu.matmul %dot_general3A_5, %get3A_18, %dot_general3A_19 {dimension_numbers = #tpu.dot_dimension_numbers<[1], [0], [0], [1], [0, 0, 1, 1], [], []>, precision = #tpu.contract_precision<fp32>, transpose_lhs_hint = false} : vector<400x128xf32>, vector<128x16xf32>, vector<400x16xf32> -> vector<400x16xf32>
    %swap3A_21 = arith.constant 0 : index
    %swap3A_22 = arith.constant 0 : index
    %swap3A_23 = vector.load %arg7[%swap3A_21, %swap3A_22] : memref<400x16xf32, #tpu.memory_space<vmem>>, vector<400x16xf32>
    tpu.vector_store %arg7[%swap3A_21, %swap3A_22], %dot_general3A_20 {strides = array<i32>} : memref<400x16xf32, #tpu.memory_space<vmem>>, vector<400x16xf32>,
    return
  }
  func.func @transform_0(%arg0: i32) -> (i32, i32) {
    %c0_i32 = arith.constant 0 : i32
    %c0_i32_0 = arith.constant 0 : i32
    return %arg0, %c0_i32 : i32, i32
  }
  func.func @transform_1(%arg0: i32) -> (i32, i32) {
    %c0_i32 = arith.constant 0 : i32
    %c0_i32_0 = arith.constant 0 : i32
    %c0_i32_1 = arith.constant 0 : i32
    return %c0_i32, %c0_i32_0 : i32, i32
  }
  func.func @transform_2(%arg0: i32) -> (i32, i32) {
    %c0_i32 = arith.constant 0 : i32
    %c0_i32_0 = arith.constant 0 : i32
    %c0_i32_1 = arith.constant 0 : i32
    return %c0_i32, %c0_i32_0 : i32, i32
  }
  func.func @transform_3(%arg0: i32) -> (i32, i32) {
    %c0_i32 = arith.constant 0 : i32
    %c0_i32_0 = arith.constant 0 : i32
    %c0_i32_1 = arith.constant 0 : i32
    return %c0_i32, %c0_i32_0 : i32, i32
  }
  func.func @transform_4(%arg0: i32) -> (i32, i32) {
    %c0_i32 = arith.constant 0 : i32
    %c0_i32_0 = arith.constant 0 : i32
    return %arg0, %c0_i32 : i32, i32
  }
  func.func @transform_5(%arg0: i32) -> (i32, i32) {
    %c0_i32 = arith.constant 0 : i32
    %c0_i32_0 = arith.constant 0 : i32
    return %arg0, %c0_i32 : i32, i32
  }
  func.func @transform_6(%arg0: i32) -> (i32, i32) {
    %c0_i32 = arith.constant 0 : i32
    %c0_i32_0 = arith.constant 0 : i32
    return %arg0, %c0_i32 : i32, i32
  }
}

module attributes {stable_mosaic.version = 14 : i64} {
  func.func @_tc2_body(%arg0: i32, %arg1: memref<2x400x128xf32, #tpu.memory_space<vmem>>, %arg2: memref<2x400x16xf32, #tpu.memory_space<vmem>>, %arg3: memref<1x128xf32, #tpu.memory_space<vmem>>, %arg4: memref<128x48xf32, #tpu.memory_space<vmem>>, %arg5: memref<48x16xf32, #tpu.memory_space<vmem>>, %arg6: memref<48x16xf32, #tpu.memory_space<vmem>>, %arg7: memref<16x128xf32, #tpu.memory_space<vmem>>, %arg8: memref<400x48xf32, #tpu.memory_space<vmem>>, %arg9: memref<400x16xf32, #tpu.memory_space<vmem>>, %arg10: memref<400x16xf32, #tpu.memory_space<vmem>>) attributes {dimension_semantics = [#tpu.dimension_semantics<arbitrary>], iteration_bounds = array<i64: 25>, scalar_prefetch = 0 : i64, scratch_operands = 0 : i64, tpu.core_type = #tpu.core_type<tc>, window_params = [{transform_indices = @transform_0, window_bounds = array<i64: 2, 400, 128>}, {transform_indices = @transform_1, window_bounds = array<i64: 2, 400, 16>}, {pipeline_mode = #tpu.pipeline_mode<synchronous>, transform_indices = @transform_2, window_bounds = array<i64: 1, 128>}, {pipeline_mode = #tpu.pipeline_mode<synchronous>, transform_indices = @transform_3, window_bounds = array<i64: 128, 48>}, {pipeline_mode = #tpu.pipeline_mode<synchronous>, transform_indices = @transform_4, window_bounds = array<i64: 48, 16>}, {pipeline_mode = #tpu.pipeline_mode<synchronous>, transform_indices = @transform_5, window_bounds = array<i64: 48, 16>}, {pipeline_mode = #tpu.pipeline_mode<synchronous>, transform_indices = @transform_6, window_bounds = array<i64: 16, 128>}, {transform_indices = @transform_7, window_bounds = array<i64: 400, 48>}, {transform_indices = @transform_8, window_bounds = array<i64: 400, 16>}, {transform_indices = @transform_9, window_bounds = array<i64: 400, 16>}]} {
    %get3A = arith.constant 0 : index
    %get3A_0 = arith.constant 0 : index
    %get3A_1 = arith.constant 0 : index
    %get3A_2 = vector.load %arg1[%get3A, %get3A_0, %get3A_1] : memref<2x400x128xf32, #tpu.memory_space<vmem>>, vector<1x400x128xf32>
    %get3A_3 = vector.shape_cast %get3A_2 : vector<1x400x128xf32> to vector<400x128xf32>
    %get3A_4 = arith.constant 1 : index
    %get3A_5 = arith.constant 0 : index
    %get3A_6 = arith.constant 0 : index
    %get3A_7 = vector.load %arg1[%get3A_4, %get3A_5, %get3A_6] : memref<2x400x128xf32, #tpu.memory_space<vmem>>, vector<1x400x128xf32>
    %get3A_8 = vector.shape_cast %get3A_7 : vector<1x400x128xf32> to vector<400x128xf32>
    %add3A = arith.addf %get3A_3, %get3A_8 : vector<400x128xf32>
    %get3A_9 = arith.constant 0 : index
    %get3A_10 = arith.constant 0 : index
    %get3A_11 = arith.constant 0 : index
    %get3A_12 = vector.load %arg2[%get3A_9, %get3A_10, %get3A_11] : memref<2x400x16xf32, #tpu.memory_space<vmem>>, vector<1x400x16xf32>
    %get3A_13 = vector.shape_cast %get3A_12 : vector<1x400x16xf32> to vector<400x16xf32>
    %get3A_14 = arith.constant 1 : index
    %get3A_15 = arith.constant 0 : index
    %get3A_16 = arith.constant 0 : index
    %get3A_17 = vector.load %arg2[%get3A_14, %get3A_15, %get3A_16] : memref<2x400x16xf32, #tpu.memory_space<vmem>>, vector<1x400x16xf32>
    %get3A_18 = vector.shape_cast %get3A_17 : vector<1x400x16xf32> to vector<400x16xf32>
    %add3A_19 = arith.addf %get3A_13, %get3A_18 : vector<400x16xf32>
    %get3A_20 = arith.constant 0 : index
    %get3A_21 = arith.constant 0 : index
    %get3A_22 = vector.load %arg7[%get3A_20, %get3A_21] : memref<16x128xf32, #tpu.memory_space<vmem>>, vector<16x128xf32>
    %dot_general3A = arith.constant dense<0.000000e+00> : vector<400x128xf32>
    %dot_general3A_23 = tpu.matmul %add3A_19, %get3A_22, %dot_general3A {dimension_numbers = #tpu.dot_dimension_numbers<[1], [0], [0], [1], [0, 0, 1, 1], [], []>, precision = #tpu.contract_precision<fp32>, transpose_lhs_hint = false} : vector<400x16xf32>, vector<16x128xf32>, vector<400x128xf32> -> vector<400x128xf32>
    %add3A_24 = arith.constant 1.000000e-16 : f32
    %add3A_25 = vector.broadcast %add3A_24 : f32 to vector<400x128xf32>
    %add3A_26 = arith.addf %dot_general3A_23, %add3A_25 : vector<400x128xf32>
    %div3A = arith.divf %add3A, %add3A_26 : vector<400x128xf32>
    %get3A_27 = arith.constant 0 : index
    %get3A_28 = arith.constant 0 : index
    %get3A_29 = vector.load %arg3[%get3A_27, %get3A_28] : memref<1x128xf32, #tpu.memory_space<vmem>>, vector<1x128xf32>
    %add3A_30 = vector.broadcast %get3A_29 : vector<1x128xf32> to vector<400x128xf32>
    %add3A_31 = arith.addf %div3A, %add3A_30 : vector<400x128xf32>
    %max3A = arith.constant 0.000000e+00 : f32
    %max3A_32 = vector.broadcast %max3A : f32 to vector<400x128xf32>
    %max3A_33 = arith.maximumf %add3A_31, %max3A_32 : vector<400x128xf32>
    %get3A_34 = arith.constant 0 : index
    %get3A_35 = arith.constant 0 : index
    %get3A_36 = vector.load %arg4[%get3A_34, %get3A_35] : memref<128x48xf32, #tpu.memory_space<vmem>>, vector<128x48xf32>
    %dot_general3A_37 = arith.constant dense<0.000000e+00> : vector<400x48xf32>
    %dot_general3A_38 = tpu.matmul %max3A_33, %get3A_36, %dot_general3A_37 {dimension_numbers = #tpu.dot_dimension_numbers<[1], [0], [0], [1], [0, 0, 1, 1], [], []>, precision = #tpu.contract_precision<fp32>, transpose_lhs_hint = false} : vector<400x128xf32>, vector<128x48xf32>, vector<400x48xf32> -> vector<400x48xf32>
    %swap3A = arith.constant 0 : index
    %swap3A_39 = arith.constant 0 : index
    %swap3A_40 = vector.load %arg8[%swap3A, %swap3A_39] : memref<400x48xf32, #tpu.memory_space<vmem>>, vector<400x48xf32>
    tpu.vector_store %arg8[%swap3A, %swap3A_39], %dot_general3A_38 {strides = array<i32>} : memref<400x48xf32, #tpu.memory_space<vmem>>, vector<400x48xf32>,
    %get3A_41 = arith.constant 0 : index
    %get3A_42 = arith.constant 0 : index
    %get3A_43 = vector.load %arg5[%get3A_41, %get3A_42] : memref<48x16xf32, #tpu.memory_space<vmem>>, vector<48x16xf32>
    %dot_general3A_44 = arith.constant dense<0.000000e+00> : vector<400x16xf32>
    %dot_general3A_45 = tpu.matmul %dot_general3A_38, %get3A_43, %dot_general3A_44 {dimension_numbers = #tpu.dot_dimension_numbers<[1], [0], [0], [1], [0, 0, 1, 1], [], []>, precision = #tpu.contract_precision<fp32>, transpose_lhs_hint = false} : vector<400x48xf32>, vector<48x16xf32>, vector<400x16xf32> -> vector<400x16xf32>
    %swap3A_46 = arith.constant 0 : index
    %swap3A_47 = arith.constant 0 : index
    %swap3A_48 = vector.load %arg9[%swap3A_46, %swap3A_47] : memref<400x16xf32, #tpu.memory_space<vmem>>, vector<400x16xf32>
    tpu.vector_store %arg9[%swap3A_46, %swap3A_47], %dot_general3A_45 {strides = array<i32>} : memref<400x16xf32, #tpu.memory_space<vmem>>, vector<400x16xf32>,
    %get3A_49 = arith.constant 0 : index
    %get3A_50 = arith.constant 0 : index
    %get3A_51 = vector.load %arg6[%get3A_49, %get3A_50] : memref<48x16xf32, #tpu.memory_space<vmem>>, vector<48x16xf32>
    %dot_general3A_52 = arith.constant dense<0.000000e+00> : vector<400x16xf32>
    %dot_general3A_53 = tpu.matmul %dot_general3A_38, %get3A_51, %dot_general3A_52 {dimension_numbers = #tpu.dot_dimension_numbers<[1], [0], [0], [1], [0, 0, 1, 1], [], []>, precision = #tpu.contract_precision<fp32>, transpose_lhs_hint = false} : vector<400x48xf32>, vector<48x16xf32>, vector<400x16xf32> -> vector<400x16xf32>
    %swap3A_54 = arith.constant 0 : index
    %swap3A_55 = arith.constant 0 : index
    %swap3A_56 = vector.load %arg10[%swap3A_54, %swap3A_55] : memref<400x16xf32, #tpu.memory_space<vmem>>, vector<400x16xf32>
    tpu.vector_store %arg10[%swap3A_54, %swap3A_55], %dot_general3A_53 {strides = array<i32>} : memref<400x16xf32, #tpu.memory_space<vmem>>, vector<400x16xf32>,
    return
  }
  func.func @transform_0(%arg0: i32) -> (i32, i32, i32) {
    %c0_i32 = arith.constant 0 : i32
    %c0_i32_0 = arith.constant 0 : i32
    %c0_i32_1 = arith.constant 0 : i32
    return %c0_i32, %arg0, %c0_i32_0 : i32, i32, i32
  }
  func.func @transform_1(%arg0: i32) -> (i32, i32, i32) {
    %c0_i32 = arith.constant 0 : i32
    %c0_i32_0 = arith.constant 0 : i32
    %c0_i32_1 = arith.constant 0 : i32
    return %c0_i32, %arg0, %c0_i32_0 : i32, i32, i32
  }
  func.func @transform_2(%arg0: i32) -> (i32, i32) {
    %c0_i32 = arith.constant 0 : i32
    %c0_i32_0 = arith.constant 0 : i32
    %c0_i32_1 = arith.constant 0 : i32
    return %c0_i32, %c0_i32_0 : i32, i32
  }
  func.func @transform_3(%arg0: i32) -> (i32, i32) {
    %c0_i32 = arith.constant 0 : i32
    %c0_i32_0 = arith.constant 0 : i32
    %c0_i32_1 = arith.constant 0 : i32
    return %c0_i32, %c0_i32_0 : i32, i32
  }
  func.func @transform_4(%arg0: i32) -> (i32, i32) {
    %c0_i32 = arith.constant 0 : i32
    %c0_i32_0 = arith.constant 0 : i32
    %c0_i32_1 = arith.constant 0 : i32
    return %c0_i32, %c0_i32_0 : i32, i32
  }
  func.func @transform_5(%arg0: i32) -> (i32, i32) {
    %c0_i32 = arith.constant 0 : i32
    %c0_i32_0 = arith.constant 0 : i32
    %c0_i32_1 = arith.constant 0 : i32
    return %c0_i32, %c0_i32_0 : i32, i32
  }
  func.func @transform_6(%arg0: i32) -> (i32, i32) {
    %c0_i32 = arith.constant 0 : i32
    %c0_i32_0 = arith.constant 0 : i32
    %c0_i32_1 = arith.constant 0 : i32
    return %c0_i32, %c0_i32_0 : i32, i32
  }
  func.func @transform_7(%arg0: i32) -> (i32, i32) {
    %c0_i32 = arith.constant 0 : i32
    %c0_i32_0 = arith.constant 0 : i32
    return %arg0, %c0_i32 : i32, i32
  }
  func.func @transform_8(%arg0: i32) -> (i32, i32) {
    %c0_i32 = arith.constant 0 : i32
    %c0_i32_0 = arith.constant 0 : i32
    return %arg0, %c0_i32 : i32, i32
  }
  func.func @transform_9(%arg0: i32) -> (i32, i32) {
    %c0_i32 = arith.constant 0 : i32
    %c0_i32_0 = arith.constant 0 : i32
    return %arg0, %c0_i32 : i32, i32
  }
}

module attributes {stable_mosaic.version = 14 : i64} {
  func.func @_tc3_body(%arg0: i32, %arg1: memref<2x400x48xf32, #tpu.memory_space<vmem>>, %arg2: memref<2x400x16xf32, #tpu.memory_space<vmem>>, %arg3: memref<1x40xf32, #tpu.memory_space<vmem>>, %arg4: memref<400x40xf32, #tpu.memory_space<vmem>>) attributes {dimension_semantics = [#tpu.dimension_semantics<arbitrary>], iteration_bounds = array<i64: 25>, scalar_prefetch = 0 : i64, scratch_operands = 0 : i64, tpu.core_type = #tpu.core_type<tc>, window_params = [{transform_indices = @transform_0, window_bounds = array<i64: 2, 400, 48>}, {transform_indices = @transform_1, window_bounds = array<i64: 2, 400, 16>}, {pipeline_mode = #tpu.pipeline_mode<synchronous>, transform_indices = @transform_2, window_bounds = array<i64: 1, 40>}, {transform_indices = @transform_3, window_bounds = array<i64: 400, 40>}]} {
    %get3A = arith.constant 0 : index
    %get3A_0 = arith.constant 0 : index
    %get3A_1 = arith.constant 0 : index
    %get3A_2 = vector.load %arg1[%get3A, %get3A_0, %get3A_1] : memref<2x400x48xf32, #tpu.memory_space<vmem>>, vector<1x400x48xf32>
    %get3A_3 = vector.shape_cast %get3A_2 : vector<1x400x48xf32> to vector<400x48xf32>
    %get3A_4 = arith.constant 1 : index
    %get3A_5 = arith.constant 0 : index
    %get3A_6 = arith.constant 0 : index
    %get3A_7 = vector.load %arg1[%get3A_4, %get3A_5, %get3A_6] : memref<2x400x48xf32, #tpu.memory_space<vmem>>, vector<1x400x48xf32>
    %get3A_8 = vector.shape_cast %get3A_7 : vector<1x400x48xf32> to vector<400x48xf32>
    %add3A = arith.addf %get3A_3, %get3A_8 : vector<400x48xf32>
    %get3A_9 = arith.constant 0 : index
    %get3A_10 = arith.constant 0 : index
    %get3A_11 = arith.constant 0 : index
    %get3A_12 = vector.load %arg2[%get3A_9, %get3A_10, %get3A_11] : memref<2x400x16xf32, #tpu.memory_space<vmem>>, vector<1x400x16xf32>
    %get3A_13 = vector.shape_cast %get3A_12 : vector<1x400x16xf32> to vector<400x16xf32>
    %slice3A = vector.extract_strided_slice %get3A_13 {offsets = [0, 0], sizes = [400, 1], strides = [1, 1]} : vector<400x16xf32> to vector<400x1xf32>
    %get3A_14 = arith.constant 1 : index
    %get3A_15 = arith.constant 0 : index
    %get3A_16 = arith.constant 0 : index
    %get3A_17 = vector.load %arg2[%get3A_14, %get3A_15, %get3A_16] : memref<2x400x16xf32, #tpu.memory_space<vmem>>, vector<1x400x16xf32>
    %get3A_18 = vector.shape_cast %get3A_17 : vector<1x400x16xf32> to vector<400x16xf32>
    %slice3A_19 = vector.extract_strided_slice %get3A_18 {offsets = [0, 0], sizes = [400, 1], strides = [1, 1]} : vector<400x16xf32> to vector<400x1xf32>
    %add3A_20 = arith.addf %slice3A, %slice3A_19 : vector<400x1xf32>
    %slice3A_21 = vector.extract_strided_slice %add3A {offsets = [0, 0], sizes = [400, 40], strides = [1, 1]} : vector<400x48xf32> to vector<400x40xf32>
    %add3A_22 = arith.constant 1.000000e-16 : f32
    %add3A_23 = vector.broadcast %add3A_22 : f32 to vector<400x1xf32>
    %add3A_24 = arith.addf %add3A_20, %add3A_23 : vector<400x1xf32>
    %div3A = vector.broadcast %add3A_24 : vector<400x1xf32> to vector<400x40xf32>
    %div3A_25 = arith.divf %slice3A_21, %div3A : vector<400x40xf32>
    %get3A_26 = arith.constant 0 : index
    %get3A_27 = arith.constant 0 : index
    %get3A_28 = vector.load %arg3[%get3A_26, %get3A_27] : memref<1x40xf32, #tpu.memory_space<vmem>>, vector<1x40xf32>
    %add3A_29 = vector.broadcast %get3A_28 : vector<1x40xf32> to vector<400x40xf32>
    %add3A_30 = arith.addf %div3A_25, %add3A_29 : vector<400x40xf32>
    %swap3A = arith.constant 0 : index
    %swap3A_31 = arith.constant 0 : index
    %swap3A_32 = vector.load %arg4[%swap3A, %swap3A_31] : memref<400x40xf32, #tpu.memory_space<vmem>>, vector<400x40xf32>
    tpu.vector_store %arg4[%swap3A, %swap3A_31], %add3A_30 {strides = array<i32>} : memref<400x40xf32, #tpu.memory_space<vmem>>, vector<400x40xf32>,
    return
  }
  func.func @transform_0(%arg0: i32) -> (i32, i32, i32) {
    %c0_i32 = arith.constant 0 : i32
    %c0_i32_0 = arith.constant 0 : i32
    %c0_i32_1 = arith.constant 0 : i32
    return %c0_i32, %arg0, %c0_i32_0 : i32, i32, i32
  }
  func.func @transform_1(%arg0: i32) -> (i32, i32, i32) {
    %c0_i32 = arith.constant 0 : i32
    %c0_i32_0 = arith.constant 0 : i32
    %c0_i32_1 = arith.constant 0 : i32
    return %c0_i32, %arg0, %c0_i32_0 : i32, i32, i32
  }
  func.func @transform_2(%arg0: i32) -> (i32, i32) {
    %c0_i32 = arith.constant 0 : i32
    %c0_i32_0 = arith.constant 0 : i32
    %c0_i32_1 = arith.constant 0 : i32
    return %c0_i32, %c0_i32_0 : i32, i32
  }
  func.func @transform_3(%arg0: i32) -> (i32, i32) {
    %c0_i32 = arith.constant 0 : i32
    %c0_i32_0 = arith.constant 0 : i32
    return %arg0, %c0_i32 : i32, i32
  }
}

</mosaic_0001>

<sc_bundles>
// kernel: kernel.10.cloned.1.call-start
scs
__scs_entry_jumppad:
0x0: {  	(pc) =	sbr.rel $0x88, $3  }
0x1: {  	(tag) =	ssettag $0x0;
	lr =	simm.s32 $0x1  }
0x2: {  	[smem:$0x3F97] =	sst lr;
	_ =	strace $0xD0000000  }
0x3: {  	_ = 	snop  }
0x4: {  	_ = 	snop  }
0x5: {  	_ = 	snop  }
0x6: {  	_ = 	snop  }
0x7: {  	_ = 	snop  }
__scs_overlays_trampoline_lowered:
0x8: {  	[smem:$0x3FA6] =	sst s0  }
0x9: {  	[smem:$0x3FA7] =	sst s1  }
0xa: {  	[smem:$0x3FA8] =	sst s2  }
0xb: {  	[smem:$0x3FA9] =	sst s3  }
0xc: {  	[smem:$0x3FAA] =	sst s4  }
0xd: {  	[smem:$0x3FAB] =	sst s5  }
0xe: {  	[smem:$0x3FAC] =	sst s6  }
0xf: {  	[smem:$0x3FAD] =	sst s7  }
0x10: {  	[smem:$0x3FAE] =	sst s8  }
0x11: {  	[smem:$0x3FAF] =	sst s9;
	s0 =	simm.s32 @!p0 $0x0  }
0x12: {  	s1 =	sld [smem:$0x3F95];
	s0 =	simm.s32 @p0 $0x1  }
0x13: {  	[smem:$0x3FB0] =	sst s0;
	s0 =	simm.s32 @!p1 $0x0  }
0x14: {  	s2 =	sld [smem:$0x3F94];
	s0 =	simm.s32 @p1 $0x1  }
0x15: {  	[smem:$0x3FB1] =	sst s0;
	s0 =	simm.s32 @!p2 $0x0  }
0x16: {  	s3 =	sld [smem:$0x3FDB];
	s0 =	simm.s32 @p2 $0x1  }
0x17: {  	s4 =	simm.s32 $0x1BF5;
	[smem:$0x3FB3] =	sst s0  }
0x18: {  	s0 =	sld [smem:$0x3F96];
	_ =	swait.ge [sflag:s4], $0x0  }
0x19: {  	s7 =	sld [smem:$0x3F97]  }
0x1a: {  	s8 =	sadd.s32 $0xFFFFE003, lr  }
0x1b: {  	s9 =	sadd.s32 $0xFFFFFEF7, lr;
	s5 =	simm.s32 $0xFFFFFFFF;
	p2 =	slt.u32 s8, $0xFFFFF086  }
0x1c: {  	p1 =	slt.u32 s9, $0xF7A;
	s5 =	simm.s32 @!p2 $0x0  }
0x1d: {  	s5 =	simm.s32 @p1 $0x1;
	p0 =	seq.s32 s7, s2  }
0x1e: {  	s7 =	smul.u32 @!p0 $0xF7A, s2;
	p2 =	seq.s32 @!p0 s5, $0x0  }
0x1f: {  	s9 =	smul.u32 $0xF7A, s1;
	s8 =	simm.s32 @!p0 $0x1BF5;
	p2 =	por !p2, p0  }
0x20: {  	[sflag:s8] =	ssyncset.s32 @!p0 $0xFFFFF086;
	s6 =	sadd.s32 @!p0 s3, s7;
	s7 =	simm.s32 @!p0 $0x108  }
0x21: {  	s3 =	sadd.s32 s3, s9;
	s6 =	sadd.s32 @!p0 $0x88, s6;
	s7 =	simm.s32 @p2 $0x1082  }
0x22: {  	[simem:s7], [sflag:s8] =	dma.local @!p0 [hbm:s6], $0xF7A  }
0x23: {  	s9 =	sor.u32 $0xD0000000, s2;
	s6 =	simm.s32 $0x108;
	_ =	swait.ge @!p0 [sflag:s8], $0x0  }
0x24: {  	s3 =	sadd.s32 $0x88, s3;
	s6 =	simm.s32 @!p1 $0x1082;
	[sflag:s4] =	ssyncset.s32 $0xFFFFF086  }
0x25: {  	[simem:s6], [sflag:s4] =	dma.local [hbm:s3], $0xF7A  }
0x26: {  	[smem:$0x3F97] =	sst s1;
	(tag) =	ssettag s2;
	_ =	strace s9  }
0x27: {  	s1 =	sld [smem:$0x3FA7]  }
0x28: {  	s2 =	sld [smem:$0x3FA8]  }
0x29: {  	s4 =	sld [smem:$0x3FAA]  }
0x2a: {  	p0 =	seq.s32 s5, $0x0;
	s5 =	sld [smem:$0x3FAB]  }
0x2b: {  	s6 =	sld [smem:$0x3FAC]  }
0x2c: {  	s7 =	sld [smem:$0x3FAD]  }
0x2d: {  	s3 =	simm.s32 $0x108;
	s8 =	sld [smem:$0x3FAE]  }
0x2e: {  	s3 =	simm.s32 @!p0 $0x1082;
	s9 =	sld [smem:$0x3FAF]  }
0x2f: {  	lr =	sadd.s32 s0, s3;
	s0 =	sld [smem:$0x3FA6]  }
0x30: {  	s3 =	sld [smem:$0x3FA9]  }
0x31: {  	[smem:$0x3FB2] =	sst s10  }
0x32: {  	s10 =	sld [smem:$0x3FB0];
	_ =	sdelay $0x3  }
0x33: {  	p0 =	seq.s32 s10, $0x1;
	s10 =	sld [smem:$0x3FB2];
	_ =	sdelay $0x3  }
0x34: {  	[smem:$0x3FB2] =	sst s10  }
0x35: {  	s10 =	sld [smem:$0x3FB1];
	_ =	sdelay $0x3  }
0x36: {  	p1 =	seq.s32 s10, $0x1;
	s10 =	sld [smem:$0x3FB2];
	_ =	sdelay $0x3  }
0x37: {  	[smem:$0x3FB2] =	sst s10  }
0x38: {  	s10 =	sld [smem:$0x3FB3]  }
0x39: {  	_ = 	snop;
	(pc) =	sbr.ind lr, $3  }
0x3a: {  	_ = 	snop  }
0x3b: {  	_ = 	snop  }
0x3c: {  	p2 =	seq.s32 s10, $0x1;
	s10 =	sld [smem:$0x3FB2]  }
0x3d: {  	_ =	shalt  }
0x3e: {  	_ =	shalt  }
0x3f: {  	_ =	shalt  }
0x40: {  	_ =	shalt  }
0x41: {  	_ =	shalt  }
0x42: {  	_ =	shalt  }
0x43: {  	_ =	shalt  }
0x44: {  	_ =	shalt  }
0x45: {  	_ =	shalt  }
0x46: {  	_ =	shalt  }
0x47: {  	_ =	shalt  }
0x48: {  	_ =	shalt  }
0x49: {  	_ =	shalt  }
0x4a: {  	_ =	shalt  }
0x4b: {  	_ =	shalt  }
0x4c: {  	_ =	shalt  }
0x4d: {  	_ =	shalt  }
0x4e: {  	_ =	shalt  }
0x4f: {  	_ =	shalt  }
0x50: {  	_ =	shalt  }
0x51: {  	_ =	shalt  }
0x52: {  	_ =	shalt  }
0x53: {  	_ =	shalt  }
0x54: {  	_ =	shalt  }
0x55: {  	_ =	shalt  }
0x56: {  	_ =	shalt  }
0x57: {  	_ =	shalt  }
0x58: {  	_ =	shalt  }
0x59: {  	_ =	shalt  }
0x5a: {  	_ =	shalt  }
0x5b: {  	_ =	shalt  }
0x5c: {  	_ =	shalt  }
0x5d: {  	_ =	shalt  }
0x5e: {  	_ =	shalt  }
0x5f: {  	_ =	shalt  }
0x60: {  	_ =	shalt  }
0x61: {  	_ =	shalt  }
0x62: {  	_ =	shalt  }
0x63: {  	_ =	shalt  }
0x64: {  	_ =	shalt  }
0x65: {  	_ =	shalt  }
0x66: {  	_ =	shalt  }
0x67: {  	_ =	shalt  }
0x68: {  	_ =	shalt  }
0x69: {  	_ =	shalt  }
0x6a: {  	_ =	shalt  }
0x6b: {  	_ =	shalt  }
0x6c: {  	_ =	shalt  }
0x6d: {  	_ =	shalt  }
0x6e: {  	_ =	shalt  }
0x6f: {  	_ =	shalt  }
0x70: {  	_ =	shalt  }
0x71: {  	_ =	shalt  }
0x72: {  	_ =	shalt  }
0x73: {  	_ =	shalt  }
0x74: {  	_ =	shalt  }
0x75: {  	_ =	shalt  }
0x76: {  	_ =	shalt  }
0x77: {  	_ =	shalt  }
0x78: {  	_ =	shalt  }
0x79: {  	_ =	shalt  }
0x7a: {  	_ =	shalt  }
0x7b: {  	_ =	shalt  }
0x7c: {  	_ =	shalt  }
0x7d: {  	_ =	shalt  }
0x7e: {  	_ =	shalt  }
0x7f: {  	_ =	shalt  }
0x80: {  	_ =	shalt  }
0x81: {  	_ =	shalt  }
0x82: {  	_ =	shalt  }
0x83: {  	_ =	shalt  }
0x84: {  	_ =	shalt  }
0x85: {  	_ =	shalt  }
0x86: {  	_ =	shalt  }
0x87: {  	_ =	shalt  }
.Lfunc_end0:
.L_simem_size_0:
called_computation.1_lowered:
.L_overlay_start_0:
0x88: {  	s2 =	sld [smem:$0x3FD9]  }
0x89: {  	s3 =	sld [smem:$0x3FFE];
	_ =	sdelay $0x1  }
0x8a: {  	s1 =	srdreg.scid  }
0x8b: {  	s0 =	sand.u32 $0x1, s1  }
0x8c: {  	s17 =	sshll.u32 s0, $0xA;
	s2 =	sadd.s32 s3, s2  }
0x8d: {  	s2 =	sadd.s32 s2, s17  }
0x8e: {  	[smem:$0x3FBE] =	sst s2  }
0x8f: {  	_ = 	snop  }
0x90: {  	s2 =	sld [smem:$0x3FD0];
	(tm) =	ssettm $0x1  }
0x91: {  	s18 =	sld [smem:$0x3FFB];
	_ =	sdelay $0x3  }
0x92: {  	_ =	strace s18  }
0x93: {  	s3 =	sld [smem:$0x3FFC];
	_ =	sdelay $0x3  }
0x94: {  	_ =	strace s3  }
0x95: {  	s3 =	sld [smem:$0x3FFD];
	_ =	sdelay $0x3  }
0x96: {  	_ =	strace s3  }
0x97: {  	_ =	strace $0x8FFFFFFF  }
0x98: {  	s19 =	sld [smem:$0x3FDB];
	_ =	sdelay $0x1  }
0x99: {  	s4 =	simm.s32 $_scs_section_size  }
0x9a: {  	s5 =	simm.s32 $_size__tile_overlayer_lowered;
	s6 =	simm.s32 $_tile_overlayer_lowered  }
0x9b: {  	s22 =	simm.s32 $0x1BFF;
	s21 =	sshll.u32 s6, $0x1;
	s3 =	sadd.s32 s4, s19  }
0x9c: {  	s7 =	simm.s32 $0x0;
	s20 =	sshll.u32 s5, $0x1;
	s5 =	sadd.s32 s21, s3  }
0x9d: {  	[timem:s7], [sflag:s22] =	dma.local [hbm:s5], s20  }
0x9e: {  	_ =	swait.ge [sflag:s22], s20  }
0x9f: {  	s4 =	ssub.s32 $0x0, s20;
	[sflag:s22] =	ssyncset.done $0x0  }
0xa0: {  	[sflag:s22] =	ssyncadd.s32 s4;
	_ =	sdelay $0x1  }
0xa1: {  	s23 =	simm.s32 $0x1B8B  }
0xa2: {  	_ =	swait.ge [sflag:s23], $0x1  }
0xa3: {  	[sflag:s23] =	ssyncset.done $0x0  }
0xa4: {  	s25 =	simm.s32 $0x1B8E;
	s24 =	sld [smem:$0x3FFE];
	[sflag:s23] =	ssyncadd.s32 $0xFFFFFFFF  }
0xa5: {  	s26 =	simm.s32 $execute0_lowered;
	[smem:$0x3FD2] =	sst s25  }
0xa6: {  	s5 =	sshll.u32 s26, $0x1;
	_ =	strace $0x80000049;
	[dreg:$0x1] =	wrdreg $0xFFFFFFFF  }
0xa7: {  	s28 =	simm.s32 $_size_execute0_lowered;
	s3 =	sadd.s32 s3, s5;
	[dreg:$0x0] =	wrdreg $0x0  }
0xa8: {  	s5 =	sshll.u32 s28, $0x1;
	[dreg:$0x2] =	wrdreg s3  }
0xa9: {  	[dreg:$0x3] =	wrdreg s5  }
0xaa: {  	[dreg:$0x4] =	wrdreg $0xC0  }
0xab: {  	_ =	task [dreg:s7], $0x5FFFF  }
0xac: {  	[dreg:$0x1] =	wrdreg $0xFFFFFFFF  }
0xad: {  	[dreg:$0x0] =	wrdreg $0x60  }
0xae: {  	[dreg:$0x2] =	wrdreg s24  }
0xaf: {  	[dreg:$0x3] =	wrdreg s2  }
0xb0: {  	[dreg:$0x4] =	wrdreg $0x89800  }
0xb1: {  	[dreg:$0x5] =	wrdreg $0xFEB00  }
0xb2: {  	[dreg:$0x6] =	wrdreg $0x9  }
0xb3: {  	_ =	task.clear_ibuf [dreg:s7], $0x7FFFF;
	_ =	strace $0x90000049  }
0xb4: {  	s29 =	simm.s32 $0x9;
	_ =	strace $0x8000004B  }
0xb5: {  	_ =	swait.ge [sflag:s29], $0x1  }
0xb6: {  	[sflag:s29] =	ssyncadd.s32 $0xFFFFFFFF  }
0xb7: {  	_ =	strace $0x9000004B  }
0xb8: {  	_ =	sfence  }
0xb9: {  	s30 =	sld [smem:$0x0];
	_ =	sdelay $0x2  }
0xba: {  	s31 =	sshll.u32 s1, $0xD;
	s1 =	sshrl.u32 s1, $0x2  }
0xbb: {  	s3 =	sand.u32 $0x4000, s31;
	s1 =	sadd.s32 s1, s30  }
0xbc: {  	s0 =	sor.u32 s3, s0;
	s1 =	sshll.u32 s1, $0x11  }
0xbd: {  	s0 =	sor.u32 s1, s0  }
0xbe: {  	s0 =	sadd.s32 $0x8F2B, s0  }
0xbf: {  	[sflag:s0] =	ssyncadd.remote.s32 $0x1  }
0xc0: {  	_ =	sfence.sel $0xFFFF  }
0xc1: {  	[dreg:$0x0] =	wrdreg $0xFFFFFFFF;
	(pc) =	sbr.abs _section_cstart, $3  }
0xc2: {  	[dreg:$0x1] =	wrdreg $0xFFFFFFFF  }
0xc3: {  	_ =	task.clear_ibuf [dreg:s7], $0x2FFFF;
	_ =	strace $0x9FFFFFFF  }
0xc4: {  	(tm) =	ssettm $0x7FFFFFFF  }
0xc5: {  	_ =	shalt  }
tec
execute0_lowered:
.L_overlay_start_1:
0x0: {  	(tag) =	ssettag $0x1  }
0x1: {  	s0 =	rddreg [dreg:$0x0]  }
0x2: {  	s3 =	rddreg [dreg:$0x1]  }
0x3: {  	s1 =	rddreg [dreg:$0x2]  }
0x4: {  	s2 =	rddreg [dreg:$0x3];
	s4 =	simm.s32 $0x0;
	s18 =	srdreg.scid  }
0x5: {  	s22 =	stileid.u32;
	s30 =	simm.s32 $0x6700;
	s31 =	simm.s32 $0x7F80  }
0x6: {  	s29 =	simm.s32 $0x0;
	s28 =	simm.s32 $0x0;
	[smem:$0x7FF] =	sst s4  }
0x7: {  	s5 =	sand.u32 $0x1, s18;
	s4 =	sadd.s32 $0x19200, s0;
	s6 =	sadd.s32 $0xA00, s0  }
0x8: {  	s7 =	sadd.s32 $0x400, s0;
	s9 =	sadd.s32 $0xA400, s0;
	s10 =	sadd.s32 $0x27E00, s0  }
0x9: {  	s11 =	sadd.s32 $0x14200, s0;
	s14 =	sadd.s32 $0x36A00, s0;
	s15 =	smul.u32 $0x7500, s22  }
0xa: {  	s0 =	sadd.s32 $0x54000, s0;
	s23 =	sshll.u32 s22, $0x4;
	s16 =	smul.u32 $0x2700, s22  }
0xb: {  	p0 =	sne.s32 s22, $0x0;
	p2 =	seq.s32 s22, $0xF;
	_ =	strace $0x8000004A  }
0xc: {  	s8 =	sshll.u32 s5, $0x4;
	[dreg:$0x5] =	wrdreg s10;
	s12 =	smul.u32 $0x75300, s5  }
0xd: {  	[dreg:$0x6] =	wrdreg s11;
	s20 =	ssub.s32 $0x2, s5;
	s5 =	smul.u32 $0x27100, s5  }
0xe: {  	s24 =	sor.u32 $0x9C00, s23;
	s8 =	sor.u32 s22, s8;
	s13 =	sshrl.u32 s20, $0x1  }
0xf: {  	s23 =	sadd.s32 $0x6DB00, s1;
	s19 =	smul.u32 $0x4E0, s8;
	s11 =	ssub.s32 s20, s13  }
0x10: {  	s25 =	sadd.s32 s15, s12;
	s17 =	sadd.s32 s16, s5;
	s13 =	sadd.s32 s15, s1  }
0x11: {  	s15 =	sshrl.u32 s12, $0x3;
	s5 =	sshrl.u32 s5, $0x3;
	p1 =	sgt.u32 s8, $0x3  }
0x12: {  	s20 =	simm.s32 $0x2700;
	s26 =	sshrl.u32 s25, $0x3;
	s25 =	sshrl.u32 s13, $0x3  }
0x13: {  	s18 =	smax.u32 s11, $0x1;
	s21 =	sadd.s32 s9, s19;
	[dreg:$0xf] =	wrdreg s25  }
0x14: {  	s10 =	sadd.s32 s3, s19;
	s9 =	sadd.s32 s9, s24;
	[dreg:$0x7] =	wrdreg s21  }
0x15: {  	s3 =	sadd.s32 s3, s24;
	s24 =	sadd.s32 $0x24900, s2;
	[dreg:$0x8] =	wrdreg s10  }
0x16: {  	s19 =	simm.s32 $0x5;
	s25 =	simm.s32 $0x2;
	[dreg:$0x9] =	wrdreg s9  }
0x17: {  	[dreg:$0xa] =	wrdreg s3;
	s9 =	sadd.s32 s14, s26;
	s10 =	sshrl.u32 s17, $0x3  }
0x18: {  	s17 =	sadd.s32 s16, s2;
	s21 =	simm.s32 $0x80;
	s16 =	simm.s32 $0x1  }
0x19: {  	[dreg:$0xb] =	wrdreg s9;
	s3 =	sadd.s32 s0, s10;
	s0 =	sadd.s32 s0, s5  }
0x1a: {  	s26 =	sshrl.u32 s17, $0x3;
	[dreg:$0xc] =	wrdreg s3;
	s3 =	sadd.s32 s14, s15  }
.Ltmp0:
0x1b: {  	s0 =	sadd.s32 $0x4920, s0;
	[dreg:$0x10] =	wrdreg s26;
	(pc) =	sbr.rel .LBB2_1-.Ltmp0, $4  }
0x1c: {  	s17 =	simm.s32 $0x3;
	s3 =	sadd.s32 $0xDB60, s3;
	[dreg:$0xe] =	wrdreg s0  }
0x1d: {  	s5 =	simm.s32 $0x4;
	s0 =	sshrl.u32 s24, $0x3;
	[dreg:$0xd] =	wrdreg s3  }
0x1e: {  	v0 =	vimm.f32 $0.0e+00;
	vm0 =	vcmask $0x300;
	s26 =	simm.s32 $0x4F00;
	s3 =	sshrl.u32 s23, $0x3;
	[dreg:$0x12] =	wrdreg s0  }
0x1f: {  	v1 =	vsel vm0, $0x3F800000, v0;
	s24 =	simm.s32 $0x8180;
	s0 =	simm.s32 $0x8080;
	[dreg:$0x11] =	wrdreg s3  }
.LBB2_15:
0x20: {  	s3 =	rddreg [dreg:$0xd]  }
0x21: {  	s8 =	rddreg [dreg:$0x11];
	s9 =	simm.s32 $0x1FC5  }
0x22: {  	[hbm:s3], [sflag:s9] =	dma.local [spmem:s8], $0xF00  }
0x23: {  	_ =	swait.ge [sflag:s19], $0xF00  }
0x24: {  	[sflag:s19] =	ssyncset.done $0x0;
	s22 =	rddreg [dreg:$0xe]  }
0x25: {  	s23 =	rddreg [dreg:$0x12];
	[sflag:s19] =	ssyncadd.s32 $0xFFFFF100  }
0x26: {  	[hbm:s22], [sflag:s9] =	dma.local [spmem:s23], $0x500  }
0x27: {  	_ =	swait.ge [sflag:s19], $0x500  }
0x28: {  	[sflag:s19] =	ssyncset.done $0x0  }
0x29: {  	[sflag:s19] =	ssyncadd.s32 $0xFFFFFB00  }
.LBB2_16:
0x2a: {  	s29 =	sadd.s32 $0x1, s29  }
0x2b: {  	p3 =	sne.s32 s29, s18  }
.Ltmp1:
0x2c: {  	_ = 	snop;
	(pc) =	sbr.rel @!p3 .LBB2_17-.Ltmp1, $1  }
0x2d: {  	_ =	sdelay $0x3  }
.LBB2_1:
0x2e: {  	s3 =	sshrl.u32 @!p0 s1, $0x3;
	s8 =	simm.s32 @!p0 $0x1C05;
	s9 =	rddreg [dreg:$0x5]  }
0x2f: {  	[spmem:s3], [sflag:s8] =	dma.local @!p0 [hbm:s9], $0xEA60  }
0x30: {  	s3 =	simm.s32 @!p0 $0x5  }
0x31: {  	_ =	swait.ge @!p0 [sflag:s3], $0xEA60  }
0x32: {  	[sflag:s3] =	ssyncset.done @!p0 $0x0  }
0x33: {  	s9 =	sshrl.u32 @!p0 s2, $0x3;
	s10 =	rddreg [dreg:$0x6];
	[sflag:s3] =	ssyncadd.s32 @!p0 $0xFFFF15A0  }
0x34: {  	[spmem:s9], [sflag:s8] =	dma.local @!p0 [hbm:s10], $0x4E20  }
0x35: {  	_ =	swait.ge @!p0 [sflag:s3], $0x4E20  }
0x36: {  	[sflag:s3] =	ssyncset.done @!p0 $0x0  }
0x37: {  	[sflag:s3] =	ssyncadd.s32 @!p0 $0xFFFFB1E0  }
0x38: {  	[bflag:$0x0] =	sbarrier.arrive $0xFFFF  }
0x39: {  	s15 =	simm.s32 $0x0;
	s22 =	rddreg [dreg:$0x7]  }
0x3a: {  	[tilespmem:s15], [sflag:$0x5] =	stream.linear.gather [hbm4b:s22+s15], $0x2700, $0x38;
	[tilespmem:$0x125C0] =	vst v63  }
0x3b: {  	_ =	swait.ge [sflag:s19], $0x2700  }
0x3c: {  	[sflag:s19] =	ssyncset.done $0x0  }
0x3d: {  	s23 =	rddreg [dreg:$0x8];
	[sflag:s19] =	ssyncadd.s32 $0xFFFFD900  }
0x3e: {  	[tilespmem:s20], [sflag:$0x5] =	stream.linear.gather [hbm4b:s23+s15], $0x2700, $0x38;
	[tilespmem:$0x125C0] =	vst v63  }
0x3f: {  	_ =	swait.ge [sflag:s19], $0x2700  }
0x40: {  	s8 =	simm.s32 @!p1 $0x4E00;
	[sflag:s19] =	ssyncset.done $0x0  }
0x41: {  	s3 =	simm.s32 @!p1 $0x0;
	s9 =	rddreg [dreg:$0x9];
	[sflag:s19] =	ssyncadd.s32 $0xFFFFD900  }
0x42: {  	[tilespmem:s8], [sflag:$0x5] =	stream.linear.gather @!p1 [hbm4b:s9+s3], $0x80, $0x38;
	[tilespmem:$0x125C0] =	vst v63  }
0x43: {  	s8 =	simm.s32 @!p1 $0x5  }
0x44: {  	_ =	swait.ge @!p1 [sflag:s8], $0x80  }
0x45: {  	[sflag:s8] =	ssyncset.done @!p1 $0x0  }
0x46: {  	s9 =	simm.s32 @!p1 $0x4E80;
	s10 =	rddreg [dreg:$0xa];
	[sflag:s8] =	ssyncadd.s32 @!p1 $0xFFFFFF80  }
0x47: {  	[tilespmem:s9], [sflag:$0x5] =	stream.linear.gather @!p1 [hbm4b:s10+s3], $0x80, $0x38;
	[tilespmem:$0x125C0] =	vst v63  }
0x48: {  	_ =	swait.ge @!p1 [sflag:s8], $0x80  }
0x49: {  	[sflag:s8] =	ssyncset.done @!p1 $0x0  }
0x4a: {  	s3 =	simm.s32 $0x40;
	[sflag:s8] =	ssyncadd.s32 @!p1 $0xFFFFFF80;
	s8 =	simm.s32 $0x0  }
.LBB2_2:
0x4b: {  	p3 =	sne.s32 s3, $0x1FC0;
	[tilespmem:s8+$0x8180] =	vst v0;
	s8 =	smov.u32 s3;
	s3 =	sadd.s32 $0x40, s3  }
.Ltmp2:
0x4c: {  	(pc) =	sbr.rel @p3 .LBB2_2-.Ltmp2, $2  }
0x4d: {  	_ =	sdelay $0x2  }
0x4e: {  	s8 =	sshra.s32 s8, $0x2  }
0x4f: {  	[tilespmem:s8+$0x8180] =	vst v0  }
0x50: {  	[tilespmem:s26], [sflag:$0x1] =	stream.indirect.gather [hbm4b:s4+s21], $0x30, s28, s21, $0xb8;
	[tilespmem:$0x125C0] =	vst v63  }
0x51: {  	s3 =	simm.s32 $0x7F00  }
0x52: {  	[tilespmem:s3], [sflag:$0x3] =	stream.indirect.gather [hbm4b:s6+s21], $0x1, s28, s21, $0xb8;
	[tilespmem:$0x125C0] =	vst v63  }
0x53: {  	s23 =	simm.s32 $0x8000;
	s14 =	simm.s32 $0x0  }
0x54: {  	[tilespmem:s23], [sflag:$0x3] =	stream.indirect.gather [hbm4b:s7+s21], $0x1, s20, s21, $0xb8;
	[tilespmem:$0x125C0] =	vst v63  }
.LBB2_4:
0x55: {  	s22 =	sshll.u32 s14, $0x8  }
0x56: {  	s3 =	sor.u32 $0x80, s22  }
0x57: {  	[tilespmem:s30], [sflag:$0x2] =	stream.indirect.gather [hbm4b:s4+s21], $0x30, s3, s21, $0xb8;
	[tilespmem:$0x125C0] =	vst v63  }
0x58: {  	_ = 	snop  }
0x59: {  	[tilespmem:s31], [sflag:$0x4] =	stream.indirect.gather [hbm4b:s6+s21], $0x1, s3, s21, $0xb8;
	[tilespmem:$0x125C0] =	vst v63  }
0x5a: {  	s15 =	sadd.s32 $0x2780, s22  }
0x5b: {  	[tilespmem:s0], [sflag:$0x4] =	stream.indirect.gather [hbm4b:s7+s21], $0x1, s15, s21, $0xb8;
	[tilespmem:$0x125C0] =	vst v63  }
0x5c: {  	_ =	swait.ge [sflag:s16], $0x1800  }
0x5d: {  	[sflag:s16] =	ssyncset.done $0x0  }
0x5e: {  	[sflag:s16] =	ssyncadd.s32 $0xFFFFE800  }
0x5f: {  	_ =	swait.ge [sflag:s17], $0x80  }
0x60: {  	[sflag:s17] =	ssyncset.done $0x0  }
0x61: {  	[sflag:s17] =	ssyncadd.s32 $0xFFFFFF80  }
0x62: {  	_ =	swait.ge [sflag:s17], $0x80  }
0x63: {  	[sflag:s17] =	ssyncset.done $0x0  }
0x64: {  	[sflag:s17] =	ssyncadd.s32 $0xFFFFFF80  }
0x65: {  	v2 =	vld [tilespmem:$0x7F00]  }
0x66: {  	v3 =	vld [tilespmem:$0x8000]  }
0x67: {  	v4 =	vld [tilespmem:$0x7F10]  }
0x68: {  	v5 =	vld [tilespmem:$0x8010]  }
0x69: {  	v6 =	vld [tilespmem:$0x7F20]  }
0x6a: {  	v7 =	vld [tilespmem:$0x8020]  }
0x6b: {  	v8 =	vld [tilespmem:$0x7F30]  }
0x6c: {  	v9 =	vld [tilespmem:$0x8030]  }
0x6d: {  	v10 =	vld [tilespmem:$0x7F40]  }
0x6e: {  	v11 =	vld [tilespmem:$0x8040]  }
0x6f: {  	v15 =	vld [tilespmem:$0x7F70]  }
0x70: {  	v58 =	vld [tilespmem:$0x8070];
	v2 =	vadd.f32 v3, v2  }
0x71: {  	v56 =	vld [tilespmem:$0x7F60];
	v4 =	vadd.f32 v5, v4  }
0x72: {  	v3 =	vld [tilespmem:$0x7F50];
	v12 =	vmul.f32 $2.000000030e-01, v2  }
0x73: {  	v5 =	vld [tilespmem:$0x8050];
	v13 =	vmul.f32 $2.000000030e-01, v4  }
0x74: {  	v14 =	vld [tilespmem:$0x8060];
	v6 =	vadd.f32 v7, v6;
	v2 =	vmax.f32 v2, v12  }
0x75: {  	v60 =	vadd.f32 v58, v15;
	v4 =	vmax.f32 v4, v13;
	v2 =	vmul.f32 $1.442695020e+00, v2  }
0x76: {  	v8 =	vadd.f32 v9, v8;
	v57 =	vmul.f32 $2.000000030e-01, v6;
	v4 =	vmul.f32 $1.442695020e+00, v4  }
0x77: {  	v63 =	vmul.f32 $2.000000030e-01, v60;
	(erf) = vpow2.f32 v2;
	v2 =	vadd.f32 v11, v10  }
0x78: {  	v3 =	vadd.f32 v5, v3;
	(erf) = vpow2.f32 v4;
	v4 =	vmul.f32 $2.000000030e-01, v8  }
0x79: {  	v6 =	vmax.f32 v6, v57;
	v5 =	vadd.f32 v14, v56;
	v59 =	vmul.f32 $2.000000030e-01, v2  }
0x7a: {  	v6 =	vmul.f32 $1.442695020e+00, v6;
	v61 =	vmul.f32 $2.000000030e-01, v3;
	v4 =	vmax.f32 v8, v4  }
0x7b: {  	v62 =	vmul.f32 $2.000000030e-01, v5;
	v4 =	vmul.f32 $1.442695020e+00, v4;
	v2 =	vmax.f32 v2, v59  }
0x7c: {  	(erf) = vpow2.f32 v6;
	v3 =	vmax.f32 v3, v61;
	v2 =	vmul.f32 $1.442695020e+00, v2  }
0x7d: {  	v3 =	vmul.f32 $1.442695020e+00, v3;
	(erf) = vpow2.f32 v4;
	v4 =	vmax.f32 v5, v62  }
0x7e: {  	(erf) = vpow2.f32 v2;
	v2 =	vmul.f32 $1.442695020e+00, v4;
	v4 =	vmax.f32 v60, v63  }
0x7f: {  	(erf) = vpow2.f32 v3;
	v3 =	vmul.f32 $1.442695020e+00, v4  }
0x80: {  	(erf) = vpow2.f32 v2  }
0x81: {  	(erf) = vpow2.f32 v3;
	_ =	sdelay $0x1  }
0x82: {  	v2 =	vpop (erf)  }
0x83: {  	v3 =	vpop (erf);
	[tilespmem:$0x8100] =	vst v2  }
0x84: {  	v2 =	vpop (erf);
	[tilespmem:$0x8110] =	vst v3  }
0x85: {  	[tilespmem:$0x8120] =	vst v2;
	v3 =	vpop (erf)  }
0x86: {  	v2 =	vpop (erf);
	[tilespmem:$0x8130] =	vst v3  }
0x87: {  	v3 =	vpop (erf);
	[tilespmem:$0x8140] =	vst v2  }
0x88: {  	v2 =	vpop (erf);
	[tilespmem:$0x8150] =	vst v3  }
0x89: {  	s10 =	sand.u32 $0x1C0, s28;
	[tilespmem:$0x8160] =	vst v2;
	v2 =	vpop (erf)  }
0x8a: {  	s8 =	sshrl.u32 s10, $0x2;
	[tilespmem:$0x8170] =	vst v2  }
0x8b: {  	v2 =	vld [tilespmem:s8+$0x8100];
	_ =	sdelay $0x1  }
0x8c: {  	s3 =	simm.s32 $0x0  }
0x8d: {  	s9 =	sand.u32 $0xC, s3  }
0x8e: {  	v3 =	vmov s9  }
0x8f: {  	v2 =	vperm.xlane v2, v3;
	_ =	sdelay $0x1  }
0x90: {  	v3 =	vmul.f32 v1, v2  }
0x91: {  	s11 =	simm.s32 $0x81A0  }
0x92: {  	s23 =	simm.s32 $0x4F60;
	[tilespmem:s11+$0xFFFFFFE0] =	vst v3  }
0x93: {  	v3 =	vld [tilespmem:s23+$0xFFFFFFC0]  }
0x94: {  	v4 =	vld [tilespmem:s23+$0xFFFFFFA0]  }
0x95: {  	v5 =	vld [tilespmem:s23+$0xFFFFFFB0];
	_ =	sdelay $0x2  }
0x96: {  	v3 =	vmul.f32 v3, v2  }
0x97: {  	v4 =	vmul.f32 v4, v2  }
0x98: {  	v2 =	vmul.f32 v5, v2;
	[tilespmem:s23+$0xFFFFFFC0] =	vst v3  }
0x99: {  	[tilespmem:s23+$0xFFFFFFA0] =	vst v4  }
0x9a: {  	[tilespmem:s23+$0xFFFFFFB0] =	vst v2  }
0x9b: {  	v2 =	vld [tilespmem:s8+$0x8100];
	_ =	sdelay $0x1  }
0x9c: {  	s10 =	simm.s32 $0x1  }
0x9d: {  	s10 =	sand.u32 $0xD, s10  }
0x9e: {  	v3 =	vmov s10  }
0x9f: {  	v2 =	vperm.xlane v2, v3;
	_ =	sdelay $0x1  }
0xa0: {  	v3 =	vmul.f32 v1, v2;
	_ =	sdelay $0x1  }
0xa1: {  	[tilespmem:s11+$0xFFFFFFF0] =	vst v3  }
0xa2: {  	v3 =	vld [tilespmem:s23+$0xFFFFFFD0]  }
0xa3: {  	v4 =	vld [tilespmem:s23+$0xFFFFFFE0]  }
0xa4: {  	v5 =	vld [tilespmem:s23+$0xFFFFFFF0];
	_ =	sdelay $0x2  }
0xa5: {  	v3 =	vmul.f32 v3, v2  }
0xa6: {  	v4 =	vmul.f32 v4, v2  }
0xa7: {  	v2 =	vmul.f32 v5, v2;
	[tilespmem:s23+$0xFFFFFFD0] =	vst v3  }
0xa8: {  	[tilespmem:s23+$0xFFFFFFE0] =	vst v4  }
0xa9: {  	[tilespmem:s23+$0xFFFFFFF0] =	vst v2  }
0xaa: {  	v2 =	vld [tilespmem:s8+$0x8100];
	_ =	sdelay $0x1  }
0xab: {  	s12 =	simm.s32 $0x2  }
0xac: {  	s10 =	sand.u32 $0xE, s12  }
0xad: {  	v3 =	vmov s10  }
0xae: {  	v2 =	vperm.xlane v2, v3;
	_ =	sdelay $0x1  }
0xaf: {  	v3 =	vmul.f32 v1, v2;
	_ =	sdelay $0x1  }
0xb0: {  	[tilespmem:s11+$0x0] =	vst v3  }
0xb1: {  	v3 =	vld [tilespmem:s23+$0x0]  }
0xb2: {  	v4 =	vld [tilespmem:s23+$0x20]  }
0xb3: {  	v5 =	vld [tilespmem:s23+$0x10];
	_ =	sdelay $0x2  }
0xb4: {  	v3 =	vmul.f32 v3, v2  }
0xb5: {  	v4 =	vmul.f32 v4, v2  }
0xb6: {  	v2 =	vmul.f32 v5, v2;
	[tilespmem:s23+$0x0] =	vst v3  }
0xb7: {  	[tilespmem:s23+$0x20] =	vst v4  }
0xb8: {  	[tilespmem:s23+$0x10] =	vst v2  }
0xb9: {  	v2 =	vld [tilespmem:s8+$0x8100];
	_ =	sdelay $0x2  }
0xba: {  	s13 =	simm.s32 $0x3  }
0xbb: {  	v3 =	vmov s13  }
0xbc: {  	v2 =	vperm.xlane v2, v3;
	_ =	sdelay $0x1  }
0xbd: {  	v3 =	vmul.f32 v1, v2;
	_ =	sdelay $0x1  }
0xbe: {  	[tilespmem:s11+$0x10] =	vst v3  }
0xbf: {  	s9 =	simm.s32 $0x0;
	s10 =	simm.s32 $0x4F60;
	s8 =	simm.s32 $0x81E0;
	v3 =	vld [tilespmem:s23+$0x30]  }
.LBB2_5:
0xc0: {  	s9 =	sadd.s32 $0x10, s9  }
0xc1: {  	v4 =	vld [tilespmem:s23+$0x40];
	s10 =	sadd.s32 $0xC0, s10;
	s11 =	smov.u32 s3;
	s3 =	sadd.s32 $0x4, s3  }
0xc2: {  	s13 =	sand.u32 $0xC, s3;
	p3 =	slt.u32 s3, $0x7C;
	v5 =	vld [tilespmem:s23+$0x50];
	_ =	sdelay $0x2  }
0xc3: {  	v3 =	vmul.f32 v3, v2  }
0xc4: {  	v4 =	vmul.f32 v4, v2  }
0xc5: {  	[tilespmem:s23+$0x30] =	vst v3;
	v2 =	vmul.f32 v5, v2  }
0xc6: {  	s12 =	sand.u32 $0x1C0, s9;
	[tilespmem:s23+$0x40] =	vst v4  }
0xc7: {  	s12 =	sshrl.u32 s12, $0x2;
	[tilespmem:s23+$0x50] =	vst v2;
	s23 =	smov.u32 s10  }
0xc8: {  	v2 =	vld [tilespmem:s12+$0x8100];
	_ =	sdelay $0x3  }
0xc9: {  	v3 =	vmov s13  }
0xca: {  	v2 =	vperm.xlane v2, v3;
	_ =	sdelay $0x1  }
0xcb: {  	v3 =	vmul.f32 v1, v2;
	_ =	sdelay $0x1  }
0xcc: {  	[tilespmem:s8+$0xFFFFFFE0] =	vst v3  }
0xcd: {  	v3 =	vld [tilespmem:s10+$0xFFFFFFC0]  }
0xce: {  	v4 =	vld [tilespmem:s10+$0xFFFFFFA0]  }
0xcf: {  	v5 =	vld [tilespmem:s10+$0xFFFFFFB0];
	_ =	sdelay $0x2  }
0xd0: {  	v3 =	vmul.f32 v3, v2  }
0xd1: {  	v4 =	vmul.f32 v4, v2  }
0xd2: {  	v2 =	vmul.f32 v5, v2;
	[tilespmem:s10+$0xFFFFFFC0] =	vst v3  }
0xd3: {  	[tilespmem:s10+$0xFFFFFFA0] =	vst v4  }
0xd4: {  	[tilespmem:s10+$0xFFFFFFB0] =	vst v2  }
0xd5: {  	v2 =	vld [tilespmem:s12+$0x8100];
	_ =	sdelay $0x1  }
0xd6: {  	s13 =	sadd.s32 $0x5, s11  }
0xd7: {  	s13 =	sand.u32 $0xD, s13  }
0xd8: {  	v3 =	vmov s13  }
0xd9: {  	v2 =	vperm.xlane v2, v3;
	_ =	sdelay $0x1  }
0xda: {  	v3 =	vmul.f32 v1, v2;
	_ =	sdelay $0x1  }
0xdb: {  	[tilespmem:s8+$0xFFFFFFF0] =	vst v3  }
0xdc: {  	v3 =	vld [tilespmem:s10+$0xFFFFFFD0]  }
0xdd: {  	v4 =	vld [tilespmem:s10+$0xFFFFFFE0]  }
0xde: {  	v5 =	vld [tilespmem:s10+$0xFFFFFFF0];
	_ =	sdelay $0x2  }
0xdf: {  	v3 =	vmul.f32 v3, v2  }
0xe0: {  	v4 =	vmul.f32 v4, v2  }
0xe1: {  	[tilespmem:s10+$0xFFFFFFD0] =	vst v3;
	v2 =	vmul.f32 v5, v2  }
0xe2: {  	[tilespmem:s10+$0xFFFFFFE0] =	vst v4  }
0xe3: {  	[tilespmem:s10+$0xFFFFFFF0] =	vst v2  }
0xe4: {  	v2 =	vld [tilespmem:s12+$0x8100];
	_ =	sdelay $0x1  }
0xe5: {  	s13 =	sadd.s32 $0x6, s11  }
0xe6: {  	s13 =	sand.u32 $0xE, s13  }
0xe7: {  	v3 =	vmov s13  }
0xe8: {  	v2 =	vperm.xlane v2, v3;
	_ =	sdelay $0x1  }
0xe9: {  	v3 =	vmul.f32 v1, v2;
	_ =	sdelay $0x1  }
0xea: {  	[tilespmem:s8+$0x0] =	vst v3  }
0xeb: {  	v3 =	vld [tilespmem:s10+$0x0]  }
0xec: {  	v4 =	vld [tilespmem:s10+$0x20]  }
0xed: {  	v5 =	vld [tilespmem:s10+$0x10];
	_ =	sdelay $0x2  }
0xee: {  	v3 =	vmul.f32 v3, v2  }
0xef: {  	v4 =	vmul.f32 v4, v2  }
0xf0: {  	[tilespmem:s10+$0x0] =	vst v3;
	v2 =	vmul.f32 v5, v2  }
0xf1: {  	[tilespmem:s10+$0x20] =	vst v4  }
0xf2: {  	[tilespmem:s10+$0x10] =	vst v2  }
0xf3: {  	v2 =	vld [tilespmem:s12+$0x8100];
	_ =	sdelay $0x2  }
0xf4: {  	s11 =	sadd.s32 $0x7, s11  }
0xf5: {  	v3 =	vmov s11  }
0xf6: {  	v2 =	vperm.xlane v2, v3  }
.Ltmp3:
0xf7: {  	(pc) =	sbr.rel @p3 .LBB2_5-.Ltmp3, $3  }
0xf8: {  	v3 =	vmul.f32 v1, v2;
	_ =	sdelay $0x1  }
0xf9: {  	[tilespmem:s8+$0x10] =	vst v3  }
0xfa: {  	s8 =	sadd.s32 $0x40, s8;
	v3 =	vld [tilespmem:s10+$0x30]  }
0xfb: {  	v4 =	vld [tilespmem:s23+$0x40]  }
0xfc: {  	v5 =	vld [tilespmem:s23+$0x50];
	_ =	sdelay $0x2  }
0xfd: {  	v3 =	vmul.f32 v3, v2  }
0xfe: {  	v4 =	vmul.f32 v4, v2  }
0xff: {  	v2 =	vmul.f32 v5, v2;
	[tilespmem:s23+$0x30] =	vst v3  }
0x100: {  	s3 =	sand.u32 $0x3FFFFF00, s22;
	[tilespmem:s23+$0x40] =	vst v4  }
0x101: {  	s3 =	sadd.s32 $0x2700, s3;
	[tilespmem:s23+$0x50] =	vst v2  }
0x102: {  	[spmem:s1] =	stream.indirect.scatter.add.f32 [tilespmem:s26], [sflag:$0x5], $0x30, s3, s21, $0xb8;
	[tilespmem:$0x125C0] =	vst v63  }
0x103: {  	_ =	swait.ge [sflag:s19], $0x1800  }
0x104: {  	[sflag:s19] =	ssyncset.done $0x0  }
0x105: {  	[sflag:s19] =	ssyncadd.s32 $0xFFFFE800  }
0x106: {  	[spmem:s2] =	stream.indirect.scatter.add.f32 [tilespmem:s24], [sflag:$0x5], $0x10, s3, s21, $0xb8;
	[tilespmem:$0x125C0] =	vst v63  }
0x107: {  	s11 =	sshll.u32 s14, $0x1;
	p3 =	seq.s32 s14, $0x26;
	_ =	swait.ge [sflag:s19], $0x800  }
0x108: {  	s9 =	simm.s32 @!p3 $0x80;
	s3 =	sadd.s32 $0x2, s11;
	[sflag:s19] =	ssyncset.done $0x0  }
0x109: {  	s10 =	simm.s32 @!p3 $0x4F00;
	s8 =	sshll.u32 @!p3 s3, $0x7;
	[sflag:s19] =	ssyncadd.s32 $0xFFFFF800  }
0x10a: {  	[tilespmem:s10], [sflag:$0x1] =	stream.indirect.gather @!p3 [hbm4b:s4+s9], $0x30, s8, s9, $0xb8;
	[tilespmem:$0x125C0] =	vst v63  }
0x10b: {  	s10 =	simm.s32 @!p3 $0x7F00  }
0x10c: {  	[tilespmem:s10], [sflag:$0x3] =	stream.indirect.gather @!p3 [hbm4b:s6+s9], $0x1, s8, s9, $0xb8;
	[tilespmem:$0x125C0] =	vst v63  }
0x10d: {  	s8 =	sadd.s32 @!p3 $0x2700, s8;
	s10 =	simm.s32 @!p3 $0x8000  }
0x10e: {  	[tilespmem:s10], [sflag:$0x3] =	stream.indirect.gather @!p3 [hbm4b:s7+s9], $0x1, s8, s9, $0xb8;
	[tilespmem:$0x125C0] =	vst v63  }
0x10f: {  	p3 =	sne.s32 @!p1 s3, $0x4E  }
0x110: {  	p3 =	por p3, p1  }
0x111: {  	s3 =	simm.s32 @!p3 $0x80;
	s8 =	simm.s32 @!p3 $0x4E00;
	s9 =	simm.s32 @!p3 $0x4F00  }
0x112: {  	[tilespmem:s9], [sflag:$0x1] =	stream.indirect.gather @!p3 [hbm4b:s4+s3], $0x30, s8, s3, $0xb8;
	[tilespmem:$0x125C0] =	vst v63  }
0x113: {  	s9 =	simm.s32 @!p3 $0x7F00  }
0x114: {  	[tilespmem:s9], [sflag:$0x3] =	stream.indirect.gather @!p3 [hbm4b:s6+s3], $0x1, s8, s3, $0xb8;
	[tilespmem:$0x125C0] =	vst v63  }
0x115: {  	s8 =	simm.s32 @!p3 $0x4E80;
	s9 =	simm.s32 @!p3 $0x8000  }
0x116: {  	[tilespmem:s9], [sflag:$0x3] =	stream.indirect.gather @!p3 [hbm4b:s7+s3], $0x1, s8, s3, $0xb8;
	[tilespmem:$0x125C0] =	vst v63  }
0x117: {  	_ =	swait.ge [sflag:s25], $0x1800  }
0x118: {  	[sflag:s25] =	ssyncset.done $0x0  }
0x119: {  	[sflag:s25] =	ssyncadd.s32 $0xFFFFE800  }
0x11a: {  	_ =	swait.ge [sflag:s5], $0x80  }
0x11b: {  	[sflag:s5] =	ssyncset.done $0x0  }
0x11c: {  	[sflag:s5] =	ssyncadd.s32 $0xFFFFFF80  }
0x11d: {  	_ =	swait.ge [sflag:s5], $0x80  }
0x11e: {  	[sflag:s5] =	ssyncset.done $0x0  }
0x11f: {  	[sflag:s5] =	ssyncadd.s32 $0xFFFFFF80  }
0x120: {  	v2 =	vld [tilespmem:$0x7F80]  }
0x121: {  	v3 =	vld [tilespmem:$0x8080]  }
0x122: {  	v4 =	vld [tilespmem:$0x7F90]  }
0x123: {  	v5 =	vld [tilespmem:$0x8090]  }
0x124: {  	v6 =	vld [tilespmem:$0x7FA0]  }
0x125: {  	v7 =	vld [tilespmem:$0x80A0]  }
0x126: {  	v8 =	vld [tilespmem:$0x7FB0]  }
0x127: {  	v9 =	vld [tilespmem:$0x80B0]  }
0x128: {  	v10 =	vld [tilespmem:$0x7FC0]  }
0x129: {  	v11 =	vld [tilespmem:$0x80C0]  }
0x12a: {  	v15 =	vld [tilespmem:$0x7FF0]  }
0x12b: {  	v58 =	vld [tilespmem:$0x80F0];
	v2 =	vadd.f32 v3, v2  }
0x12c: {  	v56 =	vld [tilespmem:$0x7FE0];
	v4 =	vadd.f32 v5, v4  }
0x12d: {  	v3 =	vld [tilespmem:$0x7FD0];
	v12 =	vmul.f32 $2.000000030e-01, v2  }
0x12e: {  	v5 =	vld [tilespmem:$0x80D0];
	v13 =	vmul.f32 $2.000000030e-01, v4  }
0x12f: {  	v14 =	vld [tilespmem:$0x80E0];
	v6 =	vadd.f32 v7, v6;
	v2 =	vmax.f32 v2, v12  }
0x130: {  	v60 =	vadd.f32 v58, v15;
	v4 =	vmax.f32 v4, v13;
	v2 =	vmul.f32 $1.442695020e+00, v2  }
0x131: {  	v8 =	vadd.f32 v9, v8;
	v57 =	vmul.f32 $2.000000030e-01, v6;
	v4 =	vmul.f32 $1.442695020e+00, v4  }
0x132: {  	v63 =	vmul.f32 $2.000000030e-01, v60;
	(erf) = vpow2.f32 v2;
	v2 =	vadd.f32 v11, v10  }
0x133: {  	v3 =	vadd.f32 v5, v3;
	(erf) = vpow2.f32 v4;
	v4 =	vmul.f32 $2.000000030e-01, v8  }
0x134: {  	v6 =	vmax.f32 v6, v57;
	v5 =	vadd.f32 v14, v56;
	v59 =	vmul.f32 $2.000000030e-01, v2  }
0x135: {  	v6 =	vmul.f32 $1.442695020e+00, v6;
	v61 =	vmul.f32 $2.000000030e-01, v3;
	v4 =	vmax.f32 v8, v4  }
0x136: {  	v62 =	vmul.f32 $2.000000030e-01, v5;
	v4 =	vmul.f32 $1.442695020e+00, v4;
	v2 =	vmax.f32 v2, v59  }
0x137: {  	(erf) = vpow2.f32 v6;
	v3 =	vmax.f32 v3, v61;
	v2 =	vmul.f32 $1.442695020e+00, v2  }
0x138: {  	v3 =	vmul.f32 $1.442695020e+00, v3;
	(erf) = vpow2.f32 v4;
	v4 =	vmax.f32 v5, v62  }
0x139: {  	(erf) = vpow2.f32 v2;
	v2 =	vmul.f32 $1.442695020e+00, v4;
	v4 =	vmax.f32 v60, v63  }
0x13a: {  	(erf) = vpow2.f32 v3;
	v3 =	vmul.f32 $1.442695020e+00, v4  }
0x13b: {  	(erf) = vpow2.f32 v2  }
0x13c: {  	(erf) = vpow2.f32 v3;
	_ =	sdelay $0x1  }
0x13d: {  	v2 =	vpop (erf)  }
0x13e: {  	v3 =	vpop (erf);
	[tilespmem:$0x8100] =	vst v2  }
0x13f: {  	v2 =	vpop (erf);
	[tilespmem:$0x8110] =	vst v3  }
0x140: {  	[tilespmem:$0x8120] =	vst v2;
	v3 =	vpop (erf)  }
0x141: {  	v2 =	vpop (erf);
	[tilespmem:$0x8130] =	vst v3  }
0x142: {  	v3 =	vpop (erf);
	[tilespmem:$0x8140] =	vst v2  }
0x143: {  	s22 =	simm.s32 $0x0;
	v2 =	vpop (erf);
	[tilespmem:$0x8150] =	vst v3  }
0x144: {  	s12 =	sand.u32 $0x1C0, s22;
	[tilespmem:$0x8160] =	vst v2;
	v2 =	vpop (erf)  }
0x145: {  	s13 =	sshrl.u32 s12, $0x2;
	[tilespmem:$0x8170] =	vst v2  }
0x146: {  	v2 =	vld [tilespmem:s13+$0x8100];
	_ =	sdelay $0x1  }
0x147: {  	s3 =	simm.s32 $0x0  }
0x148: {  	s10 =	sand.u32 $0xC, s3  }
0x149: {  	v3 =	vmov s10  }
0x14a: {  	v2 =	vperm.xlane v2, v3;
	_ =	sdelay $0x1  }
0x14b: {  	v3 =	vmul.f32 v1, v2  }
0x14c: {  	s9 =	simm.s32 $0x81A0  }
0x14d: {  	s23 =	simm.s32 $0x6760;
	[tilespmem:s9+$0xFFFFFFE0] =	vst v3  }
0x14e: {  	v3 =	vld [tilespmem:s23+$0xFFFFFFC0]  }
0x14f: {  	v4 =	vld [tilespmem:s23+$0xFFFFFFA0]  }
0x150: {  	v5 =	vld [tilespmem:s23+$0xFFFFFFB0];
	_ =	sdelay $0x2  }
0x151: {  	v3 =	vmul.f32 v3, v2  }
0x152: {  	v4 =	vmul.f32 v4, v2  }
0x153: {  	v2 =	vmul.f32 v5, v2;
	[tilespmem:s23+$0xFFFFFFC0] =	vst v3  }
0x154: {  	[tilespmem:s23+$0xFFFFFFA0] =	vst v4  }
0x155: {  	[tilespmem:s23+$0xFFFFFFB0] =	vst v2  }
0x156: {  	v2 =	vld [tilespmem:s13+$0x8100];
	_ =	sdelay $0x1  }
0x157: {  	s11 =	simm.s32 $0x1  }
0x158: {  	s10 =	sand.u32 $0xD, s11  }
0x159: {  	v3 =	vmov s10  }
0x15a: {  	v2 =	vperm.xlane v2, v3;
	_ =	sdelay $0x1  }
0x15b: {  	v3 =	vmul.f32 v1, v2;
	_ =	sdelay $0x1  }
0x15c: {  	[tilespmem:s9+$0xFFFFFFF0] =	vst v3  }
0x15d: {  	v3 =	vld [tilespmem:s23+$0xFFFFFFD0]  }
0x15e: {  	v4 =	vld [tilespmem:s23+$0xFFFFFFE0]  }
0x15f: {  	v5 =	vld [tilespmem:s23+$0xFFFFFFF0];
	_ =	sdelay $0x2  }
0x160: {  	v3 =	vmul.f32 v3, v2  }
0x161: {  	v4 =	vmul.f32 v4, v2  }
0x162: {  	v2 =	vmul.f32 v5, v2;
	[tilespmem:s23+$0xFFFFFFD0] =	vst v3  }
0x163: {  	[tilespmem:s23+$0xFFFFFFE0] =	vst v4  }
0x164: {  	[tilespmem:s23+$0xFFFFFFF0] =	vst v2  }
0x165: {  	v2 =	vld [tilespmem:s13+$0x8100];
	_ =	sdelay $0x1  }
0x166: {  	s12 =	simm.s32 $0x2  }
0x167: {  	s10 =	sand.u32 $0xE, s12  }
0x168: {  	v3 =	vmov s10  }
0x169: {  	v2 =	vperm.xlane v2, v3;
	_ =	sdelay $0x1  }
0x16a: {  	v3 =	vmul.f32 v1, v2;
	_ =	sdelay $0x1  }
0x16b: {  	[tilespmem:s9+$0x0] =	vst v3  }
0x16c: {  	v3 =	vld [tilespmem:s23+$0x0]  }
0x16d: {  	v4 =	vld [tilespmem:s23+$0x20]  }
0x16e: {  	v5 =	vld [tilespmem:s23+$0x10];
	_ =	sdelay $0x2  }
0x16f: {  	v3 =	vmul.f32 v3, v2  }
0x170: {  	v4 =	vmul.f32 v4, v2  }
0x171: {  	v2 =	vmul.f32 v5, v2;
	[tilespmem:s23+$0x0] =	vst v3  }
0x172: {  	[tilespmem:s23+$0x20] =	vst v4  }
0x173: {  	[tilespmem:s23+$0x10] =	vst v2  }
0x174: {  	v2 =	vld [tilespmem:s13+$0x8100];
	_ =	sdelay $0x2  }
0x175: {  	s13 =	simm.s32 $0x3  }
0x176: {  	v3 =	vmov s13  }
0x177: {  	v2 =	vperm.xlane v2, v3;
	_ =	sdelay $0x1  }
0x178: {  	v3 =	vmul.f32 v1, v2;
	_ =	sdelay $0x1  }
0x179: {  	[tilespmem:s9+$0x10] =	vst v3  }
0x17a: {  	s8 =	simm.s32 $0x81E0;
	s9 =	simm.s32 $0x6760;
	v3 =	vld [tilespmem:s23+$0x30]  }
.LBB2_7:
0x17b: {  	s22 =	sadd.s32 $0x10, s22  }
0x17c: {  	v4 =	vld [tilespmem:s23+$0x40];
	s9 =	sadd.s32 $0xC0, s9;
	s10 =	smov.u32 s3;
	s3 =	sadd.s32 $0x4, s3  }
0x17d: {  	s12 =	sand.u32 $0xC, s3;
	p3 =	slt.u32 s3, $0x7C;
	v5 =	vld [tilespmem:s23+$0x50];
	_ =	sdelay $0x2  }
0x17e: {  	v3 =	vmul.f32 v3, v2  }
0x17f: {  	v4 =	vmul.f32 v4, v2  }
0x180: {  	[tilespmem:s23+$0x30] =	vst v3;
	v2 =	vmul.f32 v5, v2  }
0x181: {  	s11 =	sand.u32 $0x1C0, s22;
	[tilespmem:s23+$0x40] =	vst v4  }
0x182: {  	s11 =	sshrl.u32 s11, $0x2;
	[tilespmem:s23+$0x50] =	vst v2;
	s23 =	smov.u32 s9  }
0x183: {  	v2 =	vld [tilespmem:s11+$0x8100];
	_ =	sdelay $0x3  }
0x184: {  	v3 =	vmov s12  }
0x185: {  	v2 =	vperm.xlane v2, v3;
	_ =	sdelay $0x1  }
0x186: {  	v3 =	vmul.f32 v1, v2;
	_ =	sdelay $0x1  }
0x187: {  	[tilespmem:s8+$0xFFFFFFE0] =	vst v3  }
0x188: {  	v3 =	vld [tilespmem:s9+$0xFFFFFFC0]  }
0x189: {  	v4 =	vld [tilespmem:s9+$0xFFFFFFA0]  }
0x18a: {  	v5 =	vld [tilespmem:s9+$0xFFFFFFB0];
	_ =	sdelay $0x2  }
0x18b: {  	v3 =	vmul.f32 v3, v2  }
0x18c: {  	v4 =	vmul.f32 v4, v2  }
0x18d: {  	v2 =	vmul.f32 v5, v2;
	[tilespmem:s9+$0xFFFFFFC0] =	vst v3  }
0x18e: {  	[tilespmem:s9+$0xFFFFFFA0] =	vst v4  }
0x18f: {  	[tilespmem:s9+$0xFFFFFFB0] =	vst v2  }
0x190: {  	v2 =	vld [tilespmem:s11+$0x8100];
	_ =	sdelay $0x1  }
0x191: {  	s12 =	sadd.s32 $0x5, s10  }
0x192: {  	s12 =	sand.u32 $0xD, s12  }
0x193: {  	v3 =	vmov s12  }
0x194: {  	v2 =	vperm.xlane v2, v3;
	_ =	sdelay $0x1  }
0x195: {  	v3 =	vmul.f32 v1, v2;
	_ =	sdelay $0x1  }
0x196: {  	[tilespmem:s8+$0xFFFFFFF0] =	vst v3  }
0x197: {  	v3 =	vld [tilespmem:s9+$0xFFFFFFD0]  }
0x198: {  	v4 =	vld [tilespmem:s9+$0xFFFFFFE0]  }
0x199: {  	v5 =	vld [tilespmem:s9+$0xFFFFFFF0];
	_ =	sdelay $0x2  }
0x19a: {  	v3 =	vmul.f32 v3, v2  }
0x19b: {  	v4 =	vmul.f32 v4, v2  }
0x19c: {  	[tilespmem:s9+$0xFFFFFFD0] =	vst v3;
	v2 =	vmul.f32 v5, v2  }
0x19d: {  	[tilespmem:s9+$0xFFFFFFE0] =	vst v4  }
0x19e: {  	[tilespmem:s9+$0xFFFFFFF0] =	vst v2  }
0x19f: {  	v2 =	vld [tilespmem:s11+$0x8100];
	_ =	sdelay $0x1  }
0x1a0: {  	s12 =	sadd.s32 $0x6, s10  }
0x1a1: {  	s12 =	sand.u32 $0xE, s12  }
0x1a2: {  	v3 =	vmov s12  }
0x1a3: {  	v2 =	vperm.xlane v2, v3;
	_ =	sdelay $0x1  }
0x1a4: {  	v3 =	vmul.f32 v1, v2;
	_ =	sdelay $0x1  }
0x1a5: {  	[tilespmem:s8+$0x0] =	vst v3  }
0x1a6: {  	v3 =	vld [tilespmem:s9+$0x0]  }
0x1a7: {  	v4 =	vld [tilespmem:s9+$0x20]  }
0x1a8: {  	v5 =	vld [tilespmem:s9+$0x10];
	_ =	sdelay $0x2  }
0x1a9: {  	v3 =	vmul.f32 v3, v2  }
0x1aa: {  	v4 =	vmul.f32 v4, v2  }
0x1ab: {  	[tilespmem:s9+$0x0] =	vst v3;
	v2 =	vmul.f32 v5, v2  }
0x1ac: {  	[tilespmem:s9+$0x20] =	vst v4  }
0x1ad: {  	[tilespmem:s9+$0x10] =	vst v2  }
0x1ae: {  	v2 =	vld [tilespmem:s11+$0x8100];
	_ =	sdelay $0x2  }
0x1af: {  	s10 =	sadd.s32 $0x7, s10  }
0x1b0: {  	v3 =	vmov s10  }
0x1b1: {  	v2 =	vperm.xlane v2, v3  }
.Ltmp4:
0x1b2: {  	(pc) =	sbr.rel @p3 .LBB2_7-.Ltmp4, $3  }
0x1b3: {  	v3 =	vmul.f32 v1, v2;
	_ =	sdelay $0x1  }
0x1b4: {  	[tilespmem:s8+$0x10] =	vst v3  }
0x1b5: {  	s8 =	sadd.s32 $0x40, s8;
	v3 =	vld [tilespmem:s9+$0x30]  }
0x1b6: {  	v4 =	vld [tilespmem:s23+$0x40]  }
0x1b7: {  	v5 =	vld [tilespmem:s23+$0x50];
	_ =	sdelay $0x2  }
0x1b8: {  	v3 =	vmul.f32 v3, v2  }
0x1b9: {  	v4 =	vmul.f32 v4, v2  }
0x1ba: {  	v2 =	vmul.f32 v5, v2;
	[tilespmem:s23+$0x30] =	vst v3  }
0x1bb: {  	[tilespmem:s23+$0x40] =	vst v4  }
0x1bc: {  	[tilespmem:s23+$0x50] =	vst v2  }
0x1bd: {  	[spmem:s1] =	stream.indirect.scatter.add.f32 [tilespmem:s30], [sflag:$0x5], $0x30, s15, s21, $0xb8;
	[tilespmem:$0x125C0] =	vst v63  }
0x1be: {  	s14 =	sadd.s32 $0x1, s14;
	_ =	swait.ge [sflag:s19], $0x1800  }
0x1bf: {  	p3 =	sne.s32 s14, $0x27;
	[sflag:s19] =	ssyncset.done $0x0  }
.Ltmp5:
0x1c0: {  	[sflag:s19] =	ssyncadd.s32 $0xFFFFE800;
	(pc) =	sbr.rel @p3 .LBB2_4-.Ltmp5, $4  }
0x1c1: {  	[spmem:s2] =	stream.indirect.scatter.add.f32 [tilespmem:s24], [sflag:$0x5], $0x10, s15, s21, $0xb8;
	[tilespmem:$0x125C0] =	vst v63  }
0x1c2: {  	_ =	swait.ge [sflag:s19], $0x800  }
0x1c3: {  	[sflag:s19] =	ssyncset.done $0x0  }
0x1c4: {  	[sflag:s19] =	ssyncadd.s32 $0xFFFFF800  }
.Ltmp6:
0x1c5: {  	(pc) =	sbr.rel @p1 .LBB2_13-.Ltmp6, $1  }
0x1c6: {  	_ =	sdelay $0x3  }
0x1c7: {  	_ =	swait.ge [sflag:s16], $0x1800  }
0x1c8: {  	[sflag:s16] =	ssyncset.done $0x0  }
0x1c9: {  	[sflag:s16] =	ssyncadd.s32 $0xFFFFE800  }
0x1ca: {  	_ =	swait.ge [sflag:s17], $0x80  }
0x1cb: {  	[sflag:s17] =	ssyncset.done $0x0  }
0x1cc: {  	[sflag:s17] =	ssyncadd.s32 $0xFFFFFF80  }
0x1cd: {  	_ =	swait.ge [sflag:s17], $0x80  }
0x1ce: {  	[sflag:s17] =	ssyncset.done $0x0  }
0x1cf: {  	[sflag:s17] =	ssyncadd.s32 $0xFFFFFF80  }
0x1d0: {  	v2 =	vld [tilespmem:$0x7F00]  }
0x1d1: {  	v3 =	vld [tilespmem:$0x8000]  }
0x1d2: {  	v4 =	vld [tilespmem:$0x7F10]  }
0x1d3: {  	v5 =	vld [tilespmem:$0x8010]  }
0x1d4: {  	v6 =	vld [tilespmem:$0x7F20]  }
0x1d5: {  	v7 =	vld [tilespmem:$0x8020]  }
0x1d6: {  	v8 =	vld [tilespmem:$0x7F30]  }
0x1d7: {  	v9 =	vld [tilespmem:$0x8030]  }
0x1d8: {  	v10 =	vld [tilespmem:$0x7F40]  }
0x1d9: {  	v11 =	vld [tilespmem:$0x8040]  }
0x1da: {  	v15 =	vld [tilespmem:$0x7F70]  }
0x1db: {  	v58 =	vld [tilespmem:$0x8070];
	v2 =	vadd.f32 v3, v2  }
0x1dc: {  	v56 =	vld [tilespmem:$0x7F60];
	v4 =	vadd.f32 v5, v4  }
0x1dd: {  	v3 =	vld [tilespmem:$0x7F50];
	v12 =	vmul.f32 $2.000000030e-01, v2  }
0x1de: {  	v5 =	vld [tilespmem:$0x8050];
	v13 =	vmul.f32 $2.000000030e-01, v4  }
0x1df: {  	v14 =	vld [tilespmem:$0x8060];
	v6 =	vadd.f32 v7, v6;
	v2 =	vmax.f32 v2, v12  }
0x1e0: {  	v60 =	vadd.f32 v58, v15;
	v4 =	vmax.f32 v4, v13;
	v2 =	vmul.f32 $1.442695020e+00, v2  }
0x1e1: {  	v8 =	vadd.f32 v9, v8;
	v57 =	vmul.f32 $2.000000030e-01, v6;
	v4 =	vmul.f32 $1.442695020e+00, v4  }
0x1e2: {  	v63 =	vmul.f32 $2.000000030e-01, v60;
	(erf) = vpow2.f32 v2;
	v2 =	vadd.f32 v11, v10  }
0x1e3: {  	v3 =	vadd.f32 v5, v3;
	(erf) = vpow2.f32 v4;
	v4 =	vmul.f32 $2.000000030e-01, v8  }
0x1e4: {  	v6 =	vmax.f32 v6, v57;
	v5 =	vadd.f32 v14, v56;
	v59 =	vmul.f32 $2.000000030e-01, v2  }
0x1e5: {  	v6 =	vmul.f32 $1.442695020e+00, v6;
	v61 =	vmul.f32 $2.000000030e-01, v3;
	v4 =	vmax.f32 v8, v4  }
0x1e6: {  	v62 =	vmul.f32 $2.000000030e-01, v5;
	v4 =	vmul.f32 $1.442695020e+00, v4;
	v2 =	vmax.f32 v2, v59  }
0x1e7: {  	(erf) = vpow2.f32 v6;
	v3 =	vmax.f32 v3, v61;
	v2 =	vmul.f32 $1.442695020e+00, v2  }
0x1e8: {  	v3 =	vmul.f32 $1.442695020e+00, v3;
	(erf) = vpow2.f32 v4;
	v4 =	vmax.f32 v5, v62  }
0x1e9: {  	(erf) = vpow2.f32 v2;
	v2 =	vmul.f32 $1.442695020e+00, v4;
	v4 =	vmax.f32 v60, v63  }
0x1ea: {  	(erf) = vpow2.f32 v3;
	v3 =	vmul.f32 $1.442695020e+00, v4  }
0x1eb: {  	(erf) = vpow2.f32 v2  }
0x1ec: {  	(erf) = vpow2.f32 v3;
	_ =	sdelay $0x1  }
0x1ed: {  	v2 =	vpop (erf)  }
0x1ee: {  	v3 =	vpop (erf);
	[tilespmem:$0x8100] =	vst v2  }
0x1ef: {  	v2 =	vpop (erf);
	[tilespmem:$0x8110] =	vst v3  }
0x1f0: {  	[tilespmem:$0x8120] =	vst v2;
	v3 =	vpop (erf)  }
0x1f1: {  	v2 =	vpop (erf);
	[tilespmem:$0x8130] =	vst v3  }
0x1f2: {  	v3 =	vpop (erf);
	[tilespmem:$0x8140] =	vst v2  }
0x1f3: {  	s14 =	simm.s32 $0x0;
	v2 =	vpop (erf);
	[tilespmem:$0x8150] =	vst v3  }
0x1f4: {  	s3 =	sand.u32 $0x1C0, s14;
	[tilespmem:$0x8160] =	vst v2;
	v2 =	vpop (erf)  }
0x1f5: {  	s8 =	sshrl.u32 s3, $0x2;
	[tilespmem:$0x8170] =	vst v2  }
0x1f6: {  	v2 =	vld [tilespmem:s8+$0x8100];
	_ =	sdelay $0x1  }
0x1f7: {  	s3 =	simm.s32 $0x0  }
0x1f8: {  	s9 =	sand.u32 $0xC, s3  }
0x1f9: {  	v3 =	vmov s9  }
0x1fa: {  	v2 =	vperm.xlane v2, v3;
	_ =	sdelay $0x1  }
0x1fb: {  	v3 =	vmul.f32 v1, v2  }
0x1fc: {  	s13 =	simm.s32 $0x81A0  }
0x1fd: {  	s15 =	simm.s32 $0x4F60;
	[tilespmem:s13+$0xFFFFFFE0] =	vst v3  }
0x1fe: {  	v3 =	vld [tilespmem:s15+$0xFFFFFFC0]  }
0x1ff: {  	v4 =	vld [tilespmem:s15+$0xFFFFFFA0]  }
0x200: {  	v5 =	vld [tilespmem:s15+$0xFFFFFFB0];
	_ =	sdelay $0x2  }
0x201: {  	v3 =	vmul.f32 v3, v2  }
0x202: {  	v4 =	vmul.f32 v4, v2  }
0x203: {  	v2 =	vmul.f32 v5, v2;
	[tilespmem:s15+$0xFFFFFFC0] =	vst v3  }
0x204: {  	[tilespmem:s15+$0xFFFFFFA0] =	vst v4  }
0x205: {  	[tilespmem:s15+$0xFFFFFFB0] =	vst v2  }
0x206: {  	v2 =	vld [tilespmem:s8+$0x8100];
	_ =	sdelay $0x1  }
0x207: {  	s10 =	simm.s32 $0x1  }
0x208: {  	s10 =	sand.u32 $0xD, s10  }
0x209: {  	v3 =	vmov s10  }
0x20a: {  	v2 =	vperm.xlane v2, v3;
	_ =	sdelay $0x1  }
0x20b: {  	v3 =	vmul.f32 v1, v2;
	_ =	sdelay $0x1  }
0x20c: {  	[tilespmem:s13+$0xFFFFFFF0] =	vst v3  }
0x20d: {  	v3 =	vld [tilespmem:s15+$0xFFFFFFD0]  }
0x20e: {  	v4 =	vld [tilespmem:s15+$0xFFFFFFE0]  }
0x20f: {  	v5 =	vld [tilespmem:s15+$0xFFFFFFF0];
	_ =	sdelay $0x2  }
0x210: {  	v3 =	vmul.f32 v3, v2  }
0x211: {  	v4 =	vmul.f32 v4, v2  }
0x212: {  	v2 =	vmul.f32 v5, v2;
	[tilespmem:s15+$0xFFFFFFD0] =	vst v3  }
0x213: {  	[tilespmem:s15+$0xFFFFFFE0] =	vst v4  }
0x214: {  	[tilespmem:s15+$0xFFFFFFF0] =	vst v2  }
0x215: {  	v2 =	vld [tilespmem:s8+$0x8100];
	_ =	sdelay $0x1  }
0x216: {  	s22 =	simm.s32 $0x2  }
0x217: {  	s10 =	sand.u32 $0xE, s22  }
0x218: {  	v3 =	vmov s10  }
0x219: {  	v2 =	vperm.xlane v2, v3;
	_ =	sdelay $0x1  }
0x21a: {  	v3 =	vmul.f32 v1, v2;
	_ =	sdelay $0x1  }
0x21b: {  	[tilespmem:s13+$0x0] =	vst v3  }
0x21c: {  	v3 =	vld [tilespmem:s15+$0x0]  }
0x21d: {  	v4 =	vld [tilespmem:s15+$0x20]  }
0x21e: {  	v5 =	vld [tilespmem:s15+$0x10];
	_ =	sdelay $0x2  }
0x21f: {  	v3 =	vmul.f32 v3, v2  }
0x220: {  	v4 =	vmul.f32 v4, v2  }
0x221: {  	v2 =	vmul.f32 v5, v2;
	[tilespmem:s15+$0x0] =	vst v3  }
0x222: {  	[tilespmem:s15+$0x20] =	vst v4  }
0x223: {  	[tilespmem:s15+$0x10] =	vst v2  }
0x224: {  	v2 =	vld [tilespmem:s8+$0x8100];
	_ =	sdelay $0x2  }
0x225: {  	s23 =	simm.s32 $0x3  }
0x226: {  	v3 =	vmov s23  }
0x227: {  	v2 =	vperm.xlane v2, v3;
	_ =	sdelay $0x1  }
0x228: {  	v3 =	vmul.f32 v1, v2;
	_ =	sdelay $0x1  }
0x229: {  	[tilespmem:s13+$0x10] =	vst v3  }
0x22a: {  	s9 =	simm.s32 $0x4F60;
	s8 =	simm.s32 $0x81E0;
	v3 =	vld [tilespmem:s15+$0x30]  }
.LBB2_11:
0x22b: {  	s14 =	sadd.s32 $0x10, s14  }
0x22c: {  	v4 =	vld [tilespmem:s15+$0x40];
	s9 =	sadd.s32 $0xC0, s9;
	s10 =	smov.u32 s3;
	s3 =	sadd.s32 $0x4, s3  }
0x22d: {  	s12 =	sand.u32 $0xC, s3;
	p3 =	slt.u32 s3, $0x7C;
	v5 =	vld [tilespmem:s15+$0x50];
	_ =	sdelay $0x2  }
0x22e: {  	v3 =	vmul.f32 v3, v2  }
0x22f: {  	v4 =	vmul.f32 v4, v2  }
0x230: {  	[tilespmem:s15+$0x30] =	vst v3;
	v2 =	vmul.f32 v5, v2  }
0x231: {  	s11 =	sand.u32 $0x1C0, s14;
	[tilespmem:s15+$0x40] =	vst v4  }
0x232: {  	s11 =	sshrl.u32 s11, $0x2;
	[tilespmem:s15+$0x50] =	vst v2;
	s15 =	smov.u32 s9  }
0x233: {  	v2 =	vld [tilespmem:s11+$0x8100];
	_ =	sdelay $0x3  }
0x234: {  	v3 =	vmov s12  }
0x235: {  	v2 =	vperm.xlane v2, v3;
	_ =	sdelay $0x1  }
0x236: {  	v3 =	vmul.f32 v1, v2;
	_ =	sdelay $0x1  }
0x237: {  	[tilespmem:s8+$0xFFFFFFE0] =	vst v3  }
0x238: {  	v3 =	vld [tilespmem:s9+$0xFFFFFFC0]  }
0x239: {  	v4 =	vld [tilespmem:s9+$0xFFFFFFA0]  }
0x23a: {  	v5 =	vld [tilespmem:s9+$0xFFFFFFB0];
	_ =	sdelay $0x2  }
0x23b: {  	v3 =	vmul.f32 v3, v2  }
0x23c: {  	v4 =	vmul.f32 v4, v2  }
0x23d: {  	v2 =	vmul.f32 v5, v2;
	[tilespmem:s9+$0xFFFFFFC0] =	vst v3  }
0x23e: {  	[tilespmem:s9+$0xFFFFFFA0] =	vst v4  }
0x23f: {  	[tilespmem:s9+$0xFFFFFFB0] =	vst v2  }
0x240: {  	v2 =	vld [tilespmem:s11+$0x8100];
	_ =	sdelay $0x1  }
0x241: {  	s12 =	sadd.s32 $0x5, s10  }
0x242: {  	s12 =	sand.u32 $0xD, s12  }
0x243: {  	v3 =	vmov s12  }
0x244: {  	v2 =	vperm.xlane v2, v3;
	_ =	sdelay $0x1  }
0x245: {  	v3 =	vmul.f32 v1, v2;
	_ =	sdelay $0x1  }
0x246: {  	[tilespmem:s8+$0xFFFFFFF0] =	vst v3  }
0x247: {  	v3 =	vld [tilespmem:s9+$0xFFFFFFD0]  }
0x248: {  	v4 =	vld [tilespmem:s9+$0xFFFFFFE0]  }
0x249: {  	v5 =	vld [tilespmem:s9+$0xFFFFFFF0];
	_ =	sdelay $0x2  }
0x24a: {  	v3 =	vmul.f32 v3, v2  }
0x24b: {  	v4 =	vmul.f32 v4, v2  }
0x24c: {  	[tilespmem:s9+$0xFFFFFFD0] =	vst v3;
	v2 =	vmul.f32 v5, v2  }
0x24d: {  	[tilespmem:s9+$0xFFFFFFE0] =	vst v4  }
0x24e: {  	[tilespmem:s9+$0xFFFFFFF0] =	vst v2  }
0x24f: {  	v2 =	vld [tilespmem:s11+$0x8100];
	_ =	sdelay $0x1  }
0x250: {  	s12 =	sadd.s32 $0x6, s10  }
0x251: {  	s12 =	sand.u32 $0xE, s12  }
0x252: {  	v3 =	vmov s12  }
0x253: {  	v2 =	vperm.xlane v2, v3;
	_ =	sdelay $0x1  }
0x254: {  	v3 =	vmul.f32 v1, v2;
	_ =	sdelay $0x1  }
0x255: {  	[tilespmem:s8+$0x0] =	vst v3  }
0x256: {  	v3 =	vld [tilespmem:s9+$0x0]  }
0x257: {  	v4 =	vld [tilespmem:s9+$0x20]  }
0x258: {  	v5 =	vld [tilespmem:s9+$0x10];
	_ =	sdelay $0x2  }
0x259: {  	v3 =	vmul.f32 v3, v2  }
0x25a: {  	v4 =	vmul.f32 v4, v2  }
0x25b: {  	[tilespmem:s9+$0x0] =	vst v3;
	v2 =	vmul.f32 v5, v2  }
0x25c: {  	[tilespmem:s9+$0x20] =	vst v4  }
0x25d: {  	[tilespmem:s9+$0x10] =	vst v2  }
0x25e: {  	v2 =	vld [tilespmem:s11+$0x8100];
	_ =	sdelay $0x2  }
0x25f: {  	s10 =	sadd.s32 $0x7, s10  }
0x260: {  	v3 =	vmov s10  }
0x261: {  	v2 =	vperm.xlane v2, v3  }
.Ltmp7:
0x262: {  	(pc) =	sbr.rel @p3 .LBB2_11-.Ltmp7, $3  }
0x263: {  	v3 =	vmul.f32 v1, v2;
	_ =	sdelay $0x1  }
0x264: {  	[tilespmem:s8+$0x10] =	vst v3  }
0x265: {  	s8 =	sadd.s32 $0x40, s8;
	v3 =	vld [tilespmem:s9+$0x30]  }
0x266: {  	v4 =	vld [tilespmem:s15+$0x40]  }
0x267: {  	v5 =	vld [tilespmem:s15+$0x50];
	_ =	sdelay $0x2  }
0x268: {  	v3 =	vmul.f32 v3, v2  }
0x269: {  	v4 =	vmul.f32 v4, v2  }
0x26a: {  	v2 =	vmul.f32 v5, v2;
	[tilespmem:s15+$0x30] =	vst v3  }
0x26b: {  	[tilespmem:s15+$0x40] =	vst v4  }
0x26c: {  	s3 =	simm.s32 $0x4E80;
	[tilespmem:s15+$0x50] =	vst v2  }
0x26d: {  	[spmem:s1] =	stream.indirect.scatter.add.f32 [tilespmem:s26], [sflag:$0x5], $0x30, s3, s21, $0xb8;
	[tilespmem:$0x125C0] =	vst v63  }
0x26e: {  	_ =	swait.ge [sflag:s19], $0x1800  }
0x26f: {  	[sflag:s19] =	ssyncset.done $0x0  }
0x270: {  	[sflag:s19] =	ssyncadd.s32 $0xFFFFE800  }
0x271: {  	[spmem:s2] =	stream.indirect.scatter.add.f32 [tilespmem:s24], [sflag:$0x5], $0x10, s3, s21, $0xb8;
	[tilespmem:$0x125C0] =	vst v63  }
.Ltmp8:
0x272: {  	_ =	swait.ge [sflag:s19], $0x800;
	(pc) =	sbr.rel .LBB2_14-.Ltmp8, $3  }
0x273: {  	[sflag:s19] =	ssyncset.done $0x0  }
0x274: {  	[sflag:s19] =	ssyncadd.s32 $0xFFFFF800  }
0x275: {  	[bflag:$0x0] =	sbarrier.arrive $0xFFFF;
	_ =	sdelay $0x1  }
.LBB2_13:
.Ltmp9:
0x276: {  	(pc) =	sbr.rel @p2 .LBB2_15-.Ltmp9, $2  }
0x277: {  	_ =	sdelay $0x1  }
0x278: {  	[bflag:$0x0] =	sbarrier.arrive $0xFFFF;
	_ =	sdelay $0x1  }
.LBB2_14:
0x279: {  	s3 =	stileid.u32  }
0x27a: {  	s8 =	rddreg [dreg:$0xb];
	s3 =	sshll.u32 s3, $0x6  }
0x27b: {  	s9 =	rddreg [dreg:$0xf];
	s3 =	sor.u32 $0x1C05, s3  }
0x27c: {  	[hbm:s8], [sflag:s3] =	dma.local [spmem:s9], $0xEA0  }
0x27d: {  	_ =	swait.ge [sflag:s19], $0xEA0  }
0x27e: {  	[sflag:s19] =	ssyncset.done $0x0;
	s22 =	rddreg [dreg:$0xc]  }
.Ltmp10:
0x27f: {  	s23 =	rddreg [dreg:$0x10];
	[sflag:s19] =	ssyncadd.s32 $0xFFFFF160;
	(pc) =	sbr.rel .LBB2_16-.Ltmp10, $4  }
0x280: {  	[hbm:s22], [sflag:s3] =	dma.local [spmem:s23], $0x4E0  }
0x281: {  	_ =	swait.ge [sflag:s19], $0x4E0  }
0x282: {  	[sflag:s19] =	ssyncset.done $0x0  }
0x283: {  	[sflag:s19] =	ssyncadd.s32 $0xFFFFFB20  }
.LBB2_17:
0x284: {  	_ =	sfence.sel $0x180000  }
0x285: {  	[bflag:$0x0] =	sbarrier.arrive $0xFFFF  }
0x286: {  	_ =	strace $0x9000004A  }
0x287: {  	[bflag:$0x2] =	sbarrier.arrive $0xFFFF  }
0x288: {  	s0 =	rddreg [dreg:$0x4]  }
0x289: {  	s0 =	sadd.s32 @!p0 $0x100000, s0  }
0x28a: {  	[sflag:s0] =	ssyncadd.tile.s32 @!p0 $0x1;
	_ =	shalt  }
.Lfunc_end2:
_tile_overlayer_lowered:
.L_overlay_start_2:
0x28b: {  	(tag) =	ssettag $0x2  }
0x28c: {  	s0 =	rddreg [dreg:$0x0];
	s2 =	stileid.u32  }
0x28d: {  	s1 =	rddreg [dreg:$0x1];
	p0 =	sne.s32 s2, $0x0  }
0x28e: {  	s3 =	rddreg [dreg:$0x2];
	[bflag:$0x3] =	sbarrier.arrive $0xFFFF;
	s2 =	simm.s32 @!p0 $0x1C05  }
0x28f: {  	[timem:s3], [sflag:s2] =	dma.local @!p0 [hbm:s0], s1  }
0x290: {  	s0 =	simm.s32 @!p0 $0x5  }
0x291: {  	_ =	swait.ge @!p0 [sflag:s0], s1  }
0x292: {  	s1 =	ssub.s32 @!p0 $0x0, s1;
	[sflag:s0] =	ssyncset.done @!p0 $0x0  }
0x293: {  	[sflag:s0] =	ssyncadd.s32 @!p0 s1  }
0x294: {  	[bflag:$0x3] =	sbarrier.arrive $0xFFFF  }
0x295: {  	_ =	shalt  }

// kernel: kernel.7.cloned.1.call-start
scs
__scs_entry_jumppad:
0x0: {  	(pc) =	sbr.rel $0x88, $3  }
0x1: {  	(tag) =	ssettag $0x0;
	lr =	simm.s32 $0x1  }
0x2: {  	[smem:$0x3F97] =	sst lr;
	_ =	strace $0xD0000000  }
0x3: {  	_ = 	snop  }
0x4: {  	_ = 	snop  }
0x5: {  	_ = 	snop  }
0x6: {  	_ = 	snop  }
0x7: {  	_ = 	snop  }
__scs_overlays_trampoline_lowered:
0x8: {  	[smem:$0x3FA6] =	sst s0  }
0x9: {  	[smem:$0x3FA7] =	sst s1  }
0xa: {  	[smem:$0x3FA8] =	sst s2  }
0xb: {  	[smem:$0x3FA9] =	sst s3  }
0xc: {  	[smem:$0x3FAA] =	sst s4  }
0xd: {  	[smem:$0x3FAB] =	sst s5  }
0xe: {  	[smem:$0x3FAC] =	sst s6  }
0xf: {  	[smem:$0x3FAD] =	sst s7  }
0x10: {  	[smem:$0x3FAE] =	sst s8  }
0x11: {  	[smem:$0x3FAF] =	sst s9;
	s0 =	simm.s32 @!p0 $0x0  }
0x12: {  	s1 =	sld [smem:$0x3F95];
	s0 =	simm.s32 @p0 $0x1  }
0x13: {  	[smem:$0x3FB0] =	sst s0;
	s0 =	simm.s32 @!p1 $0x0  }
0x14: {  	s2 =	sld [smem:$0x3F94];
	s0 =	simm.s32 @p1 $0x1  }
0x15: {  	[smem:$0x3FB1] =	sst s0;
	s0 =	simm.s32 @!p2 $0x0  }
0x16: {  	s3 =	sld [smem:$0x3FDB];
	s0 =	simm.s32 @p2 $0x1  }
0x17: {  	s4 =	simm.s32 $0x1BF5;
	[smem:$0x3FB3] =	sst s0  }
0x18: {  	s0 =	sld [smem:$0x3F96];
	_ =	swait.ge [sflag:s4], $0x0  }
0x19: {  	s7 =	sld [smem:$0x3F97]  }
0x1a: {  	s8 =	sadd.s32 $0xFFFFE003, lr  }
0x1b: {  	s9 =	sadd.s32 $0xFFFFFEF7, lr;
	s5 =	simm.s32 $0xFFFFFFFF;
	p2 =	slt.u32 s8, $0xFFFFF086  }
0x1c: {  	p1 =	slt.u32 s9, $0xF7A;
	s5 =	simm.s32 @!p2 $0x0  }
0x1d: {  	s5 =	simm.s32 @p1 $0x1;
	p0 =	seq.s32 s7, s2  }
0x1e: {  	s7 =	smul.u32 @!p0 $0xF7A, s2;
	p2 =	seq.s32 @!p0 s5, $0x0  }
0x1f: {  	s9 =	smul.u32 $0xF7A, s1;
	s8 =	simm.s32 @!p0 $0x1BF5;
	p2 =	por !p2, p0  }
0x20: {  	[sflag:s8] =	ssyncset.s32 @!p0 $0xFFFFF086;
	s6 =	sadd.s32 @!p0 s3, s7;
	s7 =	simm.s32 @!p0 $0x108  }
0x21: {  	s3 =	sadd.s32 s3, s9;
	s6 =	sadd.s32 @!p0 $0x88, s6;
	s7 =	simm.s32 @p2 $0x1082  }
0x22: {  	[simem:s7], [sflag:s8] =	dma.local @!p0 [hbm:s6], $0xF7A  }
0x23: {  	s9 =	sor.u32 $0xD0000000, s2;
	s6 =	simm.s32 $0x108;
	_ =	swait.ge @!p0 [sflag:s8], $0x0  }
0x24: {  	s3 =	sadd.s32 $0x88, s3;
	s6 =	simm.s32 @!p1 $0x1082;
	[sflag:s4] =	ssyncset.s32 $0xFFFFF086  }
0x25: {  	[simem:s6], [sflag:s4] =	dma.local [hbm:s3], $0xF7A  }
0x26: {  	[smem:$0x3F97] =	sst s1;
	(tag) =	ssettag s2;
	_ =	strace s9  }
0x27: {  	s1 =	sld [smem:$0x3FA7]  }
0x28: {  	s2 =	sld [smem:$0x3FA8]  }
0x29: {  	s4 =	sld [smem:$0x3FAA]  }
0x2a: {  	p0 =	seq.s32 s5, $0x0;
	s5 =	sld [smem:$0x3FAB]  }
0x2b: {  	s6 =	sld [smem:$0x3FAC]  }
0x2c: {  	s7 =	sld [smem:$0x3FAD]  }
0x2d: {  	s3 =	simm.s32 $0x108;
	s8 =	sld [smem:$0x3FAE]  }
0x2e: {  	s3 =	simm.s32 @!p0 $0x1082;
	s9 =	sld [smem:$0x3FAF]  }
0x2f: {  	lr =	sadd.s32 s0, s3;
	s0 =	sld [smem:$0x3FA6]  }
0x30: {  	s3 =	sld [smem:$0x3FA9]  }
0x31: {  	[smem:$0x3FB2] =	sst s10  }
0x32: {  	s10 =	sld [smem:$0x3FB0];
	_ =	sdelay $0x3  }
0x33: {  	p0 =	seq.s32 s10, $0x1;
	s10 =	sld [smem:$0x3FB2];
	_ =	sdelay $0x3  }
0x34: {  	[smem:$0x3FB2] =	sst s10  }
0x35: {  	s10 =	sld [smem:$0x3FB1];
	_ =	sdelay $0x3  }
0x36: {  	p1 =	seq.s32 s10, $0x1;
	s10 =	sld [smem:$0x3FB2];
	_ =	sdelay $0x3  }
0x37: {  	[smem:$0x3FB2] =	sst s10  }
0x38: {  	s10 =	sld [smem:$0x3FB3]  }
0x39: {  	_ = 	snop;
	(pc) =	sbr.ind lr, $3  }
0x3a: {  	_ = 	snop  }
0x3b: {  	_ = 	snop  }
0x3c: {  	p2 =	seq.s32 s10, $0x1;
	s10 =	sld [smem:$0x3FB2]  }
0x3d: {  	_ =	shalt  }
0x3e: {  	_ =	shalt  }
0x3f: {  	_ =	shalt  }
0x40: {  	_ =	shalt  }
0x41: {  	_ =	shalt  }
0x42: {  	_ =	shalt  }
0x43: {  	_ =	shalt  }
0x44: {  	_ =	shalt  }
0x45: {  	_ =	shalt  }
0x46: {  	_ =	shalt  }
0x47: {  	_ =	shalt  }
0x48: {  	_ =	shalt  }
0x49: {  	_ =	shalt  }
0x4a: {  	_ =	shalt  }
0x4b: {  	_ =	shalt  }
0x4c: {  	_ =	shalt  }
0x4d: {  	_ =	shalt  }
0x4e: {  	_ =	shalt  }
0x4f: {  	_ =	shalt  }
0x50: {  	_ =	shalt  }
0x51: {  	_ =	shalt  }
0x52: {  	_ =	shalt  }
0x53: {  	_ =	shalt  }
0x54: {  	_ =	shalt  }
0x55: {  	_ =	shalt  }
0x56: {  	_ =	shalt  }
0x57: {  	_ =	shalt  }
0x58: {  	_ =	shalt  }
0x59: {  	_ =	shalt  }
0x5a: {  	_ =	shalt  }
0x5b: {  	_ =	shalt  }
0x5c: {  	_ =	shalt  }
0x5d: {  	_ =	shalt  }
0x5e: {  	_ =	shalt  }
0x5f: {  	_ =	shalt  }
0x60: {  	_ =	shalt  }
0x61: {  	_ =	shalt  }
0x62: {  	_ =	shalt  }
0x63: {  	_ =	shalt  }
0x64: {  	_ =	shalt  }
0x65: {  	_ =	shalt  }
0x66: {  	_ =	shalt  }
0x67: {  	_ =	shalt  }
0x68: {  	_ =	shalt  }
0x69: {  	_ =	shalt  }
0x6a: {  	_ =	shalt  }
0x6b: {  	_ =	shalt  }
0x6c: {  	_ =	shalt  }
0x6d: {  	_ =	shalt  }
0x6e: {  	_ =	shalt  }
0x6f: {  	_ =	shalt  }
0x70: {  	_ =	shalt  }
0x71: {  	_ =	shalt  }
0x72: {  	_ =	shalt  }
0x73: {  	_ =	shalt  }
0x74: {  	_ =	shalt  }
0x75: {  	_ =	shalt  }
0x76: {  	_ =	shalt  }
0x77: {  	_ =	shalt  }
0x78: {  	_ =	shalt  }
0x79: {  	_ =	shalt  }
0x7a: {  	_ =	shalt  }
0x7b: {  	_ =	shalt  }
0x7c: {  	_ =	shalt  }
0x7d: {  	_ =	shalt  }
0x7e: {  	_ =	shalt  }
0x7f: {  	_ =	shalt  }
0x80: {  	_ =	shalt  }
0x81: {  	_ =	shalt  }
0x82: {  	_ =	shalt  }
0x83: {  	_ =	shalt  }
0x84: {  	_ =	shalt  }
0x85: {  	_ =	shalt  }
0x86: {  	_ =	shalt  }
0x87: {  	_ =	shalt  }
.Lfunc_end0:
.L_simem_size_0:
called_computation_lowered:
.L_overlay_start_0:
0x88: {  	s2 =	sld [smem:$0x3FD9]  }
0x89: {  	s3 =	sld [smem:$0x3FFE];
	_ =	sdelay $0x1  }
0x8a: {  	s1 =	srdreg.scid  }
0x8b: {  	s0 =	sand.u32 $0x1, s1  }
0x8c: {  	s17 =	sshll.u32 s0, $0xA;
	s2 =	sadd.s32 s3, s2  }
0x8d: {  	s2 =	sadd.s32 s2, s17  }
0x8e: {  	[smem:$0x3FBE] =	sst s2  }
0x8f: {  	_ = 	snop  }
0x90: {  	s2 =	sld [smem:$0x3FD0];
	(tm) =	ssettm $0x1  }
0x91: {  	s18 =	sld [smem:$0x3FFB];
	_ =	sdelay $0x3  }
0x92: {  	_ =	strace s18  }
0x93: {  	s3 =	sld [smem:$0x3FFC];
	_ =	sdelay $0x3  }
0x94: {  	_ =	strace s3  }
0x95: {  	s3 =	sld [smem:$0x3FFD];
	_ =	sdelay $0x3  }
0x96: {  	_ =	strace s3  }
0x97: {  	_ =	strace $0x8FFFFFFF  }
0x98: {  	s19 =	sld [smem:$0x3FDB];
	_ =	sdelay $0x1  }
0x99: {  	s4 =	simm.s32 $_scs_section_size  }
0x9a: {  	s5 =	simm.s32 $_size__tile_overlayer_lowered;
	s6 =	simm.s32 $_tile_overlayer_lowered  }
0x9b: {  	s22 =	simm.s32 $0x1BFF;
	s21 =	sshll.u32 s6, $0x1;
	s3 =	sadd.s32 s4, s19  }
0x9c: {  	s7 =	simm.s32 $0x0;
	s20 =	sshll.u32 s5, $0x1;
	s5 =	sadd.s32 s21, s3  }
0x9d: {  	[timem:s7], [sflag:s22] =	dma.local [hbm:s5], s20  }
0x9e: {  	_ =	swait.ge [sflag:s22], s20  }
0x9f: {  	s4 =	ssub.s32 $0x0, s20;
	[sflag:s22] =	ssyncset.done $0x0  }
0xa0: {  	[sflag:s22] =	ssyncadd.s32 s4;
	_ =	sdelay $0x1  }
0xa1: {  	s23 =	simm.s32 $0x1B8B  }
0xa2: {  	_ =	swait.ge [sflag:s23], $0x1  }
0xa3: {  	[sflag:s23] =	ssyncset.done $0x0  }
0xa4: {  	s25 =	simm.s32 $0x1B8E;
	s24 =	sld [smem:$0x3FFE];
	[sflag:s23] =	ssyncadd.s32 $0xFFFFFFFF  }
0xa5: {  	s26 =	simm.s32 $execute0_lowered;
	[smem:$0x3FD2] =	sst s25  }
0xa6: {  	s5 =	sshll.u32 s26, $0x1;
	_ =	strace $0x80000046;
	[dreg:$0x1] =	wrdreg $0xFFFFFFFF  }
0xa7: {  	s28 =	simm.s32 $_size_execute0_lowered;
	s3 =	sadd.s32 s3, s5;
	[dreg:$0x0] =	wrdreg $0x0  }
0xa8: {  	s5 =	sshll.u32 s28, $0x1;
	[dreg:$0x2] =	wrdreg s3  }
0xa9: {  	[dreg:$0x3] =	wrdreg s5  }
0xaa: {  	[dreg:$0x4] =	wrdreg $0xC0  }
0xab: {  	_ =	task [dreg:s7], $0x5FFFF  }
0xac: {  	[dreg:$0x1] =	wrdreg $0xFFFFFFFF  }
0xad: {  	[dreg:$0x0] =	wrdreg $0x60  }
0xae: {  	[dreg:$0x2] =	wrdreg s24  }
0xaf: {  	[dreg:$0x3] =	wrdreg s2  }
0xb0: {  	[dreg:$0x4] =	wrdreg $0x82A00  }
0xb1: {  	[dreg:$0x5] =	wrdreg $0x1BB200  }
0xb2: {  	[dreg:$0x6] =	wrdreg $0x9  }
0xb3: {  	_ =	task.clear_ibuf [dreg:s7], $0x7FFFF;
	_ =	strace $0x90000046  }
0xb4: {  	s29 =	simm.s32 $0x9;
	_ =	strace $0x80000048  }
0xb5: {  	_ =	swait.ge [sflag:s29], $0x1  }
0xb6: {  	[sflag:s29] =	ssyncadd.s32 $0xFFFFFFFF  }
0xb7: {  	_ =	strace $0x90000048  }
0xb8: {  	_ =	sfence  }
0xb9: {  	s30 =	sld [smem:$0x0];
	_ =	sdelay $0x2  }
0xba: {  	s31 =	sshll.u32 s1, $0xD;
	s1 =	sshrl.u32 s1, $0x2  }
0xbb: {  	s3 =	sand.u32 $0x4000, s31;
	s1 =	sadd.s32 s1, s30  }
0xbc: {  	s0 =	sor.u32 s3, s0;
	s1 =	sshll.u32 s1, $0x11  }
0xbd: {  	s0 =	sor.u32 s1, s0  }
0xbe: {  	s0 =	sadd.s32 $0x8F2B, s0  }
0xbf: {  	[sflag:s0] =	ssyncadd.remote.s32 $0x1  }
0xc0: {  	_ =	sfence.sel $0xFFFF  }
0xc1: {  	[dreg:$0x0] =	wrdreg $0xFFFFFFFF;
	(pc) =	sbr.abs _section_cstart, $3  }
0xc2: {  	[dreg:$0x1] =	wrdreg $0xFFFFFFFF  }
0xc3: {  	_ =	task.clear_ibuf [dreg:s7], $0x2FFFF;
	_ =	strace $0x9FFFFFFF  }
0xc4: {  	(tm) =	ssettm $0x7FFFFFFF  }
0xc5: {  	_ =	shalt  }
tec
execute0_lowered:
.L_overlay_start_1:
0x0: {  	(tag) =	ssettag $0x1  }
0x1: {  	s0 =	rddreg [dreg:$0x0]  }
0x2: {  	s4 =	rddreg [dreg:$0x1]  }
0x3: {  	s1 =	rddreg [dreg:$0x2]  }
0x4: {  	s2 =	rddreg [dreg:$0x3];
	s5 =	srdreg.scid;
	s3 =	simm.s32 $0x0  }
0x5: {  	s18 =	stileid.u32;
	s28 =	simm.s32 $0x6220;
	s29 =	simm.s32 $0x78A0  }
0x6: {  	s30 =	simm.s32 $0x7DA0;
	s31 =	simm.s32 $0x1;
	s8 =	sand.u32 $0x1, s5  }
0x7: {  	[smem:$0x7FF] =	sst s3;
	s7 =	sadd.s32 $0x400, s0;
	s12 =	sadd.s32 $0x19200, s0  }
0x8: {  	s17 =	smul.u32 $0x13800, s18;
	s13 =	sadd.s32 $0x14200, s0;
	s14 =	sadd.s32 $0x40400, s0  }
0x9: {  	s16 =	smul.u32 $0x2700, s18;
	p0 =	sne.s32 s18, $0x0;
	p1 =	seq.s32 s18, $0xF  }
0xa: {  	s5 =	sshll.u32 s8, $0x4;
	_ =	strace $0x80000047;
	[dreg:$0x5] =	wrdreg s12  }
0xb: {  	s10 =	smul.u32 $0x138800, s8;
	[dreg:$0x6] =	wrdreg s13;
	s19 =	ssub.s32 $0x2, s8  }
0xc: {  	s8 =	smul.u32 $0x27100, s8;
	s6 =	sor.u32 s18, s5;
	s5 =	sadd.s32 $0x138C00, s0  }
0xd: {  	s15 =	sshrl.u32 s19, $0x1;
	s9 =	smul.u32 $0x4E2, s6;
	s6 =	sadd.s32 $0x5400, s0  }
0xe: {  	s13 =	ssub.s32 s19, s15;
	s20 =	sadd.s32 s17, s10;
	s22 =	sadd.s32 s16, s8  }
0xf: {  	s25 =	sshrl.u32 s10, $0x3;
	s10 =	sadd.s32 s16, s2;
	s8 =	sshrl.u32 s8, $0x3  }
0x10: {  	s19 =	simm.s32 $0x28;
	s21 =	sshrl.u32 s20, $0x3;
	s24 =	sshrl.u32 s22, $0x3  }
0x11: {  	s26 =	smax.u32 s13, $0x1;
	s20 =	simm.s32 $0x4E20;
	s11 =	sadd.s32 s9, s0  }
0x12: {  	s0 =	sadd.s32 $0x8E600, s0;
	s4 =	sadd.s32 s4, s9;
	s23 =	sadd.s32 s14, s21  }
0x13: {  	s9 =	sadd.s32 s17, s1;
	[dreg:$0xd] =	wrdreg s26;
	s17 =	simm.s32 $0x5  }
0x14: {  	s21 =	simm.s32 $0x8020;
	s26 =	simm.s32 $0x2;
	[dreg:$0x8] =	wrdreg s4  }
0x15: {  	s11 =	sadd.s32 $0xA400, s11;
	[dreg:$0x9] =	wrdreg s23;
	s4 =	sadd.s32 s0, s24  }
0x16: {  	s0 =	sadd.s32 s0, s8;
	s24 =	sshrl.u32 @!p1 s9, $0x3;
	[dreg:$0x7] =	wrdreg s11  }
0x17: {  	[dreg:$0xa] =	wrdreg s4;
	s4 =	sadd.s32 s14, s25;
	s0 =	sadd.s32 $0x4920, s0  }
0x18: {  	s8 =	simm.s32 $0x0;
	s4 =	sadd.s32 $0x24900, s4;
	[dreg:$0xc] =	wrdreg s0  }
0x19: {  	v0 =	vimm.s32 $0x0;
	v1 =	vimm.s32 $0x1;
	s0 =	sadd.s32 $0x24900, s2;
	[dreg:$0xb] =	wrdreg s4;
	s4 =	sadd.s32 $0x124800, s1  }
0x1a: {  	v2 =	vimm.s32 $0x2;
	v3 =	vimm.s32 $0x3;
	v4 =	vimm.s32 $0x4;
	s25 =	sshrl.u32 @!p1 s10, $0x3;
	s23 =	sshrl.u32 @p1 s0, $0x3;
	s4 =	sshrl.u32 @p1 s4, $0x3  }
0x1b: {  	v5 =	vimm.s32 $0x5;
	v6 =	vimm.s32 $0x6;
	v7 =	vimm.s32 $0x7;
	s0 =	simm.s32 $0x3;
	[dreg:$0xe] =	wrdreg s4;
	s4 =	simm.s32 $0x4  }
.LBB2_1:
0x1c: {  	s9 =	sshrl.u32 @!p0 s1, $0x3;
	s10 =	simm.s32 @!p0 $0x1C05;
	s11 =	rddreg [dreg:$0x5]  }
0x1d: {  	[spmem:s9], [sflag:s10] =	dma.local @!p0 [hbm:s11], $0x27100  }
0x1e: {  	s9 =	simm.s32 @!p0 $0x5  }
0x1f: {  	_ =	swait.ge @!p0 [sflag:s9], $0x27100  }
0x20: {  	[sflag:s9] =	ssyncset.done @!p0 $0x0  }
0x21: {  	s11 =	sshrl.u32 @!p0 s2, $0x3;
	s12 =	rddreg [dreg:$0x6];
	[sflag:s9] =	ssyncadd.s32 @!p0 $0xFFFD8F00  }
0x22: {  	[spmem:s11], [sflag:s10] =	dma.local @!p0 [hbm:s12], $0x4E20  }
0x23: {  	_ =	swait.ge @!p0 [sflag:s9], $0x4E20  }
0x24: {  	[sflag:s9] =	ssyncset.done @!p0 $0x0  }
0x25: {  	[sflag:s9] =	ssyncadd.s32 @!p0 $0xFFFFB1E0  }
0x26: {  	[bflag:$0x0] =	sbarrier.arrive $0xFFFF  }
0x27: {  	s14 =	rddreg [dreg:$0x7]  }
0x28: {  	[tilespmem:s3], [sflag:$0x5] =	stream.linear.gather [hbm4b:s14+s3], $0x2710, $0x38;
	[tilespmem:$0x1E230] =	vst v63  }
0x29: {  	_ =	swait.ge [sflag:s17], $0x2710  }
0x2a: {  	[sflag:s17] =	ssyncset.done $0x0  }
0x2b: {  	s16 =	simm.s32 $0x2710;
	s15 =	rddreg [dreg:$0x8];
	[sflag:s17] =	ssyncadd.s32 $0xFFFFD8F0  }
0x2c: {  	[tilespmem:s16], [sflag:$0x5] =	stream.linear.gather [hbm4b:s15+s3], $0x2710, $0x38;
	[tilespmem:$0x1E230] =	vst v63  }
0x2d: {  	_ =	swait.ge [sflag:s17], $0x2710  }
0x2e: {  	[sflag:s17] =	ssyncset.done $0x0  }
0x2f: {  	[sflag:s17] =	ssyncadd.s32 $0xFFFFD8F0  }
0x30: {  	[tilespmem:s20], [sflag:$0x1] =	stream.indirect.gather [hbm4b:s5+s19], $0x80, s3, s19, $0xb8;
	[tilespmem:$0x1E230] =	vst v63  }
0x31: {  	s18 =	simm.s32 $0x7620  }
0x32: {  	[tilespmem:s18], [sflag:$0x3] =	stream.indirect.gather [hbm4b:s6+s19], $0x10, s3, s19, $0xb8;
	[tilespmem:$0x1E230] =	vst v63  }
0x33: {  	s22 =	simm.s32 $0x7B20;
	s9 =	simm.s32 $0x0  }
0x34: {  	[tilespmem:s22], [sflag:$0x3] =	stream.indirect.gather [hbm4b:s7+s19], $0x10, s16, s19, $0xb8;
	[tilespmem:$0x1E230] =	vst v63  }
.LBB2_2:
0x35: {  	s18 =	smul.u32 $0x50, s9;
	_ =	sdelay $0x1  }
0x36: {  	s10 =	sadd.s32 $0x28, s18  }
0x37: {  	[tilespmem:s28], [sflag:$0x2] =	stream.indirect.gather [hbm4b:s5+s19], $0x80, s10, s19, $0xb8;
	[tilespmem:$0x1E230] =	vst v63  }
0x38: {  	_ = 	snop  }
0x39: {  	[tilespmem:s29], [sflag:$0x4] =	stream.indirect.gather [hbm4b:s6+s19], $0x10, s10, s19, $0xb8;
	[tilespmem:$0x1E230] =	vst v63  }
0x3a: {  	s10 =	sadd.s32 $0x2738, s18  }
0x3b: {  	[tilespmem:s30], [sflag:$0x4] =	stream.indirect.gather [hbm4b:s7+s19], $0x10, s10, s19, $0xb8;
	[tilespmem:$0x1E230] =	vst v63  }
0x3c: {  	_ =	swait.ge [sflag:s31], $0x1400  }
0x3d: {  	[sflag:s31] =	ssyncset.done $0x0  }
0x3e: {  	[sflag:s31] =	ssyncadd.s32 $0xFFFFEC00  }
0x3f: {  	_ =	swait.ge [sflag:s0], $0x280  }
0x40: {  	[sflag:s0] =	ssyncset.done $0x0  }
0x41: {  	[sflag:s0] =	ssyncadd.s32 $0xFFFFFD80  }
0x42: {  	_ =	swait.ge [sflag:s0], $0x280  }
0x43: {  	[sflag:s0] =	ssyncset.done $0x0  }
0x44: {  	s12 =	simm.s32 $0x7B40;
	[sflag:s0] =	ssyncadd.s32 $0xFFFFFD80  }
0x45: {  	s14 =	simm.s32 $0x7640;
	v8 =	vld [tilespmem:s12+$0xFFFFFFE0]  }
0x46: {  	v9 =	vld [tilespmem:s14+$0xFFFFFFE0];
	_ =	sdelay $0x4  }
0x47: {  	v8 =	vadd.f32 v8, v9;
	_ =	sdelay $0x1  }
0x48: {  	v9 =	vmul.f32 $2.000000030e-01, v8;
	_ =	sdelay $0x1  }
0x49: {  	v8 =	vmax.f32 v8, v9  }
0x4a: {  	v8 =	vmul.f32 $1.442695020e+00, v8;
	_ =	sdelay $0x1  }
0x4b: {  	(erf) = vpow2.f32 v8;
	_ =	sdelay $0x8  }
0x4c: {  	s13 =	simm.s32 $0x8040;
	v8 =	vpop (erf)  }
0x4d: {  	s11 =	simm.s32 $0x4F20;
	[tilespmem:s13+$0xFFFFFFE0] =	vst v8  }
0x4e: {  	v9 =	vld [tilespmem:s11+$0xFFFFFF70]  }
0x4f: {  	v10 =	vld [tilespmem:s11+$0xFFFFFF20]  }
0x50: {  	v11 =	vld [tilespmem:s11+$0xFFFFFF40]  }
0x51: {  	v13 =	vperm.xlane v8, v7;
	v12 =	vld [tilespmem:s11+$0xFFFFFF30]  }
0x52: {  	v14 =	vperm.xlane v8, v2;
	v15 =	vld [tilespmem:s11+$0xFFFFFF60]  }
0x53: {  	v16 =	vperm.xlane v8, v4;
	v40 =	vld [tilespmem:s11+$0xFFFFFF00];
	v9 =	vmul.f32 v9, v13  }
0x54: {  	v41 =	vperm.xlane v8, v3;
	v17 =	vld [tilespmem:s11+$0xFFFFFF50];
	v10 =	vmul.f32 v10, v14  }
0x55: {  	v42 =	vperm.xlane v8, v6;
	v18 =	vld [tilespmem:s11+$0xFFFFFF10];
	v11 =	vmul.f32 v11, v16;
	[tilespmem:s11+$0xFFFFFF70] =	vst v9  }
0x56: {  	[tilespmem:s11+$0xFFFFFF20] =	vst v10;
	v9 =	vmul.f32 v12, v41;
	v10 =	vperm.xlane v8, v0  }
0x57: {  	v43 =	vmul.f32 v15, v42;
	[tilespmem:s11+$0xFFFFFF40] =	vst v11;
	v11 =	vperm.xlane v8, v5  }
0x58: {  	v8 =	vperm.xlane v8, v1;
	[tilespmem:s11+$0xFFFFFF30] =	vst v9;
	v9 =	vmul.f32 v40, v10  }
0x59: {  	[tilespmem:s11+$0xFFFFFF60] =	vst v43;
	v10 =	vmul.f32 v17, v11  }
0x5a: {  	v8 =	vmul.f32 v18, v8;
	[tilespmem:s11+$0xFFFFFF00] =	vst v9  }
0x5b: {  	[tilespmem:s11+$0xFFFFFF50] =	vst v10  }
0x5c: {  	[tilespmem:s11+$0xFFFFFF10] =	vst v8  }
0x5d: {  	v8 =	vld [tilespmem:s14+$0xFFFFFFF0]  }
0x5e: {  	v9 =	vld [tilespmem:s12+$0xFFFFFFF0];
	_ =	sdelay $0x4  }
0x5f: {  	v8 =	vadd.f32 v9, v8;
	_ =	sdelay $0x1  }
0x60: {  	v9 =	vmul.f32 $2.000000030e-01, v8;
	_ =	sdelay $0x1  }
0x61: {  	v8 =	vmax.f32 v8, v9  }
0x62: {  	v8 =	vmul.f32 $1.442695020e+00, v8;
	_ =	sdelay $0x1  }
0x63: {  	(erf) = vpow2.f32 v8;
	_ =	sdelay $0x8  }
0x64: {  	v8 =	vpop (erf)  }
0x65: {  	[tilespmem:s13+$0xFFFFFFF0] =	vst v8  }
0x66: {  	v9 =	vld [tilespmem:s11+$0xFFFFFFD0]  }
0x67: {  	v10 =	vld [tilespmem:s11+$0xFFFFFFE0]  }
0x68: {  	v45 =	vld [tilespmem:s11+$0xFFFFFFB0]  }
0x69: {  	v44 =	vperm.xlane v8, v5;
	v11 =	vld [tilespmem:s11+$0xFFFFFFF0]  }
0x6a: {  	v46 =	vperm.xlane v8, v6;
	v47 =	vld [tilespmem:s11+$0xFFFFFFC0]  }
0x6b: {  	v50 =	vperm.xlane v8, v3;
	v49 =	vld [tilespmem:s11+$0xFFFFFF90];
	v9 =	vmul.f32 v9, v44  }
0x6c: {  	v48 =	vperm.xlane v8, v7;
	v51 =	vld [tilespmem:s11+$0xFFFFFFA0];
	v10 =	vmul.f32 v10, v46  }
0x6d: {  	v52 =	vperm.xlane v8, v4;
	v19 =	vld [tilespmem:s11+$0xFFFFFF80];
	v12 =	vmul.f32 v45, v50;
	[tilespmem:s11+$0xFFFFFFD0] =	vst v9  }
0x6e: {  	v9 =	vmul.f32 v11, v48;
	v11 =	vperm.xlane v8, v1;
	[tilespmem:s11+$0xFFFFFFE0] =	vst v10  }
0x6f: {  	v53 =	vmul.f32 v47, v52;
	v10 =	vperm.xlane v8, v2;
	[tilespmem:s11+$0xFFFFFFB0] =	vst v12  }
0x70: {  	v8 =	vperm.xlane v8, v0;
	[tilespmem:s11+$0xFFFFFFF0] =	vst v9;
	v9 =	vmul.f32 v49, v11  }
0x71: {  	[tilespmem:s11+$0xFFFFFFC0] =	vst v53;
	v10 =	vmul.f32 v51, v10  }
0x72: {  	v8 =	vmul.f32 v19, v8;
	[tilespmem:s11+$0xFFFFFF90] =	vst v9  }
0x73: {  	[tilespmem:s11+$0xFFFFFFA0] =	vst v10  }
0x74: {  	[tilespmem:s11+$0xFFFFFF80] =	vst v8  }
0x75: {  	v8 =	vld [tilespmem:s14+$0x0]  }
0x76: {  	v9 =	vld [tilespmem:s12+$0x0];
	_ =	sdelay $0x4  }
0x77: {  	v8 =	vadd.f32 v9, v8;
	_ =	sdelay $0x1  }
0x78: {  	v9 =	vmul.f32 $2.000000030e-01, v8;
	_ =	sdelay $0x1  }
0x79: {  	v8 =	vmax.f32 v8, v9  }
0x7a: {  	v8 =	vmul.f32 $1.442695020e+00, v8;
	_ =	sdelay $0x1  }
0x7b: {  	(erf) = vpow2.f32 v8;
	_ =	sdelay $0x8  }
0x7c: {  	v8 =	vpop (erf)  }
0x7d: {  	[tilespmem:s13+$0x0] =	vst v8  }
0x7e: {  	v9 =	vld [tilespmem:s11+$0x60]  }
0x7f: {  	v10 =	vld [tilespmem:s11+$0x70]  }
0x80: {  	v54 =	vld [tilespmem:s11+$0x50]  }
0x81: {  	v55 =	vperm.xlane v8, v6;
	v11 =	vld [tilespmem:s11+$0x40]  }
0x82: {  	v56 =	vperm.xlane v8, v7;
	v57 =	vld [tilespmem:s11+$0x30]  }
0x83: {  	v61 =	vperm.xlane v8, v5;
	v59 =	vld [tilespmem:s11+$0x10];
	v9 =	vmul.f32 v9, v55  }
0x84: {  	v58 =	vperm.xlane v8, v4;
	v60 =	vld [tilespmem:s11+$0x0];
	v10 =	vmul.f32 v10, v56  }
0x85: {  	v62 =	vperm.xlane v8, v3;
	v63 =	vld [tilespmem:s11+$0x20];
	v12 =	vmul.f32 v54, v61;
	[tilespmem:s11+$0x60] =	vst v9  }
0x86: {  	v9 =	vmul.f32 v11, v58;
	v11 =	vperm.xlane v8, v1;
	[tilespmem:s11+$0x70] =	vst v10  }
0x87: {  	v14 =	vmul.f32 v57, v62;
	v10 =	vperm.xlane v8, v0;
	[tilespmem:s11+$0x50] =	vst v12  }
0x88: {  	v8 =	vperm.xlane v8, v2;
	[tilespmem:s11+$0x40] =	vst v9;
	v9 =	vmul.f32 v59, v11  }
0x89: {  	[tilespmem:s11+$0x30] =	vst v14;
	v10 =	vmul.f32 v60, v10  }
0x8a: {  	v8 =	vmul.f32 v63, v8;
	[tilespmem:s11+$0x10] =	vst v9  }
0x8b: {  	[tilespmem:s11+$0x0] =	vst v10  }
0x8c: {  	[tilespmem:s11+$0x20] =	vst v8  }
0x8d: {  	s15 =	simm.s32 $0x0;
	v8 =	vld [tilespmem:s14+$0x10]  }
0x8e: {  	s16 =	simm.s32 $0x7680;
	s22 =	simm.s32 $0x5120;
	v9 =	vld [tilespmem:s12+$0x10];
	s14 =	simm.s32 $0x8040  }
.LBB2_3:
0x8f: {  	s15 =	sadd.s32 $0x4, s15;
	s13 =	sadd.s32 $0x40, s13;
	s12 =	sadd.s32 $0x40, s12  }
0x90: {  	p2 =	slt.u32 s15, $0x24;
	_ =	sdelay $0x2  }
0x91: {  	v8 =	vadd.f32 v9, v8;
	_ =	sdelay $0x1  }
0x92: {  	v9 =	vmul.f32 $2.000000030e-01, v8;
	_ =	sdelay $0x1  }
0x93: {  	v8 =	vmax.f32 v8, v9  }
0x94: {  	v8 =	vmul.f32 $1.442695020e+00, v8;
	_ =	sdelay $0x1  }
0x95: {  	(erf) = vpow2.f32 v8;
	_ =	sdelay $0x8  }
0x96: {  	v8 =	vpop (erf)  }
0x97: {  	[tilespmem:s14+$0x10] =	vst v8;
	s14 =	smov.u32 s13  }
0x98: {  	v9 =	vld [tilespmem:s11+$0x80]  }
0x99: {  	v10 =	vld [tilespmem:s11+$0x90]  }
0x9a: {  	v11 =	vld [tilespmem:s11+$0xA0]  }
0x9b: {  	v12 =	vperm.xlane v8, v0;
	v13 =	vld [tilespmem:s11+$0xB0]  }
0x9c: {  	v14 =	vperm.xlane v8, v1;
	v15 =	vld [tilespmem:s11+$0xC0]  }
0x9d: {  	v9 =	vmul.f32 v9, v12;
	v12 =	vperm.xlane v8, v2;
	v16 =	vld [tilespmem:s11+$0xD0]  }
0x9e: {  	v10 =	vmul.f32 v10, v14;
	v14 =	vperm.xlane v8, v3;
	v17 =	vld [tilespmem:s11+$0xE0]  }
0x9f: {  	[tilespmem:s11+$0x80] =	vst v9;
	v9 =	vmul.f32 v11, v12;
	v11 =	vperm.xlane v8, v4;
	v12 =	vld [tilespmem:s11+$0xF0]  }
0xa0: {  	[tilespmem:s11+$0x90] =	vst v10;
	v10 =	vmul.f32 v13, v14;
	v13 =	vperm.xlane v8, v5  }
0xa1: {  	[tilespmem:s11+$0xA0] =	vst v9;
	v9 =	vmul.f32 v15, v11;
	v11 =	vperm.xlane v8, v6  }
0xa2: {  	v8 =	vperm.xlane v8, v7;
	[tilespmem:s11+$0xB0] =	vst v10;
	v10 =	vmul.f32 v16, v13  }
0xa3: {  	[tilespmem:s11+$0xC0] =	vst v9;
	v9 =	vmul.f32 v17, v11  }
0xa4: {  	[tilespmem:s11+$0xD0] =	vst v10;
	v8 =	vmul.f32 v12, v8  }
0xa5: {  	[tilespmem:s11+$0xE0] =	vst v9  }
0xa6: {  	[tilespmem:s11+$0xF0] =	vst v8;
	s11 =	smov.u32 s22;
	_ =	sdelay $0x1  }
0xa7: {  	v8 =	vld [tilespmem:s12+$0xFFFFFFE0]  }
0xa8: {  	v9 =	vld [tilespmem:s16+$0xFFFFFFE0];
	_ =	sdelay $0x4  }
0xa9: {  	v8 =	vadd.f32 v8, v9;
	_ =	sdelay $0x1  }
0xaa: {  	v9 =	vmul.f32 $2.000000030e-01, v8;
	_ =	sdelay $0x1  }
0xab: {  	v8 =	vmax.f32 v8, v9  }
0xac: {  	v8 =	vmul.f32 $1.442695020e+00, v8;
	_ =	sdelay $0x1  }
0xad: {  	(erf) = vpow2.f32 v8;
	_ =	sdelay $0x8  }
0xae: {  	v8 =	vpop (erf)  }
0xaf: {  	[tilespmem:s13+$0xFFFFFFE0] =	vst v8  }
0xb0: {  	v9 =	vld [tilespmem:s22+$0xFFFFFF70]  }
0xb1: {  	v10 =	vld [tilespmem:s22+$0xFFFFFF20]  }
0xb2: {  	v11 =	vld [tilespmem:s22+$0xFFFFFF40]  }
0xb3: {  	v13 =	vperm.xlane v8, v7;
	v12 =	vld [tilespmem:s22+$0xFFFFFF30]  }
0xb4: {  	v14 =	vperm.xlane v8, v2;
	v15 =	vld [tilespmem:s22+$0xFFFFFF60]  }
0xb5: {  	v17 =	vperm.xlane v8, v4;
	v16 =	vld [tilespmem:s22+$0xFFFFFF10];
	v9 =	vmul.f32 v9, v13  }
0xb6: {  	v13 =	vld [tilespmem:s22+$0xFFFFFF00];
	v10 =	vmul.f32 v10, v14;
	v14 =	vperm.xlane v8, v3  }
0xb7: {  	v18 =	vperm.xlane v8, v6;
	v11 =	vmul.f32 v11, v17;
	v17 =	vld [tilespmem:s22+$0xFFFFFF50];
	[tilespmem:s22+$0xFFFFFF70] =	vst v9  }
0xb8: {  	v9 =	vperm.xlane v8, v1;
	[tilespmem:s22+$0xFFFFFF20] =	vst v10;
	v10 =	vmul.f32 v12, v14  }
0xb9: {  	v12 =	vperm.xlane v8, v0;
	v8 =	vperm.xlane v8, v5;
	[tilespmem:s22+$0xFFFFFF40] =	vst v11  }
0xba: {  	v9 =	vmul.f32 v16, v9;
	[tilespmem:s22+$0xFFFFFF30] =	vst v10;
	v10 =	vmul.f32 v15, v18  }
0xbb: {  	v11 =	vmul.f32 v13, v12  }
0xbc: {  	v8 =	vmul.f32 v17, v8;
	[tilespmem:s22+$0xFFFFFF60] =	vst v10  }
0xbd: {  	[tilespmem:s22+$0xFFFFFF00] =	vst v11  }
0xbe: {  	[tilespmem:s22+$0xFFFFFF50] =	vst v8  }
0xbf: {  	[tilespmem:s22+$0xFFFFFF10] =	vst v9  }
0xc0: {  	v8 =	vld [tilespmem:s16+$0xFFFFFFF0];
	_ =	sdelay $0x2  }
0xc1: {  	v9 =	vld [tilespmem:s12+$0xFFFFFFF0];
	_ =	sdelay $0x4  }
0xc2: {  	v8 =	vadd.f32 v9, v8;
	_ =	sdelay $0x1  }
0xc3: {  	v9 =	vmul.f32 $2.000000030e-01, v8;
	_ =	sdelay $0x1  }
0xc4: {  	v8 =	vmax.f32 v8, v9  }
0xc5: {  	v8 =	vmul.f32 $1.442695020e+00, v8;
	_ =	sdelay $0x1  }
0xc6: {  	(erf) = vpow2.f32 v8;
	_ =	sdelay $0x8  }
0xc7: {  	v8 =	vpop (erf)  }
0xc8: {  	[tilespmem:s13+$0xFFFFFFF0] =	vst v8;
	v9 =	vperm.xlane v8, v2;
	v10 =	vperm.xlane v8, v6  }
0xc9: {  	v11 =	vperm.xlane v8, v5;
	v12 =	vld [tilespmem:s22+$0xFFFFFFD0]  }
0xca: {  	v13 =	vld [tilespmem:s22+$0xFFFFFFE0]  }
0xcb: {  	v14 =	vld [tilespmem:s22+$0xFFFFFFF0]  }
0xcc: {  	v15 =	vperm.xlane v8, v3;
	v17 =	vperm.xlane v8, v7;
	v16 =	vld [tilespmem:s22+$0xFFFFFFB0]  }
0xcd: {  	v18 =	vperm.xlane v8, v1;
	v19 =	vperm.xlane v8, v4;
	v20 =	vld [tilespmem:s22+$0xFFFFFFC0]  }
0xce: {  	v21 =	vld [tilespmem:s22+$0xFFFFFF90];
	v11 =	vmul.f32 v12, v11  }
0xcf: {  	v12 =	vld [tilespmem:s22+$0xFFFFFFA0];
	v10 =	vmul.f32 v13, v10  }
0xd0: {  	v13 =	vld [tilespmem:s22+$0xFFFFFF80];
	[tilespmem:s22+$0xFFFFFFD0] =	vst v11;
	v11 =	vmul.f32 v14, v17  }
0xd1: {  	v14 =	vmul.f32 v16, v15;
	[tilespmem:s22+$0xFFFFFFE0] =	vst v10  }
0xd2: {  	v10 =	vmul.f32 v20, v19;
	[tilespmem:s22+$0xFFFFFFF0] =	vst v11  }
0xd3: {  	v8 =	vperm.xlane v8, v0;
	v11 =	vmul.f32 v21, v18;
	[tilespmem:s22+$0xFFFFFFB0] =	vst v14  }
0xd4: {  	v9 =	vmul.f32 v12, v9;
	[tilespmem:s22+$0xFFFFFFC0] =	vst v10  }
0xd5: {  	v8 =	vmul.f32 v13, v8;
	[tilespmem:s22+$0xFFFFFF90] =	vst v11  }
0xd6: {  	[tilespmem:s22+$0xFFFFFFA0] =	vst v9  }
0xd7: {  	[tilespmem:s22+$0xFFFFFF80] =	vst v8  }
0xd8: {  	v8 =	vld [tilespmem:s16+$0x0]  }
0xd9: {  	v9 =	vld [tilespmem:s12+$0x0];
	_ =	sdelay $0x4  }
0xda: {  	v8 =	vadd.f32 v9, v8;
	_ =	sdelay $0x1  }
0xdb: {  	v9 =	vmul.f32 $2.000000030e-01, v8;
	_ =	sdelay $0x1  }
0xdc: {  	v8 =	vmax.f32 v8, v9  }
0xdd: {  	v8 =	vmul.f32 $1.442695020e+00, v8;
	_ =	sdelay $0x1  }
0xde: {  	(erf) = vpow2.f32 v8;
	_ =	sdelay $0x8  }
0xdf: {  	v8 =	vpop (erf)  }
0xe0: {  	[tilespmem:s13+$0x0] =	vst v8  }
0xe1: {  	v9 =	vld [tilespmem:s22+$0x60]  }
0xe2: {  	v10 =	vld [tilespmem:s22+$0x50]  }
0xe3: {  	v11 =	vld [tilespmem:s22+$0x70]  }
0xe4: {  	v13 =	vperm.xlane v8, v6;
	v14 =	vperm.xlane v8, v7;
	v12 =	vld [tilespmem:s22+$0x40]  }
0xe5: {  	v15 =	vperm.xlane v8, v1;
	v16 =	vld [tilespmem:s22+$0x30]  }
0xe6: {  	v18 =	vperm.xlane v8, v4;
	v17 =	vld [tilespmem:s22+$0x0];
	v9 =	vmul.f32 v9, v13  }
0xe7: {  	v19 =	vperm.xlane v8, v3;
	v13 =	vld [tilespmem:s22+$0x10]  }
0xe8: {  	v21 =	vperm.xlane v8, v5;
	v20 =	vld [tilespmem:s22+$0x20];
	[tilespmem:s22+$0x60] =	vst v9;
	v9 =	vmul.f32 v11, v14  }
0xe9: {  	v11 =	vperm.xlane v8, v0;
	v12 =	vmul.f32 v12, v18  }
0xea: {  	v10 =	vmul.f32 v10, v21;
	v8 =	vperm.xlane v8, v2;
	[tilespmem:s22+$0x70] =	vst v9  }
0xeb: {  	v9 =	vmul.f32 v17, v11;
	v11 =	vmul.f32 v16, v19;
	[tilespmem:s22+$0x40] =	vst v12  }
0xec: {  	v12 =	vmul.f32 v13, v15;
	[tilespmem:s22+$0x50] =	vst v10  }
0xed: {  	v8 =	vmul.f32 v20, v8;
	[tilespmem:s22+$0x30] =	vst v11  }
.Ltmp0:
0xee: {  	[tilespmem:s22+$0x10] =	vst v12;
	(pc) =	sbr.rel @p2 .LBB2_3-.Ltmp0, $4  }
0xef: {  	[tilespmem:s22+$0x0] =	vst v9  }
0xf0: {  	[tilespmem:s22+$0x20] =	vst v8  }
0xf1: {  	v8 =	vld [tilespmem:s16+$0x10]  }
0xf2: {  	s22 =	sadd.s32 $0x200, s22;
	s16 =	sadd.s32 $0x40, s16;
	v9 =	vld [tilespmem:s12+$0x10]  }
0xf3: {  	_ =	sdelay $0x3  }
0xf4: {  	v8 =	vadd.f32 v9, v8;
	_ =	sdelay $0x1  }
0xf5: {  	v9 =	vmul.f32 $2.000000030e-01, v8;
	_ =	sdelay $0x1  }
0xf6: {  	v8 =	vmax.f32 v8, v9  }
0xf7: {  	v8 =	vmul.f32 $1.442695020e+00, v8;
	_ =	sdelay $0x1  }
0xf8: {  	(erf) = vpow2.f32 v8;
	_ =	sdelay $0x8  }
0xf9: {  	v8 =	vpop (erf)  }
0xfa: {  	[tilespmem:s14+$0x10] =	vst v8  }
0xfb: {  	v9 =	vld [tilespmem:s11+$0x80]  }
0xfc: {  	v10 =	vld [tilespmem:s11+$0x90]  }
0xfd: {  	v11 =	vld [tilespmem:s11+$0xA0]  }
0xfe: {  	v12 =	vperm.xlane v8, v0;
	v13 =	vld [tilespmem:s11+$0xB0]  }
0xff: {  	v14 =	vperm.xlane v8, v1;
	v15 =	vld [tilespmem:s11+$0xC0]  }
0x100: {  	v30 =	vperm.xlane v8, v2;
	v16 =	vld [tilespmem:s11+$0xD0];
	v9 =	vmul.f32 v9, v12  }
0x101: {  	v31 =	vperm.xlane v8, v3;
	v17 =	vld [tilespmem:s11+$0xE0];
	v10 =	vmul.f32 v10, v14  }
0x102: {  	v32 =	vld [tilespmem:s11+$0xF0];
	[tilespmem:s11+$0x80] =	vst v9;
	v9 =	vmul.f32 v11, v30;
	v11 =	vperm.xlane v8, v4  }
0x103: {  	v33 =	vperm.xlane v8, v5;
	[tilespmem:s11+$0x90] =	vst v10;
	v10 =	vmul.f32 v13, v31  }
0x104: {  	[tilespmem:s11+$0xA0] =	vst v9;
	v9 =	vmul.f32 v15, v11;
	v11 =	vperm.xlane v8, v6  }
0x105: {  	[tilespmem:s11+$0xB0] =	vst v10;
	v10 =	vmul.f32 v16, v33;
	v8 =	vperm.xlane v8, v7  }
0x106: {  	s12 =	smul.u32 $0x140, s9;
	[tilespmem:s11+$0xC0] =	vst v9;
	v9 =	vmul.f32 v17, v11  }
0x107: {  	[tilespmem:s11+$0xD0] =	vst v10;
	v8 =	vmul.f32 v32, v8  }
0x108: {  	s12 =	sshra.s32 s12, $0x2;
	[tilespmem:s11+$0xE0] =	vst v9  }
0x109: {  	s16 =	sadd.s32 $0x2710, s12;
	[tilespmem:s11+$0xF0] =	vst v8  }
0x10a: {  	[spmem:s1] =	stream.indirect.scatter.add.f32 [tilespmem:s20], [sflag:$0x5], $0x80, s16, s19, $0xb8;
	[tilespmem:$0x1E230] =	vst v63  }
0x10b: {  	_ =	swait.ge [sflag:s17], $0x1400  }
0x10c: {  	[sflag:s17] =	ssyncset.done $0x0  }
0x10d: {  	[sflag:s17] =	ssyncadd.s32 $0xFFFFEC00  }
0x10e: {  	[spmem:s2] =	stream.indirect.scatter.add.f32 [tilespmem:s21], [sflag:$0x5], $0x10, s16, s19, $0xb8;
	[tilespmem:$0x1E230] =	vst v63  }
0x10f: {  	p2 =	seq.s32 s9, $0x7C;
	_ =	swait.ge [sflag:s17], $0x280  }
0x110: {  	s13 =	simm.s32 @!p2 $0x4E20;
	[sflag:s17] =	ssyncset.done $0x0  }
0x111: {  	s12 =	simm.s32 @!p2 $0x28;
	s11 =	sadd.s32 @!p2 $0x50, s18;
	[sflag:s17] =	ssyncadd.s32 $0xFFFFFD80  }
0x112: {  	[tilespmem:s13], [sflag:$0x1] =	stream.indirect.gather @!p2 [hbm4b:s5+s12], $0x80, s11, s12, $0xb8;
	[tilespmem:$0x1E230] =	vst v63  }
0x113: {  	s13 =	simm.s32 @!p2 $0x7620  }
0x114: {  	[tilespmem:s13], [sflag:$0x3] =	stream.indirect.gather @!p2 [hbm4b:s6+s12], $0x10, s11, s12, $0xb8;
	[tilespmem:$0x1E230] =	vst v63  }
0x115: {  	s11 =	sadd.s32 @!p2 $0x2760, s18;
	s13 =	simm.s32 @!p2 $0x7B20  }
0x116: {  	[tilespmem:s13], [sflag:$0x3] =	stream.indirect.gather @!p2 [hbm4b:s7+s12], $0x10, s11, s12, $0xb8;
	[tilespmem:$0x1E230] =	vst v63  }
0x117: {  	_ =	swait.ge [sflag:s26], $0x1400  }
0x118: {  	[sflag:s26] =	ssyncset.done $0x0  }
0x119: {  	[sflag:s26] =	ssyncadd.s32 $0xFFFFEC00  }
0x11a: {  	_ =	swait.ge [sflag:s4], $0x280  }
0x11b: {  	[sflag:s4] =	ssyncset.done $0x0  }
0x11c: {  	[sflag:s4] =	ssyncadd.s32 $0xFFFFFD80  }
0x11d: {  	_ =	swait.ge [sflag:s4], $0x280  }
0x11e: {  	[sflag:s4] =	ssyncset.done $0x0  }
0x11f: {  	s12 =	simm.s32 $0x7DC0;
	[sflag:s4] =	ssyncadd.s32 $0xFFFFFD80  }
0x120: {  	s22 =	simm.s32 $0x78C0;
	v8 =	vld [tilespmem:s12+$0xFFFFFFE0]  }
0x121: {  	v9 =	vld [tilespmem:s22+$0xFFFFFFE0];
	_ =	sdelay $0x4  }
0x122: {  	v8 =	vadd.f32 v8, v9;
	_ =	sdelay $0x1  }
0x123: {  	v9 =	vmul.f32 $2.000000030e-01, v8;
	_ =	sdelay $0x1  }
0x124: {  	v8 =	vmax.f32 v8, v9  }
0x125: {  	v8 =	vmul.f32 $1.442695020e+00, v8;
	_ =	sdelay $0x1  }
0x126: {  	(erf) = vpow2.f32 v8;
	_ =	sdelay $0x8  }
0x127: {  	s13 =	simm.s32 $0x8040;
	v8 =	vpop (erf)  }
0x128: {  	s11 =	simm.s32 $0x6320;
	[tilespmem:s13+$0xFFFFFFE0] =	vst v8  }
0x129: {  	v9 =	vld [tilespmem:s11+$0xFFFFFF70]  }
0x12a: {  	v10 =	vld [tilespmem:s11+$0xFFFFFF20]  }
0x12b: {  	v11 =	vld [tilespmem:s11+$0xFFFFFF40]  }
0x12c: {  	v35 =	vperm.xlane v8, v7;
	v34 =	vld [tilespmem:s11+$0xFFFFFF30]  }
0x12d: {  	v36 =	vperm.xlane v8, v2;
	v37 =	vld [tilespmem:s11+$0xFFFFFF60]  }
0x12e: {  	v38 =	vperm.xlane v8, v4;
	v39 =	vld [tilespmem:s11+$0xFFFFFF00];
	v9 =	vmul.f32 v9, v35  }
0x12f: {  	v40 =	vperm.xlane v8, v3;
	v41 =	vld [tilespmem:s11+$0xFFFFFF50];
	v10 =	vmul.f32 v10, v36  }
0x130: {  	v42 =	vperm.xlane v8, v6;
	v18 =	vld [tilespmem:s11+$0xFFFFFF10];
	v11 =	vmul.f32 v11, v38;
	[tilespmem:s11+$0xFFFFFF70] =	vst v9  }
0x131: {  	[tilespmem:s11+$0xFFFFFF20] =	vst v10;
	v9 =	vmul.f32 v34, v40;
	v10 =	vperm.xlane v8, v0  }
0x132: {  	v43 =	vmul.f32 v37, v42;
	[tilespmem:s11+$0xFFFFFF40] =	vst v11;
	v11 =	vperm.xlane v8, v5  }
0x133: {  	v8 =	vperm.xlane v8, v1;
	[tilespmem:s11+$0xFFFFFF30] =	vst v9;
	v9 =	vmul.f32 v39, v10  }
0x134: {  	[tilespmem:s11+$0xFFFFFF60] =	vst v43;
	v10 =	vmul.f32 v41, v11  }
0x135: {  	v8 =	vmul.f32 v18, v8;
	[tilespmem:s11+$0xFFFFFF00] =	vst v9  }
0x136: {  	[tilespmem:s11+$0xFFFFFF50] =	vst v10  }
0x137: {  	[tilespmem:s11+$0xFFFFFF10] =	vst v8  }
0x138: {  	v8 =	vld [tilespmem:s22+$0xFFFFFFF0]  }
0x139: {  	v9 =	vld [tilespmem:s12+$0xFFFFFFF0];
	_ =	sdelay $0x4  }
0x13a: {  	v8 =	vadd.f32 v9, v8;
	_ =	sdelay $0x1  }
0x13b: {  	v9 =	vmul.f32 $2.000000030e-01, v8;
	_ =	sdelay $0x1  }
0x13c: {  	v8 =	vmax.f32 v8, v9  }
0x13d: {  	v8 =	vmul.f32 $1.442695020e+00, v8;
	_ =	sdelay $0x1  }
0x13e: {  	(erf) = vpow2.f32 v8;
	_ =	sdelay $0x8  }
0x13f: {  	v8 =	vpop (erf)  }
0x140: {  	[tilespmem:s13+$0xFFFFFFF0] =	vst v8  }
0x141: {  	v9 =	vld [tilespmem:s11+$0xFFFFFFD0]  }
0x142: {  	v10 =	vld [tilespmem:s11+$0xFFFFFFE0]  }
0x143: {  	v45 =	vld [tilespmem:s11+$0xFFFFFFB0]  }
0x144: {  	v44 =	vperm.xlane v8, v5;
	v11 =	vld [tilespmem:s11+$0xFFFFFFF0]  }
0x145: {  	v46 =	vperm.xlane v8, v6;
	v47 =	vld [tilespmem:s11+$0xFFFFFFC0]  }
0x146: {  	v50 =	vperm.xlane v8, v3;
	v49 =	vld [tilespmem:s11+$0xFFFFFF90];
	v9 =	vmul.f32 v9, v44  }
0x147: {  	v48 =	vperm.xlane v8, v7;
	v51 =	vld [tilespmem:s11+$0xFFFFFFA0];
	v10 =	vmul.f32 v10, v46  }
0x148: {  	v52 =	vperm.xlane v8, v4;
	v19 =	vld [tilespmem:s11+$0xFFFFFF80];
	v12 =	vmul.f32 v45, v50;
	[tilespmem:s11+$0xFFFFFFD0] =	vst v9  }
0x149: {  	v9 =	vmul.f32 v11, v48;
	v11 =	vperm.xlane v8, v1;
	[tilespmem:s11+$0xFFFFFFE0] =	vst v10  }
0x14a: {  	v53 =	vmul.f32 v47, v52;
	v10 =	vperm.xlane v8, v2;
	[tilespmem:s11+$0xFFFFFFB0] =	vst v12  }
0x14b: {  	v8 =	vperm.xlane v8, v0;
	[tilespmem:s11+$0xFFFFFFF0] =	vst v9;
	v9 =	vmul.f32 v49, v11  }
0x14c: {  	[tilespmem:s11+$0xFFFFFFC0] =	vst v53;
	v10 =	vmul.f32 v51, v10  }
0x14d: {  	v8 =	vmul.f32 v19, v8;
	[tilespmem:s11+$0xFFFFFF90] =	vst v9  }
0x14e: {  	[tilespmem:s11+$0xFFFFFFA0] =	vst v10  }
0x14f: {  	[tilespmem:s11+$0xFFFFFF80] =	vst v8  }
0x150: {  	v8 =	vld [tilespmem:s22+$0x0]  }
0x151: {  	v9 =	vld [tilespmem:s12+$0x0];
	_ =	sdelay $0x4  }
0x152: {  	v8 =	vadd.f32 v9, v8;
	_ =	sdelay $0x1  }
0x153: {  	v9 =	vmul.f32 $2.000000030e-01, v8;
	_ =	sdelay $0x1  }
0x154: {  	v8 =	vmax.f32 v8, v9  }
0x155: {  	v8 =	vmul.f32 $1.442695020e+00, v8;
	_ =	sdelay $0x1  }
0x156: {  	(erf) = vpow2.f32 v8;
	_ =	sdelay $0x8  }
0x157: {  	v8 =	vpop (erf)  }
0x158: {  	[tilespmem:s13+$0x0] =	vst v8  }
0x159: {  	v9 =	vld [tilespmem:s11+$0x60]  }
0x15a: {  	v10 =	vld [tilespmem:s11+$0x70]  }
0x15b: {  	v54 =	vld [tilespmem:s11+$0x50]  }
0x15c: {  	v55 =	vperm.xlane v8, v6;
	v11 =	vld [tilespmem:s11+$0x40]  }
0x15d: {  	v56 =	vperm.xlane v8, v7;
	v57 =	vld [tilespmem:s11+$0x30]  }
0x15e: {  	v61 =	vperm.xlane v8, v5;
	v59 =	vld [tilespmem:s11+$0x10];
	v9 =	vmul.f32 v9, v55  }
0x15f: {  	v58 =	vperm.xlane v8, v4;
	v60 =	vld [tilespmem:s11+$0x0];
	v10 =	vmul.f32 v10, v56  }
0x160: {  	v62 =	vperm.xlane v8, v3;
	v63 =	vld [tilespmem:s11+$0x20];
	v12 =	vmul.f32 v54, v61;
	[tilespmem:s11+$0x60] =	vst v9  }
0x161: {  	v9 =	vmul.f32 v11, v58;
	v11 =	vperm.xlane v8, v1;
	[tilespmem:s11+$0x70] =	vst v10  }
0x162: {  	v14 =	vmul.f32 v57, v62;
	v10 =	vperm.xlane v8, v0;
	[tilespmem:s11+$0x50] =	vst v12  }
0x163: {  	v8 =	vperm.xlane v8, v2;
	[tilespmem:s11+$0x40] =	vst v9;
	v9 =	vmul.f32 v59, v11  }
0x164: {  	[tilespmem:s11+$0x30] =	vst v14;
	v10 =	vmul.f32 v60, v10  }
0x165: {  	v8 =	vmul.f32 v63, v8;
	[tilespmem:s11+$0x10] =	vst v9  }
0x166: {  	[tilespmem:s11+$0x0] =	vst v10  }
0x167: {  	[tilespmem:s11+$0x20] =	vst v8  }
0x168: {  	s15 =	simm.s32 $0x0;
	v8 =	vld [tilespmem:s22+$0x10]  }
0x169: {  	s14 =	simm.s32 $0x8040;
	s16 =	simm.s32 $0x7900;
	s18 =	simm.s32 $0x6520;
	v9 =	vld [tilespmem:s12+$0x10]  }
.LBB2_5:
0x16a: {  	s15 =	sadd.s32 $0x4, s15;
	s13 =	sadd.s32 $0x40, s13;
	s12 =	sadd.s32 $0x40, s12  }
0x16b: {  	p2 =	slt.u32 s15, $0x24;
	_ =	sdelay $0x2  }
0x16c: {  	v8 =	vadd.f32 v9, v8;
	_ =	sdelay $0x1  }
0x16d: {  	v9 =	vmul.f32 $2.000000030e-01, v8;
	_ =	sdelay $0x1  }
0x16e: {  	v8 =	vmax.f32 v8, v9  }
0x16f: {  	v8 =	vmul.f32 $1.442695020e+00, v8;
	_ =	sdelay $0x1  }
0x170: {  	(erf) = vpow2.f32 v8;
	_ =	sdelay $0x8  }
0x171: {  	v8 =	vpop (erf)  }
0x172: {  	[tilespmem:s14+$0x10] =	vst v8;
	s14 =	smov.u32 s13  }
0x173: {  	v9 =	vld [tilespmem:s11+$0x80]  }
0x174: {  	v10 =	vld [tilespmem:s11+$0x90]  }
0x175: {  	v11 =	vld [tilespmem:s11+$0xA0]  }
0x176: {  	v12 =	vperm.xlane v8, v0;
	v13 =	vld [tilespmem:s11+$0xB0]  }
0x177: {  	v14 =	vperm.xlane v8, v1;
	v15 =	vld [tilespmem:s11+$0xC0]  }
0x178: {  	v9 =	vmul.f32 v9, v12;
	v12 =	vperm.xlane v8, v2;
	v16 =	vld [tilespmem:s11+$0xD0]  }
0x179: {  	v10 =	vmul.f32 v10, v14;
	v14 =	vperm.xlane v8, v3;
	v17 =	vld [tilespmem:s11+$0xE0]  }
0x17a: {  	[tilespmem:s11+$0x80] =	vst v9;
	v9 =	vmul.f32 v11, v12;
	v11 =	vperm.xlane v8, v4;
	v12 =	vld [tilespmem:s11+$0xF0]  }
0x17b: {  	[tilespmem:s11+$0x90] =	vst v10;
	v10 =	vmul.f32 v13, v14;
	v13 =	vperm.xlane v8, v5  }
0x17c: {  	[tilespmem:s11+$0xA0] =	vst v9;
	v9 =	vmul.f32 v15, v11;
	v11 =	vperm.xlane v8, v6  }
0x17d: {  	v8 =	vperm.xlane v8, v7;
	[tilespmem:s11+$0xB0] =	vst v10;
	v10 =	vmul.f32 v16, v13  }
0x17e: {  	[tilespmem:s11+$0xC0] =	vst v9;
	v9 =	vmul.f32 v17, v11  }
0x17f: {  	[tilespmem:s11+$0xD0] =	vst v10;
	v8 =	vmul.f32 v12, v8  }
0x180: {  	[tilespmem:s11+$0xE0] =	vst v9  }
0x181: {  	[tilespmem:s11+$0xF0] =	vst v8;
	s11 =	smov.u32 s18;
	_ =	sdelay $0x1  }
0x182: {  	v8 =	vld [tilespmem:s12+$0xFFFFFFE0]  }
0x183: {  	v9 =	vld [tilespmem:s16+$0xFFFFFFE0];
	_ =	sdelay $0x4  }
0x184: {  	v8 =	vadd.f32 v8, v9;
	_ =	sdelay $0x1  }
0x185: {  	v9 =	vmul.f32 $2.000000030e-01, v8;
	_ =	sdelay $0x1  }
0x186: {  	v8 =	vmax.f32 v8, v9  }
0x187: {  	v8 =	vmul.f32 $1.442695020e+00, v8;
	_ =	sdelay $0x1  }
0x188: {  	(erf) = vpow2.f32 v8;
	_ =	sdelay $0x8  }
0x189: {  	v8 =	vpop (erf)  }
0x18a: {  	[tilespmem:s13+$0xFFFFFFE0] =	vst v8  }
0x18b: {  	v9 =	vld [tilespmem:s18+$0xFFFFFF70]  }
0x18c: {  	v10 =	vld [tilespmem:s18+$0xFFFFFF20]  }
0x18d: {  	v11 =	vld [tilespmem:s18+$0xFFFFFF40]  }
0x18e: {  	v13 =	vperm.xlane v8, v7;
	v12 =	vld [tilespmem:s18+$0xFFFFFF30]  }
0x18f: {  	v14 =	vperm.xlane v8, v2;
	v15 =	vld [tilespmem:s18+$0xFFFFFF60]  }
0x190: {  	v17 =	vperm.xlane v8, v4;
	v16 =	vld [tilespmem:s18+$0xFFFFFF10];
	v9 =	vmul.f32 v9, v13  }
0x191: {  	v13 =	vld [tilespmem:s18+$0xFFFFFF00];
	v10 =	vmul.f32 v10, v14;
	v14 =	vperm.xlane v8, v3  }
0x192: {  	v18 =	vperm.xlane v8, v6;
	v11 =	vmul.f32 v11, v17;
	v17 =	vld [tilespmem:s18+$0xFFFFFF50];
	[tilespmem:s18+$0xFFFFFF70] =	vst v9  }
0x193: {  	v9 =	vperm.xlane v8, v1;
	[tilespmem:s18+$0xFFFFFF20] =	vst v10;
	v10 =	vmul.f32 v12, v14  }
0x194: {  	v12 =	vperm.xlane v8, v0;
	v8 =	vperm.xlane v8, v5;
	[tilespmem:s18+$0xFFFFFF40] =	vst v11  }
0x195: {  	v9 =	vmul.f32 v16, v9;
	[tilespmem:s18+$0xFFFFFF30] =	vst v10;
	v10 =	vmul.f32 v15, v18  }
0x196: {  	v11 =	vmul.f32 v13, v12  }
0x197: {  	v8 =	vmul.f32 v17, v8;
	[tilespmem:s18+$0xFFFFFF60] =	vst v10  }
0x198: {  	[tilespmem:s18+$0xFFFFFF00] =	vst v11  }
0x199: {  	[tilespmem:s18+$0xFFFFFF50] =	vst v8  }
0x19a: {  	[tilespmem:s18+$0xFFFFFF10] =	vst v9  }
0x19b: {  	v8 =	vld [tilespmem:s16+$0xFFFFFFF0];
	_ =	sdelay $0x2  }
0x19c: {  	v9 =	vld [tilespmem:s12+$0xFFFFFFF0];
	_ =	sdelay $0x4  }
0x19d: {  	v8 =	vadd.f32 v9, v8;
	_ =	sdelay $0x1  }
0x19e: {  	v9 =	vmul.f32 $2.000000030e-01, v8;
	_ =	sdelay $0x1  }
0x19f: {  	v8 =	vmax.f32 v8, v9  }
0x1a0: {  	v8 =	vmul.f32 $1.442695020e+00, v8;
	_ =	sdelay $0x1  }
0x1a1: {  	(erf) = vpow2.f32 v8;
	_ =	sdelay $0x8  }
0x1a2: {  	v8 =	vpop (erf)  }
0x1a3: {  	[tilespmem:s13+$0xFFFFFFF0] =	vst v8;
	v9 =	vperm.xlane v8, v2;
	v10 =	vperm.xlane v8, v6  }
0x1a4: {  	v11 =	vperm.xlane v8, v5;
	v12 =	vld [tilespmem:s18+$0xFFFFFFD0]  }
0x1a5: {  	v13 =	vld [tilespmem:s18+$0xFFFFFFE0]  }
0x1a6: {  	v14 =	vld [tilespmem:s18+$0xFFFFFFF0]  }
0x1a7: {  	v15 =	vperm.xlane v8, v3;
	v17 =	vperm.xlane v8, v7;
	v16 =	vld [tilespmem:s18+$0xFFFFFFB0]  }
0x1a8: {  	v18 =	vperm.xlane v8, v1;
	v19 =	vperm.xlane v8, v4;
	v20 =	vld [tilespmem:s18+$0xFFFFFFC0]  }
0x1a9: {  	v21 =	vld [tilespmem:s18+$0xFFFFFF90];
	v11 =	vmul.f32 v12, v11  }
0x1aa: {  	v12 =	vld [tilespmem:s18+$0xFFFFFFA0];
	v10 =	vmul.f32 v13, v10  }
0x1ab: {  	v13 =	vld [tilespmem:s18+$0xFFFFFF80];
	[tilespmem:s18+$0xFFFFFFD0] =	vst v11;
	v11 =	vmul.f32 v14, v17  }
0x1ac: {  	v14 =	vmul.f32 v16, v15;
	[tilespmem:s18+$0xFFFFFFE0] =	vst v10  }
0x1ad: {  	v10 =	vmul.f32 v20, v19;
	[tilespmem:s18+$0xFFFFFFF0] =	vst v11  }
0x1ae: {  	v8 =	vperm.xlane v8, v0;
	v11 =	vmul.f32 v21, v18;
	[tilespmem:s18+$0xFFFFFFB0] =	vst v14  }
0x1af: {  	v9 =	vmul.f32 v12, v9;
	[tilespmem:s18+$0xFFFFFFC0] =	vst v10  }
0x1b0: {  	v8 =	vmul.f32 v13, v8;
	[tilespmem:s18+$0xFFFFFF90] =	vst v11  }
0x1b1: {  	[tilespmem:s18+$0xFFFFFFA0] =	vst v9  }
0x1b2: {  	[tilespmem:s18+$0xFFFFFF80] =	vst v8  }
0x1b3: {  	v8 =	vld [tilespmem:s16+$0x0]  }
0x1b4: {  	v9 =	vld [tilespmem:s12+$0x0];
	_ =	sdelay $0x4  }
0x1b5: {  	v8 =	vadd.f32 v9, v8;
	_ =	sdelay $0x1  }
0x1b6: {  	v9 =	vmul.f32 $2.000000030e-01, v8;
	_ =	sdelay $0x1  }
0x1b7: {  	v8 =	vmax.f32 v8, v9  }
0x1b8: {  	v8 =	vmul.f32 $1.442695020e+00, v8;
	_ =	sdelay $0x1  }
0x1b9: {  	(erf) = vpow2.f32 v8;
	_ =	sdelay $0x8  }
0x1ba: {  	v8 =	vpop (erf)  }
0x1bb: {  	[tilespmem:s13+$0x0] =	vst v8  }
0x1bc: {  	v9 =	vld [tilespmem:s18+$0x60]  }
0x1bd: {  	v10 =	vld [tilespmem:s18+$0x50]  }
0x1be: {  	v11 =	vld [tilespmem:s18+$0x70]  }
0x1bf: {  	v13 =	vperm.xlane v8, v6;
	v14 =	vperm.xlane v8, v7;
	v12 =	vld [tilespmem:s18+$0x40]  }
0x1c0: {  	v15 =	vperm.xlane v8, v1;
	v16 =	vld [tilespmem:s18+$0x30]  }
0x1c1: {  	v18 =	vperm.xlane v8, v4;
	v17 =	vld [tilespmem:s18+$0x0];
	v9 =	vmul.f32 v9, v13  }
0x1c2: {  	v19 =	vperm.xlane v8, v3;
	v13 =	vld [tilespmem:s18+$0x10]  }
0x1c3: {  	v21 =	vperm.xlane v8, v5;
	v20 =	vld [tilespmem:s18+$0x20];
	[tilespmem:s18+$0x60] =	vst v9;
	v9 =	vmul.f32 v11, v14  }
0x1c4: {  	v11 =	vperm.xlane v8, v0;
	v12 =	vmul.f32 v12, v18  }
0x1c5: {  	v10 =	vmul.f32 v10, v21;
	v8 =	vperm.xlane v8, v2;
	[tilespmem:s18+$0x70] =	vst v9  }
0x1c6: {  	v9 =	vmul.f32 v17, v11;
	v11 =	vmul.f32 v16, v19;
	[tilespmem:s18+$0x40] =	vst v12  }
0x1c7: {  	v12 =	vmul.f32 v13, v15;
	[tilespmem:s18+$0x50] =	vst v10  }
0x1c8: {  	v8 =	vmul.f32 v20, v8;
	[tilespmem:s18+$0x30] =	vst v11  }
.Ltmp1:
0x1c9: {  	[tilespmem:s18+$0x10] =	vst v12;
	(pc) =	sbr.rel @p2 .LBB2_5-.Ltmp1, $4  }
0x1ca: {  	[tilespmem:s18+$0x0] =	vst v9  }
0x1cb: {  	[tilespmem:s18+$0x20] =	vst v8  }
0x1cc: {  	v8 =	vld [tilespmem:s16+$0x10]  }
0x1cd: {  	s18 =	sadd.s32 $0x200, s18;
	s16 =	sadd.s32 $0x40, s16;
	v9 =	vld [tilespmem:s12+$0x10]  }
0x1ce: {  	_ =	sdelay $0x3  }
0x1cf: {  	v8 =	vadd.f32 v9, v8;
	_ =	sdelay $0x1  }
0x1d0: {  	v9 =	vmul.f32 $2.000000030e-01, v8;
	_ =	sdelay $0x1  }
0x1d1: {  	v8 =	vmax.f32 v8, v9  }
0x1d2: {  	v8 =	vmul.f32 $1.442695020e+00, v8;
	_ =	sdelay $0x1  }
0x1d3: {  	(erf) = vpow2.f32 v8;
	_ =	sdelay $0x8  }
0x1d4: {  	v8 =	vpop (erf)  }
0x1d5: {  	[tilespmem:s14+$0x10] =	vst v8  }
0x1d6: {  	v52 =	vld [tilespmem:s11+$0x80]  }
0x1d7: {  	v10 =	vld [tilespmem:s11+$0x90]  }
0x1d8: {  	v11 =	vld [tilespmem:s11+$0xA0]  }
0x1d9: {  	v12 =	vperm.xlane v8, v0;
	v13 =	vld [tilespmem:s11+$0xB0]  }
0x1da: {  	v14 =	vperm.xlane v8, v1;
	v15 =	vld [tilespmem:s11+$0xC0]  }
0x1db: {  	v53 =	vperm.xlane v8, v2;
	v16 =	vld [tilespmem:s11+$0xD0];
	v9 =	vmul.f32 v52, v12  }
0x1dc: {  	v54 =	vperm.xlane v8, v3;
	v17 =	vld [tilespmem:s11+$0xE0];
	v10 =	vmul.f32 v10, v14  }
0x1dd: {  	v56 =	vperm.xlane v8, v4;
	v57 =	vld [tilespmem:s11+$0xF0];
	v55 =	vmul.f32 v11, v53;
	[tilespmem:s11+$0x80] =	vst v9  }
0x1de: {  	v59 =	vperm.xlane v8, v5;
	v58 =	vmul.f32 v13, v54;
	[tilespmem:s11+$0x90] =	vst v10  }
0x1df: {  	v61 =	vperm.xlane v8, v6;
	v60 =	vmul.f32 v15, v56;
	[tilespmem:s11+$0xA0] =	vst v55  }
0x1e0: {  	v8 =	vperm.xlane v8, v7;
	v62 =	vmul.f32 v16, v59;
	[tilespmem:s11+$0xB0] =	vst v58  }
0x1e1: {  	v63 =	vmul.f32 v17, v61;
	[tilespmem:s11+$0xC0] =	vst v60  }
0x1e2: {  	v8 =	vmul.f32 v57, v8;
	[tilespmem:s11+$0xD0] =	vst v62  }
0x1e3: {  	[tilespmem:s11+$0xE0] =	vst v63  }
0x1e4: {  	[tilespmem:s11+$0xF0] =	vst v8  }
0x1e5: {  	[spmem:s1] =	stream.indirect.scatter.add.f32 [tilespmem:s28], [sflag:$0x5], $0x80, s10, s19, $0xb8;
	[tilespmem:$0x1E230] =	vst v63  }
0x1e6: {  	s9 =	sadd.s32 $0x1, s9;
	_ =	swait.ge [sflag:s17], $0x1400  }
0x1e7: {  	p2 =	sne.s32 s9, $0x7D;
	[sflag:s17] =	ssyncset.done $0x0  }
.Ltmp2:
0x1e8: {  	[sflag:s17] =	ssyncadd.s32 $0xFFFFEC00;
	(pc) =	sbr.rel @p2 .LBB2_2-.Ltmp2, $4  }
0x1e9: {  	[spmem:s2] =	stream.indirect.scatter.add.f32 [tilespmem:s21], [sflag:$0x5], $0x10, s10, s19, $0xb8;
	[tilespmem:$0x1E230] =	vst v63  }
0x1ea: {  	_ =	swait.ge [sflag:s17], $0x280  }
0x1eb: {  	[sflag:s17] =	ssyncset.done $0x0  }
0x1ec: {  	[sflag:s17] =	ssyncadd.s32 $0xFFFFFD80  }
0x1ed: {  	[bflag:$0x0] =	sbarrier.arrive $0xFFFF  }
0x1ee: {  	s10 =	rddreg [dreg:$0xb]  }
0x1ef: {  	s9 =	simm.s32 @p1 $0x1FC5;
	s11 =	rddreg [dreg:$0xe]  }
0x1f0: {  	[hbm:s10], [sflag:s9] =	dma.local @p1 [spmem:s11], $0x2800  }
0x1f1: {  	s10 =	simm.s32 @p1 $0x5  }
0x1f2: {  	_ =	swait.ge @p1 [sflag:s10], $0x2800  }
0x1f3: {  	[sflag:s10] =	ssyncset.done @p1 $0x0  }
0x1f4: {  	s11 =	rddreg [dreg:$0xc];
	[sflag:s10] =	ssyncadd.s32 @p1 $0xFFFFD800  }
0x1f5: {  	[hbm:s11], [sflag:s9] =	dma.local @p1 [spmem:s23], $0x500  }
0x1f6: {  	s9 =	stileid.u32;
	_ =	swait.ge @p1 [sflag:s10], $0x500  }
0x1f7: {  	s9 =	sshll.u32 @!p1 s9, $0x6;
	[sflag:s10] =	ssyncset.done @p1 $0x0  }
0x1f8: {  	s9 =	sor.u32 @!p1 $0x1C05, s9;
	[sflag:s10] =	ssyncadd.s32 @p1 $0xFFFFFB00;
	s10 =	rddreg [dreg:$0x9]  }
0x1f9: {  	[hbm:s10], [sflag:s9] =	dma.local @!p1 [spmem:s24], $0x2700  }
0x1fa: {  	s10 =	simm.s32 @!p1 $0x5  }
0x1fb: {  	_ =	swait.ge @!p1 [sflag:s10], $0x2700  }
0x1fc: {  	[sflag:s10] =	ssyncset.done @!p1 $0x0  }
0x1fd: {  	s11 =	rddreg [dreg:$0xa];
	[sflag:s10] =	ssyncadd.s32 @!p1 $0xFFFFD900  }
0x1fe: {  	[hbm:s11], [sflag:s9] =	dma.local @!p1 [spmem:s25], $0x4E0  }
0x1ff: {  	_ =	swait.ge @!p1 [sflag:s10], $0x4E0  }
0x200: {  	s8 =	sadd.s32 $0x1, s8;
	s22 =	rddreg [dreg:$0xd]  }
0x201: {  	p2 =	sne.s32 s8, s22  }
.Ltmp3:
0x202: {  	_ = 	snop;
	(pc) =	sbr.rel @p2 .LBB2_1-.Ltmp3, $3  }
0x203: {  	_ =	sdelay $0x1  }
0x204: {  	[sflag:s10] =	ssyncset.done @!p1 $0x0  }
0x205: {  	[sflag:s10] =	ssyncadd.s32 @!p1 $0xFFFFFB20  }
0x206: {  	_ =	sfence.sel $0x180000  }
0x207: {  	[bflag:$0x0] =	sbarrier.arrive $0xFFFF  }
0x208: {  	_ =	strace $0x90000047  }
0x209: {  	[bflag:$0x2] =	sbarrier.arrive $0xFFFF  }
0x20a: {  	s0 =	rddreg [dreg:$0x4]  }
0x20b: {  	s0 =	sadd.s32 @!p0 $0x100000, s0  }
0x20c: {  	[sflag:s0] =	ssyncadd.tile.s32 @!p0 $0x1;
	_ =	shalt  }
.Lfunc_end2:
_tile_overlayer_lowered:
.L_overlay_start_2:
0x20d: {  	(tag) =	ssettag $0x2  }
0x20e: {  	s0 =	rddreg [dreg:$0x0];
	s2 =	stileid.u32  }
0x20f: {  	s1 =	rddreg [dreg:$0x1];
	p0 =	sne.s32 s2, $0x0  }
0x210: {  	s3 =	rddreg [dreg:$0x2];
	[bflag:$0x3] =	sbarrier.arrive $0xFFFF;
	s2 =	simm.s32 @!p0 $0x1C05  }
0x211: {  	[timem:s3], [sflag:s2] =	dma.local @!p0 [hbm:s0], s1  }
0x212: {  	s0 =	simm.s32 @!p0 $0x5  }
0x213: {  	_ =	swait.ge @!p0 [sflag:s0], s1  }
0x214: {  	s1 =	ssub.s32 @!p0 $0x0, s1;
	[sflag:s0] =	ssyncset.done @!p0 $0x0  }
0x215: {  	[sflag:s0] =	ssyncadd.s32 @!p0 s1  }
0x216: {  	[bflag:$0x3] =	sbarrier.arrive $0xFFFF  }
0x217: {  	_ =	shalt  }

</sc_bundles>
